<compile_context>
chip_gen: v7x
topology: tpu7x:2x2x1
jax: 0.10.2.dev20260603
libtpu: 0.0.44.dev20260713+nightly
codegen_flags: <defaults>
</compile_context>

<pallas_src>
import functools

import jax
import jax.numpy as jnp
from jax import lax
from jax.experimental import pallas as pl
from jax.experimental.pallas import tpu as pltpu
from jax.experimental.pallas import tpu_sc as plsc

_M = 100000
_D = 64
_B = 4096
_NN = 20
_ALPHA = 1.0 / 100.0
_TAU = 200.0

_NCORE = 2
_NSUB = 16
_NW = _NCORE * _NSUB
_JPW = (_B * _NN) // _NW
_SPW = (2 * _B) // _NW
_GC = 128
_NCH = _JPW // _GC
_SCH = _SPW // _GC

_mesh = plsc.VectorSubcoreMesh(core_axis_name="c", subcore_axis_name="s",
                               num_cores=_NCORE, num_subcores=_NSUB)

_sc_params = pltpu.CompilerParams(use_tc_tiling_on_sc=False)

_sc_scratch = [
    pltpu.VMEM((_GC,), jnp.int32),
    pltpu.VMEM((_GC,), jnp.int32),
    pltpu.VMEM((_GC, _D), jnp.float32),
    pltpu.VMEM((_GC, _D), jnp.float32),
] + [pltpu.SemaphoreType.DMA] * 6


def _worker_id():
    return lax.axis_index("c") * _NSUB + lax.axis_index("s")


@functools.partial(
    pl.kernel,
    out_type=(
        jax.ShapeDtypeStruct((_B * _NN, _D), jnp.float32),
        jax.ShapeDtypeStruct((2 * _B, _D), jnp.float32),
    ),
    mesh=_mesh,
    scratch_types=_sc_scratch,
    compiler_params=_sc_params,
)
def _sc_gather(mem_hbm, flat_hbm, uid2_hbm, nc_hbm, s_hbm,
               i0, i1, r0, r1, si0, si1, sg0, sg1, ss0, ss1):
    wid = _worker_id()
    jb = wid * _JPW
    sb = wid * _SPW
    ibufs, rbufs = (i0, i1), (r0, r1)
    isems, gsems, ssems = (si0, si1), (sg0, sg1), (ss0, ss1)
    cell_hbm = mem_hbm.at[0]

    for c in range(_SCH):
        pltpu.sync_copy(uid2_hbm.at[pl.ds(sb + c * _GC, _GC)], i0)
        pltpu.async_copy(cell_hbm.at[i0], r0, sg0).wait()
        pltpu.sync_copy(r0, s_hbm.at[pl.ds(sb + c * _GC, _GC)])

    ih = [None] * _NCH
    gh = [None] * _NCH
    sh = [None] * _NCH

    def issue_i(c):
        b = c % 2
        ih[c] = pltpu.async_copy(
            flat_hbm.at[pl.ds(jb + c * _GC, _GC)], ibufs[b], isems[b])

    def issue_g(c):
        b = c % 2
        gh[c] = pltpu.async_copy(cell_hbm.at[ibufs[b]], rbufs[b], gsems[b])

    def issue_s(c):
        b = c % 2
        sh[c] = pltpu.async_copy(
            rbufs[b], nc_hbm.at[pl.ds(jb + c * _GC, _GC)], ssems[b])

    issue_i(0)
    issue_i(1)
    ih[0].wait()
    issue_g(0)
    ih[1].wait()
    issue_g(1)
    for c in range(_NCH):
        gh[c].wait()
        issue_s(c)
        sh[c].wait()
        if c + 2 < _NCH:
            issue_i(c + 2)
            ih[c + 2].wait()
            issue_g(c + 2)


@functools.partial(
    pl.kernel,
    out_type=(),
    mesh=_mesh,
    scratch_types=_sc_scratch,
    compiler_params=_sc_params,
)
def _sc_scatter(o_hbm, cv_hbm, hv_hbm, f_hbm,
                i0, i1, r0, r1, si0, si1, sr0, sr1, sw0, sw1):
    wid = _worker_id()
    jb = wid * _JPW
    ibufs, rbufs = (i0, i1), (r0, r1)
    isems, rsems, wsems = (si0, si1), (sr0, sr1), (sw0, sw1)

    for src_hbm, plane in ((cv_hbm, 0), (hv_hbm, 1)):
        dst_hbm = o_hbm.at[plane]
        ih = [None] * _NCH
        rh = [None] * _NCH
        wh = [None] * _NCH

        def issue_load(c, src_hbm=src_hbm, ih=ih, rh=rh):
            b = c % 2
            ih[c] = pltpu.async_copy(
                f_hbm.at[pl.ds(jb + c * _GC, _GC)], ibufs[b], isems[b])
            rh[c] = pltpu.async_copy(
                src_hbm.at[pl.ds(jb + c * _GC, _GC)], rbufs[b], rsems[b])

        issue_load(0)
        issue_load(1)
        for c in range(_NCH):
            b = c % 2
            ih[c].wait()
            rh[c].wait()
            wh[c] = pltpu.async_copy(rbufs[b], dst_hbm.at[ibufs[b]], wsems[b])
            wh[c].wait()
            if c + 2 < _NCH:
                issue_load(c + 2)


def _proj_body(m_ref, w_ref, o_ref):
    o_ref[...] = jnp.dot(m_ref[...], w_ref[...],
                         preferred_element_type=jnp.float32)


def _tc_project(msgs2, w2):
    return pl.pallas_call(
        _proj_body,
        out_shape=jax.ShapeDtypeStruct((5 * _B // 2, 2 * _D), jnp.float32),
        grid=(5,),
        in_specs=[
            pl.BlockSpec((_B // 2, 2 * _D), lambda i: (0, 0)),
            pl.BlockSpec((2 * _D, 2 * _D), lambda i: (0, 0)),
        ],
        out_specs=pl.BlockSpec((_B // 2, 2 * _D), lambda i: (i, 0)),
    )(msgs2, w2)


_BB = 256
_BP = _BB * _NN // 2
_NP = _NN // 2


def _dotf(a, b):
    return jnp.dot(a, b, preferred_element_type=jnp.float32)


def _compute_body(nc_ref, s_ref, ts_ref, ets_ref, p_ref, cv_ref, hv_ref):
    f32 = jnp.float32
    nc = nc_ref[...]
    sb = s_ref[...]
    s_pair = jnp.broadcast_to(
        sb[:, None, :], (_BB, _NP, 2 * _D)).reshape(_BP, 2 * _D)

    ri = lax.broadcasted_iota(jnp.int32, (2 * _D, 2 * _D), 0)
    ci = lax.broadcasted_iota(jnp.int32, (2 * _D, 2 * _D), 1)
    blkdiag = jnp.where((ri < _D) == (ci < _D), 1.0, 0.0)
    swap = jnp.where(jnp.abs(ri - ci) == _D, 1.0, 0.0)
    bi = lax.broadcasted_iota(jnp.int32, (_BB, _BP), 0)
    ti = lax.broadcasted_iota(jnp.int32, (_BB, _BP), 1)
    seg = jnp.where(ti // _NP == bi, 1.0, 0.0)
    ti2 = lax.broadcasted_iota(jnp.int32, (_BP, _BB), 0)
    bi2 = lax.broadcasted_iota(jnp.int32, (_BP, _BB), 1)
    segT = jnp.where(ti2 // _NP == bi2, 1.0, 0.0)
    hi = lax.broadcasted_iota(jnp.int32, (2, 2 * _D), 0)
    cj = lax.broadcasted_iota(jnp.int32, (2, 2 * _D), 1)
    widen2 = jnp.where(cj // _D == hi, 1.0, 0.0)

    z = nc * s_pair
    lw = _dotf(z, blkdiag)
    m = jnp.max(lw)
    ew = jnp.exp(lw - m)
    densw = _dotf(seg, ew)
    denst = densw + _dotf(densw, swap)
    invw = 1.0 / denst
    invp = _dotf(segT, invw)
    tsp = _dotf(segT, ts_ref[...])
    etsw = _dotf(ets_ref[...], widen2)
    delta = tsp - etsw
    ok = jnp.logical_and(delta > 0.0, delta < _TAU)
    coefw = jnp.where(ok, jnp.exp(-_ALPHA * delta) * ew * invp, 0.0)
    cv = nc + coefw * p_ref[...]
    cv_ref[...] = cv
    hv_ref[...] = jnp.tanh(cv)


def _tc_compute(nc128, s128, ts128, ets2, p5):
    grid = _B // _BB
    sds = jax.ShapeDtypeStruct((_B * _NN // 2, 2 * _D), jnp.float32)
    return pl.pallas_call(
        _compute_body,
        out_shape=(sds, sds),
        grid=(grid,),
        in_specs=[
            pl.BlockSpec((_BP, 2 * _D), lambda k: (k, 0)),
            pl.BlockSpec((_BB, 2 * _D), lambda k: (k, 0)),
            pl.BlockSpec((_BB, 2 * _D), lambda k: (k, 0)),
            pl.BlockSpec((_BP, 2), lambda k: (k, 0)),
            pl.BlockSpec((_BP, 2 * _D), lambda k: (lax.rem(k, 4), 0)),
        ],
        out_specs=(
            pl.BlockSpec((_BP, 2 * _D), lambda k: (k, 0)),
            pl.BlockSpec((_BP, 2 * _D), lambda k: (k, 0)),
        ),
    )(nc128, s128, ts128, ets2, p5)


def kernel(memory, unique_node_ids, unique_messages, timestamps,
           neighbors, edge_times, W_s):
    flat = neighbors.reshape(-1).astype(jnp.int32)
    uids = unique_node_ids.astype(jnp.int32)
    uid2 = jnp.repeat(uids, 2)

    msgs2 = unique_messages.reshape(_B // 2, 2 * _D)
    w2 = jnp.zeros((2 * _D, 2 * _D), jnp.float32)
    w2 = w2.at[:_D, :_D].set(W_s).at[_D:, _D:].set(W_s)
    p5 = _tc_project(msgs2, w2)

    nc_flat, s_flat = _sc_gather(memory, flat, uid2)

    nc128 = nc_flat.reshape(_B * _NN // 2, 2 * _D)
    s128 = s_flat.reshape(_B, 2 * _D)
    ts128 = jnp.broadcast_to(timestamps[:, None], (_B, 2 * _D))
    ets2 = edge_times.reshape(_B * _NN // 2, 2)

    cv128, hv128 = _tc_compute(nc128, s128, ts128, ets2, p5)
    cv = cv128.reshape(_B * _NN, _D)
    hv = hv128.reshape(_B * _NN, _D)

    out_ref = jax.new_ref(memory)
    _sc_scatter(out_ref, cv, hv, flat)
    return jax.freeze(out_ref)

# --- scband reference (transcript-rebuilt; emitter-appended) ---
"""Pipeline reference for scband-propagater-996432413628 (READ-ONLY COPY).

The authoritative reference and input builder live on the scoring server;
editing this copy changes nothing except your own understanding.
"""

import jax, jax.numpy as jnp
import numpy as np

M = 100000          # number of nodes in memory
D = 64              # memory_dimension
MSG = 64            # message_dimension
B = 4096            # batch of unique nodes
NN = 20             # n_neighbors
MEAN_TIME_SHIFT = 100.0
ALPHA = 1.0 / MEAN_TIME_SHIFT
TAU = 2 * MEAN_TIME_SHIFT


def setup_inputs(seed: int = 0) -> dict:
    key = jax.random.key(seed)
    ks = jax.random.split(key, 8)
    memory = jax.random.normal(ks[0], (2, M, D), dtype=jnp.float32)
    unique_node_ids = jax.random.randint(ks[1], (B,), 0, M)
    unique_messages = jax.random.normal(ks[2], (B, MSG), dtype=jnp.float32)
    timestamps = jax.random.uniform(ks[3], (B,), dtype=jnp.float32) * 1000.0 + 500.0
    # mocked neighbor_finder.get_temporal_neighbor output (constants):
    neighbors = jax.random.randint(ks[4], (B, NN), 0, M)
    edge_times = jax.random.uniform(ks[5], (B, NN), dtype=jnp.float32) * 1000.0
    # learned parameter (bias in the torch module is unused in forward)
    W_s = jax.random.normal(ks[6], (MSG, D), dtype=jnp.float32) * 0.05
    return {
        "memory": memory,
        "unique_node_ids": unique_node_ids,
        "unique_messages": unique_messages,
        "timestamps": timestamps,
        "neighbors": neighbors,
        "edge_times": edge_times,
        "W_s": W_s,
    }


def reference(memory, unique_node_ids, unique_messages, timestamps, neighbors, edge_times, W_s):
    batch_s, n_neighbors = neighbors.shape
    flat = neighbors.reshape(-1)
    mem_cell = memory[0]
    mem_hidden = memory[1]

    # edge deltas (computed via numpy in torch -> non-differentiable constants)
    edge_deltas = timestamps[:, None] - edge_times
    mask_re = (edge_deltas > 0).astype(jnp.float32).reshape(batch_s, n_neighbors, 1)

    # gather neighbor memory cells
    neighbors_cell = jnp.take(mem_cell, flat, axis=0).reshape(batch_s, n_neighbors, -1)
    edge_delta_re = edge_deltas.reshape(batch_s, n_neighbors, 1)

    # faithful to torch: repeat((n,1)) tiles full batch then reshape
    unique_messages_re = jnp.tile(unique_messages, (n_neighbors, 1)).reshape(batch_s, n_neighbors, -1)

    time_discounts = jnp.exp(-ALPHA * edge_delta_re)
    time_threshold = (edge_delta_re < TAU).astype(jnp.float32)

    # attention weight
    sources = jnp.take(mem_cell, unique_node_ids, axis=0).reshape(batch_s, 1, -1)
    logits = jnp.matmul(neighbors_cell, jnp.transpose(sources, (0, 2, 1)))
    att = jax.nn.softmax(logits, axis=1)

    msg_proj = jnp.matmul(unique_messages_re, W_s)

    upd = (mask_re * time_threshold * time_discounts * att * msg_proj).reshape(batch_s * n_neighbors, -1)
    C_v = jnp.take(mem_cell, flat, axis=0) + upd
    h_v = jnp.tanh(C_v)

    mem0 = mem_cell.at[flat].set(C_v)
    mem1 = mem_hidden.at[flat].set(h_v)
    return jnp.stack([mem0, mem1], axis=0)

if __name__ == "__main__":
    import jax
    _d = setup_inputs()
    print(jax.jit(kernel)(*tuple(_d.values())))

</pallas_src>

<mosaic_0001>
#map = affine_map<(d0, d1) -> (0, 0, 0)>
#map1 = affine_map<(d0, d1) -> (0, 0)>
#map2 = affine_map<(d0, d1) -> (0)>
module attributes {stable_mosaic.version = 14 : i64} {
  func.func @new_body(%arg0: i32, %arg1: i32, %arg2: memref<2x100000x64xf32, #tpu.memory_space<hbm>>, %arg3: memref<81920x64xf32, #tpu.memory_space<hbm>>, %arg4: memref<81920x64xf32, #tpu.memory_space<hbm>>, %arg5: memref<81920xi32, #tpu.memory_space<hbm>>, %arg6: memref<2x100000x64xf32, #tpu.memory_space<hbm>>, %arg7: memref<128xi32, #tpu.memory_space<vmem>>, %arg8: memref<128xi32, #tpu.memory_space<vmem>>, %arg9: memref<128x64xf32, #tpu.memory_space<vmem>>, %arg10: memref<128x64xf32, #tpu.memory_space<vmem>>, %arg11: memref<!tpu.dma_semaphore, #tpu.memory_space<semaphore_mem>>, %arg12: memref<!tpu.dma_semaphore, #tpu.memory_space<semaphore_mem>>, %arg13: memref<!tpu.dma_semaphore, #tpu.memory_space<semaphore_mem>>, %arg14: memref<!tpu.dma_semaphore, #tpu.memory_space<semaphore_mem>>, %arg15: memref<!tpu.dma_semaphore, #tpu.memory_space<semaphore_mem>>, %arg16: memref<!tpu.dma_semaphore, #tpu.memory_space<semaphore_mem>>) attributes {dimension_semantics = [#tpu.dimension_semantics<core_parallel>, #tpu.dimension_semantics<subcore_parallel>], iteration_bounds = array<i64: 2, 16>, scalar_prefetch = 0 : i64, scratch_operands = 10 : i64, tpu.core_type = #tpu.core_type<sc_vector_subcore>, window_params = [{transform_indices = #map}, {transform_indices = #map1}, {transform_indices = #map1}, {transform_indices = #map2}, {transform_indices = #map}]} {
    %mul3A = arith.constant 16 : i32
    %mul3A_0 = arith.muli %arg0, %mul3A : i32
    %add3A = arith.addi %mul3A_0, %arg1 : i32
    %mul3A_1 = arith.constant 2560 : i32
    %mul3A_2 = arith.muli %add3A, %mul3A_1 : i32
    %add3A_3 = arith.constant 0 : i32
    %add3A_4 = arith.addi %mul3A_2, %add3A_3 : i32
    %dma_start3A = tpu.memref_slice %arg5[%add3A_4] : memref<81920xi32, #tpu.memory_space<hbm>> -> memref<128xi32, #tpu.memory_space<hbm>>
    %dma_start3A_5 = tpu.memref_slice %arg5[%add3A_4] : memref<81920xi32, #tpu.memory_space<hbm>> -> memref<128xi32, #tpu.memory_space<hbm>>
    tpu.enqueue_dma source(%dma_start3A_5 : memref<128xi32, #tpu.memory_space<hbm>>) target(%arg7 : memref<128xi32, #tpu.memory_space<vmem>>) target_semaphore(%arg11 : memref<!tpu.dma_semaphore, #tpu.memory_space<semaphore_mem>>)
    %add3A_6 = arith.constant 0 : i32
    %add3A_7 = arith.addi %mul3A_2, %add3A_6 : i32
    %dma_start3A_8 = arith.constant 0 : i32
    %dma_start3A_9 = tpu.memref_slice %arg3[%add3A_7, %dma_start3A_8] : memref<81920x64xf32, #tpu.memory_space<hbm>> -> memref<128x64xf32, #tpu.memory_space<hbm>>
    %dma_start3A_10 = arith.constant 0 : i32
    %dma_start3A_11 = tpu.memref_slice %arg3[%add3A_7, %dma_start3A_10] : memref<81920x64xf32, #tpu.memory_space<hbm>> -> memref<128x64xf32, #tpu.memory_space<hbm>>
    tpu.enqueue_dma source(%dma_start3A_11 : memref<128x64xf32, #tpu.memory_space<hbm>>) target(%arg9 : memref<128x64xf32, #tpu.memory_space<vmem>>) target_semaphore(%arg13 : memref<!tpu.dma_semaphore, #tpu.memory_space<semaphore_mem>>)
    %add3A_12 = arith.constant 128 : i32
    %add3A_13 = arith.addi %mul3A_2, %add3A_12 : i32
    %dma_start3A_14 = tpu.memref_slice %arg5[%add3A_13] : memref<81920xi32, #tpu.memory_space<hbm>> -> memref<128xi32, #tpu.memory_space<hbm>>
    %dma_start3A_15 = tpu.memref_slice %arg5[%add3A_13] : memref<81920xi32, #tpu.memory_space<hbm>> -> memref<128xi32, #tpu.memory_space<hbm>>
    tpu.enqueue_dma source(%dma_start3A_15 : memref<128xi32, #tpu.memory_space<hbm>>) target(%arg8 : memref<128xi32, #tpu.memory_space<vmem>>) target_semaphore(%arg12 : memref<!tpu.dma_semaphore, #tpu.memory_space<semaphore_mem>>)
    %add3A_16 = arith.constant 128 : i32
    %add3A_17 = arith.addi %mul3A_2, %add3A_16 : i32
    %dma_start3A_18 = arith.constant 0 : i32
    %dma_start3A_19 = tpu.memref_slice %arg3[%add3A_17, %dma_start3A_18] : memref<81920x64xf32, #tpu.memory_space<hbm>> -> memref<128x64xf32, #tpu.memory_space<hbm>>
    %dma_start3A_20 = arith.constant 0 : i32
    %dma_start3A_21 = tpu.memref_slice %arg3[%add3A_17, %dma_start3A_20] : memref<81920x64xf32, #tpu.memory_space<hbm>> -> memref<128x64xf32, #tpu.memory_space<hbm>>
    tpu.enqueue_dma source(%dma_start3A_21 : memref<128x64xf32, #tpu.memory_space<hbm>>) target(%arg10 : memref<128x64xf32, #tpu.memory_space<vmem>>) target_semaphore(%arg14 : memref<!tpu.dma_semaphore, #tpu.memory_space<semaphore_mem>>)
    %dma_wait3A = tpu.memref_slice %arg5[%add3A_4] : memref<81920xi32, #tpu.memory_space<hbm>> -> memref<128xi32, #tpu.memory_space<hbm>>
    %dma_wait3A_22 = tpu.memref_slice %arg5[%add3A_4] : memref<81920xi32, #tpu.memory_space<hbm>> -> memref<128xi32, #tpu.memory_space<hbm>>
    tpu.wait_dma2 semaphore(%arg11 : memref<!tpu.dma_semaphore, #tpu.memory_space<semaphore_mem>>) src(%dma_wait3A_22 : memref<128xi32, #tpu.memory_space<hbm>>) dst(%arg7 : memref<128xi32, #tpu.memory_space<vmem>>)
    %dma_wait3A_23 = arith.constant 0 : i32
    %dma_wait3A_24 = tpu.memref_slice %arg3[%add3A_7, %dma_wait3A_23] : memref<81920x64xf32, #tpu.memory_space<hbm>> -> memref<128x64xf32, #tpu.memory_space<hbm>>
    %dma_wait3A_25 = arith.constant 0 : i32
    %dma_wait3A_26 = tpu.memref_slice %arg3[%add3A_7, %dma_wait3A_25] : memref<81920x64xf32, #tpu.memory_space<hbm>> -> memref<128x64xf32, #tpu.memory_space<hbm>>
    tpu.wait_dma2 semaphore(%arg13 : memref<!tpu.dma_semaphore, #tpu.memory_space<semaphore_mem>>) src(%dma_wait3A_26 : memref<128x64xf32, #tpu.memory_space<hbm>>) dst(%arg9 : memref<128x64xf32, #tpu.memory_space<vmem>>)
    %dma_start3A_27 = arith.constant 0 : i32
    %dma_start3A_28 = arith.constant 0 : i32
    %dma_start3A_29 = arith.constant 0 : i32
    %dma_start3A_30 = tpu.memref_slice %arg2[%dma_start3A_27, %dma_start3A_28, %dma_start3A_29] : memref<2x100000x64xf32, #tpu.memory_space<hbm>> -> memref<1x100000x64xf32, #tpu.memory_space<hbm>>
    %dma_start3A_31 = tpu.memref_squeeze %dma_start3A_30 : memref<1x100000x64xf32, #tpu.memory_space<hbm>> -> memref<100000x64xf32, #tpu.memory_space<hbm>>
    %dma_start3A_32 = arith.constant 0 : i32
    %dma_start3A_33 = arith.constant 0 : i32
    %dma_start3A_34 = tpu.memref_slice %dma_start3A_31[%dma_start3A_32, %dma_start3A_33] : memref<100000x64xf32, #tpu.memory_space<hbm>> -> memref<100000x64xf32, #tpu.memory_space<hbm>>
    tpu.enqueue_indirect_dma source(%arg9 : memref<128x64xf32, #tpu.memory_space<vmem>>) target(%dma_start3A_34 : memref<100000x64xf32, #tpu.memory_space<hbm>>) offsets(%arg7 : memref<128xi32, #tpu.memory_space<vmem>>) semaphore(%arg15 : memref<!tpu.dma_semaphore, #tpu.memory_space<semaphore_mem>>)
    %dma_wait3A_35 = arith.constant 0 : i32
    %dma_wait3A_36 = arith.constant 0 : i32
    %dma_wait3A_37 = arith.constant 0 : i32
    %dma_wait3A_38 = tpu.memref_slice %arg2[%dma_wait3A_35, %dma_wait3A_36, %dma_wait3A_37] : memref<2x100000x64xf32, #tpu.memory_space<hbm>> -> memref<1x100000x64xf32, #tpu.memory_space<hbm>>
    %dma_wait3A_39 = tpu.memref_squeeze %dma_wait3A_38 : memref<1x100000x64xf32, #tpu.memory_space<hbm>> -> memref<100000x64xf32, #tpu.memory_space<hbm>>
    %dma_wait3A_40 = arith.constant 0 : i32
    %dma_wait3A_41 = arith.constant 0 : i32
    %dma_wait3A_42 = tpu.memref_slice %dma_wait3A_39[%dma_wait3A_40, %dma_wait3A_41] : memref<100000x64xf32, #tpu.memory_space<hbm>> -> memref<100000x64xf32, #tpu.memory_space<hbm>>
    tpu.wait_indirect_dma semaphore(%arg15 : memref<!tpu.dma_semaphore, #tpu.memory_space<semaphore_mem>>) src(%arg9 : memref<128x64xf32, #tpu.memory_space<vmem>>) dst(%dma_wait3A_42 : memref<100000x64xf32, #tpu.memory_space<hbm>>)
    %add3A_43 = arith.constant 256 : i32
    %add3A_44 = arith.addi %mul3A_2, %add3A_43 : i32
    %dma_start3A_45 = tpu.memref_slice %arg5[%add3A_44] : memref<81920xi32, #tpu.memory_space<hbm>> -> memref<128xi32, #tpu.memory_space<hbm>>
    %dma_start3A_46 = tpu.memref_slice %arg5[%add3A_44] : memref<81920xi32, #tpu.memory_space<hbm>> -> memref<128xi32, #tpu.memory_space<hbm>>
    tpu.enqueue_dma source(%dma_start3A_46 : memref<128xi32, #tpu.memory_space<hbm>>) target(%arg7 : memref<128xi32, #tpu.memory_space<vmem>>) target_semaphore(%arg11 : memref<!tpu.dma_semaphore, #tpu.memory_space<semaphore_mem>>)
    %add3A_47 = arith.constant 256 : i32
    %add3A_48 = arith.addi %mul3A_2, %add3A_47 : i32
    %dma_start3A_49 = arith.constant 0 : i32
    %dma_start3A_50 = tpu.memref_slice %arg3[%add3A_48, %dma_start3A_49] : memref<81920x64xf32, #tpu.memory_space<hbm>> -> memref<128x64xf32, #tpu.memory_space<hbm>>
    %dma_start3A_51 = arith.constant 0 : i32
    %dma_start3A_52 = tpu.memref_slice %arg3[%add3A_48, %dma_start3A_51] : memref<81920x64xf32, #tpu.memory_space<hbm>> -> memref<128x64xf32, #tpu.memory_space<hbm>>
    tpu.enqueue_dma source(%dma_start3A_52 : memref<128x64xf32, #tpu.memory_space<hbm>>) target(%arg9 : memref<128x64xf32, #tpu.memory_space<vmem>>) target_semaphore(%arg13 : memref<!tpu.dma_semaphore, #tpu.memory_space<semaphore_mem>>)
    %dma_wait3A_53 = tpu.memref_slice %arg5[%add3A_13] : memref<81920xi32, #tpu.memory_space<hbm>> -> memref<128xi32, #tpu.memory_space<hbm>>
    %dma_wait3A_54 = tpu.memref_slice %arg5[%add3A_13] : memref<81920xi32, #tpu.memory_space<hbm>> -> memref<128xi32, #tpu.memory_space<hbm>>
    tpu.wait_dma2 semaphore(%arg12 : memref<!tpu.dma_semaphore, #tpu.memory_space<semaphore_mem>>) src(%dma_wait3A_54 : memref<128xi32, #tpu.memory_space<hbm>>) dst(%arg8 : memref<128xi32, #tpu.memory_space<vmem>>)
    %dma_wait3A_55 = arith.constant 0 : i32
    %dma_wait3A_56 = tpu.memref_slice %arg3[%add3A_17, %dma_wait3A_55] : memref<81920x64xf32, #tpu.memory_space<hbm>> -> memref<128x64xf32, #tpu.memory_space<hbm>>
    %dma_wait3A_57 = arith.constant 0 : i32
    %dma_wait3A_58 = tpu.memref_slice %arg3[%add3A_17, %dma_wait3A_57] : memref<81920x64xf32, #tpu.memory_space<hbm>> -> memref<128x64xf32, #tpu.memory_space<hbm>>
    tpu.wait_dma2 semaphore(%arg14 : memref<!tpu.dma_semaphore, #tpu.memory_space<semaphore_mem>>) src(%dma_wait3A_58 : memref<128x64xf32, #tpu.memory_space<hbm>>) dst(%arg10 : memref<128x64xf32, #tpu.memory_space<vmem>>)
    %dma_start3A_59 = arith.constant 0 : i32
    %dma_start3A_60 = arith.constant 0 : i32
    %dma_start3A_61 = arith.constant 0 : i32
    %dma_start3A_62 = tpu.memref_slice %arg2[%dma_start3A_59, %dma_start3A_60, %dma_start3A_61] : memref<2x100000x64xf32, #tpu.memory_space<hbm>> -> memref<1x100000x64xf32, #tpu.memory_space<hbm>>
    %dma_start3A_63 = tpu.memref_squeeze %dma_start3A_62 : memref<1x100000x64xf32, #tpu.memory_space<hbm>> -> memref<100000x64xf32, #tpu.memory_space<hbm>>
    %dma_start3A_64 = arith.constant 0 : i32
    %dma_start3A_65 = arith.constant 0 : i32
    %dma_start3A_66 = tpu.memref_slice %dma_start3A_63[%dma_start3A_64, %dma_start3A_65] : memref<100000x64xf32, #tpu.memory_space<hbm>> -> memref<100000x64xf32, #tpu.memory_space<hbm>>
    tpu.enqueue_indirect_dma source(%arg10 : memref<128x64xf32, #tpu.memory_space<vmem>>) target(%dma_start3A_66 : memref<100000x64xf32, #tpu.memory_space<hbm>>) offsets(%arg8 : memref<128xi32, #tpu.memory_space<vmem>>) semaphore(%arg16 : memref<!tpu.dma_semaphore, #tpu.memory_space<semaphore_mem>>)
    %dma_wait3A_67 = arith.constant 0 : i32
    %dma_wait3A_68 = arith.constant 0 : i32
    %dma_wait3A_69 = arith.constant 0 : i32
    %dma_wait3A_70 = tpu.memref_slice %arg2[%dma_wait3A_67, %dma_wait3A_68, %dma_wait3A_69] : memref<2x100000x64xf32, #tpu.memory_space<hbm>> -> memref<1x100000x64xf32, #tpu.memory_space<hbm>>
    %dma_wait3A_71 = tpu.memref_squeeze %dma_wait3A_70 : memref<1x100000x64xf32, #tpu.memory_space<hbm>> -> memref<100000x64xf32, #tpu.memory_space<hbm>>
    %dma_wait3A_72 = arith.constant 0 : i32
    %dma_wait3A_73 = arith.constant 0 : i32
    %dma_wait3A_74 = tpu.memref_slice %dma_wait3A_71[%dma_wait3A_72, %dma_wait3A_73] : memref<100000x64xf32, #tpu.memory_space<hbm>> -> memref<100000x64xf32, #tpu.memory_space<hbm>>
    tpu.wait_indirect_dma semaphore(%arg16 : memref<!tpu.dma_semaphore, #tpu.memory_space<semaphore_mem>>) src(%arg10 : memref<128x64xf32, #tpu.memory_space<vmem>>) dst(%dma_wait3A_74 : memref<100000x64xf32, #tpu.memory_space<hbm>>)
    %add3A_75 = arith.constant 384 : i32
    %add3A_76 = arith.addi %mul3A_2, %add3A_75 : i32
    %dma_start3A_77 = tpu.memref_slice %arg5[%add3A_76] : memref<81920xi32, #tpu.memory_space<hbm>> -> memref<128xi32, #tpu.memory_space<hbm>>
    %dma_start3A_78 = tpu.memref_slice %arg5[%add3A_76] : memref<81920xi32, #tpu.memory_space<hbm>> -> memref<128xi32, #tpu.memory_space<hbm>>
    tpu.enqueue_dma source(%dma_start3A_78 : memref<128xi32, #tpu.memory_space<hbm>>) target(%arg8 : memref<128xi32, #tpu.memory_space<vmem>>) target_semaphore(%arg12 : memref<!tpu.dma_semaphore, #tpu.memory_space<semaphore_mem>>)
    %add3A_79 = arith.constant 384 : i32
    %add3A_80 = arith.addi %mul3A_2, %add3A_79 : i32
    %dma_start3A_81 = arith.constant 0 : i32
    %dma_start3A_82 = tpu.memref_slice %arg3[%add3A_80, %dma_start3A_81] : memref<81920x64xf32, #tpu.memory_space<hbm>> -> memref<128x64xf32, #tpu.memory_space<hbm>>
    %dma_start3A_83 = arith.constant 0 : i32
    %dma_start3A_84 = tpu.memref_slice %arg3[%add3A_80, %dma_start3A_83] : memref<81920x64xf32, #tpu.memory_space<hbm>> -> memref<128x64xf32, #tpu.memory_space<hbm>>
    tpu.enqueue_dma source(%dma_start3A_84 : memref<128x64xf32, #tpu.memory_space<hbm>>) target(%arg10 : memref<128x64xf32, #tpu.memory_space<vmem>>) target_semaphore(%arg14 : memref<!tpu.dma_semaphore, #tpu.memory_space<semaphore_mem>>)
    %dma_wait3A_85 = tpu.memref_slice %arg5[%add3A_44] : memref<81920xi32, #tpu.memory_space<hbm>> -> memref<128xi32, #tpu.memory_space<hbm>>
    %dma_wait3A_86 = tpu.memref_slice %arg5[%add3A_44] : memref<81920xi32, #tpu.memory_space<hbm>> -> memref<128xi32, #tpu.memory_space<hbm>>
    tpu.wait_dma2 semaphore(%arg11 : memref<!tpu.dma_semaphore, #tpu.memory_space<semaphore_mem>>) src(%dma_wait3A_86 : memref<128xi32, #tpu.memory_space<hbm>>) dst(%arg7 : memref<128xi32, #tpu.memory_space<vmem>>)
    %dma_wait3A_87 = arith.constant 0 : i32
    %dma_wait3A_88 = tpu.memref_slice %arg3[%add3A_48, %dma_wait3A_87] : memref<81920x64xf32, #tpu.memory_space<hbm>> -> memref<128x64xf32, #tpu.memory_space<hbm>>
    %dma_wait3A_89 = arith.constant 0 : i32
    %dma_wait3A_90 = tpu.memref_slice %arg3[%add3A_48, %dma_wait3A_89] : memref<81920x64xf32, #tpu.memory_space<hbm>> -> memref<128x64xf32, #tpu.memory_space<hbm>>
    tpu.wait_dma2 semaphore(%arg13 : memref<!tpu.dma_semaphore, #tpu.memory_space<semaphore_mem>>) src(%dma_wait3A_90 : memref<128x64xf32, #tpu.memory_space<hbm>>) dst(%arg9 : memref<128x64xf32, #tpu.memory_space<vmem>>)
    %dma_start3A_91 = arith.constant 0 : i32
    %dma_start3A_92 = arith.constant 0 : i32
    %dma_start3A_93 = arith.constant 0 : i32
    %dma_start3A_94 = tpu.memref_slice %arg2[%dma_start3A_91, %dma_start3A_92, %dma_start3A_93] : memref<2x100000x64xf32, #tpu.memory_space<hbm>> -> memref<1x100000x64xf32, #tpu.memory_space<hbm>>
    %dma_start3A_95 = tpu.memref_squeeze %dma_start3A_94 : memref<1x100000x64xf32, #tpu.memory_space<hbm>> -> memref<100000x64xf32, #tpu.memory_space<hbm>>
    %dma_start3A_96 = arith.constant 0 : i32
    %dma_start3A_97 = arith.constant 0 : i32
    %dma_start3A_98 = tpu.memref_slice %dma_start3A_95[%dma_start3A_96, %dma_start3A_97] : memref<100000x64xf32, #tpu.memory_space<hbm>> -> memref<100000x64xf32, #tpu.memory_space<hbm>>
    tpu.enqueue_indirect_dma source(%arg9 : memref<128x64xf32, #tpu.memory_space<vmem>>) target(%dma_start3A_98 : memref<100000x64xf32, #tpu.memory_space<hbm>>) offsets(%arg7 : memref<128xi32, #tpu.memory_space<vmem>>) semaphore(%arg15 : memref<!tpu.dma_semaphore, #tpu.memory_space<semaphore_mem>>)
    %dma_wait3A_99 = arith.constant 0 : i32
    %dma_wait3A_100 = arith.constant 0 : i32
    %dma_wait3A_101 = arith.constant 0 : i32
    %dma_wait3A_102 = tpu.memref_slice %arg2[%dma_wait3A_99, %dma_wait3A_100, %dma_wait3A_101] : memref<2x100000x64xf32, #tpu.memory_space<hbm>> -> memref<1x100000x64xf32, #tpu.memory_space<hbm>>
    %dma_wait3A_103 = tpu.memref_squeeze %dma_wait3A_102 : memref<1x100000x64xf32, #tpu.memory_space<hbm>> -> memref<100000x64xf32, #tpu.memory_space<hbm>>
    %dma_wait3A_104 = arith.constant 0 : i32
    %dma_wait3A_105 = arith.constant 0 : i32
    %dma_wait3A_106 = tpu.memref_slice %dma_wait3A_103[%dma_wait3A_104, %dma_wait3A_105] : memref<100000x64xf32, #tpu.memory_space<hbm>> -> memref<100000x64xf32, #tpu.memory_space<hbm>>
    tpu.wait_indirect_dma semaphore(%arg15 : memref<!tpu.dma_semaphore, #tpu.memory_space<semaphore_mem>>) src(%arg9 : memref<128x64xf32, #tpu.memory_space<vmem>>) dst(%dma_wait3A_106 : memref<100000x64xf32, #tpu.memory_space<hbm>>)
    %add3A_107 = arith.constant 512 : i32
    %add3A_108 = arith.addi %mul3A_2, %add3A_107 : i32
    %dma_start3A_109 = tpu.memref_slice %arg5[%add3A_108] : memref<81920xi32, #tpu.memory_space<hbm>> -> memref<128xi32, #tpu.memory_space<hbm>>
    %dma_start3A_110 = tpu.memref_slice %arg5[%add3A_108] : memref<81920xi32, #tpu.memory_space<hbm>> -> memref<128xi32, #tpu.memory_space<hbm>>
    tpu.enqueue_dma source(%dma_start3A_110 : memref<128xi32, #tpu.memory_space<hbm>>) target(%arg7 : memref<128xi32, #tpu.memory_space<vmem>>) target_semaphore(%arg11 : memref<!tpu.dma_semaphore, #tpu.memory_space<semaphore_mem>>)
    %add3A_111 = arith.constant 512 : i32
    %add3A_112 = arith.addi %mul3A_2, %add3A_111 : i32
    %dma_start3A_113 = arith.constant 0 : i32
    %dma_start3A_114 = tpu.memref_slice %arg3[%add3A_112, %dma_start3A_113] : memref<81920x64xf32, #tpu.memory_space<hbm>> -> memref<128x64xf32, #tpu.memory_space<hbm>>
    %dma_start3A_115 = arith.constant 0 : i32
    %dma_start3A_116 = tpu.memref_slice %arg3[%add3A_112, %dma_start3A_115] : memref<81920x64xf32, #tpu.memory_space<hbm>> -> memref<128x64xf32, #tpu.memory_space<hbm>>
    tpu.enqueue_dma source(%dma_start3A_116 : memref<128x64xf32, #tpu.memory_space<hbm>>) target(%arg9 : memref<128x64xf32, #tpu.memory_space<vmem>>) target_semaphore(%arg13 : memref<!tpu.dma_semaphore, #tpu.memory_space<semaphore_mem>>)
    %dma_wait3A_117 = tpu.memref_slice %arg5[%add3A_76] : memref<81920xi32, #tpu.memory_space<hbm>> -> memref<128xi32, #tpu.memory_space<hbm>>
    %dma_wait3A_118 = tpu.memref_slice %arg5[%add3A_76] : memref<81920xi32, #tpu.memory_space<hbm>> -> memref<128xi32, #tpu.memory_space<hbm>>
    tpu.wait_dma2 semaphore(%arg12 : memref<!tpu.dma_semaphore, #tpu.memory_space<semaphore_mem>>) src(%dma_wait3A_118 : memref<128xi32, #tpu.memory_space<hbm>>) dst(%arg8 : memref<128xi32, #tpu.memory_space<vmem>>)
    %dma_wait3A_119 = arith.constant 0 : i32
    %dma_wait3A_120 = tpu.memref_slice %arg3[%add3A_80, %dma_wait3A_119] : memref<81920x64xf32, #tpu.memory_space<hbm>> -> memref<128x64xf32, #tpu.memory_space<hbm>>
    %dma_wait3A_121 = arith.constant 0 : i32
    %dma_wait3A_122 = tpu.memref_slice %arg3[%add3A_80, %dma_wait3A_121] : memref<81920x64xf32, #tpu.memory_space<hbm>> -> memref<128x64xf32, #tpu.memory_space<hbm>>
    tpu.wait_dma2 semaphore(%arg14 : memref<!tpu.dma_semaphore, #tpu.memory_space<semaphore_mem>>) src(%dma_wait3A_122 : memref<128x64xf32, #tpu.memory_space<hbm>>) dst(%arg10 : memref<128x64xf32, #tpu.memory_space<vmem>>)
    %dma_start3A_123 = arith.constant 0 : i32
    %dma_start3A_124 = arith.constant 0 : i32
    %dma_start3A_125 = arith.constant 0 : i32
    %dma_start3A_126 = tpu.memref_slice %arg2[%dma_start3A_123, %dma_start3A_124, %dma_start3A_125] : memref<2x100000x64xf32, #tpu.memory_space<hbm>> -> memref<1x100000x64xf32, #tpu.memory_space<hbm>>
    %dma_start3A_127 = tpu.memref_squeeze %dma_start3A_126 : memref<1x100000x64xf32, #tpu.memory_space<hbm>> -> memref<100000x64xf32, #tpu.memory_space<hbm>>
    %dma_start3A_128 = arith.constant 0 : i32
    %dma_start3A_129 = arith.constant 0 : i32
    %dma_start3A_130 = tpu.memref_slice %dma_start3A_127[%dma_start3A_128, %dma_start3A_129] : memref<100000x64xf32, #tpu.memory_space<hbm>> -> memref<100000x64xf32, #tpu.memory_space<hbm>>
    tpu.enqueue_indirect_dma source(%arg10 : memref<128x64xf32, #tpu.memory_space<vmem>>) target(%dma_start3A_130 : memref<100000x64xf32, #tpu.memory_space<hbm>>) offsets(%arg8 : memref<128xi32, #tpu.memory_space<vmem>>) semaphore(%arg16 : memref<!tpu.dma_semaphore, #tpu.memory_space<semaphore_mem>>)
    %dma_wait3A_131 = arith.constant 0 : i32
    %dma_wait3A_132 = arith.constant 0 : i32
    %dma_wait3A_133 = arith.constant 0 : i32
    %dma_wait3A_134 = tpu.memref_slice %arg2[%dma_wait3A_131, %dma_wait3A_132, %dma_wait3A_133] : memref<2x100000x64xf32, #tpu.memory_space<hbm>> -> memref<1x100000x64xf32, #tpu.memory_space<hbm>>
    %dma_wait3A_135 = tpu.memref_squeeze %dma_wait3A_134 : memref<1x100000x64xf32, #tpu.memory_space<hbm>> -> memref<100000x64xf32, #tpu.memory_space<hbm>>
    %dma_wait3A_136 = arith.constant 0 : i32
    %dma_wait3A_137 = arith.constant 0 : i32
    %dma_wait3A_138 = tpu.memref_slice %dma_wait3A_135[%dma_wait3A_136, %dma_wait3A_137] : memref<100000x64xf32, #tpu.memory_space<hbm>> -> memref<100000x64xf32, #tpu.memory_space<hbm>>
    tpu.wait_indirect_dma semaphore(%arg16 : memref<!tpu.dma_semaphore, #tpu.memory_space<semaphore_mem>>) src(%arg10 : memref<128x64xf32, #tpu.memory_space<vmem>>) dst(%dma_wait3A_138 : memref<100000x64xf32, #tpu.memory_space<hbm>>)
    %add3A_139 = arith.constant 640 : i32
    %add3A_140 = arith.addi %mul3A_2, %add3A_139 : i32
    %dma_start3A_141 = tpu.memref_slice %arg5[%add3A_140] : memref<81920xi32, #tpu.memory_space<hbm>> -> memref<128xi32, #tpu.memory_space<hbm>>
    %dma_start3A_142 = tpu.memref_slice %arg5[%add3A_140] : memref<81920xi32, #tpu.memory_space<hbm>> -> memref<128xi32, #tpu.memory_space<hbm>>
    tpu.enqueue_dma source(%dma_start3A_142 : memref<128xi32, #tpu.memory_space<hbm>>) target(%arg8 : memref<128xi32, #tpu.memory_space<vmem>>) target_semaphore(%arg12 : memref<!tpu.dma_semaphore, #tpu.memory_space<semaphore_mem>>)
    %add3A_143 = arith.constant 640 : i32
    %add3A_144 = arith.addi %mul3A_2, %add3A_143 : i32
    %dma_start3A_145 = arith.constant 0 : i32
    %dma_start3A_146 = tpu.memref_slice %arg3[%add3A_144, %dma_start3A_145] : memref<81920x64xf32, #tpu.memory_space<hbm>> -> memref<128x64xf32, #tpu.memory_space<hbm>>
    %dma_start3A_147 = arith.constant 0 : i32
    %dma_start3A_148 = tpu.memref_slice %arg3[%add3A_144, %dma_start3A_147] : memref<81920x64xf32, #tpu.memory_space<hbm>> -> memref<128x64xf32, #tpu.memory_space<hbm>>
    tpu.enqueue_dma source(%dma_start3A_148 : memref<128x64xf32, #tpu.memory_space<hbm>>) target(%arg10 : memref<128x64xf32, #tpu.memory_space<vmem>>) target_semaphore(%arg14 : memref<!tpu.dma_semaphore, #tpu.memory_space<semaphore_mem>>)
    %dma_wait3A_149 = tpu.memref_slice %arg5[%add3A_108] : memref<81920xi32, #tpu.memory_space<hbm>> -> memref<128xi32, #tpu.memory_space<hbm>>
    %dma_wait3A_150 = tpu.memref_slice %arg5[%add3A_108] : memref<81920xi32, #tpu.memory_space<hbm>> -> memref<128xi32, #tpu.memory_space<hbm>>
    tpu.wait_dma2 semaphore(%arg11 : memref<!tpu.dma_semaphore, #tpu.memory_space<semaphore_mem>>) src(%dma_wait3A_150 : memref<128xi32, #tpu.memory_space<hbm>>) dst(%arg7 : memref<128xi32, #tpu.memory_space<vmem>>)
    %dma_wait3A_151 = arith.constant 0 : i32
    %dma_wait3A_152 = tpu.memref_slice %arg3[%add3A_112, %dma_wait3A_151] : memref<81920x64xf32, #tpu.memory_space<hbm>> -> memref<128x64xf32, #tpu.memory_space<hbm>>
    %dma_wait3A_153 = arith.constant 0 : i32
    %dma_wait3A_154 = tpu.memref_slice %arg3[%add3A_112, %dma_wait3A_153] : memref<81920x64xf32, #tpu.memory_space<hbm>> -> memref<128x64xf32, #tpu.memory_space<hbm>>
    tpu.wait_dma2 semaphore(%arg13 : memref<!tpu.dma_semaphore, #tpu.memory_space<semaphore_mem>>) src(%dma_wait3A_154 : memref<128x64xf32, #tpu.memory_space<hbm>>) dst(%arg9 : memref<128x64xf32, #tpu.memory_space<vmem>>)
    %dma_start3A_155 = arith.constant 0 : i32
    %dma_start3A_156 = arith.constant 0 : i32
    %dma_start3A_157 = arith.constant 0 : i32
    %dma_start3A_158 = tpu.memref_slice %arg2[%dma_start3A_155, %dma_start3A_156, %dma_start3A_157] : memref<2x100000x64xf32, #tpu.memory_space<hbm>> -> memref<1x100000x64xf32, #tpu.memory_space<hbm>>
    %dma_start3A_159 = tpu.memref_squeeze %dma_start3A_158 : memref<1x100000x64xf32, #tpu.memory_space<hbm>> -> memref<100000x64xf32, #tpu.memory_space<hbm>>
    %dma_start3A_160 = arith.constant 0 : i32
    %dma_start3A_161 = arith.constant 0 : i32
    %dma_start3A_162 = tpu.memref_slice %dma_start3A_159[%dma_start3A_160, %dma_start3A_161] : memref<100000x64xf32, #tpu.memory_space<hbm>> -> memref<100000x64xf32, #tpu.memory_space<hbm>>
    tpu.enqueue_indirect_dma source(%arg9 : memref<128x64xf32, #tpu.memory_space<vmem>>) target(%dma_start3A_162 : memref<100000x64xf32, #tpu.memory_space<hbm>>) offsets(%arg7 : memref<128xi32, #tpu.memory_space<vmem>>) semaphore(%arg15 : memref<!tpu.dma_semaphore, #tpu.memory_space<semaphore_mem>>)
    %dma_wait3A_163 = arith.constant 0 : i32
    %dma_wait3A_164 = arith.constant 0 : i32
    %dma_wait3A_165 = arith.constant 0 : i32
    %dma_wait3A_166 = tpu.memref_slice %arg2[%dma_wait3A_163, %dma_wait3A_164, %dma_wait3A_165] : memref<2x100000x64xf32, #tpu.memory_space<hbm>> -> memref<1x100000x64xf32, #tpu.memory_space<hbm>>
    %dma_wait3A_167 = tpu.memref_squeeze %dma_wait3A_166 : memref<1x100000x64xf32, #tpu.memory_space<hbm>> -> memref<100000x64xf32, #tpu.memory_space<hbm>>
    %dma_wait3A_168 = arith.constant 0 : i32
    %dma_wait3A_169 = arith.constant 0 : i32
    %dma_wait3A_170 = tpu.memref_slice %dma_wait3A_167[%dma_wait3A_168, %dma_wait3A_169] : memref<100000x64xf32, #tpu.memory_space<hbm>> -> memref<100000x64xf32, #tpu.memory_space<hbm>>
    tpu.wait_indirect_dma semaphore(%arg15 : memref<!tpu.dma_semaphore, #tpu.memory_space<semaphore_mem>>) src(%arg9 : memref<128x64xf32, #tpu.memory_space<vmem>>) dst(%dma_wait3A_170 : memref<100000x64xf32, #tpu.memory_space<hbm>>)
    %add3A_171 = arith.constant 768 : i32
    %add3A_172 = arith.addi %mul3A_2, %add3A_171 : i32
    %dma_start3A_173 = tpu.memref_slice %arg5[%add3A_172] : memref<81920xi32, #tpu.memory_space<hbm>> -> memref<128xi32, #tpu.memory_space<hbm>>
    %dma_start3A_174 = tpu.memref_slice %arg5[%add3A_172] : memref<81920xi32, #tpu.memory_space<hbm>> -> memref<128xi32, #tpu.memory_space<hbm>>
    tpu.enqueue_dma source(%dma_start3A_174 : memref<128xi32, #tpu.memory_space<hbm>>) target(%arg7 : memref<128xi32, #tpu.memory_space<vmem>>) target_semaphore(%arg11 : memref<!tpu.dma_semaphore, #tpu.memory_space<semaphore_mem>>)
    %add3A_175 = arith.constant 768 : i32
    %add3A_176 = arith.addi %mul3A_2, %add3A_175 : i32
    %dma_start3A_177 = arith.constant 0 : i32
    %dma_start3A_178 = tpu.memref_slice %arg3[%add3A_176, %dma_start3A_177] : memref<81920x64xf32, #tpu.memory_space<hbm>> -> memref<128x64xf32, #tpu.memory_space<hbm>>
    %dma_start3A_179 = arith.constant 0 : i32
    %dma_start3A_180 = tpu.memref_slice %arg3[%add3A_176, %dma_start3A_179] : memref<81920x64xf32, #tpu.memory_space<hbm>> -> memref<128x64xf32, #tpu.memory_space<hbm>>
    tpu.enqueue_dma source(%dma_start3A_180 : memref<128x64xf32, #tpu.memory_space<hbm>>) target(%arg9 : memref<128x64xf32, #tpu.memory_space<vmem>>) target_semaphore(%arg13 : memref<!tpu.dma_semaphore, #tpu.memory_space<semaphore_mem>>)
    %dma_wait3A_181 = tpu.memref_slice %arg5[%add3A_140] : memref<81920xi32, #tpu.memory_space<hbm>> -> memref<128xi32, #tpu.memory_space<hbm>>
    %dma_wait3A_182 = tpu.memref_slice %arg5[%add3A_140] : memref<81920xi32, #tpu.memory_space<hbm>> -> memref<128xi32, #tpu.memory_space<hbm>>
    tpu.wait_dma2 semaphore(%arg12 : memref<!tpu.dma_semaphore, #tpu.memory_space<semaphore_mem>>) src(%dma_wait3A_182 : memref<128xi32, #tpu.memory_space<hbm>>) dst(%arg8 : memref<128xi32, #tpu.memory_space<vmem>>)
    %dma_wait3A_183 = arith.constant 0 : i32
    %dma_wait3A_184 = tpu.memref_slice %arg3[%add3A_144, %dma_wait3A_183] : memref<81920x64xf32, #tpu.memory_space<hbm>> -> memref<128x64xf32, #tpu.memory_space<hbm>>
    %dma_wait3A_185 = arith.constant 0 : i32
    %dma_wait3A_186 = tpu.memref_slice %arg3[%add3A_144, %dma_wait3A_185] : memref<81920x64xf32, #tpu.memory_space<hbm>> -> memref<128x64xf32, #tpu.memory_space<hbm>>
    tpu.wait_dma2 semaphore(%arg14 : memref<!tpu.dma_semaphore, #tpu.memory_space<semaphore_mem>>) src(%dma_wait3A_186 : memref<128x64xf32, #tpu.memory_space<hbm>>) dst(%arg10 : memref<128x64xf32, #tpu.memory_space<vmem>>)
    %dma_start3A_187 = arith.constant 0 : i32
    %dma_start3A_188 = arith.constant 0 : i32
    %dma_start3A_189 = arith.constant 0 : i32
    %dma_start3A_190 = tpu.memref_slice %arg2[%dma_start3A_187, %dma_start3A_188, %dma_start3A_189] : memref<2x100000x64xf32, #tpu.memory_space<hbm>> -> memref<1x100000x64xf32, #tpu.memory_space<hbm>>
    %dma_start3A_191 = tpu.memref_squeeze %dma_start3A_190 : memref<1x100000x64xf32, #tpu.memory_space<hbm>> -> memref<100000x64xf32, #tpu.memory_space<hbm>>
    %dma_start3A_192 = arith.constant 0 : i32
    %dma_start3A_193 = arith.constant 0 : i32
    %dma_start3A_194 = tpu.memref_slice %dma_start3A_191[%dma_start3A_192, %dma_start3A_193] : memref<100000x64xf32, #tpu.memory_space<hbm>> -> memref<100000x64xf32, #tpu.memory_space<hbm>>
    tpu.enqueue_indirect_dma source(%arg10 : memref<128x64xf32, #tpu.memory_space<vmem>>) target(%dma_start3A_194 : memref<100000x64xf32, #tpu.memory_space<hbm>>) offsets(%arg8 : memref<128xi32, #tpu.memory_space<vmem>>) semaphore(%arg16 : memref<!tpu.dma_semaphore, #tpu.memory_space<semaphore_mem>>)
    %dma_wait3A_195 = arith.constant 0 : i32
    %dma_wait3A_196 = arith.constant 0 : i32
    %dma_wait3A_197 = arith.constant 0 : i32
    %dma_wait3A_198 = tpu.memref_slice %arg2[%dma_wait3A_195, %dma_wait3A_196, %dma_wait3A_197] : memref<2x100000x64xf32, #tpu.memory_space<hbm>> -> memref<1x100000x64xf32, #tpu.memory_space<hbm>>
    %dma_wait3A_199 = tpu.memref_squeeze %dma_wait3A_198 : memref<1x100000x64xf32, #tpu.memory_space<hbm>> -> memref<100000x64xf32, #tpu.memory_space<hbm>>
    %dma_wait3A_200 = arith.constant 0 : i32
    %dma_wait3A_201 = arith.constant 0 : i32
    %dma_wait3A_202 = tpu.memref_slice %dma_wait3A_199[%dma_wait3A_200, %dma_wait3A_201] : memref<100000x64xf32, #tpu.memory_space<hbm>> -> memref<100000x64xf32, #tpu.memory_space<hbm>>
    tpu.wait_indirect_dma semaphore(%arg16 : memref<!tpu.dma_semaphore, #tpu.memory_space<semaphore_mem>>) src(%arg10 : memref<128x64xf32, #tpu.memory_space<vmem>>) dst(%dma_wait3A_202 : memref<100000x64xf32, #tpu.memory_space<hbm>>)
    %add3A_203 = arith.constant 896 : i32
    %add3A_204 = arith.addi %mul3A_2, %add3A_203 : i32
    %dma_start3A_205 = tpu.memref_slice %arg5[%add3A_204] : memref<81920xi32, #tpu.memory_space<hbm>> -> memref<128xi32, #tpu.memory_space<hbm>>
    %dma_start3A_206 = tpu.memref_slice %arg5[%add3A_204] : memref<81920xi32, #tpu.memory_space<hbm>> -> memref<128xi32, #tpu.memory_space<hbm>>
    tpu.enqueue_dma source(%dma_start3A_206 : memref<128xi32, #tpu.memory_space<hbm>>) target(%arg8 : memref<128xi32, #tpu.memory_space<vmem>>) target_semaphore(%arg12 : memref<!tpu.dma_semaphore, #tpu.memory_space<semaphore_mem>>)
    %add3A_207 = arith.constant 896 : i32
    %add3A_208 = arith.addi %mul3A_2, %add3A_207 : i32
    %dma_start3A_209 = arith.constant 0 : i32
    %dma_start3A_210 = tpu.memref_slice %arg3[%add3A_208, %dma_start3A_209] : memref<81920x64xf32, #tpu.memory_space<hbm>> -> memref<128x64xf32, #tpu.memory_space<hbm>>
    %dma_start3A_211 = arith.constant 0 : i32
    %dma_start3A_212 = tpu.memref_slice %arg3[%add3A_208, %dma_start3A_211] : memref<81920x64xf32, #tpu.memory_space<hbm>> -> memref<128x64xf32, #tpu.memory_space<hbm>>
    tpu.enqueue_dma source(%dma_start3A_212 : memref<128x64xf32, #tpu.memory_space<hbm>>) target(%arg10 : memref<128x64xf32, #tpu.memory_space<vmem>>) target_semaphore(%arg14 : memref<!tpu.dma_semaphore, #tpu.memory_space<semaphore_mem>>)
    %dma_wait3A_213 = tpu.memref_slice %arg5[%add3A_172] : memref<81920xi32, #tpu.memory_space<hbm>> -> memref<128xi32, #tpu.memory_space<hbm>>
    %dma_wait3A_214 = tpu.memref_slice %arg5[%add3A_172] : memref<81920xi32, #tpu.memory_space<hbm>> -> memref<128xi32, #tpu.memory_space<hbm>>
    tpu.wait_dma2 semaphore(%arg11 : memref<!tpu.dma_semaphore, #tpu.memory_space<semaphore_mem>>) src(%dma_wait3A_214 : memref<128xi32, #tpu.memory_space<hbm>>) dst(%arg7 : memref<128xi32, #tpu.memory_space<vmem>>)
    %dma_wait3A_215 = arith.constant 0 : i32
    %dma_wait3A_216 = tpu.memref_slice %arg3[%add3A_176, %dma_wait3A_215] : memref<81920x64xf32, #tpu.memory_space<hbm>> -> memref<128x64xf32, #tpu.memory_space<hbm>>
    %dma_wait3A_217 = arith.constant 0 : i32
    %dma_wait3A_218 = tpu.memref_slice %arg3[%add3A_176, %dma_wait3A_217] : memref<81920x64xf32, #tpu.memory_space<hbm>> -> memref<128x64xf32, #tpu.memory_space<hbm>>
    tpu.wait_dma2 semaphore(%arg13 : memref<!tpu.dma_semaphore, #tpu.memory_space<semaphore_mem>>) src(%dma_wait3A_218 : memref<128x64xf32, #tpu.memory_space<hbm>>) dst(%arg9 : memref<128x64xf32, #tpu.memory_space<vmem>>)
    %dma_start3A_219 = arith.constant 0 : i32
    %dma_start3A_220 = arith.constant 0 : i32
    %dma_start3A_221 = arith.constant 0 : i32
    %dma_start3A_222 = tpu.memref_slice %arg2[%dma_start3A_219, %dma_start3A_220, %dma_start3A_221] : memref<2x100000x64xf32, #tpu.memory_space<hbm>> -> memref<1x100000x64xf32, #tpu.memory_space<hbm>>
    %dma_start3A_223 = tpu.memref_squeeze %dma_start3A_222 : memref<1x100000x64xf32, #tpu.memory_space<hbm>> -> memref<100000x64xf32, #tpu.memory_space<hbm>>
    %dma_start3A_224 = arith.constant 0 : i32
    %dma_start3A_225 = arith.constant 0 : i32
    %dma_start3A_226 = tpu.memref_slice %dma_start3A_223[%dma_start3A_224, %dma_start3A_225] : memref<100000x64xf32, #tpu.memory_space<hbm>> -> memref<100000x64xf32, #tpu.memory_space<hbm>>
    tpu.enqueue_indirect_dma source(%arg9 : memref<128x64xf32, #tpu.memory_space<vmem>>) target(%dma_start3A_226 : memref<100000x64xf32, #tpu.memory_space<hbm>>) offsets(%arg7 : memref<128xi32, #tpu.memory_space<vmem>>) semaphore(%arg15 : memref<!tpu.dma_semaphore, #tpu.memory_space<semaphore_mem>>)
    %dma_wait3A_227 = arith.constant 0 : i32
    %dma_wait3A_228 = arith.constant 0 : i32
    %dma_wait3A_229 = arith.constant 0 : i32
    %dma_wait3A_230 = tpu.memref_slice %arg2[%dma_wait3A_227, %dma_wait3A_228, %dma_wait3A_229] : memref<2x100000x64xf32, #tpu.memory_space<hbm>> -> memref<1x100000x64xf32, #tpu.memory_space<hbm>>
    %dma_wait3A_231 = tpu.memref_squeeze %dma_wait3A_230 : memref<1x100000x64xf32, #tpu.memory_space<hbm>> -> memref<100000x64xf32, #tpu.memory_space<hbm>>
    %dma_wait3A_232 = arith.constant 0 : i32
    %dma_wait3A_233 = arith.constant 0 : i32
    %dma_wait3A_234 = tpu.memref_slice %dma_wait3A_231[%dma_wait3A_232, %dma_wait3A_233] : memref<100000x64xf32, #tpu.memory_space<hbm>> -> memref<100000x64xf32, #tpu.memory_space<hbm>>
    tpu.wait_indirect_dma semaphore(%arg15 : memref<!tpu.dma_semaphore, #tpu.memory_space<semaphore_mem>>) src(%arg9 : memref<128x64xf32, #tpu.memory_space<vmem>>) dst(%dma_wait3A_234 : memref<100000x64xf32, #tpu.memory_space<hbm>>)
    %add3A_235 = arith.constant 1024 : i32
    %add3A_236 = arith.addi %mul3A_2, %add3A_235 : i32
    %dma_start3A_237 = tpu.memref_slice %arg5[%add3A_236] : memref<81920xi32, #tpu.memory_space<hbm>> -> memref<128xi32, #tpu.memory_space<hbm>>
    %dma_start3A_238 = tpu.memref_slice %arg5[%add3A_236] : memref<81920xi32, #tpu.memory_space<hbm>> -> memref<128xi32, #tpu.memory_space<hbm>>
    tpu.enqueue_dma source(%dma_start3A_238 : memref<128xi32, #tpu.memory_space<hbm>>) target(%arg7 : memref<128xi32, #tpu.memory_space<vmem>>) target_semaphore(%arg11 : memref<!tpu.dma_semaphore, #tpu.memory_space<semaphore_mem>>)
    %add3A_239 = arith.constant 1024 : i32
    %add3A_240 = arith.addi %mul3A_2, %add3A_239 : i32
    %dma_start3A_241 = arith.constant 0 : i32
    %dma_start3A_242 = tpu.memref_slice %arg3[%add3A_240, %dma_start3A_241] : memref<81920x64xf32, #tpu.memory_space<hbm>> -> memref<128x64xf32, #tpu.memory_space<hbm>>
    %dma_start3A_243 = arith.constant 0 : i32
    %dma_start3A_244 = tpu.memref_slice %arg3[%add3A_240, %dma_start3A_243] : memref<81920x64xf32, #tpu.memory_space<hbm>> -> memref<128x64xf32, #tpu.memory_space<hbm>>
    tpu.enqueue_dma source(%dma_start3A_244 : memref<128x64xf32, #tpu.memory_space<hbm>>) target(%arg9 : memref<128x64xf32, #tpu.memory_space<vmem>>) target_semaphore(%arg13 : memref<!tpu.dma_semaphore, #tpu.memory_space<semaphore_mem>>)
    %dma_wait3A_245 = tpu.memref_slice %arg5[%add3A_204] : memref<81920xi32, #tpu.memory_space<hbm>> -> memref<128xi32, #tpu.memory_space<hbm>>
    %dma_wait3A_246 = tpu.memref_slice %arg5[%add3A_204] : memref<81920xi32, #tpu.memory_space<hbm>> -> memref<128xi32, #tpu.memory_space<hbm>>
    tpu.wait_dma2 semaphore(%arg12 : memref<!tpu.dma_semaphore, #tpu.memory_space<semaphore_mem>>) src(%dma_wait3A_246 : memref<128xi32, #tpu.memory_space<hbm>>) dst(%arg8 : memref<128xi32, #tpu.memory_space<vmem>>)
    %dma_wait3A_247 = arith.constant 0 : i32
    %dma_wait3A_248 = tpu.memref_slice %arg3[%add3A_208, %dma_wait3A_247] : memref<81920x64xf32, #tpu.memory_space<hbm>> -> memref<128x64xf32, #tpu.memory_space<hbm>>
    %dma_wait3A_249 = arith.constant 0 : i32
    %dma_wait3A_250 = tpu.memref_slice %arg3[%add3A_208, %dma_wait3A_249] : memref<81920x64xf32, #tpu.memory_space<hbm>> -> memref<128x64xf32, #tpu.memory_space<hbm>>
    tpu.wait_dma2 semaphore(%arg14 : memref<!tpu.dma_semaphore, #tpu.memory_space<semaphore_mem>>) src(%dma_wait3A_250 : memref<128x64xf32, #tpu.memory_space<hbm>>) dst(%arg10 : memref<128x64xf32, #tpu.memory_space<vmem>>)
    %dma_start3A_251 = arith.constant 0 : i32
    %dma_start3A_252 = arith.constant 0 : i32
    %dma_start3A_253 = arith.constant 0 : i32
    %dma_start3A_254 = tpu.memref_slice %arg2[%dma_start3A_251, %dma_start3A_252, %dma_start3A_253] : memref<2x100000x64xf32, #tpu.memory_space<hbm>> -> memref<1x100000x64xf32, #tpu.memory_space<hbm>>
    %dma_start3A_255 = tpu.memref_squeeze %dma_start3A_254 : memref<1x100000x64xf32, #tpu.memory_space<hbm>> -> memref<100000x64xf32, #tpu.memory_space<hbm>>
    %dma_start3A_256 = arith.constant 0 : i32
    %dma_start3A_257 = arith.constant 0 : i32
    %dma_start3A_258 = tpu.memref_slice %dma_start3A_255[%dma_start3A_256, %dma_start3A_257] : memref<100000x64xf32, #tpu.memory_space<hbm>> -> memref<100000x64xf32, #tpu.memory_space<hbm>>
    tpu.enqueue_indirect_dma source(%arg10 : memref<128x64xf32, #tpu.memory_space<vmem>>) target(%dma_start3A_258 : memref<100000x64xf32, #tpu.memory_space<hbm>>) offsets(%arg8 : memref<128xi32, #tpu.memory_space<vmem>>) semaphore(%arg16 : memref<!tpu.dma_semaphore, #tpu.memory_space<semaphore_mem>>)
    %dma_wait3A_259 = arith.constant 0 : i32
    %dma_wait3A_260 = arith.constant 0 : i32
    %dma_wait3A_261 = arith.constant 0 : i32
    %dma_wait3A_262 = tpu.memref_slice %arg2[%dma_wait3A_259, %dma_wait3A_260, %dma_wait3A_261] : memref<2x100000x64xf32, #tpu.memory_space<hbm>> -> memref<1x100000x64xf32, #tpu.memory_space<hbm>>
    %dma_wait3A_263 = tpu.memref_squeeze %dma_wait3A_262 : memref<1x100000x64xf32, #tpu.memory_space<hbm>> -> memref<100000x64xf32, #tpu.memory_space<hbm>>
    %dma_wait3A_264 = arith.constant 0 : i32
    %dma_wait3A_265 = arith.constant 0 : i32
    %dma_wait3A_266 = tpu.memref_slice %dma_wait3A_263[%dma_wait3A_264, %dma_wait3A_265] : memref<100000x64xf32, #tpu.memory_space<hbm>> -> memref<100000x64xf32, #tpu.memory_space<hbm>>
    tpu.wait_indirect_dma semaphore(%arg16 : memref<!tpu.dma_semaphore, #tpu.memory_space<semaphore_mem>>) src(%arg10 : memref<128x64xf32, #tpu.memory_space<vmem>>) dst(%dma_wait3A_266 : memref<100000x64xf32, #tpu.memory_space<hbm>>)
    %add3A_267 = arith.constant 1152 : i32
    %add3A_268 = arith.addi %mul3A_2, %add3A_267 : i32
    %dma_start3A_269 = tpu.memref_slice %arg5[%add3A_268] : memref<81920xi32, #tpu.memory_space<hbm>> -> memref<128xi32, #tpu.memory_space<hbm>>
    %dma_start3A_270 = tpu.memref_slice %arg5[%add3A_268] : memref<81920xi32, #tpu.memory_space<hbm>> -> memref<128xi32, #tpu.memory_space<hbm>>
    tpu.enqueue_dma source(%dma_start3A_270 : memref<128xi32, #tpu.memory_space<hbm>>) target(%arg8 : memref<128xi32, #tpu.memory_space<vmem>>) target_semaphore(%arg12 : memref<!tpu.dma_semaphore, #tpu.memory_space<semaphore_mem>>)
    %add3A_271 = arith.constant 1152 : i32
    %add3A_272 = arith.addi %mul3A_2, %add3A_271 : i32
    %dma_start3A_273 = arith.constant 0 : i32
    %dma_start3A_274 = tpu.memref_slice %arg3[%add3A_272, %dma_start3A_273] : memref<81920x64xf32, #tpu.memory_space<hbm>> -> memref<128x64xf32, #tpu.memory_space<hbm>>
    %dma_start3A_275 = arith.constant 0 : i32
    %dma_start3A_276 = tpu.memref_slice %arg3[%add3A_272, %dma_start3A_275] : memref<81920x64xf32, #tpu.memory_space<hbm>> -> memref<128x64xf32, #tpu.memory_space<hbm>>
    tpu.enqueue_dma source(%dma_start3A_276 : memref<128x64xf32, #tpu.memory_space<hbm>>) target(%arg10 : memref<128x64xf32, #tpu.memory_space<vmem>>) target_semaphore(%arg14 : memref<!tpu.dma_semaphore, #tpu.memory_space<semaphore_mem>>)
    %dma_wait3A_277 = tpu.memref_slice %arg5[%add3A_236] : memref<81920xi32, #tpu.memory_space<hbm>> -> memref<128xi32, #tpu.memory_space<hbm>>
    %dma_wait3A_278 = tpu.memref_slice %arg5[%add3A_236] : memref<81920xi32, #tpu.memory_space<hbm>> -> memref<128xi32, #tpu.memory_space<hbm>>
    tpu.wait_dma2 semaphore(%arg11 : memref<!tpu.dma_semaphore, #tpu.memory_space<semaphore_mem>>) src(%dma_wait3A_278 : memref<128xi32, #tpu.memory_space<hbm>>) dst(%arg7 : memref<128xi32, #tpu.memory_space<vmem>>)
    %dma_wait3A_279 = arith.constant 0 : i32
    %dma_wait3A_280 = tpu.memref_slice %arg3[%add3A_240, %dma_wait3A_279] : memref<81920x64xf32, #tpu.memory_space<hbm>> -> memref<128x64xf32, #tpu.memory_space<hbm>>
    %dma_wait3A_281 = arith.constant 0 : i32
    %dma_wait3A_282 = tpu.memref_slice %arg3[%add3A_240, %dma_wait3A_281] : memref<81920x64xf32, #tpu.memory_space<hbm>> -> memref<128x64xf32, #tpu.memory_space<hbm>>
    tpu.wait_dma2 semaphore(%arg13 : memref<!tpu.dma_semaphore, #tpu.memory_space<semaphore_mem>>) src(%dma_wait3A_282 : memref<128x64xf32, #tpu.memory_space<hbm>>) dst(%arg9 : memref<128x64xf32, #tpu.memory_space<vmem>>)
    %dma_start3A_283 = arith.constant 0 : i32
    %dma_start3A_284 = arith.constant 0 : i32
    %dma_start3A_285 = arith.constant 0 : i32
    %dma_start3A_286 = tpu.memref_slice %arg2[%dma_start3A_283, %dma_start3A_284, %dma_start3A_285] : memref<2x100000x64xf32, #tpu.memory_space<hbm>> -> memref<1x100000x64xf32, #tpu.memory_space<hbm>>
    %dma_start3A_287 = tpu.memref_squeeze %dma_start3A_286 : memref<1x100000x64xf32, #tpu.memory_space<hbm>> -> memref<100000x64xf32, #tpu.memory_space<hbm>>
    %dma_start3A_288 = arith.constant 0 : i32
    %dma_start3A_289 = arith.constant 0 : i32
    %dma_start3A_290 = tpu.memref_slice %dma_start3A_287[%dma_start3A_288, %dma_start3A_289] : memref<100000x64xf32, #tpu.memory_space<hbm>> -> memref<100000x64xf32, #tpu.memory_space<hbm>>
    tpu.enqueue_indirect_dma source(%arg9 : memref<128x64xf32, #tpu.memory_space<vmem>>) target(%dma_start3A_290 : memref<100000x64xf32, #tpu.memory_space<hbm>>) offsets(%arg7 : memref<128xi32, #tpu.memory_space<vmem>>) semaphore(%arg15 : memref<!tpu.dma_semaphore, #tpu.memory_space<semaphore_mem>>)
    %dma_wait3A_291 = arith.constant 0 : i32
    %dma_wait3A_292 = arith.constant 0 : i32
    %dma_wait3A_293 = arith.constant 0 : i32
    %dma_wait3A_294 = tpu.memref_slice %arg2[%dma_wait3A_291, %dma_wait3A_292, %dma_wait3A_293] : memref<2x100000x64xf32, #tpu.memory_space<hbm>> -> memref<1x100000x64xf32, #tpu.memory_space<hbm>>
    %dma_wait3A_295 = tpu.memref_squeeze %dma_wait3A_294 : memref<1x100000x64xf32, #tpu.memory_space<hbm>> -> memref<100000x64xf32, #tpu.memory_space<hbm>>
    %dma_wait3A_296 = arith.constant 0 : i32
    %dma_wait3A_297 = arith.constant 0 : i32
    %dma_wait3A_298 = tpu.memref_slice %dma_wait3A_295[%dma_wait3A_296, %dma_wait3A_297] : memref<100000x64xf32, #tpu.memory_space<hbm>> -> memref<100000x64xf32, #tpu.memory_space<hbm>>
    tpu.wait_indirect_dma semaphore(%arg15 : memref<!tpu.dma_semaphore, #tpu.memory_space<semaphore_mem>>) src(%arg9 : memref<128x64xf32, #tpu.memory_space<vmem>>) dst(%dma_wait3A_298 : memref<100000x64xf32, #tpu.memory_space<hbm>>)
    %add3A_299 = arith.constant 1280 : i32
    %add3A_300 = arith.addi %mul3A_2, %add3A_299 : i32
    %dma_start3A_301 = tpu.memref_slice %arg5[%add3A_300] : memref<81920xi32, #tpu.memory_space<hbm>> -> memref<128xi32, #tpu.memory_space<hbm>>
    %dma_start3A_302 = tpu.memref_slice %arg5[%add3A_300] : memref<81920xi32, #tpu.memory_space<hbm>> -> memref<128xi32, #tpu.memory_space<hbm>>
    tpu.enqueue_dma source(%dma_start3A_302 : memref<128xi32, #tpu.memory_space<hbm>>) target(%arg7 : memref<128xi32, #tpu.memory_space<vmem>>) target_semaphore(%arg11 : memref<!tpu.dma_semaphore, #tpu.memory_space<semaphore_mem>>)
    %add3A_303 = arith.constant 1280 : i32
    %add3A_304 = arith.addi %mul3A_2, %add3A_303 : i32
    %dma_start3A_305 = arith.constant 0 : i32
    %dma_start3A_306 = tpu.memref_slice %arg3[%add3A_304, %dma_start3A_305] : memref<81920x64xf32, #tpu.memory_space<hbm>> -> memref<128x64xf32, #tpu.memory_space<hbm>>
    %dma_start3A_307 = arith.constant 0 : i32
    %dma_start3A_308 = tpu.memref_slice %arg3[%add3A_304, %dma_start3A_307] : memref<81920x64xf32, #tpu.memory_space<hbm>> -> memref<128x64xf32, #tpu.memory_space<hbm>>
    tpu.enqueue_dma source(%dma_start3A_308 : memref<128x64xf32, #tpu.memory_space<hbm>>) target(%arg9 : memref<128x64xf32, #tpu.memory_space<vmem>>) target_semaphore(%arg13 : memref<!tpu.dma_semaphore, #tpu.memory_space<semaphore_mem>>)
    %dma_wait3A_309 = tpu.memref_slice %arg5[%add3A_268] : memref<81920xi32, #tpu.memory_space<hbm>> -> memref<128xi32, #tpu.memory_space<hbm>>
    %dma_wait3A_310 = tpu.memref_slice %arg5[%add3A_268] : memref<81920xi32, #tpu.memory_space<hbm>> -> memref<128xi32, #tpu.memory_space<hbm>>
    tpu.wait_dma2 semaphore(%arg12 : memref<!tpu.dma_semaphore, #tpu.memory_space<semaphore_mem>>) src(%dma_wait3A_310 : memref<128xi32, #tpu.memory_space<hbm>>) dst(%arg8 : memref<128xi32, #tpu.memory_space<vmem>>)
    %dma_wait3A_311 = arith.constant 0 : i32
    %dma_wait3A_312 = tpu.memref_slice %arg3[%add3A_272, %dma_wait3A_311] : memref<81920x64xf32, #tpu.memory_space<hbm>> -> memref<128x64xf32, #tpu.memory_space<hbm>>
    %dma_wait3A_313 = arith.constant 0 : i32
    %dma_wait3A_314 = tpu.memref_slice %arg3[%add3A_272, %dma_wait3A_313] : memref<81920x64xf32, #tpu.memory_space<hbm>> -> memref<128x64xf32, #tpu.memory_space<hbm>>
    tpu.wait_dma2 semaphore(%arg14 : memref<!tpu.dma_semaphore, #tpu.memory_space<semaphore_mem>>) src(%dma_wait3A_314 : memref<128x64xf32, #tpu.memory_space<hbm>>) dst(%arg10 : memref<128x64xf32, #tpu.memory_space<vmem>>)
    %dma_start3A_315 = arith.constant 0 : i32
    %dma_start3A_316 = arith.constant 0 : i32
    %dma_start3A_317 = arith.constant 0 : i32
    %dma_start3A_318 = tpu.memref_slice %arg2[%dma_start3A_315, %dma_start3A_316, %dma_start3A_317] : memref<2x100000x64xf32, #tpu.memory_space<hbm>> -> memref<1x100000x64xf32, #tpu.memory_space<hbm>>
    %dma_start3A_319 = tpu.memref_squeeze %dma_start3A_318 : memref<1x100000x64xf32, #tpu.memory_space<hbm>> -> memref<100000x64xf32, #tpu.memory_space<hbm>>
    %dma_start3A_320 = arith.constant 0 : i32
    %dma_start3A_321 = arith.constant 0 : i32
    %dma_start3A_322 = tpu.memref_slice %dma_start3A_319[%dma_start3A_320, %dma_start3A_321] : memref<100000x64xf32, #tpu.memory_space<hbm>> -> memref<100000x64xf32, #tpu.memory_space<hbm>>
    tpu.enqueue_indirect_dma source(%arg10 : memref<128x64xf32, #tpu.memory_space<vmem>>) target(%dma_start3A_322 : memref<100000x64xf32, #tpu.memory_space<hbm>>) offsets(%arg8 : memref<128xi32, #tpu.memory_space<vmem>>) semaphore(%arg16 : memref<!tpu.dma_semaphore, #tpu.memory_space<semaphore_mem>>)
    %dma_wait3A_323 = arith.constant 0 : i32
    %dma_wait3A_324 = arith.constant 0 : i32
    %dma_wait3A_325 = arith.constant 0 : i32
    %dma_wait3A_326 = tpu.memref_slice %arg2[%dma_wait3A_323, %dma_wait3A_324, %dma_wait3A_325] : memref<2x100000x64xf32, #tpu.memory_space<hbm>> -> memref<1x100000x64xf32, #tpu.memory_space<hbm>>
    %dma_wait3A_327 = tpu.memref_squeeze %dma_wait3A_326 : memref<1x100000x64xf32, #tpu.memory_space<hbm>> -> memref<100000x64xf32, #tpu.memory_space<hbm>>
    %dma_wait3A_328 = arith.constant 0 : i32
    %dma_wait3A_329 = arith.constant 0 : i32
    %dma_wait3A_330 = tpu.memref_slice %dma_wait3A_327[%dma_wait3A_328, %dma_wait3A_329] : memref<100000x64xf32, #tpu.memory_space<hbm>> -> memref<100000x64xf32, #tpu.memory_space<hbm>>
    tpu.wait_indirect_dma semaphore(%arg16 : memref<!tpu.dma_semaphore, #tpu.memory_space<semaphore_mem>>) src(%arg10 : memref<128x64xf32, #tpu.memory_space<vmem>>) dst(%dma_wait3A_330 : memref<100000x64xf32, #tpu.memory_space<hbm>>)
    %add3A_331 = arith.constant 1408 : i32
    %add3A_332 = arith.addi %mul3A_2, %add3A_331 : i32
    %dma_start3A_333 = tpu.memref_slice %arg5[%add3A_332] : memref<81920xi32, #tpu.memory_space<hbm>> -> memref<128xi32, #tpu.memory_space<hbm>>
    %dma_start3A_334 = tpu.memref_slice %arg5[%add3A_332] : memref<81920xi32, #tpu.memory_space<hbm>> -> memref<128xi32, #tpu.memory_space<hbm>>
    tpu.enqueue_dma source(%dma_start3A_334 : memref<128xi32, #tpu.memory_space<hbm>>) target(%arg8 : memref<128xi32, #tpu.memory_space<vmem>>) target_semaphore(%arg12 : memref<!tpu.dma_semaphore, #tpu.memory_space<semaphore_mem>>)
    %add3A_335 = arith.constant 1408 : i32
    %add3A_336 = arith.addi %mul3A_2, %add3A_335 : i32
    %dma_start3A_337 = arith.constant 0 : i32
    %dma_start3A_338 = tpu.memref_slice %arg3[%add3A_336, %dma_start3A_337] : memref<81920x64xf32, #tpu.memory_space<hbm>> -> memref<128x64xf32, #tpu.memory_space<hbm>>
    %dma_start3A_339 = arith.constant 0 : i32
    %dma_start3A_340 = tpu.memref_slice %arg3[%add3A_336, %dma_start3A_339] : memref<81920x64xf32, #tpu.memory_space<hbm>> -> memref<128x64xf32, #tpu.memory_space<hbm>>
    tpu.enqueue_dma source(%dma_start3A_340 : memref<128x64xf32, #tpu.memory_space<hbm>>) target(%arg10 : memref<128x64xf32, #tpu.memory_space<vmem>>) target_semaphore(%arg14 : memref<!tpu.dma_semaphore, #tpu.memory_space<semaphore_mem>>)
    %dma_wait3A_341 = tpu.memref_slice %arg5[%add3A_300] : memref<81920xi32, #tpu.memory_space<hbm>> -> memref<128xi32, #tpu.memory_space<hbm>>
    %dma_wait3A_342 = tpu.memref_slice %arg5[%add3A_300] : memref<81920xi32, #tpu.memory_space<hbm>> -> memref<128xi32, #tpu.memory_space<hbm>>
    tpu.wait_dma2 semaphore(%arg11 : memref<!tpu.dma_semaphore, #tpu.memory_space<semaphore_mem>>) src(%dma_wait3A_342 : memref<128xi32, #tpu.memory_space<hbm>>) dst(%arg7 : memref<128xi32, #tpu.memory_space<vmem>>)
    %dma_wait3A_343 = arith.constant 0 : i32
    %dma_wait3A_344 = tpu.memref_slice %arg3[%add3A_304, %dma_wait3A_343] : memref<81920x64xf32, #tpu.memory_space<hbm>> -> memref<128x64xf32, #tpu.memory_space<hbm>>
    %dma_wait3A_345 = arith.constant 0 : i32
    %dma_wait3A_346 = tpu.memref_slice %arg3[%add3A_304, %dma_wait3A_345] : memref<81920x64xf32, #tpu.memory_space<hbm>> -> memref<128x64xf32, #tpu.memory_space<hbm>>
    tpu.wait_dma2 semaphore(%arg13 : memref<!tpu.dma_semaphore, #tpu.memory_space<semaphore_mem>>) src(%dma_wait3A_346 : memref<128x64xf32, #tpu.memory_space<hbm>>) dst(%arg9 : memref<128x64xf32, #tpu.memory_space<vmem>>)
    %dma_start3A_347 = arith.constant 0 : i32
    %dma_start3A_348 = arith.constant 0 : i32
    %dma_start3A_349 = arith.constant 0 : i32
    %dma_start3A_350 = tpu.memref_slice %arg2[%dma_start3A_347, %dma_start3A_348, %dma_start3A_349] : memref<2x100000x64xf32, #tpu.memory_space<hbm>> -> memref<1x100000x64xf32, #tpu.memory_space<hbm>>
    %dma_start3A_351 = tpu.memref_squeeze %dma_start3A_350 : memref<1x100000x64xf32, #tpu.memory_space<hbm>> -> memref<100000x64xf32, #tpu.memory_space<hbm>>
    %dma_start3A_352 = arith.constant 0 : i32
    %dma_start3A_353 = arith.constant 0 : i32
    %dma_start3A_354 = tpu.memref_slice %dma_start3A_351[%dma_start3A_352, %dma_start3A_353] : memref<100000x64xf32, #tpu.memory_space<hbm>> -> memref<100000x64xf32, #tpu.memory_space<hbm>>
    tpu.enqueue_indirect_dma source(%arg9 : memref<128x64xf32, #tpu.memory_space<vmem>>) target(%dma_start3A_354 : memref<100000x64xf32, #tpu.memory_space<hbm>>) offsets(%arg7 : memref<128xi32, #tpu.memory_space<vmem>>) semaphore(%arg15 : memref<!tpu.dma_semaphore, #tpu.memory_space<semaphore_mem>>)
    %dma_wait3A_355 = arith.constant 0 : i32
    %dma_wait3A_356 = arith.constant 0 : i32
    %dma_wait3A_357 = arith.constant 0 : i32
    %dma_wait3A_358 = tpu.memref_slice %arg2[%dma_wait3A_355, %dma_wait3A_356, %dma_wait3A_357] : memref<2x100000x64xf32, #tpu.memory_space<hbm>> -> memref<1x100000x64xf32, #tpu.memory_space<hbm>>
    %dma_wait3A_359 = tpu.memref_squeeze %dma_wait3A_358 : memref<1x100000x64xf32, #tpu.memory_space<hbm>> -> memref<100000x64xf32, #tpu.memory_space<hbm>>
    %dma_wait3A_360 = arith.constant 0 : i32
    %dma_wait3A_361 = arith.constant 0 : i32
    %dma_wait3A_362 = tpu.memref_slice %dma_wait3A_359[%dma_wait3A_360, %dma_wait3A_361] : memref<100000x64xf32, #tpu.memory_space<hbm>> -> memref<100000x64xf32, #tpu.memory_space<hbm>>
    tpu.wait_indirect_dma semaphore(%arg15 : memref<!tpu.dma_semaphore, #tpu.memory_space<semaphore_mem>>) src(%arg9 : memref<128x64xf32, #tpu.memory_space<vmem>>) dst(%dma_wait3A_362 : memref<100000x64xf32, #tpu.memory_space<hbm>>)
    %add3A_363 = arith.constant 1536 : i32
    %add3A_364 = arith.addi %mul3A_2, %add3A_363 : i32
    %dma_start3A_365 = tpu.memref_slice %arg5[%add3A_364] : memref<81920xi32, #tpu.memory_space<hbm>> -> memref<128xi32, #tpu.memory_space<hbm>>
    %dma_start3A_366 = tpu.memref_slice %arg5[%add3A_364] : memref<81920xi32, #tpu.memory_space<hbm>> -> memref<128xi32, #tpu.memory_space<hbm>>
    tpu.enqueue_dma source(%dma_start3A_366 : memref<128xi32, #tpu.memory_space<hbm>>) target(%arg7 : memref<128xi32, #tpu.memory_space<vmem>>) target_semaphore(%arg11 : memref<!tpu.dma_semaphore, #tpu.memory_space<semaphore_mem>>)
    %add3A_367 = arith.constant 1536 : i32
    %add3A_368 = arith.addi %mul3A_2, %add3A_367 : i32
    %dma_start3A_369 = arith.constant 0 : i32
    %dma_start3A_370 = tpu.memref_slice %arg3[%add3A_368, %dma_start3A_369] : memref<81920x64xf32, #tpu.memory_space<hbm>> -> memref<128x64xf32, #tpu.memory_space<hbm>>
    %dma_start3A_371 = arith.constant 0 : i32
    %dma_start3A_372 = tpu.memref_slice %arg3[%add3A_368, %dma_start3A_371] : memref<81920x64xf32, #tpu.memory_space<hbm>> -> memref<128x64xf32, #tpu.memory_space<hbm>>
    tpu.enqueue_dma source(%dma_start3A_372 : memref<128x64xf32, #tpu.memory_space<hbm>>) target(%arg9 : memref<128x64xf32, #tpu.memory_space<vmem>>) target_semaphore(%arg13 : memref<!tpu.dma_semaphore, #tpu.memory_space<semaphore_mem>>)
    %dma_wait3A_373 = tpu.memref_slice %arg5[%add3A_332] : memref<81920xi32, #tpu.memory_space<hbm>> -> memref<128xi32, #tpu.memory_space<hbm>>
    %dma_wait3A_374 = tpu.memref_slice %arg5[%add3A_332] : memref<81920xi32, #tpu.memory_space<hbm>> -> memref<128xi32, #tpu.memory_space<hbm>>
    tpu.wait_dma2 semaphore(%arg12 : memref<!tpu.dma_semaphore, #tpu.memory_space<semaphore_mem>>) src(%dma_wait3A_374 : memref<128xi32, #tpu.memory_space<hbm>>) dst(%arg8 : memref<128xi32, #tpu.memory_space<vmem>>)
    %dma_wait3A_375 = arith.constant 0 : i32
    %dma_wait3A_376 = tpu.memref_slice %arg3[%add3A_336, %dma_wait3A_375] : memref<81920x64xf32, #tpu.memory_space<hbm>> -> memref<128x64xf32, #tpu.memory_space<hbm>>
    %dma_wait3A_377 = arith.constant 0 : i32
    %dma_wait3A_378 = tpu.memref_slice %arg3[%add3A_336, %dma_wait3A_377] : memref<81920x64xf32, #tpu.memory_space<hbm>> -> memref<128x64xf32, #tpu.memory_space<hbm>>
    tpu.wait_dma2 semaphore(%arg14 : memref<!tpu.dma_semaphore, #tpu.memory_space<semaphore_mem>>) src(%dma_wait3A_378 : memref<128x64xf32, #tpu.memory_space<hbm>>) dst(%arg10 : memref<128x64xf32, #tpu.memory_space<vmem>>)
    %dma_start3A_379 = arith.constant 0 : i32
    %dma_start3A_380 = arith.constant 0 : i32
    %dma_start3A_381 = arith.constant 0 : i32
    %dma_start3A_382 = tpu.memref_slice %arg2[%dma_start3A_379, %dma_start3A_380, %dma_start3A_381] : memref<2x100000x64xf32, #tpu.memory_space<hbm>> -> memref<1x100000x64xf32, #tpu.memory_space<hbm>>
    %dma_start3A_383 = tpu.memref_squeeze %dma_start3A_382 : memref<1x100000x64xf32, #tpu.memory_space<hbm>> -> memref<100000x64xf32, #tpu.memory_space<hbm>>
    %dma_start3A_384 = arith.constant 0 : i32
    %dma_start3A_385 = arith.constant 0 : i32
    %dma_start3A_386 = tpu.memref_slice %dma_start3A_383[%dma_start3A_384, %dma_start3A_385] : memref<100000x64xf32, #tpu.memory_space<hbm>> -> memref<100000x64xf32, #tpu.memory_space<hbm>>
    tpu.enqueue_indirect_dma source(%arg10 : memref<128x64xf32, #tpu.memory_space<vmem>>) target(%dma_start3A_386 : memref<100000x64xf32, #tpu.memory_space<hbm>>) offsets(%arg8 : memref<128xi32, #tpu.memory_space<vmem>>) semaphore(%arg16 : memref<!tpu.dma_semaphore, #tpu.memory_space<semaphore_mem>>)
    %dma_wait3A_387 = arith.constant 0 : i32
    %dma_wait3A_388 = arith.constant 0 : i32
    %dma_wait3A_389 = arith.constant 0 : i32
    %dma_wait3A_390 = tpu.memref_slice %arg2[%dma_wait3A_387, %dma_wait3A_388, %dma_wait3A_389] : memref<2x100000x64xf32, #tpu.memory_space<hbm>> -> memref<1x100000x64xf32, #tpu.memory_space<hbm>>
    %dma_wait3A_391 = tpu.memref_squeeze %dma_wait3A_390 : memref<1x100000x64xf32, #tpu.memory_space<hbm>> -> memref<100000x64xf32, #tpu.memory_space<hbm>>
    %dma_wait3A_392 = arith.constant 0 : i32
    %dma_wait3A_393 = arith.constant 0 : i32
    %dma_wait3A_394 = tpu.memref_slice %dma_wait3A_391[%dma_wait3A_392, %dma_wait3A_393] : memref<100000x64xf32, #tpu.memory_space<hbm>> -> memref<100000x64xf32, #tpu.memory_space<hbm>>
    tpu.wait_indirect_dma semaphore(%arg16 : memref<!tpu.dma_semaphore, #tpu.memory_space<semaphore_mem>>) src(%arg10 : memref<128x64xf32, #tpu.memory_space<vmem>>) dst(%dma_wait3A_394 : memref<100000x64xf32, #tpu.memory_space<hbm>>)
    %add3A_395 = arith.constant 1664 : i32
    %add3A_396 = arith.addi %mul3A_2, %add3A_395 : i32
    %dma_start3A_397 = tpu.memref_slice %arg5[%add3A_396] : memref<81920xi32, #tpu.memory_space<hbm>> -> memref<128xi32, #tpu.memory_space<hbm>>
    %dma_start3A_398 = tpu.memref_slice %arg5[%add3A_396] : memref<81920xi32, #tpu.memory_space<hbm>> -> memref<128xi32, #tpu.memory_space<hbm>>
    tpu.enqueue_dma source(%dma_start3A_398 : memref<128xi32, #tpu.memory_space<hbm>>) target(%arg8 : memref<128xi32, #tpu.memory_space<vmem>>) target_semaphore(%arg12 : memref<!tpu.dma_semaphore, #tpu.memory_space<semaphore_mem>>)
    %add3A_399 = arith.constant 1664 : i32
    %add3A_400 = arith.addi %mul3A_2, %add3A_399 : i32
    %dma_start3A_401 = arith.constant 0 : i32
    %dma_start3A_402 = tpu.memref_slice %arg3[%add3A_400, %dma_start3A_401] : memref<81920x64xf32, #tpu.memory_space<hbm>> -> memref<128x64xf32, #tpu.memory_space<hbm>>
    %dma_start3A_403 = arith.constant 0 : i32
    %dma_start3A_404 = tpu.memref_slice %arg3[%add3A_400, %dma_start3A_403] : memref<81920x64xf32, #tpu.memory_space<hbm>> -> memref<128x64xf32, #tpu.memory_space<hbm>>
    tpu.enqueue_dma source(%dma_start3A_404 : memref<128x64xf32, #tpu.memory_space<hbm>>) target(%arg10 : memref<128x64xf32, #tpu.memory_space<vmem>>) target_semaphore(%arg14 : memref<!tpu.dma_semaphore, #tpu.memory_space<semaphore_mem>>)
    %dma_wait3A_405 = tpu.memref_slice %arg5[%add3A_364] : memref<81920xi32, #tpu.memory_space<hbm>> -> memref<128xi32, #tpu.memory_space<hbm>>
    %dma_wait3A_406 = tpu.memref_slice %arg5[%add3A_364] : memref<81920xi32, #tpu.memory_space<hbm>> -> memref<128xi32, #tpu.memory_space<hbm>>
    tpu.wait_dma2 semaphore(%arg11 : memref<!tpu.dma_semaphore, #tpu.memory_space<semaphore_mem>>) src(%dma_wait3A_406 : memref<128xi32, #tpu.memory_space<hbm>>) dst(%arg7 : memref<128xi32, #tpu.memory_space<vmem>>)
    %dma_wait3A_407 = arith.constant 0 : i32
    %dma_wait3A_408 = tpu.memref_slice %arg3[%add3A_368, %dma_wait3A_407] : memref<81920x64xf32, #tpu.memory_space<hbm>> -> memref<128x64xf32, #tpu.memory_space<hbm>>
    %dma_wait3A_409 = arith.constant 0 : i32
    %dma_wait3A_410 = tpu.memref_slice %arg3[%add3A_368, %dma_wait3A_409] : memref<81920x64xf32, #tpu.memory_space<hbm>> -> memref<128x64xf32, #tpu.memory_space<hbm>>
    tpu.wait_dma2 semaphore(%arg13 : memref<!tpu.dma_semaphore, #tpu.memory_space<semaphore_mem>>) src(%dma_wait3A_410 : memref<128x64xf32, #tpu.memory_space<hbm>>) dst(%arg9 : memref<128x64xf32, #tpu.memory_space<vmem>>)
    %dma_start3A_411 = arith.constant 0 : i32
    %dma_start3A_412 = arith.constant 0 : i32
    %dma_start3A_413 = arith.constant 0 : i32
    %dma_start3A_414 = tpu.memref_slice %arg2[%dma_start3A_411, %dma_start3A_412, %dma_start3A_413] : memref<2x100000x64xf32, #tpu.memory_space<hbm>> -> memref<1x100000x64xf32, #tpu.memory_space<hbm>>
    %dma_start3A_415 = tpu.memref_squeeze %dma_start3A_414 : memref<1x100000x64xf32, #tpu.memory_space<hbm>> -> memref<100000x64xf32, #tpu.memory_space<hbm>>
    %dma_start3A_416 = arith.constant 0 : i32
    %dma_start3A_417 = arith.constant 0 : i32
    %dma_start3A_418 = tpu.memref_slice %dma_start3A_415[%dma_start3A_416, %dma_start3A_417] : memref<100000x64xf32, #tpu.memory_space<hbm>> -> memref<100000x64xf32, #tpu.memory_space<hbm>>
    tpu.enqueue_indirect_dma source(%arg9 : memref<128x64xf32, #tpu.memory_space<vmem>>) target(%dma_start3A_418 : memref<100000x64xf32, #tpu.memory_space<hbm>>) offsets(%arg7 : memref<128xi32, #tpu.memory_space<vmem>>) semaphore(%arg15 : memref<!tpu.dma_semaphore, #tpu.memory_space<semaphore_mem>>)
    %dma_wait3A_419 = arith.constant 0 : i32
    %dma_wait3A_420 = arith.constant 0 : i32
    %dma_wait3A_421 = arith.constant 0 : i32
    %dma_wait3A_422 = tpu.memref_slice %arg2[%dma_wait3A_419, %dma_wait3A_420, %dma_wait3A_421] : memref<2x100000x64xf32, #tpu.memory_space<hbm>> -> memref<1x100000x64xf32, #tpu.memory_space<hbm>>
    %dma_wait3A_423 = tpu.memref_squeeze %dma_wait3A_422 : memref<1x100000x64xf32, #tpu.memory_space<hbm>> -> memref<100000x64xf32, #tpu.memory_space<hbm>>
    %dma_wait3A_424 = arith.constant 0 : i32
    %dma_wait3A_425 = arith.constant 0 : i32
    %dma_wait3A_426 = tpu.memref_slice %dma_wait3A_423[%dma_wait3A_424, %dma_wait3A_425] : memref<100000x64xf32, #tpu.memory_space<hbm>> -> memref<100000x64xf32, #tpu.memory_space<hbm>>
    tpu.wait_indirect_dma semaphore(%arg15 : memref<!tpu.dma_semaphore, #tpu.memory_space<semaphore_mem>>) src(%arg9 : memref<128x64xf32, #tpu.memory_space<vmem>>) dst(%dma_wait3A_426 : memref<100000x64xf32, #tpu.memory_space<hbm>>)
    %add3A_427 = arith.constant 1792 : i32
    %add3A_428 = arith.addi %mul3A_2, %add3A_427 : i32
    %dma_start3A_429 = tpu.memref_slice %arg5[%add3A_428] : memref<81920xi32, #tpu.memory_space<hbm>> -> memref<128xi32, #tpu.memory_space<hbm>>
    %dma_start3A_430 = tpu.memref_slice %arg5[%add3A_428] : memref<81920xi32, #tpu.memory_space<hbm>> -> memref<128xi32, #tpu.memory_space<hbm>>
    tpu.enqueue_dma source(%dma_start3A_430 : memref<128xi32, #tpu.memory_space<hbm>>) target(%arg7 : memref<128xi32, #tpu.memory_space<vmem>>) target_semaphore(%arg11 : memref<!tpu.dma_semaphore, #tpu.memory_space<semaphore_mem>>)
    %add3A_431 = arith.constant 1792 : i32
    %add3A_432 = arith.addi %mul3A_2, %add3A_431 : i32
    %dma_start3A_433 = arith.constant 0 : i32
    %dma_start3A_434 = tpu.memref_slice %arg3[%add3A_432, %dma_start3A_433] : memref<81920x64xf32, #tpu.memory_space<hbm>> -> memref<128x64xf32, #tpu.memory_space<hbm>>
    %dma_start3A_435 = arith.constant 0 : i32
    %dma_start3A_436 = tpu.memref_slice %arg3[%add3A_432, %dma_start3A_435] : memref<81920x64xf32, #tpu.memory_space<hbm>> -> memref<128x64xf32, #tpu.memory_space<hbm>>
    tpu.enqueue_dma source(%dma_start3A_436 : memref<128x64xf32, #tpu.memory_space<hbm>>) target(%arg9 : memref<128x64xf32, #tpu.memory_space<vmem>>) target_semaphore(%arg13 : memref<!tpu.dma_semaphore, #tpu.memory_space<semaphore_mem>>)
    %dma_wait3A_437 = tpu.memref_slice %arg5[%add3A_396] : memref<81920xi32, #tpu.memory_space<hbm>> -> memref<128xi32, #tpu.memory_space<hbm>>
    %dma_wait3A_438 = tpu.memref_slice %arg5[%add3A_396] : memref<81920xi32, #tpu.memory_space<hbm>> -> memref<128xi32, #tpu.memory_space<hbm>>
    tpu.wait_dma2 semaphore(%arg12 : memref<!tpu.dma_semaphore, #tpu.memory_space<semaphore_mem>>) src(%dma_wait3A_438 : memref<128xi32, #tpu.memory_space<hbm>>) dst(%arg8 : memref<128xi32, #tpu.memory_space<vmem>>)
    %dma_wait3A_439 = arith.constant 0 : i32
    %dma_wait3A_440 = tpu.memref_slice %arg3[%add3A_400, %dma_wait3A_439] : memref<81920x64xf32, #tpu.memory_space<hbm>> -> memref<128x64xf32, #tpu.memory_space<hbm>>
    %dma_wait3A_441 = arith.constant 0 : i32
    %dma_wait3A_442 = tpu.memref_slice %arg3[%add3A_400, %dma_wait3A_441] : memref<81920x64xf32, #tpu.memory_space<hbm>> -> memref<128x64xf32, #tpu.memory_space<hbm>>
    tpu.wait_dma2 semaphore(%arg14 : memref<!tpu.dma_semaphore, #tpu.memory_space<semaphore_mem>>) src(%dma_wait3A_442 : memref<128x64xf32, #tpu.memory_space<hbm>>) dst(%arg10 : memref<128x64xf32, #tpu.memory_space<vmem>>)
    %dma_start3A_443 = arith.constant 0 : i32
    %dma_start3A_444 = arith.constant 0 : i32
    %dma_start3A_445 = arith.constant 0 : i32
    %dma_start3A_446 = tpu.memref_slice %arg2[%dma_start3A_443, %dma_start3A_444, %dma_start3A_445] : memref<2x100000x64xf32, #tpu.memory_space<hbm>> -> memref<1x100000x64xf32, #tpu.memory_space<hbm>>
    %dma_start3A_447 = tpu.memref_squeeze %dma_start3A_446 : memref<1x100000x64xf32, #tpu.memory_space<hbm>> -> memref<100000x64xf32, #tpu.memory_space<hbm>>
    %dma_start3A_448 = arith.constant 0 : i32
    %dma_start3A_449 = arith.constant 0 : i32
    %dma_start3A_450 = tpu.memref_slice %dma_start3A_447[%dma_start3A_448, %dma_start3A_449] : memref<100000x64xf32, #tpu.memory_space<hbm>> -> memref<100000x64xf32, #tpu.memory_space<hbm>>
    tpu.enqueue_indirect_dma source(%arg10 : memref<128x64xf32, #tpu.memory_space<vmem>>) target(%dma_start3A_450 : memref<100000x64xf32, #tpu.memory_space<hbm>>) offsets(%arg8 : memref<128xi32, #tpu.memory_space<vmem>>) semaphore(%arg16 : memref<!tpu.dma_semaphore, #tpu.memory_space<semaphore_mem>>)
    %dma_wait3A_451 = arith.constant 0 : i32
    %dma_wait3A_452 = arith.constant 0 : i32
    %dma_wait3A_453 = arith.constant 0 : i32
    %dma_wait3A_454 = tpu.memref_slice %arg2[%dma_wait3A_451, %dma_wait3A_452, %dma_wait3A_453] : memref<2x100000x64xf32, #tpu.memory_space<hbm>> -> memref<1x100000x64xf32, #tpu.memory_space<hbm>>
    %dma_wait3A_455 = tpu.memref_squeeze %dma_wait3A_454 : memref<1x100000x64xf32, #tpu.memory_space<hbm>> -> memref<100000x64xf32, #tpu.memory_space<hbm>>
    %dma_wait3A_456 = arith.constant 0 : i32
    %dma_wait3A_457 = arith.constant 0 : i32
    %dma_wait3A_458 = tpu.memref_slice %dma_wait3A_455[%dma_wait3A_456, %dma_wait3A_457] : memref<100000x64xf32, #tpu.memory_space<hbm>> -> memref<100000x64xf32, #tpu.memory_space<hbm>>
    tpu.wait_indirect_dma semaphore(%arg16 : memref<!tpu.dma_semaphore, #tpu.memory_space<semaphore_mem>>) src(%arg10 : memref<128x64xf32, #tpu.memory_space<vmem>>) dst(%dma_wait3A_458 : memref<100000x64xf32, #tpu.memory_space<hbm>>)
    %add3A_459 = arith.constant 1920 : i32
    %add3A_460 = arith.addi %mul3A_2, %add3A_459 : i32
    %dma_start3A_461 = tpu.memref_slice %arg5[%add3A_460] : memref<81920xi32, #tpu.memory_space<hbm>> -> memref<128xi32, #tpu.memory_space<hbm>>
    %dma_start3A_462 = tpu.memref_slice %arg5[%add3A_460] : memref<81920xi32, #tpu.memory_space<hbm>> -> memref<128xi32, #tpu.memory_space<hbm>>
    tpu.enqueue_dma source(%dma_start3A_462 : memref<128xi32, #tpu.memory_space<hbm>>) target(%arg8 : memref<128xi32, #tpu.memory_space<vmem>>) target_semaphore(%arg12 : memref<!tpu.dma_semaphore, #tpu.memory_space<semaphore_mem>>)
    %add3A_463 = arith.constant 1920 : i32
    %add3A_464 = arith.addi %mul3A_2, %add3A_463 : i32
    %dma_start3A_465 = arith.constant 0 : i32
    %dma_start3A_466 = tpu.memref_slice %arg3[%add3A_464, %dma_start3A_465] : memref<81920x64xf32, #tpu.memory_space<hbm>> -> memref<128x64xf32, #tpu.memory_space<hbm>>
    %dma_start3A_467 = arith.constant 0 : i32
    %dma_start3A_468 = tpu.memref_slice %arg3[%add3A_464, %dma_start3A_467] : memref<81920x64xf32, #tpu.memory_space<hbm>> -> memref<128x64xf32, #tpu.memory_space<hbm>>
    tpu.enqueue_dma source(%dma_start3A_468 : memref<128x64xf32, #tpu.memory_space<hbm>>) target(%arg10 : memref<128x64xf32, #tpu.memory_space<vmem>>) target_semaphore(%arg14 : memref<!tpu.dma_semaphore, #tpu.memory_space<semaphore_mem>>)
    %dma_wait3A_469 = tpu.memref_slice %arg5[%add3A_428] : memref<81920xi32, #tpu.memory_space<hbm>> -> memref<128xi32, #tpu.memory_space<hbm>>
    %dma_wait3A_470 = tpu.memref_slice %arg5[%add3A_428] : memref<81920xi32, #tpu.memory_space<hbm>> -> memref<128xi32, #tpu.memory_space<hbm>>
    tpu.wait_dma2 semaphore(%arg11 : memref<!tpu.dma_semaphore, #tpu.memory_space<semaphore_mem>>) src(%dma_wait3A_470 : memref<128xi32, #tpu.memory_space<hbm>>) dst(%arg7 : memref<128xi32, #tpu.memory_space<vmem>>)
    %dma_wait3A_471 = arith.constant 0 : i32
    %dma_wait3A_472 = tpu.memref_slice %arg3[%add3A_432, %dma_wait3A_471] : memref<81920x64xf32, #tpu.memory_space<hbm>> -> memref<128x64xf32, #tpu.memory_space<hbm>>
    %dma_wait3A_473 = arith.constant 0 : i32
    %dma_wait3A_474 = tpu.memref_slice %arg3[%add3A_432, %dma_wait3A_473] : memref<81920x64xf32, #tpu.memory_space<hbm>> -> memref<128x64xf32, #tpu.memory_space<hbm>>
    tpu.wait_dma2 semaphore(%arg13 : memref<!tpu.dma_semaphore, #tpu.memory_space<semaphore_mem>>) src(%dma_wait3A_474 : memref<128x64xf32, #tpu.memory_space<hbm>>) dst(%arg9 : memref<128x64xf32, #tpu.memory_space<vmem>>)
    %dma_start3A_475 = arith.constant 0 : i32
    %dma_start3A_476 = arith.constant 0 : i32
    %dma_start3A_477 = arith.constant 0 : i32
    %dma_start3A_478 = tpu.memref_slice %arg2[%dma_start3A_475, %dma_start3A_476, %dma_start3A_477] : memref<2x100000x64xf32, #tpu.memory_space<hbm>> -> memref<1x100000x64xf32, #tpu.memory_space<hbm>>
    %dma_start3A_479 = tpu.memref_squeeze %dma_start3A_478 : memref<1x100000x64xf32, #tpu.memory_space<hbm>> -> memref<100000x64xf32, #tpu.memory_space<hbm>>
    %dma_start3A_480 = arith.constant 0 : i32
    %dma_start3A_481 = arith.constant 0 : i32
    %dma_start3A_482 = tpu.memref_slice %dma_start3A_479[%dma_start3A_480, %dma_start3A_481] : memref<100000x64xf32, #tpu.memory_space<hbm>> -> memref<100000x64xf32, #tpu.memory_space<hbm>>
    tpu.enqueue_indirect_dma source(%arg9 : memref<128x64xf32, #tpu.memory_space<vmem>>) target(%dma_start3A_482 : memref<100000x64xf32, #tpu.memory_space<hbm>>) offsets(%arg7 : memref<128xi32, #tpu.memory_space<vmem>>) semaphore(%arg15 : memref<!tpu.dma_semaphore, #tpu.memory_space<semaphore_mem>>)
    %dma_wait3A_483 = arith.constant 0 : i32
    %dma_wait3A_484 = arith.constant 0 : i32
    %dma_wait3A_485 = arith.constant 0 : i32
    %dma_wait3A_486 = tpu.memref_slice %arg2[%dma_wait3A_483, %dma_wait3A_484, %dma_wait3A_485] : memref<2x100000x64xf32, #tpu.memory_space<hbm>> -> memref<1x100000x64xf32, #tpu.memory_space<hbm>>
    %dma_wait3A_487 = tpu.memref_squeeze %dma_wait3A_486 : memref<1x100000x64xf32, #tpu.memory_space<hbm>> -> memref<100000x64xf32, #tpu.memory_space<hbm>>
    %dma_wait3A_488 = arith.constant 0 : i32
    %dma_wait3A_489 = arith.constant 0 : i32
    %dma_wait3A_490 = tpu.memref_slice %dma_wait3A_487[%dma_wait3A_488, %dma_wait3A_489] : memref<100000x64xf32, #tpu.memory_space<hbm>> -> memref<100000x64xf32, #tpu.memory_space<hbm>>
    tpu.wait_indirect_dma semaphore(%arg15 : memref<!tpu.dma_semaphore, #tpu.memory_space<semaphore_mem>>) src(%arg9 : memref<128x64xf32, #tpu.memory_space<vmem>>) dst(%dma_wait3A_490 : memref<100000x64xf32, #tpu.memory_space<hbm>>)
    %add3A_491 = arith.constant 2048 : i32
    %add3A_492 = arith.addi %mul3A_2, %add3A_491 : i32
    %dma_start3A_493 = tpu.memref_slice %arg5[%add3A_492] : memref<81920xi32, #tpu.memory_space<hbm>> -> memref<128xi32, #tpu.memory_space<hbm>>
    %dma_start3A_494 = tpu.memref_slice %arg5[%add3A_492] : memref<81920xi32, #tpu.memory_space<hbm>> -> memref<128xi32, #tpu.memory_space<hbm>>
    tpu.enqueue_dma source(%dma_start3A_494 : memref<128xi32, #tpu.memory_space<hbm>>) target(%arg7 : memref<128xi32, #tpu.memory_space<vmem>>) target_semaphore(%arg11 : memref<!tpu.dma_semaphore, #tpu.memory_space<semaphore_mem>>)
    %add3A_495 = arith.constant 2048 : i32
    %add3A_496 = arith.addi %mul3A_2, %add3A_495 : i32
    %dma_start3A_497 = arith.constant 0 : i32
    %dma_start3A_498 = tpu.memref_slice %arg3[%add3A_496, %dma_start3A_497] : memref<81920x64xf32, #tpu.memory_space<hbm>> -> memref<128x64xf32, #tpu.memory_space<hbm>>
    %dma_start3A_499 = arith.constant 0 : i32
    %dma_start3A_500 = tpu.memref_slice %arg3[%add3A_496, %dma_start3A_499] : memref<81920x64xf32, #tpu.memory_space<hbm>> -> memref<128x64xf32, #tpu.memory_space<hbm>>
    tpu.enqueue_dma source(%dma_start3A_500 : memref<128x64xf32, #tpu.memory_space<hbm>>) target(%arg9 : memref<128x64xf32, #tpu.memory_space<vmem>>) target_semaphore(%arg13 : memref<!tpu.dma_semaphore, #tpu.memory_space<semaphore_mem>>)
    %dma_wait3A_501 = tpu.memref_slice %arg5[%add3A_460] : memref<81920xi32, #tpu.memory_space<hbm>> -> memref<128xi32, #tpu.memory_space<hbm>>
    %dma_wait3A_502 = tpu.memref_slice %arg5[%add3A_460] : memref<81920xi32, #tpu.memory_space<hbm>> -> memref<128xi32, #tpu.memory_space<hbm>>
    tpu.wait_dma2 semaphore(%arg12 : memref<!tpu.dma_semaphore, #tpu.memory_space<semaphore_mem>>) src(%dma_wait3A_502 : memref<128xi32, #tpu.memory_space<hbm>>) dst(%arg8 : memref<128xi32, #tpu.memory_space<vmem>>)
    %dma_wait3A_503 = arith.constant 0 : i32
    %dma_wait3A_504 = tpu.memref_slice %arg3[%add3A_464, %dma_wait3A_503] : memref<81920x64xf32, #tpu.memory_space<hbm>> -> memref<128x64xf32, #tpu.memory_space<hbm>>
    %dma_wait3A_505 = arith.constant 0 : i32
    %dma_wait3A_506 = tpu.memref_slice %arg3[%add3A_464, %dma_wait3A_505] : memref<81920x64xf32, #tpu.memory_space<hbm>> -> memref<128x64xf32, #tpu.memory_space<hbm>>
    tpu.wait_dma2 semaphore(%arg14 : memref<!tpu.dma_semaphore, #tpu.memory_space<semaphore_mem>>) src(%dma_wait3A_506 : memref<128x64xf32, #tpu.memory_space<hbm>>) dst(%arg10 : memref<128x64xf32, #tpu.memory_space<vmem>>)
    %dma_start3A_507 = arith.constant 0 : i32
    %dma_start3A_508 = arith.constant 0 : i32
    %dma_start3A_509 = arith.constant 0 : i32
    %dma_start3A_510 = tpu.memref_slice %arg2[%dma_start3A_507, %dma_start3A_508, %dma_start3A_509] : memref<2x100000x64xf32, #tpu.memory_space<hbm>> -> memref<1x100000x64xf32, #tpu.memory_space<hbm>>
    %dma_start3A_511 = tpu.memref_squeeze %dma_start3A_510 : memref<1x100000x64xf32, #tpu.memory_space<hbm>> -> memref<100000x64xf32, #tpu.memory_space<hbm>>
    %dma_start3A_512 = arith.constant 0 : i32
    %dma_start3A_513 = arith.constant 0 : i32
    %dma_start3A_514 = tpu.memref_slice %dma_start3A_511[%dma_start3A_512, %dma_start3A_513] : memref<100000x64xf32, #tpu.memory_space<hbm>> -> memref<100000x64xf32, #tpu.memory_space<hbm>>
    tpu.enqueue_indirect_dma source(%arg10 : memref<128x64xf32, #tpu.memory_space<vmem>>) target(%dma_start3A_514 : memref<100000x64xf32, #tpu.memory_space<hbm>>) offsets(%arg8 : memref<128xi32, #tpu.memory_space<vmem>>) semaphore(%arg16 : memref<!tpu.dma_semaphore, #tpu.memory_space<semaphore_mem>>)
    %dma_wait3A_515 = arith.constant 0 : i32
    %dma_wait3A_516 = arith.constant 0 : i32
    %dma_wait3A_517 = arith.constant 0 : i32
    %dma_wait3A_518 = tpu.memref_slice %arg2[%dma_wait3A_515, %dma_wait3A_516, %dma_wait3A_517] : memref<2x100000x64xf32, #tpu.memory_space<hbm>> -> memref<1x100000x64xf32, #tpu.memory_space<hbm>>
    %dma_wait3A_519 = tpu.memref_squeeze %dma_wait3A_518 : memref<1x100000x64xf32, #tpu.memory_space<hbm>> -> memref<100000x64xf32, #tpu.memory_space<hbm>>
    %dma_wait3A_520 = arith.constant 0 : i32
    %dma_wait3A_521 = arith.constant 0 : i32
    %dma_wait3A_522 = tpu.memref_slice %dma_wait3A_519[%dma_wait3A_520, %dma_wait3A_521] : memref<100000x64xf32, #tpu.memory_space<hbm>> -> memref<100000x64xf32, #tpu.memory_space<hbm>>
    tpu.wait_indirect_dma semaphore(%arg16 : memref<!tpu.dma_semaphore, #tpu.memory_space<semaphore_mem>>) src(%arg10 : memref<128x64xf32, #tpu.memory_space<vmem>>) dst(%dma_wait3A_522 : memref<100000x64xf32, #tpu.memory_space<hbm>>)
    %add3A_523 = arith.constant 2176 : i32
    %add3A_524 = arith.addi %mul3A_2, %add3A_523 : i32
    %dma_start3A_525 = tpu.memref_slice %arg5[%add3A_524] : memref<81920xi32, #tpu.memory_space<hbm>> -> memref<128xi32, #tpu.memory_space<hbm>>
    %dma_start3A_526 = tpu.memref_slice %arg5[%add3A_524] : memref<81920xi32, #tpu.memory_space<hbm>> -> memref<128xi32, #tpu.memory_space<hbm>>
    tpu.enqueue_dma source(%dma_start3A_526 : memref<128xi32, #tpu.memory_space<hbm>>) target(%arg8 : memref<128xi32, #tpu.memory_space<vmem>>) target_semaphore(%arg12 : memref<!tpu.dma_semaphore, #tpu.memory_space<semaphore_mem>>)
    %add3A_527 = arith.constant 2176 : i32
    %add3A_528 = arith.addi %mul3A_2, %add3A_527 : i32
    %dma_start3A_529 = arith.constant 0 : i32
    %dma_start3A_530 = tpu.memref_slice %arg3[%add3A_528, %dma_start3A_529] : memref<81920x64xf32, #tpu.memory_space<hbm>> -> memref<128x64xf32, #tpu.memory_space<hbm>>
    %dma_start3A_531 = arith.constant 0 : i32
    %dma_start3A_532 = tpu.memref_slice %arg3[%add3A_528, %dma_start3A_531] : memref<81920x64xf32, #tpu.memory_space<hbm>> -> memref<128x64xf32, #tpu.memory_space<hbm>>
    tpu.enqueue_dma source(%dma_start3A_532 : memref<128x64xf32, #tpu.memory_space<hbm>>) target(%arg10 : memref<128x64xf32, #tpu.memory_space<vmem>>) target_semaphore(%arg14 : memref<!tpu.dma_semaphore, #tpu.memory_space<semaphore_mem>>)
    %dma_wait3A_533 = tpu.memref_slice %arg5[%add3A_492] : memref<81920xi32, #tpu.memory_space<hbm>> -> memref<128xi32, #tpu.memory_space<hbm>>
    %dma_wait3A_534 = tpu.memref_slice %arg5[%add3A_492] : memref<81920xi32, #tpu.memory_space<hbm>> -> memref<128xi32, #tpu.memory_space<hbm>>
    tpu.wait_dma2 semaphore(%arg11 : memref<!tpu.dma_semaphore, #tpu.memory_space<semaphore_mem>>) src(%dma_wait3A_534 : memref<128xi32, #tpu.memory_space<hbm>>) dst(%arg7 : memref<128xi32, #tpu.memory_space<vmem>>)
    %dma_wait3A_535 = arith.constant 0 : i32
    %dma_wait3A_536 = tpu.memref_slice %arg3[%add3A_496, %dma_wait3A_535] : memref<81920x64xf32, #tpu.memory_space<hbm>> -> memref<128x64xf32, #tpu.memory_space<hbm>>
    %dma_wait3A_537 = arith.constant 0 : i32
    %dma_wait3A_538 = tpu.memref_slice %arg3[%add3A_496, %dma_wait3A_537] : memref<81920x64xf32, #tpu.memory_space<hbm>> -> memref<128x64xf32, #tpu.memory_space<hbm>>
    tpu.wait_dma2 semaphore(%arg13 : memref<!tpu.dma_semaphore, #tpu.memory_space<semaphore_mem>>) src(%dma_wait3A_538 : memref<128x64xf32, #tpu.memory_space<hbm>>) dst(%arg9 : memref<128x64xf32, #tpu.memory_space<vmem>>)
    %dma_start3A_539 = arith.constant 0 : i32
    %dma_start3A_540 = arith.constant 0 : i32
    %dma_start3A_541 = arith.constant 0 : i32
    %dma_start3A_542 = tpu.memref_slice %arg2[%dma_start3A_539, %dma_start3A_540, %dma_start3A_541] : memref<2x100000x64xf32, #tpu.memory_space<hbm>> -> memref<1x100000x64xf32, #tpu.memory_space<hbm>>
    %dma_start3A_543 = tpu.memref_squeeze %dma_start3A_542 : memref<1x100000x64xf32, #tpu.memory_space<hbm>> -> memref<100000x64xf32, #tpu.memory_space<hbm>>
    %dma_start3A_544 = arith.constant 0 : i32
    %dma_start3A_545 = arith.constant 0 : i32
    %dma_start3A_546 = tpu.memref_slice %dma_start3A_543[%dma_start3A_544, %dma_start3A_545] : memref<100000x64xf32, #tpu.memory_space<hbm>> -> memref<100000x64xf32, #tpu.memory_space<hbm>>
    tpu.enqueue_indirect_dma source(%arg9 : memref<128x64xf32, #tpu.memory_space<vmem>>) target(%dma_start3A_546 : memref<100000x64xf32, #tpu.memory_space<hbm>>) offsets(%arg7 : memref<128xi32, #tpu.memory_space<vmem>>) semaphore(%arg15 : memref<!tpu.dma_semaphore, #tpu.memory_space<semaphore_mem>>)
    %dma_wait3A_547 = arith.constant 0 : i32
    %dma_wait3A_548 = arith.constant 0 : i32
    %dma_wait3A_549 = arith.constant 0 : i32
    %dma_wait3A_550 = tpu.memref_slice %arg2[%dma_wait3A_547, %dma_wait3A_548, %dma_wait3A_549] : memref<2x100000x64xf32, #tpu.memory_space<hbm>> -> memref<1x100000x64xf32, #tpu.memory_space<hbm>>
    %dma_wait3A_551 = tpu.memref_squeeze %dma_wait3A_550 : memref<1x100000x64xf32, #tpu.memory_space<hbm>> -> memref<100000x64xf32, #tpu.memory_space<hbm>>
    %dma_wait3A_552 = arith.constant 0 : i32
    %dma_wait3A_553 = arith.constant 0 : i32
    %dma_wait3A_554 = tpu.memref_slice %dma_wait3A_551[%dma_wait3A_552, %dma_wait3A_553] : memref<100000x64xf32, #tpu.memory_space<hbm>> -> memref<100000x64xf32, #tpu.memory_space<hbm>>
    tpu.wait_indirect_dma semaphore(%arg15 : memref<!tpu.dma_semaphore, #tpu.memory_space<semaphore_mem>>) src(%arg9 : memref<128x64xf32, #tpu.memory_space<vmem>>) dst(%dma_wait3A_554 : memref<100000x64xf32, #tpu.memory_space<hbm>>)
    %add3A_555 = arith.constant 2304 : i32
    %add3A_556 = arith.addi %mul3A_2, %add3A_555 : i32
    %dma_start3A_557 = tpu.memref_slice %arg5[%add3A_556] : memref<81920xi32, #tpu.memory_space<hbm>> -> memref<128xi32, #tpu.memory_space<hbm>>
    %dma_start3A_558 = tpu.memref_slice %arg5[%add3A_556] : memref<81920xi32, #tpu.memory_space<hbm>> -> memref<128xi32, #tpu.memory_space<hbm>>
    tpu.enqueue_dma source(%dma_start3A_558 : memref<128xi32, #tpu.memory_space<hbm>>) target(%arg7 : memref<128xi32, #tpu.memory_space<vmem>>) target_semaphore(%arg11 : memref<!tpu.dma_semaphore, #tpu.memory_space<semaphore_mem>>)
    %add3A_559 = arith.constant 2304 : i32
    %add3A_560 = arith.addi %mul3A_2, %add3A_559 : i32
    %dma_start3A_561 = arith.constant 0 : i32
    %dma_start3A_562 = tpu.memref_slice %arg3[%add3A_560, %dma_start3A_561] : memref<81920x64xf32, #tpu.memory_space<hbm>> -> memref<128x64xf32, #tpu.memory_space<hbm>>
    %dma_start3A_563 = arith.constant 0 : i32
    %dma_start3A_564 = tpu.memref_slice %arg3[%add3A_560, %dma_start3A_563] : memref<81920x64xf32, #tpu.memory_space<hbm>> -> memref<128x64xf32, #tpu.memory_space<hbm>>
    tpu.enqueue_dma source(%dma_start3A_564 : memref<128x64xf32, #tpu.memory_space<hbm>>) target(%arg9 : memref<128x64xf32, #tpu.memory_space<vmem>>) target_semaphore(%arg13 : memref<!tpu.dma_semaphore, #tpu.memory_space<semaphore_mem>>)
    %dma_wait3A_565 = tpu.memref_slice %arg5[%add3A_524] : memref<81920xi32, #tpu.memory_space<hbm>> -> memref<128xi32, #tpu.memory_space<hbm>>
    %dma_wait3A_566 = tpu.memref_slice %arg5[%add3A_524] : memref<81920xi32, #tpu.memory_space<hbm>> -> memref<128xi32, #tpu.memory_space<hbm>>
    tpu.wait_dma2 semaphore(%arg12 : memref<!tpu.dma_semaphore, #tpu.memory_space<semaphore_mem>>) src(%dma_wait3A_566 : memref<128xi32, #tpu.memory_space<hbm>>) dst(%arg8 : memref<128xi32, #tpu.memory_space<vmem>>)
    %dma_wait3A_567 = arith.constant 0 : i32
    %dma_wait3A_568 = tpu.memref_slice %arg3[%add3A_528, %dma_wait3A_567] : memref<81920x64xf32, #tpu.memory_space<hbm>> -> memref<128x64xf32, #tpu.memory_space<hbm>>
    %dma_wait3A_569 = arith.constant 0 : i32
    %dma_wait3A_570 = tpu.memref_slice %arg3[%add3A_528, %dma_wait3A_569] : memref<81920x64xf32, #tpu.memory_space<hbm>> -> memref<128x64xf32, #tpu.memory_space<hbm>>
    tpu.wait_dma2 semaphore(%arg14 : memref<!tpu.dma_semaphore, #tpu.memory_space<semaphore_mem>>) src(%dma_wait3A_570 : memref<128x64xf32, #tpu.memory_space<hbm>>) dst(%arg10 : memref<128x64xf32, #tpu.memory_space<vmem>>)
    %dma_start3A_571 = arith.constant 0 : i32
    %dma_start3A_572 = arith.constant 0 : i32
    %dma_start3A_573 = arith.constant 0 : i32
    %dma_start3A_574 = tpu.memref_slice %arg2[%dma_start3A_571, %dma_start3A_572, %dma_start3A_573] : memref<2x100000x64xf32, #tpu.memory_space<hbm>> -> memref<1x100000x64xf32, #tpu.memory_space<hbm>>
    %dma_start3A_575 = tpu.memref_squeeze %dma_start3A_574 : memref<1x100000x64xf32, #tpu.memory_space<hbm>> -> memref<100000x64xf32, #tpu.memory_space<hbm>>
    %dma_start3A_576 = arith.constant 0 : i32
    %dma_start3A_577 = arith.constant 0 : i32
    %dma_start3A_578 = tpu.memref_slice %dma_start3A_575[%dma_start3A_576, %dma_start3A_577] : memref<100000x64xf32, #tpu.memory_space<hbm>> -> memref<100000x64xf32, #tpu.memory_space<hbm>>
    tpu.enqueue_indirect_dma source(%arg10 : memref<128x64xf32, #tpu.memory_space<vmem>>) target(%dma_start3A_578 : memref<100000x64xf32, #tpu.memory_space<hbm>>) offsets(%arg8 : memref<128xi32, #tpu.memory_space<vmem>>) semaphore(%arg16 : memref<!tpu.dma_semaphore, #tpu.memory_space<semaphore_mem>>)
    %dma_wait3A_579 = arith.constant 0 : i32
    %dma_wait3A_580 = arith.constant 0 : i32
    %dma_wait3A_581 = arith.constant 0 : i32
    %dma_wait3A_582 = tpu.memref_slice %arg2[%dma_wait3A_579, %dma_wait3A_580, %dma_wait3A_581] : memref<2x100000x64xf32, #tpu.memory_space<hbm>> -> memref<1x100000x64xf32, #tpu.memory_space<hbm>>
    %dma_wait3A_583 = tpu.memref_squeeze %dma_wait3A_582 : memref<1x100000x64xf32, #tpu.memory_space<hbm>> -> memref<100000x64xf32, #tpu.memory_space<hbm>>
    %dma_wait3A_584 = arith.constant 0 : i32
    %dma_wait3A_585 = arith.constant 0 : i32
    %dma_wait3A_586 = tpu.memref_slice %dma_wait3A_583[%dma_wait3A_584, %dma_wait3A_585] : memref<100000x64xf32, #tpu.memory_space<hbm>> -> memref<100000x64xf32, #tpu.memory_space<hbm>>
    tpu.wait_indirect_dma semaphore(%arg16 : memref<!tpu.dma_semaphore, #tpu.memory_space<semaphore_mem>>) src(%arg10 : memref<128x64xf32, #tpu.memory_space<vmem>>) dst(%dma_wait3A_586 : memref<100000x64xf32, #tpu.memory_space<hbm>>)
    %add3A_587 = arith.constant 2432 : i32
    %add3A_588 = arith.addi %mul3A_2, %add3A_587 : i32
    %dma_start3A_589 = tpu.memref_slice %arg5[%add3A_588] : memref<81920xi32, #tpu.memory_space<hbm>> -> memref<128xi32, #tpu.memory_space<hbm>>
    %dma_start3A_590 = tpu.memref_slice %arg5[%add3A_588] : memref<81920xi32, #tpu.memory_space<hbm>> -> memref<128xi32, #tpu.memory_space<hbm>>
    tpu.enqueue_dma source(%dma_start3A_590 : memref<128xi32, #tpu.memory_space<hbm>>) target(%arg8 : memref<128xi32, #tpu.memory_space<vmem>>) target_semaphore(%arg12 : memref<!tpu.dma_semaphore, #tpu.memory_space<semaphore_mem>>)
    %add3A_591 = arith.constant 2432 : i32
    %add3A_592 = arith.addi %mul3A_2, %add3A_591 : i32
    %dma_start3A_593 = arith.constant 0 : i32
    %dma_start3A_594 = tpu.memref_slice %arg3[%add3A_592, %dma_start3A_593] : memref<81920x64xf32, #tpu.memory_space<hbm>> -> memref<128x64xf32, #tpu.memory_space<hbm>>
    %dma_start3A_595 = arith.constant 0 : i32
    %dma_start3A_596 = tpu.memref_slice %arg3[%add3A_592, %dma_start3A_595] : memref<81920x64xf32, #tpu.memory_space<hbm>> -> memref<128x64xf32, #tpu.memory_space<hbm>>
    tpu.enqueue_dma source(%dma_start3A_596 : memref<128x64xf32, #tpu.memory_space<hbm>>) target(%arg10 : memref<128x64xf32, #tpu.memory_space<vmem>>) target_semaphore(%arg14 : memref<!tpu.dma_semaphore, #tpu.memory_space<semaphore_mem>>)
    %dma_wait3A_597 = tpu.memref_slice %arg5[%add3A_556] : memref<81920xi32, #tpu.memory_space<hbm>> -> memref<128xi32, #tpu.memory_space<hbm>>
    %dma_wait3A_598 = tpu.memref_slice %arg5[%add3A_556] : memref<81920xi32, #tpu.memory_space<hbm>> -> memref<128xi32, #tpu.memory_space<hbm>>
    tpu.wait_dma2 semaphore(%arg11 : memref<!tpu.dma_semaphore, #tpu.memory_space<semaphore_mem>>) src(%dma_wait3A_598 : memref<128xi32, #tpu.memory_space<hbm>>) dst(%arg7 : memref<128xi32, #tpu.memory_space<vmem>>)
    %dma_wait3A_599 = arith.constant 0 : i32
    %dma_wait3A_600 = tpu.memref_slice %arg3[%add3A_560, %dma_wait3A_599] : memref<81920x64xf32, #tpu.memory_space<hbm>> -> memref<128x64xf32, #tpu.memory_space<hbm>>
    %dma_wait3A_601 = arith.constant 0 : i32
    %dma_wait3A_602 = tpu.memref_slice %arg3[%add3A_560, %dma_wait3A_601] : memref<81920x64xf32, #tpu.memory_space<hbm>> -> memref<128x64xf32, #tpu.memory_space<hbm>>
    tpu.wait_dma2 semaphore(%arg13 : memref<!tpu.dma_semaphore, #tpu.memory_space<semaphore_mem>>) src(%dma_wait3A_602 : memref<128x64xf32, #tpu.memory_space<hbm>>) dst(%arg9 : memref<128x64xf32, #tpu.memory_space<vmem>>)
    %dma_start3A_603 = arith.constant 0 : i32
    %dma_start3A_604 = arith.constant 0 : i32
    %dma_start3A_605 = arith.constant 0 : i32
    %dma_start3A_606 = tpu.memref_slice %arg2[%dma_start3A_603, %dma_start3A_604, %dma_start3A_605] : memref<2x100000x64xf32, #tpu.memory_space<hbm>> -> memref<1x100000x64xf32, #tpu.memory_space<hbm>>
    %dma_start3A_607 = tpu.memref_squeeze %dma_start3A_606 : memref<1x100000x64xf32, #tpu.memory_space<hbm>> -> memref<100000x64xf32, #tpu.memory_space<hbm>>
    %dma_start3A_608 = arith.constant 0 : i32
    %dma_start3A_609 = arith.constant 0 : i32
    %dma_start3A_610 = tpu.memref_slice %dma_start3A_607[%dma_start3A_608, %dma_start3A_609] : memref<100000x64xf32, #tpu.memory_space<hbm>> -> memref<100000x64xf32, #tpu.memory_space<hbm>>
    tpu.enqueue_indirect_dma source(%arg9 : memref<128x64xf32, #tpu.memory_space<vmem>>) target(%dma_start3A_610 : memref<100000x64xf32, #tpu.memory_space<hbm>>) offsets(%arg7 : memref<128xi32, #tpu.memory_space<vmem>>) semaphore(%arg15 : memref<!tpu.dma_semaphore, #tpu.memory_space<semaphore_mem>>)
    %dma_wait3A_611 = arith.constant 0 : i32
    %dma_wait3A_612 = arith.constant 0 : i32
    %dma_wait3A_613 = arith.constant 0 : i32
    %dma_wait3A_614 = tpu.memref_slice %arg2[%dma_wait3A_611, %dma_wait3A_612, %dma_wait3A_613] : memref<2x100000x64xf32, #tpu.memory_space<hbm>> -> memref<1x100000x64xf32, #tpu.memory_space<hbm>>
    %dma_wait3A_615 = tpu.memref_squeeze %dma_wait3A_614 : memref<1x100000x64xf32, #tpu.memory_space<hbm>> -> memref<100000x64xf32, #tpu.memory_space<hbm>>
    %dma_wait3A_616 = arith.constant 0 : i32
    %dma_wait3A_617 = arith.constant 0 : i32
    %dma_wait3A_618 = tpu.memref_slice %dma_wait3A_615[%dma_wait3A_616, %dma_wait3A_617] : memref<100000x64xf32, #tpu.memory_space<hbm>> -> memref<100000x64xf32, #tpu.memory_space<hbm>>
    tpu.wait_indirect_dma semaphore(%arg15 : memref<!tpu.dma_semaphore, #tpu.memory_space<semaphore_mem>>) src(%arg9 : memref<128x64xf32, #tpu.memory_space<vmem>>) dst(%dma_wait3A_618 : memref<100000x64xf32, #tpu.memory_space<hbm>>)
    %dma_wait3A_619 = tpu.memref_slice %arg5[%add3A_588] : memref<81920xi32, #tpu.memory_space<hbm>> -> memref<128xi32, #tpu.memory_space<hbm>>
    %dma_wait3A_620 = tpu.memref_slice %arg5[%add3A_588] : memref<81920xi32, #tpu.memory_space<hbm>> -> memref<128xi32, #tpu.memory_space<hbm>>
    tpu.wait_dma2 semaphore(%arg12 : memref<!tpu.dma_semaphore, #tpu.memory_space<semaphore_mem>>) src(%dma_wait3A_620 : memref<128xi32, #tpu.memory_space<hbm>>) dst(%arg8 : memref<128xi32, #tpu.memory_space<vmem>>)
    %dma_wait3A_621 = arith.constant 0 : i32
    %dma_wait3A_622 = tpu.memref_slice %arg3[%add3A_592, %dma_wait3A_621] : memref<81920x64xf32, #tpu.memory_space<hbm>> -> memref<128x64xf32, #tpu.memory_space<hbm>>
    %dma_wait3A_623 = arith.constant 0 : i32
    %dma_wait3A_624 = tpu.memref_slice %arg3[%add3A_592, %dma_wait3A_623] : memref<81920x64xf32, #tpu.memory_space<hbm>> -> memref<128x64xf32, #tpu.memory_space<hbm>>
    tpu.wait_dma2 semaphore(%arg14 : memref<!tpu.dma_semaphore, #tpu.memory_space<semaphore_mem>>) src(%dma_wait3A_624 : memref<128x64xf32, #tpu.memory_space<hbm>>) dst(%arg10 : memref<128x64xf32, #tpu.memory_space<vmem>>)
    %dma_start3A_625 = arith.constant 0 : i32
    %dma_start3A_626 = arith.constant 0 : i32
    %dma_start3A_627 = arith.constant 0 : i32
    %dma_start3A_628 = tpu.memref_slice %arg2[%dma_start3A_625, %dma_start3A_626, %dma_start3A_627] : memref<2x100000x64xf32, #tpu.memory_space<hbm>> -> memref<1x100000x64xf32, #tpu.memory_space<hbm>>
    %dma_start3A_629 = tpu.memref_squeeze %dma_start3A_628 : memref<1x100000x64xf32, #tpu.memory_space<hbm>> -> memref<100000x64xf32, #tpu.memory_space<hbm>>
    %dma_start3A_630 = arith.constant 0 : i32
    %dma_start3A_631 = arith.constant 0 : i32
    %dma_start3A_632 = tpu.memref_slice %dma_start3A_629[%dma_start3A_630, %dma_start3A_631] : memref<100000x64xf32, #tpu.memory_space<hbm>> -> memref<100000x64xf32, #tpu.memory_space<hbm>>
    tpu.enqueue_indirect_dma source(%arg10 : memref<128x64xf32, #tpu.memory_space<vmem>>) target(%dma_start3A_632 : memref<100000x64xf32, #tpu.memory_space<hbm>>) offsets(%arg8 : memref<128xi32, #tpu.memory_space<vmem>>) semaphore(%arg16 : memref<!tpu.dma_semaphore, #tpu.memory_space<semaphore_mem>>)
    %dma_wait3A_633 = arith.constant 0 : i32
    %dma_wait3A_634 = arith.constant 0 : i32
    %dma_wait3A_635 = arith.constant 0 : i32
    %dma_wait3A_636 = tpu.memref_slice %arg2[%dma_wait3A_633, %dma_wait3A_634, %dma_wait3A_635] : memref<2x100000x64xf32, #tpu.memory_space<hbm>> -> memref<1x100000x64xf32, #tpu.memory_space<hbm>>
    %dma_wait3A_637 = tpu.memref_squeeze %dma_wait3A_636 : memref<1x100000x64xf32, #tpu.memory_space<hbm>> -> memref<100000x64xf32, #tpu.memory_space<hbm>>
    %dma_wait3A_638 = arith.constant 0 : i32
    %dma_wait3A_639 = arith.constant 0 : i32
    %dma_wait3A_640 = tpu.memref_slice %dma_wait3A_637[%dma_wait3A_638, %dma_wait3A_639] : memref<100000x64xf32, #tpu.memory_space<hbm>> -> memref<100000x64xf32, #tpu.memory_space<hbm>>
    tpu.wait_indirect_dma semaphore(%arg16 : memref<!tpu.dma_semaphore, #tpu.memory_space<semaphore_mem>>) src(%arg10 : memref<128x64xf32, #tpu.memory_space<vmem>>) dst(%dma_wait3A_640 : memref<100000x64xf32, #tpu.memory_space<hbm>>)
    %add3A_641 = arith.constant 0 : i32
    %add3A_642 = arith.addi %mul3A_2, %add3A_641 : i32
    %dma_start3A_643 = tpu.memref_slice %arg5[%add3A_642] : memref<81920xi32, #tpu.memory_space<hbm>> -> memref<128xi32, #tpu.memory_space<hbm>>
    %dma_start3A_644 = tpu.memref_slice %arg5[%add3A_642] : memref<81920xi32, #tpu.memory_space<hbm>> -> memref<128xi32, #tpu.memory_space<hbm>>
    tpu.enqueue_dma source(%dma_start3A_644 : memref<128xi32, #tpu.memory_space<hbm>>) target(%arg7 : memref<128xi32, #tpu.memory_space<vmem>>) target_semaphore(%arg11 : memref<!tpu.dma_semaphore, #tpu.memory_space<semaphore_mem>>)
    %add3A_645 = arith.constant 0 : i32
    %add3A_646 = arith.addi %mul3A_2, %add3A_645 : i32
    %dma_start3A_647 = arith.constant 0 : i32
    %dma_start3A_648 = tpu.memref_slice %arg4[%add3A_646, %dma_start3A_647] : memref<81920x64xf32, #tpu.memory_space<hbm>> -> memref<128x64xf32, #tpu.memory_space<hbm>>
    %dma_start3A_649 = arith.constant 0 : i32
    %dma_start3A_650 = tpu.memref_slice %arg4[%add3A_646, %dma_start3A_649] : memref<81920x64xf32, #tpu.memory_space<hbm>> -> memref<128x64xf32, #tpu.memory_space<hbm>>
    tpu.enqueue_dma source(%dma_start3A_650 : memref<128x64xf32, #tpu.memory_space<hbm>>) target(%arg9 : memref<128x64xf32, #tpu.memory_space<vmem>>) target_semaphore(%arg13 : memref<!tpu.dma_semaphore, #tpu.memory_space<semaphore_mem>>)
    %add3A_651 = arith.constant 128 : i32
    %add3A_652 = arith.addi %mul3A_2, %add3A_651 : i32
    %dma_start3A_653 = tpu.memref_slice %arg5[%add3A_652] : memref<81920xi32, #tpu.memory_space<hbm>> -> memref<128xi32, #tpu.memory_space<hbm>>
    %dma_start3A_654 = tpu.memref_slice %arg5[%add3A_652] : memref<81920xi32, #tpu.memory_space<hbm>> -> memref<128xi32, #tpu.memory_space<hbm>>
    tpu.enqueue_dma source(%dma_start3A_654 : memref<128xi32, #tpu.memory_space<hbm>>) target(%arg8 : memref<128xi32, #tpu.memory_space<vmem>>) target_semaphore(%arg12 : memref<!tpu.dma_semaphore, #tpu.memory_space<semaphore_mem>>)
    %add3A_655 = arith.constant 128 : i32
    %add3A_656 = arith.addi %mul3A_2, %add3A_655 : i32
    %dma_start3A_657 = arith.constant 0 : i32
    %dma_start3A_658 = tpu.memref_slice %arg4[%add3A_656, %dma_start3A_657] : memref<81920x64xf32, #tpu.memory_space<hbm>> -> memref<128x64xf32, #tpu.memory_space<hbm>>
    %dma_start3A_659 = arith.constant 0 : i32
    %dma_start3A_660 = tpu.memref_slice %arg4[%add3A_656, %dma_start3A_659] : memref<81920x64xf32, #tpu.memory_space<hbm>> -> memref<128x64xf32, #tpu.memory_space<hbm>>
    tpu.enqueue_dma source(%dma_start3A_660 : memref<128x64xf32, #tpu.memory_space<hbm>>) target(%arg10 : memref<128x64xf32, #tpu.memory_space<vmem>>) target_semaphore(%arg14 : memref<!tpu.dma_semaphore, #tpu.memory_space<semaphore_mem>>)
    %dma_wait3A_661 = tpu.memref_slice %arg5[%add3A_642] : memref<81920xi32, #tpu.memory_space<hbm>> -> memref<128xi32, #tpu.memory_space<hbm>>
    %dma_wait3A_662 = tpu.memref_slice %arg5[%add3A_642] : memref<81920xi32, #tpu.memory_space<hbm>> -> memref<128xi32, #tpu.memory_space<hbm>>
    tpu.wait_dma2 semaphore(%arg11 : memref<!tpu.dma_semaphore, #tpu.memory_space<semaphore_mem>>) src(%dma_wait3A_662 : memref<128xi32, #tpu.memory_space<hbm>>) dst(%arg7 : memref<128xi32, #tpu.memory_space<vmem>>)
    %dma_wait3A_663 = arith.constant 0 : i32
    %dma_wait3A_664 = tpu.memref_slice %arg4[%add3A_646, %dma_wait3A_663] : memref<81920x64xf32, #tpu.memory_space<hbm>> -> memref<128x64xf32, #tpu.memory_space<hbm>>
    %dma_wait3A_665 = arith.constant 0 : i32
    %dma_wait3A_666 = tpu.memref_slice %arg4[%add3A_646, %dma_wait3A_665] : memref<81920x64xf32, #tpu.memory_space<hbm>> -> memref<128x64xf32, #tpu.memory_space<hbm>>
    tpu.wait_dma2 semaphore(%arg13 : memref<!tpu.dma_semaphore, #tpu.memory_space<semaphore_mem>>) src(%dma_wait3A_666 : memref<128x64xf32, #tpu.memory_space<hbm>>) dst(%arg9 : memref<128x64xf32, #tpu.memory_space<vmem>>)
    %dma_start3A_667 = arith.constant 1 : i32
    %dma_start3A_668 = arith.constant 0 : i32
    %dma_start3A_669 = arith.constant 0 : i32
    %dma_start3A_670 = tpu.memref_slice %arg2[%dma_start3A_667, %dma_start3A_668, %dma_start3A_669] : memref<2x100000x64xf32, #tpu.memory_space<hbm>> -> memref<1x100000x64xf32, #tpu.memory_space<hbm>>
    %dma_start3A_671 = tpu.memref_squeeze %dma_start3A_670 : memref<1x100000x64xf32, #tpu.memory_space<hbm>> -> memref<100000x64xf32, #tpu.memory_space<hbm>>
    %dma_start3A_672 = arith.constant 0 : i32
    %dma_start3A_673 = arith.constant 0 : i32
    %dma_start3A_674 = tpu.memref_slice %dma_start3A_671[%dma_start3A_672, %dma_start3A_673] : memref<100000x64xf32, #tpu.memory_space<hbm>> -> memref<100000x64xf32, #tpu.memory_space<hbm>>
    tpu.enqueue_indirect_dma source(%arg9 : memref<128x64xf32, #tpu.memory_space<vmem>>) target(%dma_start3A_674 : memref<100000x64xf32, #tpu.memory_space<hbm>>) offsets(%arg7 : memref<128xi32, #tpu.memory_space<vmem>>) semaphore(%arg15 : memref<!tpu.dma_semaphore, #tpu.memory_space<semaphore_mem>>)
    %dma_wait3A_675 = arith.constant 1 : i32
    %dma_wait3A_676 = arith.constant 0 : i32
    %dma_wait3A_677 = arith.constant 0 : i32
    %dma_wait3A_678 = tpu.memref_slice %arg2[%dma_wait3A_675, %dma_wait3A_676, %dma_wait3A_677] : memref<2x100000x64xf32, #tpu.memory_space<hbm>> -> memref<1x100000x64xf32, #tpu.memory_space<hbm>>
    %dma_wait3A_679 = tpu.memref_squeeze %dma_wait3A_678 : memref<1x100000x64xf32, #tpu.memory_space<hbm>> -> memref<100000x64xf32, #tpu.memory_space<hbm>>
    %dma_wait3A_680 = arith.constant 0 : i32
    %dma_wait3A_681 = arith.constant 0 : i32
    %dma_wait3A_682 = tpu.memref_slice %dma_wait3A_679[%dma_wait3A_680, %dma_wait3A_681] : memref<100000x64xf32, #tpu.memory_space<hbm>> -> memref<100000x64xf32, #tpu.memory_space<hbm>>
    tpu.wait_indirect_dma semaphore(%arg15 : memref<!tpu.dma_semaphore, #tpu.memory_space<semaphore_mem>>) src(%arg9 : memref<128x64xf32, #tpu.memory_space<vmem>>) dst(%dma_wait3A_682 : memref<100000x64xf32, #tpu.memory_space<hbm>>)
    %add3A_683 = arith.constant 256 : i32
    %add3A_684 = arith.addi %mul3A_2, %add3A_683 : i32
    %dma_start3A_685 = tpu.memref_slice %arg5[%add3A_684] : memref<81920xi32, #tpu.memory_space<hbm>> -> memref<128xi32, #tpu.memory_space<hbm>>
    %dma_start3A_686 = tpu.memref_slice %arg5[%add3A_684] : memref<81920xi32, #tpu.memory_space<hbm>> -> memref<128xi32, #tpu.memory_space<hbm>>
    tpu.enqueue_dma source(%dma_start3A_686 : memref<128xi32, #tpu.memory_space<hbm>>) target(%arg7 : memref<128xi32, #tpu.memory_space<vmem>>) target_semaphore(%arg11 : memref<!tpu.dma_semaphore, #tpu.memory_space<semaphore_mem>>)
    %add3A_687 = arith.constant 256 : i32
    %add3A_688 = arith.addi %mul3A_2, %add3A_687 : i32
    %dma_start3A_689 = arith.constant 0 : i32
    %dma_start3A_690 = tpu.memref_slice %arg4[%add3A_688, %dma_start3A_689] : memref<81920x64xf32, #tpu.memory_space<hbm>> -> memref<128x64xf32, #tpu.memory_space<hbm>>
    %dma_start3A_691 = arith.constant 0 : i32
    %dma_start3A_692 = tpu.memref_slice %arg4[%add3A_688, %dma_start3A_691] : memref<81920x64xf32, #tpu.memory_space<hbm>> -> memref<128x64xf32, #tpu.memory_space<hbm>>
    tpu.enqueue_dma source(%dma_start3A_692 : memref<128x64xf32, #tpu.memory_space<hbm>>) target(%arg9 : memref<128x64xf32, #tpu.memory_space<vmem>>) target_semaphore(%arg13 : memref<!tpu.dma_semaphore, #tpu.memory_space<semaphore_mem>>)
    %dma_wait3A_693 = tpu.memref_slice %arg5[%add3A_652] : memref<81920xi32, #tpu.memory_space<hbm>> -> memref<128xi32, #tpu.memory_space<hbm>>
    %dma_wait3A_694 = tpu.memref_slice %arg5[%add3A_652] : memref<81920xi32, #tpu.memory_space<hbm>> -> memref<128xi32, #tpu.memory_space<hbm>>
    tpu.wait_dma2 semaphore(%arg12 : memref<!tpu.dma_semaphore, #tpu.memory_space<semaphore_mem>>) src(%dma_wait3A_694 : memref<128xi32, #tpu.memory_space<hbm>>) dst(%arg8 : memref<128xi32, #tpu.memory_space<vmem>>)
    %dma_wait3A_695 = arith.constant 0 : i32
    %dma_wait3A_696 = tpu.memref_slice %arg4[%add3A_656, %dma_wait3A_695] : memref<81920x64xf32, #tpu.memory_space<hbm>> -> memref<128x64xf32, #tpu.memory_space<hbm>>
    %dma_wait3A_697 = arith.constant 0 : i32
    %dma_wait3A_698 = tpu.memref_slice %arg4[%add3A_656, %dma_wait3A_697] : memref<81920x64xf32, #tpu.memory_space<hbm>> -> memref<128x64xf32, #tpu.memory_space<hbm>>
    tpu.wait_dma2 semaphore(%arg14 : memref<!tpu.dma_semaphore, #tpu.memory_space<semaphore_mem>>) src(%dma_wait3A_698 : memref<128x64xf32, #tpu.memory_space<hbm>>) dst(%arg10 : memref<128x64xf32, #tpu.memory_space<vmem>>)
    %dma_start3A_699 = arith.constant 1 : i32
    %dma_start3A_700 = arith.constant 0 : i32
    %dma_start3A_701 = arith.constant 0 : i32
    %dma_start3A_702 = tpu.memref_slice %arg2[%dma_start3A_699, %dma_start3A_700, %dma_start3A_701] : memref<2x100000x64xf32, #tpu.memory_space<hbm>> -> memref<1x100000x64xf32, #tpu.memory_space<hbm>>
    %dma_start3A_703 = tpu.memref_squeeze %dma_start3A_702 : memref<1x100000x64xf32, #tpu.memory_space<hbm>> -> memref<100000x64xf32, #tpu.memory_space<hbm>>
    %dma_start3A_704 = arith.constant 0 : i32
    %dma_start3A_705 = arith.constant 0 : i32
    %dma_start3A_706 = tpu.memref_slice %dma_start3A_703[%dma_start3A_704, %dma_start3A_705] : memref<100000x64xf32, #tpu.memory_space<hbm>> -> memref<100000x64xf32, #tpu.memory_space<hbm>>
    tpu.enqueue_indirect_dma source(%arg10 : memref<128x64xf32, #tpu.memory_space<vmem>>) target(%dma_start3A_706 : memref<100000x64xf32, #tpu.memory_space<hbm>>) offsets(%arg8 : memref<128xi32, #tpu.memory_space<vmem>>) semaphore(%arg16 : memref<!tpu.dma_semaphore, #tpu.memory_space<semaphore_mem>>)
    %dma_wait3A_707 = arith.constant 1 : i32
    %dma_wait3A_708 = arith.constant 0 : i32
    %dma_wait3A_709 = arith.constant 0 : i32
    %dma_wait3A_710 = tpu.memref_slice %arg2[%dma_wait3A_707, %dma_wait3A_708, %dma_wait3A_709] : memref<2x100000x64xf32, #tpu.memory_space<hbm>> -> memref<1x100000x64xf32, #tpu.memory_space<hbm>>
    %dma_wait3A_711 = tpu.memref_squeeze %dma_wait3A_710 : memref<1x100000x64xf32, #tpu.memory_space<hbm>> -> memref<100000x64xf32, #tpu.memory_space<hbm>>
    %dma_wait3A_712 = arith.constant 0 : i32
    %dma_wait3A_713 = arith.constant 0 : i32
    %dma_wait3A_714 = tpu.memref_slice %dma_wait3A_711[%dma_wait3A_712, %dma_wait3A_713] : memref<100000x64xf32, #tpu.memory_space<hbm>> -> memref<100000x64xf32, #tpu.memory_space<hbm>>
    tpu.wait_indirect_dma semaphore(%arg16 : memref<!tpu.dma_semaphore, #tpu.memory_space<semaphore_mem>>) src(%arg10 : memref<128x64xf32, #tpu.memory_space<vmem>>) dst(%dma_wait3A_714 : memref<100000x64xf32, #tpu.memory_space<hbm>>)
    %add3A_715 = arith.constant 384 : i32
    %add3A_716 = arith.addi %mul3A_2, %add3A_715 : i32
    %dma_start3A_717 = tpu.memref_slice %arg5[%add3A_716] : memref<81920xi32, #tpu.memory_space<hbm>> -> memref<128xi32, #tpu.memory_space<hbm>>
    %dma_start3A_718 = tpu.memref_slice %arg5[%add3A_716] : memref<81920xi32, #tpu.memory_space<hbm>> -> memref<128xi32, #tpu.memory_space<hbm>>
    tpu.enqueue_dma source(%dma_start3A_718 : memref<128xi32, #tpu.memory_space<hbm>>) target(%arg8 : memref<128xi32, #tpu.memory_space<vmem>>) target_semaphore(%arg12 : memref<!tpu.dma_semaphore, #tpu.memory_space<semaphore_mem>>)
    %add3A_719 = arith.constant 384 : i32
    %add3A_720 = arith.addi %mul3A_2, %add3A_719 : i32
    %dma_start3A_721 = arith.constant 0 : i32
    %dma_start3A_722 = tpu.memref_slice %arg4[%add3A_720, %dma_start3A_721] : memref<81920x64xf32, #tpu.memory_space<hbm>> -> memref<128x64xf32, #tpu.memory_space<hbm>>
    %dma_start3A_723 = arith.constant 0 : i32
    %dma_start3A_724 = tpu.memref_slice %arg4[%add3A_720, %dma_start3A_723] : memref<81920x64xf32, #tpu.memory_space<hbm>> -> memref<128x64xf32, #tpu.memory_space<hbm>>
    tpu.enqueue_dma source(%dma_start3A_724 : memref<128x64xf32, #tpu.memory_space<hbm>>) target(%arg10 : memref<128x64xf32, #tpu.memory_space<vmem>>) target_semaphore(%arg14 : memref<!tpu.dma_semaphore, #tpu.memory_space<semaphore_mem>>)
    %dma_wait3A_725 = tpu.memref_slice %arg5[%add3A_684] : memref<81920xi32, #tpu.memory_space<hbm>> -> memref<128xi32, #tpu.memory_space<hbm>>
    %dma_wait3A_726 = tpu.memref_slice %arg5[%add3A_684] : memref<81920xi32, #tpu.memory_space<hbm>> -> memref<128xi32, #tpu.memory_space<hbm>>
    tpu.wait_dma2 semaphore(%arg11 : memref<!tpu.dma_semaphore, #tpu.memory_space<semaphore_mem>>) src(%dma_wait3A_726 : memref<128xi32, #tpu.memory_space<hbm>>) dst(%arg7 : memref<128xi32, #tpu.memory_space<vmem>>)
    %dma_wait3A_727 = arith.constant 0 : i32
    %dma_wait3A_728 = tpu.memref_slice %arg4[%add3A_688, %dma_wait3A_727] : memref<81920x64xf32, #tpu.memory_space<hbm>> -> memref<128x64xf32, #tpu.memory_space<hbm>>
    %dma_wait3A_729 = arith.constant 0 : i32
    %dma_wait3A_730 = tpu.memref_slice %arg4[%add3A_688, %dma_wait3A_729] : memref<81920x64xf32, #tpu.memory_space<hbm>> -> memref<128x64xf32, #tpu.memory_space<hbm>>
    tpu.wait_dma2 semaphore(%arg13 : memref<!tpu.dma_semaphore, #tpu.memory_space<semaphore_mem>>) src(%dma_wait3A_730 : memref<128x64xf32, #tpu.memory_space<hbm>>) dst(%arg9 : memref<128x64xf32, #tpu.memory_space<vmem>>)
    %dma_start3A_731 = arith.constant 1 : i32
    %dma_start3A_732 = arith.constant 0 : i32
    %dma_start3A_733 = arith.constant 0 : i32
    %dma_start3A_734 = tpu.memref_slice %arg2[%dma_start3A_731, %dma_start3A_732, %dma_start3A_733] : memref<2x100000x64xf32, #tpu.memory_space<hbm>> -> memref<1x100000x64xf32, #tpu.memory_space<hbm>>
    %dma_start3A_735 = tpu.memref_squeeze %dma_start3A_734 : memref<1x100000x64xf32, #tpu.memory_space<hbm>> -> memref<100000x64xf32, #tpu.memory_space<hbm>>
    %dma_start3A_736 = arith.constant 0 : i32
    %dma_start3A_737 = arith.constant 0 : i32
    %dma_start3A_738 = tpu.memref_slice %dma_start3A_735[%dma_start3A_736, %dma_start3A_737] : memref<100000x64xf32, #tpu.memory_space<hbm>> -> memref<100000x64xf32, #tpu.memory_space<hbm>>
    tpu.enqueue_indirect_dma source(%arg9 : memref<128x64xf32, #tpu.memory_space<vmem>>) target(%dma_start3A_738 : memref<100000x64xf32, #tpu.memory_space<hbm>>) offsets(%arg7 : memref<128xi32, #tpu.memory_space<vmem>>) semaphore(%arg15 : memref<!tpu.dma_semaphore, #tpu.memory_space<semaphore_mem>>)
    %dma_wait3A_739 = arith.constant 1 : i32
    %dma_wait3A_740 = arith.constant 0 : i32
    %dma_wait3A_741 = arith.constant 0 : i32
    %dma_wait3A_742 = tpu.memref_slice %arg2[%dma_wait3A_739, %dma_wait3A_740, %dma_wait3A_741] : memref<2x100000x64xf32, #tpu.memory_space<hbm>> -> memref<1x100000x64xf32, #tpu.memory_space<hbm>>
    %dma_wait3A_743 = tpu.memref_squeeze %dma_wait3A_742 : memref<1x100000x64xf32, #tpu.memory_space<hbm>> -> memref<100000x64xf32, #tpu.memory_space<hbm>>
    %dma_wait3A_744 = arith.constant 0 : i32
    %dma_wait3A_745 = arith.constant 0 : i32
    %dma_wait3A_746 = tpu.memref_slice %dma_wait3A_743[%dma_wait3A_744, %dma_wait3A_745] : memref<100000x64xf32, #tpu.memory_space<hbm>> -> memref<100000x64xf32, #tpu.memory_space<hbm>>
    tpu.wait_indirect_dma semaphore(%arg15 : memref<!tpu.dma_semaphore, #tpu.memory_space<semaphore_mem>>) src(%arg9 : memref<128x64xf32, #tpu.memory_space<vmem>>) dst(%dma_wait3A_746 : memref<100000x64xf32, #tpu.memory_space<hbm>>)
    %add3A_747 = arith.constant 512 : i32
    %add3A_748 = arith.addi %mul3A_2, %add3A_747 : i32
    %dma_start3A_749 = tpu.memref_slice %arg5[%add3A_748] : memref<81920xi32, #tpu.memory_space<hbm>> -> memref<128xi32, #tpu.memory_space<hbm>>
    %dma_start3A_750 = tpu.memref_slice %arg5[%add3A_748] : memref<81920xi32, #tpu.memory_space<hbm>> -> memref<128xi32, #tpu.memory_space<hbm>>
    tpu.enqueue_dma source(%dma_start3A_750 : memref<128xi32, #tpu.memory_space<hbm>>) target(%arg7 : memref<128xi32, #tpu.memory_space<vmem>>) target_semaphore(%arg11 : memref<!tpu.dma_semaphore, #tpu.memory_space<semaphore_mem>>)
    %add3A_751 = arith.constant 512 : i32
    %add3A_752 = arith.addi %mul3A_2, %add3A_751 : i32
    %dma_start3A_753 = arith.constant 0 : i32
    %dma_start3A_754 = tpu.memref_slice %arg4[%add3A_752, %dma_start3A_753] : memref<81920x64xf32, #tpu.memory_space<hbm>> -> memref<128x64xf32, #tpu.memory_space<hbm>>
    %dma_start3A_755 = arith.constant 0 : i32
    %dma_start3A_756 = tpu.memref_slice %arg4[%add3A_752, %dma_start3A_755] : memref<81920x64xf32, #tpu.memory_space<hbm>> -> memref<128x64xf32, #tpu.memory_space<hbm>>
    tpu.enqueue_dma source(%dma_start3A_756 : memref<128x64xf32, #tpu.memory_space<hbm>>) target(%arg9 : memref<128x64xf32, #tpu.memory_space<vmem>>) target_semaphore(%arg13 : memref<!tpu.dma_semaphore, #tpu.memory_space<semaphore_mem>>)
    %dma_wait3A_757 = tpu.memref_slice %arg5[%add3A_716] : memref<81920xi32, #tpu.memory_space<hbm>> -> memref<128xi32, #tpu.memory_space<hbm>>
    %dma_wait3A_758 = tpu.memref_slice %arg5[%add3A_716] : memref<81920xi32, #tpu.memory_space<hbm>> -> memref<128xi32, #tpu.memory_space<hbm>>
    tpu.wait_dma2 semaphore(%arg12 : memref<!tpu.dma_semaphore, #tpu.memory_space<semaphore_mem>>) src(%dma_wait3A_758 : memref<128xi32, #tpu.memory_space<hbm>>) dst(%arg8 : memref<128xi32, #tpu.memory_space<vmem>>)
    %dma_wait3A_759 = arith.constant 0 : i32
    %dma_wait3A_760 = tpu.memref_slice %arg4[%add3A_720, %dma_wait3A_759] : memref<81920x64xf32, #tpu.memory_space<hbm>> -> memref<128x64xf32, #tpu.memory_space<hbm>>
    %dma_wait3A_761 = arith.constant 0 : i32
    %dma_wait3A_762 = tpu.memref_slice %arg4[%add3A_720, %dma_wait3A_761] : memref<81920x64xf32, #tpu.memory_space<hbm>> -> memref<128x64xf32, #tpu.memory_space<hbm>>
    tpu.wait_dma2 semaphore(%arg14 : memref<!tpu.dma_semaphore, #tpu.memory_space<semaphore_mem>>) src(%dma_wait3A_762 : memref<128x64xf32, #tpu.memory_space<hbm>>) dst(%arg10 : memref<128x64xf32, #tpu.memory_space<vmem>>)
    %dma_start3A_763 = arith.constant 1 : i32
    %dma_start3A_764 = arith.constant 0 : i32
    %dma_start3A_765 = arith.constant 0 : i32
    %dma_start3A_766 = tpu.memref_slice %arg2[%dma_start3A_763, %dma_start3A_764, %dma_start3A_765] : memref<2x100000x64xf32, #tpu.memory_space<hbm>> -> memref<1x100000x64xf32, #tpu.memory_space<hbm>>
    %dma_start3A_767 = tpu.memref_squeeze %dma_start3A_766 : memref<1x100000x64xf32, #tpu.memory_space<hbm>> -> memref<100000x64xf32, #tpu.memory_space<hbm>>
    %dma_start3A_768 = arith.constant 0 : i32
    %dma_start3A_769 = arith.constant 0 : i32
    %dma_start3A_770 = tpu.memref_slice %dma_start3A_767[%dma_start3A_768, %dma_start3A_769] : memref<100000x64xf32, #tpu.memory_space<hbm>> -> memref<100000x64xf32, #tpu.memory_space<hbm>>
    tpu.enqueue_indirect_dma source(%arg10 : memref<128x64xf32, #tpu.memory_space<vmem>>) target(%dma_start3A_770 : memref<100000x64xf32, #tpu.memory_space<hbm>>) offsets(%arg8 : memref<128xi32, #tpu.memory_space<vmem>>) semaphore(%arg16 : memref<!tpu.dma_semaphore, #tpu.memory_space<semaphore_mem>>)
    %dma_wait3A_771 = arith.constant 1 : i32
    %dma_wait3A_772 = arith.constant 0 : i32
    %dma_wait3A_773 = arith.constant 0 : i32
    %dma_wait3A_774 = tpu.memref_slice %arg2[%dma_wait3A_771, %dma_wait3A_772, %dma_wait3A_773] : memref<2x100000x64xf32, #tpu.memory_space<hbm>> -> memref<1x100000x64xf32, #tpu.memory_space<hbm>>
    %dma_wait3A_775 = tpu.memref_squeeze %dma_wait3A_774 : memref<1x100000x64xf32, #tpu.memory_space<hbm>> -> memref<100000x64xf32, #tpu.memory_space<hbm>>
    %dma_wait3A_776 = arith.constant 0 : i32
    %dma_wait3A_777 = arith.constant 0 : i32
    %dma_wait3A_778 = tpu.memref_slice %dma_wait3A_775[%dma_wait3A_776, %dma_wait3A_777] : memref<100000x64xf32, #tpu.memory_space<hbm>> -> memref<100000x64xf32, #tpu.memory_space<hbm>>
    tpu.wait_indirect_dma semaphore(%arg16 : memref<!tpu.dma_semaphore, #tpu.memory_space<semaphore_mem>>) src(%arg10 : memref<128x64xf32, #tpu.memory_space<vmem>>) dst(%dma_wait3A_778 : memref<100000x64xf32, #tpu.memory_space<hbm>>)
    %add3A_779 = arith.constant 640 : i32
    %add3A_780 = arith.addi %mul3A_2, %add3A_779 : i32
    %dma_start3A_781 = tpu.memref_slice %arg5[%add3A_780] : memref<81920xi32, #tpu.memory_space<hbm>> -> memref<128xi32, #tpu.memory_space<hbm>>
    %dma_start3A_782 = tpu.memref_slice %arg5[%add3A_780] : memref<81920xi32, #tpu.memory_space<hbm>> -> memref<128xi32, #tpu.memory_space<hbm>>
    tpu.enqueue_dma source(%dma_start3A_782 : memref<128xi32, #tpu.memory_space<hbm>>) target(%arg8 : memref<128xi32, #tpu.memory_space<vmem>>) target_semaphore(%arg12 : memref<!tpu.dma_semaphore, #tpu.memory_space<semaphore_mem>>)
    %add3A_783 = arith.constant 640 : i32
    %add3A_784 = arith.addi %mul3A_2, %add3A_783 : i32
    %dma_start3A_785 = arith.constant 0 : i32
    %dma_start3A_786 = tpu.memref_slice %arg4[%add3A_784, %dma_start3A_785] : memref<81920x64xf32, #tpu.memory_space<hbm>> -> memref<128x64xf32, #tpu.memory_space<hbm>>
    %dma_start3A_787 = arith.constant 0 : i32
    %dma_start3A_788 = tpu.memref_slice %arg4[%add3A_784, %dma_start3A_787] : memref<81920x64xf32, #tpu.memory_space<hbm>> -> memref<128x64xf32, #tpu.memory_space<hbm>>
    tpu.enqueue_dma source(%dma_start3A_788 : memref<128x64xf32, #tpu.memory_space<hbm>>) target(%arg10 : memref<128x64xf32, #tpu.memory_space<vmem>>) target_semaphore(%arg14 : memref<!tpu.dma_semaphore, #tpu.memory_space<semaphore_mem>>)
    %dma_wait3A_789 = tpu.memref_slice %arg5[%add3A_748] : memref<81920xi32, #tpu.memory_space<hbm>> -> memref<128xi32, #tpu.memory_space<hbm>>
    %dma_wait3A_790 = tpu.memref_slice %arg5[%add3A_748] : memref<81920xi32, #tpu.memory_space<hbm>> -> memref<128xi32, #tpu.memory_space<hbm>>
    tpu.wait_dma2 semaphore(%arg11 : memref<!tpu.dma_semaphore, #tpu.memory_space<semaphore_mem>>) src(%dma_wait3A_790 : memref<128xi32, #tpu.memory_space<hbm>>) dst(%arg7 : memref<128xi32, #tpu.memory_space<vmem>>)
    %dma_wait3A_791 = arith.constant 0 : i32
    %dma_wait3A_792 = tpu.memref_slice %arg4[%add3A_752, %dma_wait3A_791] : memref<81920x64xf32, #tpu.memory_space<hbm>> -> memref<128x64xf32, #tpu.memory_space<hbm>>
    %dma_wait3A_793 = arith.constant 0 : i32
    %dma_wait3A_794 = tpu.memref_slice %arg4[%add3A_752, %dma_wait3A_793] : memref<81920x64xf32, #tpu.memory_space<hbm>> -> memref<128x64xf32, #tpu.memory_space<hbm>>
    tpu.wait_dma2 semaphore(%arg13 : memref<!tpu.dma_semaphore, #tpu.memory_space<semaphore_mem>>) src(%dma_wait3A_794 : memref<128x64xf32, #tpu.memory_space<hbm>>) dst(%arg9 : memref<128x64xf32, #tpu.memory_space<vmem>>)
    %dma_start3A_795 = arith.constant 1 : i32
    %dma_start3A_796 = arith.constant 0 : i32
    %dma_start3A_797 = arith.constant 0 : i32
    %dma_start3A_798 = tpu.memref_slice %arg2[%dma_start3A_795, %dma_start3A_796, %dma_start3A_797] : memref<2x100000x64xf32, #tpu.memory_space<hbm>> -> memref<1x100000x64xf32, #tpu.memory_space<hbm>>
    %dma_start3A_799 = tpu.memref_squeeze %dma_start3A_798 : memref<1x100000x64xf32, #tpu.memory_space<hbm>> -> memref<100000x64xf32, #tpu.memory_space<hbm>>
    %dma_start3A_800 = arith.constant 0 : i32
    %dma_start3A_801 = arith.constant 0 : i32
    %dma_start3A_802 = tpu.memref_slice %dma_start3A_799[%dma_start3A_800, %dma_start3A_801] : memref<100000x64xf32, #tpu.memory_space<hbm>> -> memref<100000x64xf32, #tpu.memory_space<hbm>>
    tpu.enqueue_indirect_dma source(%arg9 : memref<128x64xf32, #tpu.memory_space<vmem>>) target(%dma_start3A_802 : memref<100000x64xf32, #tpu.memory_space<hbm>>) offsets(%arg7 : memref<128xi32, #tpu.memory_space<vmem>>) semaphore(%arg15 : memref<!tpu.dma_semaphore, #tpu.memory_space<semaphore_mem>>)
    %dma_wait3A_803 = arith.constant 1 : i32
    %dma_wait3A_804 = arith.constant 0 : i32
    %dma_wait3A_805 = arith.constant 0 : i32
    %dma_wait3A_806 = tpu.memref_slice %arg2[%dma_wait3A_803, %dma_wait3A_804, %dma_wait3A_805] : memref<2x100000x64xf32, #tpu.memory_space<hbm>> -> memref<1x100000x64xf32, #tpu.memory_space<hbm>>
    %dma_wait3A_807 = tpu.memref_squeeze %dma_wait3A_806 : memref<1x100000x64xf32, #tpu.memory_space<hbm>> -> memref<100000x64xf32, #tpu.memory_space<hbm>>
    %dma_wait3A_808 = arith.constant 0 : i32
    %dma_wait3A_809 = arith.constant 0 : i32
    %dma_wait3A_810 = tpu.memref_slice %dma_wait3A_807[%dma_wait3A_808, %dma_wait3A_809] : memref<100000x64xf32, #tpu.memory_space<hbm>> -> memref<100000x64xf32, #tpu.memory_space<hbm>>
    tpu.wait_indirect_dma semaphore(%arg15 : memref<!tpu.dma_semaphore, #tpu.memory_space<semaphore_mem>>) src(%arg9 : memref<128x64xf32, #tpu.memory_space<vmem>>) dst(%dma_wait3A_810 : memref<100000x64xf32, #tpu.memory_space<hbm>>)
    %add3A_811 = arith.constant 768 : i32
    %add3A_812 = arith.addi %mul3A_2, %add3A_811 : i32
    %dma_start3A_813 = tpu.memref_slice %arg5[%add3A_812] : memref<81920xi32, #tpu.memory_space<hbm>> -> memref<128xi32, #tpu.memory_space<hbm>>
    %dma_start3A_814 = tpu.memref_slice %arg5[%add3A_812] : memref<81920xi32, #tpu.memory_space<hbm>> -> memref<128xi32, #tpu.memory_space<hbm>>
    tpu.enqueue_dma source(%dma_start3A_814 : memref<128xi32, #tpu.memory_space<hbm>>) target(%arg7 : memref<128xi32, #tpu.memory_space<vmem>>) target_semaphore(%arg11 : memref<!tpu.dma_semaphore, #tpu.memory_space<semaphore_mem>>)
    %add3A_815 = arith.constant 768 : i32
    %add3A_816 = arith.addi %mul3A_2, %add3A_815 : i32
    %dma_start3A_817 = arith.constant 0 : i32
    %dma_start3A_818 = tpu.memref_slice %arg4[%add3A_816, %dma_start3A_817] : memref<81920x64xf32, #tpu.memory_space<hbm>> -> memref<128x64xf32, #tpu.memory_space<hbm>>
    %dma_start3A_819 = arith.constant 0 : i32
    %dma_start3A_820 = tpu.memref_slice %arg4[%add3A_816, %dma_start3A_819] : memref<81920x64xf32, #tpu.memory_space<hbm>> -> memref<128x64xf32, #tpu.memory_space<hbm>>
    tpu.enqueue_dma source(%dma_start3A_820 : memref<128x64xf32, #tpu.memory_space<hbm>>) target(%arg9 : memref<128x64xf32, #tpu.memory_space<vmem>>) target_semaphore(%arg13 : memref<!tpu.dma_semaphore, #tpu.memory_space<semaphore_mem>>)
    %dma_wait3A_821 = tpu.memref_slice %arg5[%add3A_780] : memref<81920xi32, #tpu.memory_space<hbm>> -> memref<128xi32, #tpu.memory_space<hbm>>
    %dma_wait3A_822 = tpu.memref_slice %arg5[%add3A_780] : memref<81920xi32, #tpu.memory_space<hbm>> -> memref<128xi32, #tpu.memory_space<hbm>>
    tpu.wait_dma2 semaphore(%arg12 : memref<!tpu.dma_semaphore, #tpu.memory_space<semaphore_mem>>) src(%dma_wait3A_822 : memref<128xi32, #tpu.memory_space<hbm>>) dst(%arg8 : memref<128xi32, #tpu.memory_space<vmem>>)
    %dma_wait3A_823 = arith.constant 0 : i32
    %dma_wait3A_824 = tpu.memref_slice %arg4[%add3A_784, %dma_wait3A_823] : memref<81920x64xf32, #tpu.memory_space<hbm>> -> memref<128x64xf32, #tpu.memory_space<hbm>>
    %dma_wait3A_825 = arith.constant 0 : i32
    %dma_wait3A_826 = tpu.memref_slice %arg4[%add3A_784, %dma_wait3A_825] : memref<81920x64xf32, #tpu.memory_space<hbm>> -> memref<128x64xf32, #tpu.memory_space<hbm>>
    tpu.wait_dma2 semaphore(%arg14 : memref<!tpu.dma_semaphore, #tpu.memory_space<semaphore_mem>>) src(%dma_wait3A_826 : memref<128x64xf32, #tpu.memory_space<hbm>>) dst(%arg10 : memref<128x64xf32, #tpu.memory_space<vmem>>)
    %dma_start3A_827 = arith.constant 1 : i32
    %dma_start3A_828 = arith.constant 0 : i32
    %dma_start3A_829 = arith.constant 0 : i32
    %dma_start3A_830 = tpu.memref_slice %arg2[%dma_start3A_827, %dma_start3A_828, %dma_start3A_829] : memref<2x100000x64xf32, #tpu.memory_space<hbm>> -> memref<1x100000x64xf32, #tpu.memory_space<hbm>>
    %dma_start3A_831 = tpu.memref_squeeze %dma_start3A_830 : memref<1x100000x64xf32, #tpu.memory_space<hbm>> -> memref<100000x64xf32, #tpu.memory_space<hbm>>
    %dma_start3A_832 = arith.constant 0 : i32
    %dma_start3A_833 = arith.constant 0 : i32
    %dma_start3A_834 = tpu.memref_slice %dma_start3A_831[%dma_start3A_832, %dma_start3A_833] : memref<100000x64xf32, #tpu.memory_space<hbm>> -> memref<100000x64xf32, #tpu.memory_space<hbm>>
    tpu.enqueue_indirect_dma source(%arg10 : memref<128x64xf32, #tpu.memory_space<vmem>>) target(%dma_start3A_834 : memref<100000x64xf32, #tpu.memory_space<hbm>>) offsets(%arg8 : memref<128xi32, #tpu.memory_space<vmem>>) semaphore(%arg16 : memref<!tpu.dma_semaphore, #tpu.memory_space<semaphore_mem>>)
    %dma_wait3A_835 = arith.constant 1 : i32
    %dma_wait3A_836 = arith.constant 0 : i32
    %dma_wait3A_837 = arith.constant 0 : i32
    %dma_wait3A_838 = tpu.memref_slice %arg2[%dma_wait3A_835, %dma_wait3A_836, %dma_wait3A_837] : memref<2x100000x64xf32, #tpu.memory_space<hbm>> -> memref<1x100000x64xf32, #tpu.memory_space<hbm>>
    %dma_wait3A_839 = tpu.memref_squeeze %dma_wait3A_838 : memref<1x100000x64xf32, #tpu.memory_space<hbm>> -> memref<100000x64xf32, #tpu.memory_space<hbm>>
    %dma_wait3A_840 = arith.constant 0 : i32
    %dma_wait3A_841 = arith.constant 0 : i32
    %dma_wait3A_842 = tpu.memref_slice %dma_wait3A_839[%dma_wait3A_840, %dma_wait3A_841] : memref<100000x64xf32, #tpu.memory_space<hbm>> -> memref<100000x64xf32, #tpu.memory_space<hbm>>
    tpu.wait_indirect_dma semaphore(%arg16 : memref<!tpu.dma_semaphore, #tpu.memory_space<semaphore_mem>>) src(%arg10 : memref<128x64xf32, #tpu.memory_space<vmem>>) dst(%dma_wait3A_842 : memref<100000x64xf32, #tpu.memory_space<hbm>>)
    %add3A_843 = arith.constant 896 : i32
    %add3A_844 = arith.addi %mul3A_2, %add3A_843 : i32
    %dma_start3A_845 = tpu.memref_slice %arg5[%add3A_844] : memref<81920xi32, #tpu.memory_space<hbm>> -> memref<128xi32, #tpu.memory_space<hbm>>
    %dma_start3A_846 = tpu.memref_slice %arg5[%add3A_844] : memref<81920xi32, #tpu.memory_space<hbm>> -> memref<128xi32, #tpu.memory_space<hbm>>
    tpu.enqueue_dma source(%dma_start3A_846 : memref<128xi32, #tpu.memory_space<hbm>>) target(%arg8 : memref<128xi32, #tpu.memory_space<vmem>>) target_semaphore(%arg12 : memref<!tpu.dma_semaphore, #tpu.memory_space<semaphore_mem>>)
    %add3A_847 = arith.constant 896 : i32
    %add3A_848 = arith.addi %mul3A_2, %add3A_847 : i32
    %dma_start3A_849 = arith.constant 0 : i32
    %dma_start3A_850 = tpu.memref_slice %arg4[%add3A_848, %dma_start3A_849] : memref<81920x64xf32, #tpu.memory_space<hbm>> -> memref<128x64xf32, #tpu.memory_space<hbm>>
    %dma_start3A_851 = arith.constant 0 : i32
    %dma_start3A_852 = tpu.memref_slice %arg4[%add3A_848, %dma_start3A_851] : memref<81920x64xf32, #tpu.memory_space<hbm>> -> memref<128x64xf32, #tpu.memory_space<hbm>>
    tpu.enqueue_dma source(%dma_start3A_852 : memref<128x64xf32, #tpu.memory_space<hbm>>) target(%arg10 : memref<128x64xf32, #tpu.memory_space<vmem>>) target_semaphore(%arg14 : memref<!tpu.dma_semaphore, #tpu.memory_space<semaphore_mem>>)
    %dma_wait3A_853 = tpu.memref_slice %arg5[%add3A_812] : memref<81920xi32, #tpu.memory_space<hbm>> -> memref<128xi32, #tpu.memory_space<hbm>>
    %dma_wait3A_854 = tpu.memref_slice %arg5[%add3A_812] : memref<81920xi32, #tpu.memory_space<hbm>> -> memref<128xi32, #tpu.memory_space<hbm>>
    tpu.wait_dma2 semaphore(%arg11 : memref<!tpu.dma_semaphore, #tpu.memory_space<semaphore_mem>>) src(%dma_wait3A_854 : memref<128xi32, #tpu.memory_space<hbm>>) dst(%arg7 : memref<128xi32, #tpu.memory_space<vmem>>)
    %dma_wait3A_855 = arith.constant 0 : i32
    %dma_wait3A_856 = tpu.memref_slice %arg4[%add3A_816, %dma_wait3A_855] : memref<81920x64xf32, #tpu.memory_space<hbm>> -> memref<128x64xf32, #tpu.memory_space<hbm>>
    %dma_wait3A_857 = arith.constant 0 : i32
    %dma_wait3A_858 = tpu.memref_slice %arg4[%add3A_816, %dma_wait3A_857] : memref<81920x64xf32, #tpu.memory_space<hbm>> -> memref<128x64xf32, #tpu.memory_space<hbm>>
    tpu.wait_dma2 semaphore(%arg13 : memref<!tpu.dma_semaphore, #tpu.memory_space<semaphore_mem>>) src(%dma_wait3A_858 : memref<128x64xf32, #tpu.memory_space<hbm>>) dst(%arg9 : memref<128x64xf32, #tpu.memory_space<vmem>>)
    %dma_start3A_859 = arith.constant 1 : i32
    %dma_start3A_860 = arith.constant 0 : i32
    %dma_start3A_861 = arith.constant 0 : i32
    %dma_start3A_862 = tpu.memref_slice %arg2[%dma_start3A_859, %dma_start3A_860, %dma_start3A_861] : memref<2x100000x64xf32, #tpu.memory_space<hbm>> -> memref<1x100000x64xf32, #tpu.memory_space<hbm>>
    %dma_start3A_863 = tpu.memref_squeeze %dma_start3A_862 : memref<1x100000x64xf32, #tpu.memory_space<hbm>> -> memref<100000x64xf32, #tpu.memory_space<hbm>>
    %dma_start3A_864 = arith.constant 0 : i32
    %dma_start3A_865 = arith.constant 0 : i32
    %dma_start3A_866 = tpu.memref_slice %dma_start3A_863[%dma_start3A_864, %dma_start3A_865] : memref<100000x64xf32, #tpu.memory_space<hbm>> -> memref<100000x64xf32, #tpu.memory_space<hbm>>
    tpu.enqueue_indirect_dma source(%arg9 : memref<128x64xf32, #tpu.memory_space<vmem>>) target(%dma_start3A_866 : memref<100000x64xf32, #tpu.memory_space<hbm>>) offsets(%arg7 : memref<128xi32, #tpu.memory_space<vmem>>) semaphore(%arg15 : memref<!tpu.dma_semaphore, #tpu.memory_space<semaphore_mem>>)
    %dma_wait3A_867 = arith.constant 1 : i32
    %dma_wait3A_868 = arith.constant 0 : i32
    %dma_wait3A_869 = arith.constant 0 : i32
    %dma_wait3A_870 = tpu.memref_slice %arg2[%dma_wait3A_867, %dma_wait3A_868, %dma_wait3A_869] : memref<2x100000x64xf32, #tpu.memory_space<hbm>> -> memref<1x100000x64xf32, #tpu.memory_space<hbm>>
    %dma_wait3A_871 = tpu.memref_squeeze %dma_wait3A_870 : memref<1x100000x64xf32, #tpu.memory_space<hbm>> -> memref<100000x64xf32, #tpu.memory_space<hbm>>
    %dma_wait3A_872 = arith.constant 0 : i32
    %dma_wait3A_873 = arith.constant 0 : i32
    %dma_wait3A_874 = tpu.memref_slice %dma_wait3A_871[%dma_wait3A_872, %dma_wait3A_873] : memref<100000x64xf32, #tpu.memory_space<hbm>> -> memref<100000x64xf32, #tpu.memory_space<hbm>>
    tpu.wait_indirect_dma semaphore(%arg15 : memref<!tpu.dma_semaphore, #tpu.memory_space<semaphore_mem>>) src(%arg9 : memref<128x64xf32, #tpu.memory_space<vmem>>) dst(%dma_wait3A_874 : memref<100000x64xf32, #tpu.memory_space<hbm>>)
    %add3A_875 = arith.constant 1024 : i32
    %add3A_876 = arith.addi %mul3A_2, %add3A_875 : i32
    %dma_start3A_877 = tpu.memref_slice %arg5[%add3A_876] : memref<81920xi32, #tpu.memory_space<hbm>> -> memref<128xi32, #tpu.memory_space<hbm>>
    %dma_start3A_878 = tpu.memref_slice %arg5[%add3A_876] : memref<81920xi32, #tpu.memory_space<hbm>> -> memref<128xi32, #tpu.memory_space<hbm>>
    tpu.enqueue_dma source(%dma_start3A_878 : memref<128xi32, #tpu.memory_space<hbm>>) target(%arg7 : memref<128xi32, #tpu.memory_space<vmem>>) target_semaphore(%arg11 : memref<!tpu.dma_semaphore, #tpu.memory_space<semaphore_mem>>)
    %add3A_879 = arith.constant 1024 : i32
    %add3A_880 = arith.addi %mul3A_2, %add3A_879 : i32
    %dma_start3A_881 = arith.constant 0 : i32
    %dma_start3A_882 = tpu.memref_slice %arg4[%add3A_880, %dma_start3A_881] : memref<81920x64xf32, #tpu.memory_space<hbm>> -> memref<128x64xf32, #tpu.memory_space<hbm>>
    %dma_start3A_883 = arith.constant 0 : i32
    %dma_start3A_884 = tpu.memref_slice %arg4[%add3A_880, %dma_start3A_883] : memref<81920x64xf32, #tpu.memory_space<hbm>> -> memref<128x64xf32, #tpu.memory_space<hbm>>
    tpu.enqueue_dma source(%dma_start3A_884 : memref<128x64xf32, #tpu.memory_space<hbm>>) target(%arg9 : memref<128x64xf32, #tpu.memory_space<vmem>>) target_semaphore(%arg13 : memref<!tpu.dma_semaphore, #tpu.memory_space<semaphore_mem>>)
    %dma_wait3A_885 = tpu.memref_slice %arg5[%add3A_844] : memref<81920xi32, #tpu.memory_space<hbm>> -> memref<128xi32, #tpu.memory_space<hbm>>
    %dma_wait3A_886 = tpu.memref_slice %arg5[%add3A_844] : memref<81920xi32, #tpu.memory_space<hbm>> -> memref<128xi32, #tpu.memory_space<hbm>>
    tpu.wait_dma2 semaphore(%arg12 : memref<!tpu.dma_semaphore, #tpu.memory_space<semaphore_mem>>) src(%dma_wait3A_886 : memref<128xi32, #tpu.memory_space<hbm>>) dst(%arg8 : memref<128xi32, #tpu.memory_space<vmem>>)
    %dma_wait3A_887 = arith.constant 0 : i32
    %dma_wait3A_888 = tpu.memref_slice %arg4[%add3A_848, %dma_wait3A_887] : memref<81920x64xf32, #tpu.memory_space<hbm>> -> memref<128x64xf32, #tpu.memory_space<hbm>>
    %dma_wait3A_889 = arith.constant 0 : i32
    %dma_wait3A_890 = tpu.memref_slice %arg4[%add3A_848, %dma_wait3A_889] : memref<81920x64xf32, #tpu.memory_space<hbm>> -> memref<128x64xf32, #tpu.memory_space<hbm>>
    tpu.wait_dma2 semaphore(%arg14 : memref<!tpu.dma_semaphore, #tpu.memory_space<semaphore_mem>>) src(%dma_wait3A_890 : memref<128x64xf32, #tpu.memory_space<hbm>>) dst(%arg10 : memref<128x64xf32, #tpu.memory_space<vmem>>)
    %dma_start3A_891 = arith.constant 1 : i32
    %dma_start3A_892 = arith.constant 0 : i32
    %dma_start3A_893 = arith.constant 0 : i32
    %dma_start3A_894 = tpu.memref_slice %arg2[%dma_start3A_891, %dma_start3A_892, %dma_start3A_893] : memref<2x100000x64xf32, #tpu.memory_space<hbm>> -> memref<1x100000x64xf32, #tpu.memory_space<hbm>>
    %dma_start3A_895 = tpu.memref_squeeze %dma_start3A_894 : memref<1x100000x64xf32, #tpu.memory_space<hbm>> -> memref<100000x64xf32, #tpu.memory_space<hbm>>
    %dma_start3A_896 = arith.constant 0 : i32
    %dma_start3A_897 = arith.constant 0 : i32
    %dma_start3A_898 = tpu.memref_slice %dma_start3A_895[%dma_start3A_896, %dma_start3A_897] : memref<100000x64xf32, #tpu.memory_space<hbm>> -> memref<100000x64xf32, #tpu.memory_space<hbm>>
    tpu.enqueue_indirect_dma source(%arg10 : memref<128x64xf32, #tpu.memory_space<vmem>>) target(%dma_start3A_898 : memref<100000x64xf32, #tpu.memory_space<hbm>>) offsets(%arg8 : memref<128xi32, #tpu.memory_space<vmem>>) semaphore(%arg16 : memref<!tpu.dma_semaphore, #tpu.memory_space<semaphore_mem>>)
    %dma_wait3A_899 = arith.constant 1 : i32
    %dma_wait3A_900 = arith.constant 0 : i32
    %dma_wait3A_901 = arith.constant 0 : i32
    %dma_wait3A_902 = tpu.memref_slice %arg2[%dma_wait3A_899, %dma_wait3A_900, %dma_wait3A_901] : memref<2x100000x64xf32, #tpu.memory_space<hbm>> -> memref<1x100000x64xf32, #tpu.memory_space<hbm>>
    %dma_wait3A_903 = tpu.memref_squeeze %dma_wait3A_902 : memref<1x100000x64xf32, #tpu.memory_space<hbm>> -> memref<100000x64xf32, #tpu.memory_space<hbm>>
    %dma_wait3A_904 = arith.constant 0 : i32
    %dma_wait3A_905 = arith.constant 0 : i32
    %dma_wait3A_906 = tpu.memref_slice %dma_wait3A_903[%dma_wait3A_904, %dma_wait3A_905] : memref<100000x64xf32, #tpu.memory_space<hbm>> -> memref<100000x64xf32, #tpu.memory_space<hbm>>
    tpu.wait_indirect_dma semaphore(%arg16 : memref<!tpu.dma_semaphore, #tpu.memory_space<semaphore_mem>>) src(%arg10 : memref<128x64xf32, #tpu.memory_space<vmem>>) dst(%dma_wait3A_906 : memref<100000x64xf32, #tpu.memory_space<hbm>>)
    %add3A_907 = arith.constant 1152 : i32
    %add3A_908 = arith.addi %mul3A_2, %add3A_907 : i32
    %dma_start3A_909 = tpu.memref_slice %arg5[%add3A_908] : memref<81920xi32, #tpu.memory_space<hbm>> -> memref<128xi32, #tpu.memory_space<hbm>>
    %dma_start3A_910 = tpu.memref_slice %arg5[%add3A_908] : memref<81920xi32, #tpu.memory_space<hbm>> -> memref<128xi32, #tpu.memory_space<hbm>>
    tpu.enqueue_dma source(%dma_start3A_910 : memref<128xi32, #tpu.memory_space<hbm>>) target(%arg8 : memref<128xi32, #tpu.memory_space<vmem>>) target_semaphore(%arg12 : memref<!tpu.dma_semaphore, #tpu.memory_space<semaphore_mem>>)
    %add3A_911 = arith.constant 1152 : i32
    %add3A_912 = arith.addi %mul3A_2, %add3A_911 : i32
    %dma_start3A_913 = arith.constant 0 : i32
    %dma_start3A_914 = tpu.memref_slice %arg4[%add3A_912, %dma_start3A_913] : memref<81920x64xf32, #tpu.memory_space<hbm>> -> memref<128x64xf32, #tpu.memory_space<hbm>>
    %dma_start3A_915 = arith.constant 0 : i32
    %dma_start3A_916 = tpu.memref_slice %arg4[%add3A_912, %dma_start3A_915] : memref<81920x64xf32, #tpu.memory_space<hbm>> -> memref<128x64xf32, #tpu.memory_space<hbm>>
    tpu.enqueue_dma source(%dma_start3A_916 : memref<128x64xf32, #tpu.memory_space<hbm>>) target(%arg10 : memref<128x64xf32, #tpu.memory_space<vmem>>) target_semaphore(%arg14 : memref<!tpu.dma_semaphore, #tpu.memory_space<semaphore_mem>>)
    %dma_wait3A_917 = tpu.memref_slice %arg5[%add3A_876] : memref<81920xi32, #tpu.memory_space<hbm>> -> memref<128xi32, #tpu.memory_space<hbm>>
    %dma_wait3A_918 = tpu.memref_slice %arg5[%add3A_876] : memref<81920xi32, #tpu.memory_space<hbm>> -> memref<128xi32, #tpu.memory_space<hbm>>
    tpu.wait_dma2 semaphore(%arg11 : memref<!tpu.dma_semaphore, #tpu.memory_space<semaphore_mem>>) src(%dma_wait3A_918 : memref<128xi32, #tpu.memory_space<hbm>>) dst(%arg7 : memref<128xi32, #tpu.memory_space<vmem>>)
    %dma_wait3A_919 = arith.constant 0 : i32
    %dma_wait3A_920 = tpu.memref_slice %arg4[%add3A_880, %dma_wait3A_919] : memref<81920x64xf32, #tpu.memory_space<hbm>> -> memref<128x64xf32, #tpu.memory_space<hbm>>
    %dma_wait3A_921 = arith.constant 0 : i32
    %dma_wait3A_922 = tpu.memref_slice %arg4[%add3A_880, %dma_wait3A_921] : memref<81920x64xf32, #tpu.memory_space<hbm>> -> memref<128x64xf32, #tpu.memory_space<hbm>>
    tpu.wait_dma2 semaphore(%arg13 : memref<!tpu.dma_semaphore, #tpu.memory_space<semaphore_mem>>) src(%dma_wait3A_922 : memref<128x64xf32, #tpu.memory_space<hbm>>) dst(%arg9 : memref<128x64xf32, #tpu.memory_space<vmem>>)
    %dma_start3A_923 = arith.constant 1 : i32
    %dma_start3A_924 = arith.constant 0 : i32
    %dma_start3A_925 = arith.constant 0 : i32
    %dma_start3A_926 = tpu.memref_slice %arg2[%dma_start3A_923, %dma_start3A_924, %dma_start3A_925] : memref<2x100000x64xf32, #tpu.memory_space<hbm>> -> memref<1x100000x64xf32, #tpu.memory_space<hbm>>
    %dma_start3A_927 = tpu.memref_squeeze %dma_start3A_926 : memref<1x100000x64xf32, #tpu.memory_space<hbm>> -> memref<100000x64xf32, #tpu.memory_space<hbm>>
    %dma_start3A_928 = arith.constant 0 : i32
    %dma_start3A_929 = arith.constant 0 : i32
    %dma_start3A_930 = tpu.memref_slice %dma_start3A_927[%dma_start3A_928, %dma_start3A_929] : memref<100000x64xf32, #tpu.memory_space<hbm>> -> memref<100000x64xf32, #tpu.memory_space<hbm>>
    tpu.enqueue_indirect_dma source(%arg9 : memref<128x64xf32, #tpu.memory_space<vmem>>) target(%dma_start3A_930 : memref<100000x64xf32, #tpu.memory_space<hbm>>) offsets(%arg7 : memref<128xi32, #tpu.memory_space<vmem>>) semaphore(%arg15 : memref<!tpu.dma_semaphore, #tpu.memory_space<semaphore_mem>>)
    %dma_wait3A_931 = arith.constant 1 : i32
    %dma_wait3A_932 = arith.constant 0 : i32
    %dma_wait3A_933 = arith.constant 0 : i32
    %dma_wait3A_934 = tpu.memref_slice %arg2[%dma_wait3A_931, %dma_wait3A_932, %dma_wait3A_933] : memref<2x100000x64xf32, #tpu.memory_space<hbm>> -> memref<1x100000x64xf32, #tpu.memory_space<hbm>>
    %dma_wait3A_935 = tpu.memref_squeeze %dma_wait3A_934 : memref<1x100000x64xf32, #tpu.memory_space<hbm>> -> memref<100000x64xf32, #tpu.memory_space<hbm>>
    %dma_wait3A_936 = arith.constant 0 : i32
    %dma_wait3A_937 = arith.constant 0 : i32
    %dma_wait3A_938 = tpu.memref_slice %dma_wait3A_935[%dma_wait3A_936, %dma_wait3A_937] : memref<100000x64xf32, #tpu.memory_space<hbm>> -> memref<100000x64xf32, #tpu.memory_space<hbm>>
    tpu.wait_indirect_dma semaphore(%arg15 : memref<!tpu.dma_semaphore, #tpu.memory_space<semaphore_mem>>) src(%arg9 : memref<128x64xf32, #tpu.memory_space<vmem>>) dst(%dma_wait3A_938 : memref<100000x64xf32, #tpu.memory_space<hbm>>)
    %add3A_939 = arith.constant 1280 : i32
    %add3A_940 = arith.addi %mul3A_2, %add3A_939 : i32
    %dma_start3A_941 = tpu.memref_slice %arg5[%add3A_940] : memref<81920xi32, #tpu.memory_space<hbm>> -> memref<128xi32, #tpu.memory_space<hbm>>
    %dma_start3A_942 = tpu.memref_slice %arg5[%add3A_940] : memref<81920xi32, #tpu.memory_space<hbm>> -> memref<128xi32, #tpu.memory_space<hbm>>
    tpu.enqueue_dma source(%dma_start3A_942 : memref<128xi32, #tpu.memory_space<hbm>>) target(%arg7 : memref<128xi32, #tpu.memory_space<vmem>>) target_semaphore(%arg11 : memref<!tpu.dma_semaphore, #tpu.memory_space<semaphore_mem>>)
    %add3A_943 = arith.constant 1280 : i32
    %add3A_944 = arith.addi %mul3A_2, %add3A_943 : i32
    %dma_start3A_945 = arith.constant 0 : i32
    %dma_start3A_946 = tpu.memref_slice %arg4[%add3A_944, %dma_start3A_945] : memref<81920x64xf32, #tpu.memory_space<hbm>> -> memref<128x64xf32, #tpu.memory_space<hbm>>
    %dma_start3A_947 = arith.constant 0 : i32
    %dma_start3A_948 = tpu.memref_slice %arg4[%add3A_944, %dma_start3A_947] : memref<81920x64xf32, #tpu.memory_space<hbm>> -> memref<128x64xf32, #tpu.memory_space<hbm>>
    tpu.enqueue_dma source(%dma_start3A_948 : memref<128x64xf32, #tpu.memory_space<hbm>>) target(%arg9 : memref<128x64xf32, #tpu.memory_space<vmem>>) target_semaphore(%arg13 : memref<!tpu.dma_semaphore, #tpu.memory_space<semaphore_mem>>)
    %dma_wait3A_949 = tpu.memref_slice %arg5[%add3A_908] : memref<81920xi32, #tpu.memory_space<hbm>> -> memref<128xi32, #tpu.memory_space<hbm>>
    %dma_wait3A_950 = tpu.memref_slice %arg5[%add3A_908] : memref<81920xi32, #tpu.memory_space<hbm>> -> memref<128xi32, #tpu.memory_space<hbm>>
    tpu.wait_dma2 semaphore(%arg12 : memref<!tpu.dma_semaphore, #tpu.memory_space<semaphore_mem>>) src(%dma_wait3A_950 : memref<128xi32, #tpu.memory_space<hbm>>) dst(%arg8 : memref<128xi32, #tpu.memory_space<vmem>>)
    %dma_wait3A_951 = arith.constant 0 : i32
    %dma_wait3A_952 = tpu.memref_slice %arg4[%add3A_912, %dma_wait3A_951] : memref<81920x64xf32, #tpu.memory_space<hbm>> -> memref<128x64xf32, #tpu.memory_space<hbm>>
    %dma_wait3A_953 = arith.constant 0 : i32
    %dma_wait3A_954 = tpu.memref_slice %arg4[%add3A_912, %dma_wait3A_953] : memref<81920x64xf32, #tpu.memory_space<hbm>> -> memref<128x64xf32, #tpu.memory_space<hbm>>
    tpu.wait_dma2 semaphore(%arg14 : memref<!tpu.dma_semaphore, #tpu.memory_space<semaphore_mem>>) src(%dma_wait3A_954 : memref<128x64xf32, #tpu.memory_space<hbm>>) dst(%arg10 : memref<128x64xf32, #tpu.memory_space<vmem>>)
    %dma_start3A_955 = arith.constant 1 : i32
    %dma_start3A_956 = arith.constant 0 : i32
    %dma_start3A_957 = arith.constant 0 : i32
    %dma_start3A_958 = tpu.memref_slice %arg2[%dma_start3A_955, %dma_start3A_956, %dma_start3A_957] : memref<2x100000x64xf32, #tpu.memory_space<hbm>> -> memref<1x100000x64xf32, #tpu.memory_space<hbm>>
    %dma_start3A_959 = tpu.memref_squeeze %dma_start3A_958 : memref<1x100000x64xf32, #tpu.memory_space<hbm>> -> memref<100000x64xf32, #tpu.memory_space<hbm>>
    %dma_start3A_960 = arith.constant 0 : i32
    %dma_start3A_961 = arith.constant 0 : i32
    %dma_start3A_962 = tpu.memref_slice %dma_start3A_959[%dma_start3A_960, %dma_start3A_961] : memref<100000x64xf32, #tpu.memory_space<hbm>> -> memref<100000x64xf32, #tpu.memory_space<hbm>>
    tpu.enqueue_indirect_dma source(%arg10 : memref<128x64xf32, #tpu.memory_space<vmem>>) target(%dma_start3A_962 : memref<100000x64xf32, #tpu.memory_space<hbm>>) offsets(%arg8 : memref<128xi32, #tpu.memory_space<vmem>>) semaphore(%arg16 : memref<!tpu.dma_semaphore, #tpu.memory_space<semaphore_mem>>)
    %dma_wait3A_963 = arith.constant 1 : i32
    %dma_wait3A_964 = arith.constant 0 : i32
    %dma_wait3A_965 = arith.constant 0 : i32
    %dma_wait3A_966 = tpu.memref_slice %arg2[%dma_wait3A_963, %dma_wait3A_964, %dma_wait3A_965] : memref<2x100000x64xf32, #tpu.memory_space<hbm>> -> memref<1x100000x64xf32, #tpu.memory_space<hbm>>
    %dma_wait3A_967 = tpu.memref_squeeze %dma_wait3A_966 : memref<1x100000x64xf32, #tpu.memory_space<hbm>> -> memref<100000x64xf32, #tpu.memory_space<hbm>>
    %dma_wait3A_968 = arith.constant 0 : i32
    %dma_wait3A_969 = arith.constant 0 : i32
    %dma_wait3A_970 = tpu.memref_slice %dma_wait3A_967[%dma_wait3A_968, %dma_wait3A_969] : memref<100000x64xf32, #tpu.memory_space<hbm>> -> memref<100000x64xf32, #tpu.memory_space<hbm>>
    tpu.wait_indirect_dma semaphore(%arg16 : memref<!tpu.dma_semaphore, #tpu.memory_space<semaphore_mem>>) src(%arg10 : memref<128x64xf32, #tpu.memory_space<vmem>>) dst(%dma_wait3A_970 : memref<100000x64xf32, #tpu.memory_space<hbm>>)
    %add3A_971 = arith.constant 1408 : i32
    %add3A_972 = arith.addi %mul3A_2, %add3A_971 : i32
    %dma_start3A_973 = tpu.memref_slice %arg5[%add3A_972] : memref<81920xi32, #tpu.memory_space<hbm>> -> memref<128xi32, #tpu.memory_space<hbm>>
    %dma_start3A_974 = tpu.memref_slice %arg5[%add3A_972] : memref<81920xi32, #tpu.memory_space<hbm>> -> memref<128xi32, #tpu.memory_space<hbm>>
    tpu.enqueue_dma source(%dma_start3A_974 : memref<128xi32, #tpu.memory_space<hbm>>) target(%arg8 : memref<128xi32, #tpu.memory_space<vmem>>) target_semaphore(%arg12 : memref<!tpu.dma_semaphore, #tpu.memory_space<semaphore_mem>>)
    %add3A_975 = arith.constant 1408 : i32
    %add3A_976 = arith.addi %mul3A_2, %add3A_975 : i32
    %dma_start3A_977 = arith.constant 0 : i32
    %dma_start3A_978 = tpu.memref_slice %arg4[%add3A_976, %dma_start3A_977] : memref<81920x64xf32, #tpu.memory_space<hbm>> -> memref<128x64xf32, #tpu.memory_space<hbm>>
    %dma_start3A_979 = arith.constant 0 : i32
    %dma_start3A_980 = tpu.memref_slice %arg4[%add3A_976, %dma_start3A_979] : memref<81920x64xf32, #tpu.memory_space<hbm>> -> memref<128x64xf32, #tpu.memory_space<hbm>>
    tpu.enqueue_dma source(%dma_start3A_980 : memref<128x64xf32, #tpu.memory_space<hbm>>) target(%arg10 : memref<128x64xf32, #tpu.memory_space<vmem>>) target_semaphore(%arg14 : memref<!tpu.dma_semaphore, #tpu.memory_space<semaphore_mem>>)
    %dma_wait3A_981 = tpu.memref_slice %arg5[%add3A_940] : memref<81920xi32, #tpu.memory_space<hbm>> -> memref<128xi32, #tpu.memory_space<hbm>>
    %dma_wait3A_982 = tpu.memref_slice %arg5[%add3A_940] : memref<81920xi32, #tpu.memory_space<hbm>> -> memref<128xi32, #tpu.memory_space<hbm>>
    tpu.wait_dma2 semaphore(%arg11 : memref<!tpu.dma_semaphore, #tpu.memory_space<semaphore_mem>>) src(%dma_wait3A_982 : memref<128xi32, #tpu.memory_space<hbm>>) dst(%arg7 : memref<128xi32, #tpu.memory_space<vmem>>)
    %dma_wait3A_983 = arith.constant 0 : i32
    %dma_wait3A_984 = tpu.memref_slice %arg4[%add3A_944, %dma_wait3A_983] : memref<81920x64xf32, #tpu.memory_space<hbm>> -> memref<128x64xf32, #tpu.memory_space<hbm>>
    %dma_wait3A_985 = arith.constant 0 : i32
    %dma_wait3A_986 = tpu.memref_slice %arg4[%add3A_944, %dma_wait3A_985] : memref<81920x64xf32, #tpu.memory_space<hbm>> -> memref<128x64xf32, #tpu.memory_space<hbm>>
    tpu.wait_dma2 semaphore(%arg13 : memref<!tpu.dma_semaphore, #tpu.memory_space<semaphore_mem>>) src(%dma_wait3A_986 : memref<128x64xf32, #tpu.memory_space<hbm>>) dst(%arg9 : memref<128x64xf32, #tpu.memory_space<vmem>>)
    %dma_start3A_987 = arith.constant 1 : i32
    %dma_start3A_988 = arith.constant 0 : i32
    %dma_start3A_989 = arith.constant 0 : i32
    %dma_start3A_990 = tpu.memref_slice %arg2[%dma_start3A_987, %dma_start3A_988, %dma_start3A_989] : memref<2x100000x64xf32, #tpu.memory_space<hbm>> -> memref<1x100000x64xf32, #tpu.memory_space<hbm>>
    %dma_start3A_991 = tpu.memref_squeeze %dma_start3A_990 : memref<1x100000x64xf32, #tpu.memory_space<hbm>> -> memref<100000x64xf32, #tpu.memory_space<hbm>>
    %dma_start3A_992 = arith.constant 0 : i32
    %dma_start3A_993 = arith.constant 0 : i32
    %dma_start3A_994 = tpu.memref_slice %dma_start3A_991[%dma_start3A_992, %dma_start3A_993] : memref<100000x64xf32, #tpu.memory_space<hbm>> -> memref<100000x64xf32, #tpu.memory_space<hbm>>
    tpu.enqueue_indirect_dma source(%arg9 : memref<128x64xf32, #tpu.memory_space<vmem>>) target(%dma_start3A_994 : memref<100000x64xf32, #tpu.memory_space<hbm>>) offsets(%arg7 : memref<128xi32, #tpu.memory_space<vmem>>) semaphore(%arg15 : memref<!tpu.dma_semaphore, #tpu.memory_space<semaphore_mem>>)
    %dma_wait3A_995 = arith.constant 1 : i32
    %dma_wait3A_996 = arith.constant 0 : i32
    %dma_wait3A_997 = arith.constant 0 : i32
    %dma_wait3A_998 = tpu.memref_slice %arg2[%dma_wait3A_995, %dma_wait3A_996, %dma_wait3A_997] : memref<2x100000x64xf32, #tpu.memory_space<hbm>> -> memref<1x100000x64xf32, #tpu.memory_space<hbm>>
    %dma_wait3A_999 = tpu.memref_squeeze %dma_wait3A_998 : memref<1x100000x64xf32, #tpu.memory_space<hbm>> -> memref<100000x64xf32, #tpu.memory_space<hbm>>
    %dma_wait3A_1000 = arith.constant 0 : i32
    %dma_wait3A_1001 = arith.constant 0 : i32
    %dma_wait3A_1002 = tpu.memref_slice %dma_wait3A_999[%dma_wait3A_1000, %dma_wait3A_1001] : memref<100000x64xf32, #tpu.memory_space<hbm>> -> memref<100000x64xf32, #tpu.memory_space<hbm>>
    tpu.wait_indirect_dma semaphore(%arg15 : memref<!tpu.dma_semaphore, #tpu.memory_space<semaphore_mem>>) src(%arg9 : memref<128x64xf32, #tpu.memory_space<vmem>>) dst(%dma_wait3A_1002 : memref<100000x64xf32, #tpu.memory_space<hbm>>)
    %add3A_1003 = arith.constant 1536 : i32
    %add3A_1004 = arith.addi %mul3A_2, %add3A_1003 : i32
    %dma_start3A_1005 = tpu.memref_slice %arg5[%add3A_1004] : memref<81920xi32, #tpu.memory_space<hbm>> -> memref<128xi32, #tpu.memory_space<hbm>>
    %dma_start3A_1006 = tpu.memref_slice %arg5[%add3A_1004] : memref<81920xi32, #tpu.memory_space<hbm>> -> memref<128xi32, #tpu.memory_space<hbm>>
    tpu.enqueue_dma source(%dma_start3A_1006 : memref<128xi32, #tpu.memory_space<hbm>>) target(%arg7 : memref<128xi32, #tpu.memory_space<vmem>>) target_semaphore(%arg11 : memref<!tpu.dma_semaphore, #tpu.memory_space<semaphore_mem>>)
    %add3A_1007 = arith.constant 1536 : i32
    %add3A_1008 = arith.addi %mul3A_2, %add3A_1007 : i32
    %dma_start3A_1009 = arith.constant 0 : i32
    %dma_start3A_1010 = tpu.memref_slice %arg4[%add3A_1008, %dma_start3A_1009] : memref<81920x64xf32, #tpu.memory_space<hbm>> -> memref<128x64xf32, #tpu.memory_space<hbm>>
    %dma_start3A_1011 = arith.constant 0 : i32
    %dma_start3A_1012 = tpu.memref_slice %arg4[%add3A_1008, %dma_start3A_1011] : memref<81920x64xf32, #tpu.memory_space<hbm>> -> memref<128x64xf32, #tpu.memory_space<hbm>>
    tpu.enqueue_dma source(%dma_start3A_1012 : memref<128x64xf32, #tpu.memory_space<hbm>>) target(%arg9 : memref<128x64xf32, #tpu.memory_space<vmem>>) target_semaphore(%arg13 : memref<!tpu.dma_semaphore, #tpu.memory_space<semaphore_mem>>)
    %dma_wait3A_1013 = tpu.memref_slice %arg5[%add3A_972] : memref<81920xi32, #tpu.memory_space<hbm>> -> memref<128xi32, #tpu.memory_space<hbm>>
    %dma_wait3A_1014 = tpu.memref_slice %arg5[%add3A_972] : memref<81920xi32, #tpu.memory_space<hbm>> -> memref<128xi32, #tpu.memory_space<hbm>>
    tpu.wait_dma2 semaphore(%arg12 : memref<!tpu.dma_semaphore, #tpu.memory_space<semaphore_mem>>) src(%dma_wait3A_1014 : memref<128xi32, #tpu.memory_space<hbm>>) dst(%arg8 : memref<128xi32, #tpu.memory_space<vmem>>)
    %dma_wait3A_1015 = arith.constant 0 : i32
    %dma_wait3A_1016 = tpu.memref_slice %arg4[%add3A_976, %dma_wait3A_1015] : memref<81920x64xf32, #tpu.memory_space<hbm>> -> memref<128x64xf32, #tpu.memory_space<hbm>>
    %dma_wait3A_1017 = arith.constant 0 : i32
    %dma_wait3A_1018 = tpu.memref_slice %arg4[%add3A_976, %dma_wait3A_1017] : memref<81920x64xf32, #tpu.memory_space<hbm>> -> memref<128x64xf32, #tpu.memory_space<hbm>>
    tpu.wait_dma2 semaphore(%arg14 : memref<!tpu.dma_semaphore, #tpu.memory_space<semaphore_mem>>) src(%dma_wait3A_1018 : memref<128x64xf32, #tpu.memory_space<hbm>>) dst(%arg10 : memref<128x64xf32, #tpu.memory_space<vmem>>)
    %dma_start3A_1019 = arith.constant 1 : i32
    %dma_start3A_1020 = arith.constant 0 : i32
    %dma_start3A_1021 = arith.constant 0 : i32
    %dma_start3A_1022 = tpu.memref_slice %arg2[%dma_start3A_1019, %dma_start3A_1020, %dma_start3A_1021] : memref<2x100000x64xf32, #tpu.memory_space<hbm>> -> memref<1x100000x64xf32, #tpu.memory_space<hbm>>
    %dma_start3A_1023 = tpu.memref_squeeze %dma_start3A_1022 : memref<1x100000x64xf32, #tpu.memory_space<hbm>> -> memref<100000x64xf32, #tpu.memory_space<hbm>>
    %dma_start3A_1024 = arith.constant 0 : i32
    %dma_start3A_1025 = arith.constant 0 : i32
    %dma_start3A_1026 = tpu.memref_slice %dma_start3A_1023[%dma_start3A_1024, %dma_start3A_1025] : memref<100000x64xf32, #tpu.memory_space<hbm>> -> memref<100000x64xf32, #tpu.memory_space<hbm>>
    tpu.enqueue_indirect_dma source(%arg10 : memref<128x64xf32, #tpu.memory_space<vmem>>) target(%dma_start3A_1026 : memref<100000x64xf32, #tpu.memory_space<hbm>>) offsets(%arg8 : memref<128xi32, #tpu.memory_space<vmem>>) semaphore(%arg16 : memref<!tpu.dma_semaphore, #tpu.memory_space<semaphore_mem>>)
    %dma_wait3A_1027 = arith.constant 1 : i32
    %dma_wait3A_1028 = arith.constant 0 : i32
    %dma_wait3A_1029 = arith.constant 0 : i32
    %dma_wait3A_1030 = tpu.memref_slice %arg2[%dma_wait3A_1027, %dma_wait3A_1028, %dma_wait3A_1029] : memref<2x100000x64xf32, #tpu.memory_space<hbm>> -> memref<1x100000x64xf32, #tpu.memory_space<hbm>>
    %dma_wait3A_1031 = tpu.memref_squeeze %dma_wait3A_1030 : memref<1x100000x64xf32, #tpu.memory_space<hbm>> -> memref<100000x64xf32, #tpu.memory_space<hbm>>
    %dma_wait3A_1032 = arith.constant 0 : i32
    %dma_wait3A_1033 = arith.constant 0 : i32
    %dma_wait3A_1034 = tpu.memref_slice %dma_wait3A_1031[%dma_wait3A_1032, %dma_wait3A_1033] : memref<100000x64xf32, #tpu.memory_space<hbm>> -> memref<100000x64xf32, #tpu.memory_space<hbm>>
    tpu.wait_indirect_dma semaphore(%arg16 : memref<!tpu.dma_semaphore, #tpu.memory_space<semaphore_mem>>) src(%arg10 : memref<128x64xf32, #tpu.memory_space<vmem>>) dst(%dma_wait3A_1034 : memref<100000x64xf32, #tpu.memory_space<hbm>>)
    %add3A_1035 = arith.constant 1664 : i32
    %add3A_1036 = arith.addi %mul3A_2, %add3A_1035 : i32
    %dma_start3A_1037 = tpu.memref_slice %arg5[%add3A_1036] : memref<81920xi32, #tpu.memory_space<hbm>> -> memref<128xi32, #tpu.memory_space<hbm>>
    %dma_start3A_1038 = tpu.memref_slice %arg5[%add3A_1036] : memref<81920xi32, #tpu.memory_space<hbm>> -> memref<128xi32, #tpu.memory_space<hbm>>
    tpu.enqueue_dma source(%dma_start3A_1038 : memref<128xi32, #tpu.memory_space<hbm>>) target(%arg8 : memref<128xi32, #tpu.memory_space<vmem>>) target_semaphore(%arg12 : memref<!tpu.dma_semaphore, #tpu.memory_space<semaphore_mem>>)
    %add3A_1039 = arith.constant 1664 : i32
    %add3A_1040 = arith.addi %mul3A_2, %add3A_1039 : i32
    %dma_start3A_1041 = arith.constant 0 : i32
    %dma_start3A_1042 = tpu.memref_slice %arg4[%add3A_1040, %dma_start3A_1041] : memref<81920x64xf32, #tpu.memory_space<hbm>> -> memref<128x64xf32, #tpu.memory_space<hbm>>
    %dma_start3A_1043 = arith.constant 0 : i32
    %dma_start3A_1044 = tpu.memref_slice %arg4[%add3A_1040, %dma_start3A_1043] : memref<81920x64xf32, #tpu.memory_space<hbm>> -> memref<128x64xf32, #tpu.memory_space<hbm>>
    tpu.enqueue_dma source(%dma_start3A_1044 : memref<128x64xf32, #tpu.memory_space<hbm>>) target(%arg10 : memref<128x64xf32, #tpu.memory_space<vmem>>) target_semaphore(%arg14 : memref<!tpu.dma_semaphore, #tpu.memory_space<semaphore_mem>>)
    %dma_wait3A_1045 = tpu.memref_slice %arg5[%add3A_1004] : memref<81920xi32, #tpu.memory_space<hbm>> -> memref<128xi32, #tpu.memory_space<hbm>>
    %dma_wait3A_1046 = tpu.memref_slice %arg5[%add3A_1004] : memref<81920xi32, #tpu.memory_space<hbm>> -> memref<128xi32, #tpu.memory_space<hbm>>
    tpu.wait_dma2 semaphore(%arg11 : memref<!tpu.dma_semaphore, #tpu.memory_space<semaphore_mem>>) src(%dma_wait3A_1046 : memref<128xi32, #tpu.memory_space<hbm>>) dst(%arg7 : memref<128xi32, #tpu.memory_space<vmem>>)
    %dma_wait3A_1047 = arith.constant 0 : i32
    %dma_wait3A_1048 = tpu.memref_slice %arg4[%add3A_1008, %dma_wait3A_1047] : memref<81920x64xf32, #tpu.memory_space<hbm>> -> memref<128x64xf32, #tpu.memory_space<hbm>>
    %dma_wait3A_1049 = arith.constant 0 : i32
    %dma_wait3A_1050 = tpu.memref_slice %arg4[%add3A_1008, %dma_wait3A_1049] : memref<81920x64xf32, #tpu.memory_space<hbm>> -> memref<128x64xf32, #tpu.memory_space<hbm>>
    tpu.wait_dma2 semaphore(%arg13 : memref<!tpu.dma_semaphore, #tpu.memory_space<semaphore_mem>>) src(%dma_wait3A_1050 : memref<128x64xf32, #tpu.memory_space<hbm>>) dst(%arg9 : memref<128x64xf32, #tpu.memory_space<vmem>>)
    %dma_start3A_1051 = arith.constant 1 : i32
    %dma_start3A_1052 = arith.constant 0 : i32
    %dma_start3A_1053 = arith.constant 0 : i32
    %dma_start3A_1054 = tpu.memref_slice %arg2[%dma_start3A_1051, %dma_start3A_1052, %dma_start3A_1053] : memref<2x100000x64xf32, #tpu.memory_space<hbm>> -> memref<1x100000x64xf32, #tpu.memory_space<hbm>>
    %dma_start3A_1055 = tpu.memref_squeeze %dma_start3A_1054 : memref<1x100000x64xf32, #tpu.memory_space<hbm>> -> memref<100000x64xf32, #tpu.memory_space<hbm>>
    %dma_start3A_1056 = arith.constant 0 : i32
    %dma_start3A_1057 = arith.constant 0 : i32
    %dma_start3A_1058 = tpu.memref_slice %dma_start3A_1055[%dma_start3A_1056, %dma_start3A_1057] : memref<100000x64xf32, #tpu.memory_space<hbm>> -> memref<100000x64xf32, #tpu.memory_space<hbm>>
    tpu.enqueue_indirect_dma source(%arg9 : memref<128x64xf32, #tpu.memory_space<vmem>>) target(%dma_start3A_1058 : memref<100000x64xf32, #tpu.memory_space<hbm>>) offsets(%arg7 : memref<128xi32, #tpu.memory_space<vmem>>) semaphore(%arg15 : memref<!tpu.dma_semaphore, #tpu.memory_space<semaphore_mem>>)
    %dma_wait3A_1059 = arith.constant 1 : i32
    %dma_wait3A_1060 = arith.constant 0 : i32
    %dma_wait3A_1061 = arith.constant 0 : i32
    %dma_wait3A_1062 = tpu.memref_slice %arg2[%dma_wait3A_1059, %dma_wait3A_1060, %dma_wait3A_1061] : memref<2x100000x64xf32, #tpu.memory_space<hbm>> -> memref<1x100000x64xf32, #tpu.memory_space<hbm>>
    %dma_wait3A_1063 = tpu.memref_squeeze %dma_wait3A_1062 : memref<1x100000x64xf32, #tpu.memory_space<hbm>> -> memref<100000x64xf32, #tpu.memory_space<hbm>>
    %dma_wait3A_1064 = arith.constant 0 : i32
    %dma_wait3A_1065 = arith.constant 0 : i32
    %dma_wait3A_1066 = tpu.memref_slice %dma_wait3A_1063[%dma_wait3A_1064, %dma_wait3A_1065] : memref<100000x64xf32, #tpu.memory_space<hbm>> -> memref<100000x64xf32, #tpu.memory_space<hbm>>
    tpu.wait_indirect_dma semaphore(%arg15 : memref<!tpu.dma_semaphore, #tpu.memory_space<semaphore_mem>>) src(%arg9 : memref<128x64xf32, #tpu.memory_space<vmem>>) dst(%dma_wait3A_1066 : memref<100000x64xf32, #tpu.memory_space<hbm>>)
    %add3A_1067 = arith.constant 1792 : i32
    %add3A_1068 = arith.addi %mul3A_2, %add3A_1067 : i32
    %dma_start3A_1069 = tpu.memref_slice %arg5[%add3A_1068] : memref<81920xi32, #tpu.memory_space<hbm>> -> memref<128xi32, #tpu.memory_space<hbm>>
    %dma_start3A_1070 = tpu.memref_slice %arg5[%add3A_1068] : memref<81920xi32, #tpu.memory_space<hbm>> -> memref<128xi32, #tpu.memory_space<hbm>>
    tpu.enqueue_dma source(%dma_start3A_1070 : memref<128xi32, #tpu.memory_space<hbm>>) target(%arg7 : memref<128xi32, #tpu.memory_space<vmem>>) target_semaphore(%arg11 : memref<!tpu.dma_semaphore, #tpu.memory_space<semaphore_mem>>)
    %add3A_1071 = arith.constant 1792 : i32
    %add3A_1072 = arith.addi %mul3A_2, %add3A_1071 : i32
    %dma_start3A_1073 = arith.constant 0 : i32
    %dma_start3A_1074 = tpu.memref_slice %arg4[%add3A_1072, %dma_start3A_1073] : memref<81920x64xf32, #tpu.memory_space<hbm>> -> memref<128x64xf32, #tpu.memory_space<hbm>>
    %dma_start3A_1075 = arith.constant 0 : i32
    %dma_start3A_1076 = tpu.memref_slice %arg4[%add3A_1072, %dma_start3A_1075] : memref<81920x64xf32, #tpu.memory_space<hbm>> -> memref<128x64xf32, #tpu.memory_space<hbm>>
    tpu.enqueue_dma source(%dma_start3A_1076 : memref<128x64xf32, #tpu.memory_space<hbm>>) target(%arg9 : memref<128x64xf32, #tpu.memory_space<vmem>>) target_semaphore(%arg13 : memref<!tpu.dma_semaphore, #tpu.memory_space<semaphore_mem>>)
    %dma_wait3A_1077 = tpu.memref_slice %arg5[%add3A_1036] : memref<81920xi32, #tpu.memory_space<hbm>> -> memref<128xi32, #tpu.memory_space<hbm>>
    %dma_wait3A_1078 = tpu.memref_slice %arg5[%add3A_1036] : memref<81920xi32, #tpu.memory_space<hbm>> -> memref<128xi32, #tpu.memory_space<hbm>>
    tpu.wait_dma2 semaphore(%arg12 : memref<!tpu.dma_semaphore, #tpu.memory_space<semaphore_mem>>) src(%dma_wait3A_1078 : memref<128xi32, #tpu.memory_space<hbm>>) dst(%arg8 : memref<128xi32, #tpu.memory_space<vmem>>)
    %dma_wait3A_1079 = arith.constant 0 : i32
    %dma_wait3A_1080 = tpu.memref_slice %arg4[%add3A_1040, %dma_wait3A_1079] : memref<81920x64xf32, #tpu.memory_space<hbm>> -> memref<128x64xf32, #tpu.memory_space<hbm>>
    %dma_wait3A_1081 = arith.constant 0 : i32
    %dma_wait3A_1082 = tpu.memref_slice %arg4[%add3A_1040, %dma_wait3A_1081] : memref<81920x64xf32, #tpu.memory_space<hbm>> -> memref<128x64xf32, #tpu.memory_space<hbm>>
    tpu.wait_dma2 semaphore(%arg14 : memref<!tpu.dma_semaphore, #tpu.memory_space<semaphore_mem>>) src(%dma_wait3A_1082 : memref<128x64xf32, #tpu.memory_space<hbm>>) dst(%arg10 : memref<128x64xf32, #tpu.memory_space<vmem>>)
    %dma_start3A_1083 = arith.constant 1 : i32
    %dma_start3A_1084 = arith.constant 0 : i32
    %dma_start3A_1085 = arith.constant 0 : i32
    %dma_start3A_1086 = tpu.memref_slice %arg2[%dma_start3A_1083, %dma_start3A_1084, %dma_start3A_1085] : memref<2x100000x64xf32, #tpu.memory_space<hbm>> -> memref<1x100000x64xf32, #tpu.memory_space<hbm>>
    %dma_start3A_1087 = tpu.memref_squeeze %dma_start3A_1086 : memref<1x100000x64xf32, #tpu.memory_space<hbm>> -> memref<100000x64xf32, #tpu.memory_space<hbm>>
    %dma_start3A_1088 = arith.constant 0 : i32
    %dma_start3A_1089 = arith.constant 0 : i32
    %dma_start3A_1090 = tpu.memref_slice %dma_start3A_1087[%dma_start3A_1088, %dma_start3A_1089] : memref<100000x64xf32, #tpu.memory_space<hbm>> -> memref<100000x64xf32, #tpu.memory_space<hbm>>
    tpu.enqueue_indirect_dma source(%arg10 : memref<128x64xf32, #tpu.memory_space<vmem>>) target(%dma_start3A_1090 : memref<100000x64xf32, #tpu.memory_space<hbm>>) offsets(%arg8 : memref<128xi32, #tpu.memory_space<vmem>>) semaphore(%arg16 : memref<!tpu.dma_semaphore, #tpu.memory_space<semaphore_mem>>)
    %dma_wait3A_1091 = arith.constant 1 : i32
    %dma_wait3A_1092 = arith.constant 0 : i32
    %dma_wait3A_1093 = arith.constant 0 : i32
    %dma_wait3A_1094 = tpu.memref_slice %arg2[%dma_wait3A_1091, %dma_wait3A_1092, %dma_wait3A_1093] : memref<2x100000x64xf32, #tpu.memory_space<hbm>> -> memref<1x100000x64xf32, #tpu.memory_space<hbm>>
    %dma_wait3A_1095 = tpu.memref_squeeze %dma_wait3A_1094 : memref<1x100000x64xf32, #tpu.memory_space<hbm>> -> memref<100000x64xf32, #tpu.memory_space<hbm>>
    %dma_wait3A_1096 = arith.constant 0 : i32
    %dma_wait3A_1097 = arith.constant 0 : i32
    %dma_wait3A_1098 = tpu.memref_slice %dma_wait3A_1095[%dma_wait3A_1096, %dma_wait3A_1097] : memref<100000x64xf32, #tpu.memory_space<hbm>> -> memref<100000x64xf32, #tpu.memory_space<hbm>>
    tpu.wait_indirect_dma semaphore(%arg16 : memref<!tpu.dma_semaphore, #tpu.memory_space<semaphore_mem>>) src(%arg10 : memref<128x64xf32, #tpu.memory_space<vmem>>) dst(%dma_wait3A_1098 : memref<100000x64xf32, #tpu.memory_space<hbm>>)
    %add3A_1099 = arith.constant 1920 : i32
    %add3A_1100 = arith.addi %mul3A_2, %add3A_1099 : i32
    %dma_start3A_1101 = tpu.memref_slice %arg5[%add3A_1100] : memref<81920xi32, #tpu.memory_space<hbm>> -> memref<128xi32, #tpu.memory_space<hbm>>
    %dma_start3A_1102 = tpu.memref_slice %arg5[%add3A_1100] : memref<81920xi32, #tpu.memory_space<hbm>> -> memref<128xi32, #tpu.memory_space<hbm>>
    tpu.enqueue_dma source(%dma_start3A_1102 : memref<128xi32, #tpu.memory_space<hbm>>) target(%arg8 : memref<128xi32, #tpu.memory_space<vmem>>) target_semaphore(%arg12 : memref<!tpu.dma_semaphore, #tpu.memory_space<semaphore_mem>>)
    %add3A_1103 = arith.constant 1920 : i32
    %add3A_1104 = arith.addi %mul3A_2, %add3A_1103 : i32
    %dma_start3A_1105 = arith.constant 0 : i32
    %dma_start3A_1106 = tpu.memref_slice %arg4[%add3A_1104, %dma_start3A_1105] : memref<81920x64xf32, #tpu.memory_space<hbm>> -> memref<128x64xf32, #tpu.memory_space<hbm>>
    %dma_start3A_1107 = arith.constant 0 : i32
    %dma_start3A_1108 = tpu.memref_slice %arg4[%add3A_1104, %dma_start3A_1107] : memref<81920x64xf32, #tpu.memory_space<hbm>> -> memref<128x64xf32, #tpu.memory_space<hbm>>
    tpu.enqueue_dma source(%dma_start3A_1108 : memref<128x64xf32, #tpu.memory_space<hbm>>) target(%arg10 : memref<128x64xf32, #tpu.memory_space<vmem>>) target_semaphore(%arg14 : memref<!tpu.dma_semaphore, #tpu.memory_space<semaphore_mem>>)
    %dma_wait3A_1109 = tpu.memref_slice %arg5[%add3A_1068] : memref<81920xi32, #tpu.memory_space<hbm>> -> memref<128xi32, #tpu.memory_space<hbm>>
    %dma_wait3A_1110 = tpu.memref_slice %arg5[%add3A_1068] : memref<81920xi32, #tpu.memory_space<hbm>> -> memref<128xi32, #tpu.memory_space<hbm>>
    tpu.wait_dma2 semaphore(%arg11 : memref<!tpu.dma_semaphore, #tpu.memory_space<semaphore_mem>>) src(%dma_wait3A_1110 : memref<128xi32, #tpu.memory_space<hbm>>) dst(%arg7 : memref<128xi32, #tpu.memory_space<vmem>>)
    %dma_wait3A_1111 = arith.constant 0 : i32
    %dma_wait3A_1112 = tpu.memref_slice %arg4[%add3A_1072, %dma_wait3A_1111] : memref<81920x64xf32, #tpu.memory_space<hbm>> -> memref<128x64xf32, #tpu.memory_space<hbm>>
    %dma_wait3A_1113 = arith.constant 0 : i32
    %dma_wait3A_1114 = tpu.memref_slice %arg4[%add3A_1072, %dma_wait3A_1113] : memref<81920x64xf32, #tpu.memory_space<hbm>> -> memref<128x64xf32, #tpu.memory_space<hbm>>
    tpu.wait_dma2 semaphore(%arg13 : memref<!tpu.dma_semaphore, #tpu.memory_space<semaphore_mem>>) src(%dma_wait3A_1114 : memref<128x64xf32, #tpu.memory_space<hbm>>) dst(%arg9 : memref<128x64xf32, #tpu.memory_space<vmem>>)
    %dma_start3A_1115 = arith.constant 1 : i32
    %dma_start3A_1116 = arith.constant 0 : i32
    %dma_start3A_1117 = arith.constant 0 : i32
    %dma_start3A_1118 = tpu.memref_slice %arg2[%dma_start3A_1115, %dma_start3A_1116, %dma_start3A_1117] : memref<2x100000x64xf32, #tpu.memory_space<hbm>> -> memref<1x100000x64xf32, #tpu.memory_space<hbm>>
    %dma_start3A_1119 = tpu.memref_squeeze %dma_start3A_1118 : memref<1x100000x64xf32, #tpu.memory_space<hbm>> -> memref<100000x64xf32, #tpu.memory_space<hbm>>
    %dma_start3A_1120 = arith.constant 0 : i32
    %dma_start3A_1121 = arith.constant 0 : i32
    %dma_start3A_1122 = tpu.memref_slice %dma_start3A_1119[%dma_start3A_1120, %dma_start3A_1121] : memref<100000x64xf32, #tpu.memory_space<hbm>> -> memref<100000x64xf32, #tpu.memory_space<hbm>>
    tpu.enqueue_indirect_dma source(%arg9 : memref<128x64xf32, #tpu.memory_space<vmem>>) target(%dma_start3A_1122 : memref<100000x64xf32, #tpu.memory_space<hbm>>) offsets(%arg7 : memref<128xi32, #tpu.memory_space<vmem>>) semaphore(%arg15 : memref<!tpu.dma_semaphore, #tpu.memory_space<semaphore_mem>>)
    %dma_wait3A_1123 = arith.constant 1 : i32
    %dma_wait3A_1124 = arith.constant 0 : i32
    %dma_wait3A_1125 = arith.constant 0 : i32
    %dma_wait3A_1126 = tpu.memref_slice %arg2[%dma_wait3A_1123, %dma_wait3A_1124, %dma_wait3A_1125] : memref<2x100000x64xf32, #tpu.memory_space<hbm>> -> memref<1x100000x64xf32, #tpu.memory_space<hbm>>
    %dma_wait3A_1127 = tpu.memref_squeeze %dma_wait3A_1126 : memref<1x100000x64xf32, #tpu.memory_space<hbm>> -> memref<100000x64xf32, #tpu.memory_space<hbm>>
    %dma_wait3A_1128 = arith.constant 0 : i32
    %dma_wait3A_1129 = arith.constant 0 : i32
    %dma_wait3A_1130 = tpu.memref_slice %dma_wait3A_1127[%dma_wait3A_1128, %dma_wait3A_1129] : memref<100000x64xf32, #tpu.memory_space<hbm>> -> memref<100000x64xf32, #tpu.memory_space<hbm>>
    tpu.wait_indirect_dma semaphore(%arg15 : memref<!tpu.dma_semaphore, #tpu.memory_space<semaphore_mem>>) src(%arg9 : memref<128x64xf32, #tpu.memory_space<vmem>>) dst(%dma_wait3A_1130 : memref<100000x64xf32, #tpu.memory_space<hbm>>)
    %add3A_1131 = arith.constant 2048 : i32
    %add3A_1132 = arith.addi %mul3A_2, %add3A_1131 : i32
    %dma_start3A_1133 = tpu.memref_slice %arg5[%add3A_1132] : memref<81920xi32, #tpu.memory_space<hbm>> -> memref<128xi32, #tpu.memory_space<hbm>>
    %dma_start3A_1134 = tpu.memref_slice %arg5[%add3A_1132] : memref<81920xi32, #tpu.memory_space<hbm>> -> memref<128xi32, #tpu.memory_space<hbm>>
    tpu.enqueue_dma source(%dma_start3A_1134 : memref<128xi32, #tpu.memory_space<hbm>>) target(%arg7 : memref<128xi32, #tpu.memory_space<vmem>>) target_semaphore(%arg11 : memref<!tpu.dma_semaphore, #tpu.memory_space<semaphore_mem>>)
    %add3A_1135 = arith.constant 2048 : i32
    %add3A_1136 = arith.addi %mul3A_2, %add3A_1135 : i32
    %dma_start3A_1137 = arith.constant 0 : i32
    %dma_start3A_1138 = tpu.memref_slice %arg4[%add3A_1136, %dma_start3A_1137] : memref<81920x64xf32, #tpu.memory_space<hbm>> -> memref<128x64xf32, #tpu.memory_space<hbm>>
    %dma_start3A_1139 = arith.constant 0 : i32
    %dma_start3A_1140 = tpu.memref_slice %arg4[%add3A_1136, %dma_start3A_1139] : memref<81920x64xf32, #tpu.memory_space<hbm>> -> memref<128x64xf32, #tpu.memory_space<hbm>>
    tpu.enqueue_dma source(%dma_start3A_1140 : memref<128x64xf32, #tpu.memory_space<hbm>>) target(%arg9 : memref<128x64xf32, #tpu.memory_space<vmem>>) target_semaphore(%arg13 : memref<!tpu.dma_semaphore, #tpu.memory_space<semaphore_mem>>)
    %dma_wait3A_1141 = tpu.memref_slice %arg5[%add3A_1100] : memref<81920xi32, #tpu.memory_space<hbm>> -> memref<128xi32, #tpu.memory_space<hbm>>
    %dma_wait3A_1142 = tpu.memref_slice %arg5[%add3A_1100] : memref<81920xi32, #tpu.memory_space<hbm>> -> memref<128xi32, #tpu.memory_space<hbm>>
    tpu.wait_dma2 semaphore(%arg12 : memref<!tpu.dma_semaphore, #tpu.memory_space<semaphore_mem>>) src(%dma_wait3A_1142 : memref<128xi32, #tpu.memory_space<hbm>>) dst(%arg8 : memref<128xi32, #tpu.memory_space<vmem>>)
    %dma_wait3A_1143 = arith.constant 0 : i32
    %dma_wait3A_1144 = tpu.memref_slice %arg4[%add3A_1104, %dma_wait3A_1143] : memref<81920x64xf32, #tpu.memory_space<hbm>> -> memref<128x64xf32, #tpu.memory_space<hbm>>
    %dma_wait3A_1145 = arith.constant 0 : i32
    %dma_wait3A_1146 = tpu.memref_slice %arg4[%add3A_1104, %dma_wait3A_1145] : memref<81920x64xf32, #tpu.memory_space<hbm>> -> memref<128x64xf32, #tpu.memory_space<hbm>>
    tpu.wait_dma2 semaphore(%arg14 : memref<!tpu.dma_semaphore, #tpu.memory_space<semaphore_mem>>) src(%dma_wait3A_1146 : memref<128x64xf32, #tpu.memory_space<hbm>>) dst(%arg10 : memref<128x64xf32, #tpu.memory_space<vmem>>)
    %dma_start3A_1147 = arith.constant 1 : i32
    %dma_start3A_1148 = arith.constant 0 : i32
    %dma_start3A_1149 = arith.constant 0 : i32
    %dma_start3A_1150 = tpu.memref_slice %arg2[%dma_start3A_1147, %dma_start3A_1148, %dma_start3A_1149] : memref<2x100000x64xf32, #tpu.memory_space<hbm>> -> memref<1x100000x64xf32, #tpu.memory_space<hbm>>
    %dma_start3A_1151 = tpu.memref_squeeze %dma_start3A_1150 : memref<1x100000x64xf32, #tpu.memory_space<hbm>> -> memref<100000x64xf32, #tpu.memory_space<hbm>>
    %dma_start3A_1152 = arith.constant 0 : i32
    %dma_start3A_1153 = arith.constant 0 : i32
    %dma_start3A_1154 = tpu.memref_slice %dma_start3A_1151[%dma_start3A_1152, %dma_start3A_1153] : memref<100000x64xf32, #tpu.memory_space<hbm>> -> memref<100000x64xf32, #tpu.memory_space<hbm>>
    tpu.enqueue_indirect_dma source(%arg10 : memref<128x64xf32, #tpu.memory_space<vmem>>) target(%dma_start3A_1154 : memref<100000x64xf32, #tpu.memory_space<hbm>>) offsets(%arg8 : memref<128xi32, #tpu.memory_space<vmem>>) semaphore(%arg16 : memref<!tpu.dma_semaphore, #tpu.memory_space<semaphore_mem>>)
    %dma_wait3A_1155 = arith.constant 1 : i32
    %dma_wait3A_1156 = arith.constant 0 : i32
    %dma_wait3A_1157 = arith.constant 0 : i32
    %dma_wait3A_1158 = tpu.memref_slice %arg2[%dma_wait3A_1155, %dma_wait3A_1156, %dma_wait3A_1157] : memref<2x100000x64xf32, #tpu.memory_space<hbm>> -> memref<1x100000x64xf32, #tpu.memory_space<hbm>>
    %dma_wait3A_1159 = tpu.memref_squeeze %dma_wait3A_1158 : memref<1x100000x64xf32, #tpu.memory_space<hbm>> -> memref<100000x64xf32, #tpu.memory_space<hbm>>
    %dma_wait3A_1160 = arith.constant 0 : i32
    %dma_wait3A_1161 = arith.constant 0 : i32
    %dma_wait3A_1162 = tpu.memref_slice %dma_wait3A_1159[%dma_wait3A_1160, %dma_wait3A_1161] : memref<100000x64xf32, #tpu.memory_space<hbm>> -> memref<100000x64xf32, #tpu.memory_space<hbm>>
    tpu.wait_indirect_dma semaphore(%arg16 : memref<!tpu.dma_semaphore, #tpu.memory_space<semaphore_mem>>) src(%arg10 : memref<128x64xf32, #tpu.memory_space<vmem>>) dst(%dma_wait3A_1162 : memref<100000x64xf32, #tpu.memory_space<hbm>>)
    %add3A_1163 = arith.constant 2176 : i32
    %add3A_1164 = arith.addi %mul3A_2, %add3A_1163 : i32
    %dma_start3A_1165 = tpu.memref_slice %arg5[%add3A_1164] : memref<81920xi32, #tpu.memory_space<hbm>> -> memref<128xi32, #tpu.memory_space<hbm>>
    %dma_start3A_1166 = tpu.memref_slice %arg5[%add3A_1164] : memref<81920xi32, #tpu.memory_space<hbm>> -> memref<128xi32, #tpu.memory_space<hbm>>
    tpu.enqueue_dma source(%dma_start3A_1166 : memref<128xi32, #tpu.memory_space<hbm>>) target(%arg8 : memref<128xi32, #tpu.memory_space<vmem>>) target_semaphore(%arg12 : memref<!tpu.dma_semaphore, #tpu.memory_space<semaphore_mem>>)
    %add3A_1167 = arith.constant 2176 : i32
    %add3A_1168 = arith.addi %mul3A_2, %add3A_1167 : i32
    %dma_start3A_1169 = arith.constant 0 : i32
    %dma_start3A_1170 = tpu.memref_slice %arg4[%add3A_1168, %dma_start3A_1169] : memref<81920x64xf32, #tpu.memory_space<hbm>> -> memref<128x64xf32, #tpu.memory_space<hbm>>
    %dma_start3A_1171 = arith.constant 0 : i32
    %dma_start3A_1172 = tpu.memref_slice %arg4[%add3A_1168, %dma_start3A_1171] : memref<81920x64xf32, #tpu.memory_space<hbm>> -> memref<128x64xf32, #tpu.memory_space<hbm>>
    tpu.enqueue_dma source(%dma_start3A_1172 : memref<128x64xf32, #tpu.memory_space<hbm>>) target(%arg10 : memref<128x64xf32, #tpu.memory_space<vmem>>) target_semaphore(%arg14 : memref<!tpu.dma_semaphore, #tpu.memory_space<semaphore_mem>>)
    %dma_wait3A_1173 = tpu.memref_slice %arg5[%add3A_1132] : memref<81920xi32, #tpu.memory_space<hbm>> -> memref<128xi32, #tpu.memory_space<hbm>>
    %dma_wait3A_1174 = tpu.memref_slice %arg5[%add3A_1132] : memref<81920xi32, #tpu.memory_space<hbm>> -> memref<128xi32, #tpu.memory_space<hbm>>
    tpu.wait_dma2 semaphore(%arg11 : memref<!tpu.dma_semaphore, #tpu.memory_space<semaphore_mem>>) src(%dma_wait3A_1174 : memref<128xi32, #tpu.memory_space<hbm>>) dst(%arg7 : memref<128xi32, #tpu.memory_space<vmem>>)
    %dma_wait3A_1175 = arith.constant 0 : i32
    %dma_wait3A_1176 = tpu.memref_slice %arg4[%add3A_1136, %dma_wait3A_1175] : memref<81920x64xf32, #tpu.memory_space<hbm>> -> memref<128x64xf32, #tpu.memory_space<hbm>>
    %dma_wait3A_1177 = arith.constant 0 : i32
    %dma_wait3A_1178 = tpu.memref_slice %arg4[%add3A_1136, %dma_wait3A_1177] : memref<81920x64xf32, #tpu.memory_space<hbm>> -> memref<128x64xf32, #tpu.memory_space<hbm>>
    tpu.wait_dma2 semaphore(%arg13 : memref<!tpu.dma_semaphore, #tpu.memory_space<semaphore_mem>>) src(%dma_wait3A_1178 : memref<128x64xf32, #tpu.memory_space<hbm>>) dst(%arg9 : memref<128x64xf32, #tpu.memory_space<vmem>>)
    %dma_start3A_1179 = arith.constant 1 : i32
    %dma_start3A_1180 = arith.constant 0 : i32
    %dma_start3A_1181 = arith.constant 0 : i32
    %dma_start3A_1182 = tpu.memref_slice %arg2[%dma_start3A_1179, %dma_start3A_1180, %dma_start3A_1181] : memref<2x100000x64xf32, #tpu.memory_space<hbm>> -> memref<1x100000x64xf32, #tpu.memory_space<hbm>>
    %dma_start3A_1183 = tpu.memref_squeeze %dma_start3A_1182 : memref<1x100000x64xf32, #tpu.memory_space<hbm>> -> memref<100000x64xf32, #tpu.memory_space<hbm>>
    %dma_start3A_1184 = arith.constant 0 : i32
    %dma_start3A_1185 = arith.constant 0 : i32
    %dma_start3A_1186 = tpu.memref_slice %dma_start3A_1183[%dma_start3A_1184, %dma_start3A_1185] : memref<100000x64xf32, #tpu.memory_space<hbm>> -> memref<100000x64xf32, #tpu.memory_space<hbm>>
    tpu.enqueue_indirect_dma source(%arg9 : memref<128x64xf32, #tpu.memory_space<vmem>>) target(%dma_start3A_1186 : memref<100000x64xf32, #tpu.memory_space<hbm>>) offsets(%arg7 : memref<128xi32, #tpu.memory_space<vmem>>) semaphore(%arg15 : memref<!tpu.dma_semaphore, #tpu.memory_space<semaphore_mem>>)
    %dma_wait3A_1187 = arith.constant 1 : i32
    %dma_wait3A_1188 = arith.constant 0 : i32
    %dma_wait3A_1189 = arith.constant 0 : i32
    %dma_wait3A_1190 = tpu.memref_slice %arg2[%dma_wait3A_1187, %dma_wait3A_1188, %dma_wait3A_1189] : memref<2x100000x64xf32, #tpu.memory_space<hbm>> -> memref<1x100000x64xf32, #tpu.memory_space<hbm>>
    %dma_wait3A_1191 = tpu.memref_squeeze %dma_wait3A_1190 : memref<1x100000x64xf32, #tpu.memory_space<hbm>> -> memref<100000x64xf32, #tpu.memory_space<hbm>>
    %dma_wait3A_1192 = arith.constant 0 : i32
    %dma_wait3A_1193 = arith.constant 0 : i32
    %dma_wait3A_1194 = tpu.memref_slice %dma_wait3A_1191[%dma_wait3A_1192, %dma_wait3A_1193] : memref<100000x64xf32, #tpu.memory_space<hbm>> -> memref<100000x64xf32, #tpu.memory_space<hbm>>
    tpu.wait_indirect_dma semaphore(%arg15 : memref<!tpu.dma_semaphore, #tpu.memory_space<semaphore_mem>>) src(%arg9 : memref<128x64xf32, #tpu.memory_space<vmem>>) dst(%dma_wait3A_1194 : memref<100000x64xf32, #tpu.memory_space<hbm>>)
    %add3A_1195 = arith.constant 2304 : i32
    %add3A_1196 = arith.addi %mul3A_2, %add3A_1195 : i32
    %dma_start3A_1197 = tpu.memref_slice %arg5[%add3A_1196] : memref<81920xi32, #tpu.memory_space<hbm>> -> memref<128xi32, #tpu.memory_space<hbm>>
    %dma_start3A_1198 = tpu.memref_slice %arg5[%add3A_1196] : memref<81920xi32, #tpu.memory_space<hbm>> -> memref<128xi32, #tpu.memory_space<hbm>>
    tpu.enqueue_dma source(%dma_start3A_1198 : memref<128xi32, #tpu.memory_space<hbm>>) target(%arg7 : memref<128xi32, #tpu.memory_space<vmem>>) target_semaphore(%arg11 : memref<!tpu.dma_semaphore, #tpu.memory_space<semaphore_mem>>)
    %add3A_1199 = arith.constant 2304 : i32
    %add3A_1200 = arith.addi %mul3A_2, %add3A_1199 : i32
    %dma_start3A_1201 = arith.constant 0 : i32
    %dma_start3A_1202 = tpu.memref_slice %arg4[%add3A_1200, %dma_start3A_1201] : memref<81920x64xf32, #tpu.memory_space<hbm>> -> memref<128x64xf32, #tpu.memory_space<hbm>>
    %dma_start3A_1203 = arith.constant 0 : i32
    %dma_start3A_1204 = tpu.memref_slice %arg4[%add3A_1200, %dma_start3A_1203] : memref<81920x64xf32, #tpu.memory_space<hbm>> -> memref<128x64xf32, #tpu.memory_space<hbm>>
    tpu.enqueue_dma source(%dma_start3A_1204 : memref<128x64xf32, #tpu.memory_space<hbm>>) target(%arg9 : memref<128x64xf32, #tpu.memory_space<vmem>>) target_semaphore(%arg13 : memref<!tpu.dma_semaphore, #tpu.memory_space<semaphore_mem>>)
    %dma_wait3A_1205 = tpu.memref_slice %arg5[%add3A_1164] : memref<81920xi32, #tpu.memory_space<hbm>> -> memref<128xi32, #tpu.memory_space<hbm>>
    %dma_wait3A_1206 = tpu.memref_slice %arg5[%add3A_1164] : memref<81920xi32, #tpu.memory_space<hbm>> -> memref<128xi32, #tpu.memory_space<hbm>>
    tpu.wait_dma2 semaphore(%arg12 : memref<!tpu.dma_semaphore, #tpu.memory_space<semaphore_mem>>) src(%dma_wait3A_1206 : memref<128xi32, #tpu.memory_space<hbm>>) dst(%arg8 : memref<128xi32, #tpu.memory_space<vmem>>)
    %dma_wait3A_1207 = arith.constant 0 : i32
    %dma_wait3A_1208 = tpu.memref_slice %arg4[%add3A_1168, %dma_wait3A_1207] : memref<81920x64xf32, #tpu.memory_space<hbm>> -> memref<128x64xf32, #tpu.memory_space<hbm>>
    %dma_wait3A_1209 = arith.constant 0 : i32
    %dma_wait3A_1210 = tpu.memref_slice %arg4[%add3A_1168, %dma_wait3A_1209] : memref<81920x64xf32, #tpu.memory_space<hbm>> -> memref<128x64xf32, #tpu.memory_space<hbm>>
    tpu.wait_dma2 semaphore(%arg14 : memref<!tpu.dma_semaphore, #tpu.memory_space<semaphore_mem>>) src(%dma_wait3A_1210 : memref<128x64xf32, #tpu.memory_space<hbm>>) dst(%arg10 : memref<128x64xf32, #tpu.memory_space<vmem>>)
    %dma_start3A_1211 = arith.constant 1 : i32
    %dma_start3A_1212 = arith.constant 0 : i32
    %dma_start3A_1213 = arith.constant 0 : i32
    %dma_start3A_1214 = tpu.memref_slice %arg2[%dma_start3A_1211, %dma_start3A_1212, %dma_start3A_1213] : memref<2x100000x64xf32, #tpu.memory_space<hbm>> -> memref<1x100000x64xf32, #tpu.memory_space<hbm>>
    %dma_start3A_1215 = tpu.memref_squeeze %dma_start3A_1214 : memref<1x100000x64xf32, #tpu.memory_space<hbm>> -> memref<100000x64xf32, #tpu.memory_space<hbm>>
    %dma_start3A_1216 = arith.constant 0 : i32
    %dma_start3A_1217 = arith.constant 0 : i32
    %dma_start3A_1218 = tpu.memref_slice %dma_start3A_1215[%dma_start3A_1216, %dma_start3A_1217] : memref<100000x64xf32, #tpu.memory_space<hbm>> -> memref<100000x64xf32, #tpu.memory_space<hbm>>
    tpu.enqueue_indirect_dma source(%arg10 : memref<128x64xf32, #tpu.memory_space<vmem>>) target(%dma_start3A_1218 : memref<100000x64xf32, #tpu.memory_space<hbm>>) offsets(%arg8 : memref<128xi32, #tpu.memory_space<vmem>>) semaphore(%arg16 : memref<!tpu.dma_semaphore, #tpu.memory_space<semaphore_mem>>)
    %dma_wait3A_1219 = arith.constant 1 : i32
    %dma_wait3A_1220 = arith.constant 0 : i32
    %dma_wait3A_1221 = arith.constant 0 : i32
    %dma_wait3A_1222 = tpu.memref_slice %arg2[%dma_wait3A_1219, %dma_wait3A_1220, %dma_wait3A_1221] : memref<2x100000x64xf32, #tpu.memory_space<hbm>> -> memref<1x100000x64xf32, #tpu.memory_space<hbm>>
    %dma_wait3A_1223 = tpu.memref_squeeze %dma_wait3A_1222 : memref<1x100000x64xf32, #tpu.memory_space<hbm>> -> memref<100000x64xf32, #tpu.memory_space<hbm>>
    %dma_wait3A_1224 = arith.constant 0 : i32
    %dma_wait3A_1225 = arith.constant 0 : i32
    %dma_wait3A_1226 = tpu.memref_slice %dma_wait3A_1223[%dma_wait3A_1224, %dma_wait3A_1225] : memref<100000x64xf32, #tpu.memory_space<hbm>> -> memref<100000x64xf32, #tpu.memory_space<hbm>>
    tpu.wait_indirect_dma semaphore(%arg16 : memref<!tpu.dma_semaphore, #tpu.memory_space<semaphore_mem>>) src(%arg10 : memref<128x64xf32, #tpu.memory_space<vmem>>) dst(%dma_wait3A_1226 : memref<100000x64xf32, #tpu.memory_space<hbm>>)
    %add3A_1227 = arith.constant 2432 : i32
    %add3A_1228 = arith.addi %mul3A_2, %add3A_1227 : i32
    %dma_start3A_1229 = tpu.memref_slice %arg5[%add3A_1228] : memref<81920xi32, #tpu.memory_space<hbm>> -> memref<128xi32, #tpu.memory_space<hbm>>
    %dma_start3A_1230 = tpu.memref_slice %arg5[%add3A_1228] : memref<81920xi32, #tpu.memory_space<hbm>> -> memref<128xi32, #tpu.memory_space<hbm>>
    tpu.enqueue_dma source(%dma_start3A_1230 : memref<128xi32, #tpu.memory_space<hbm>>) target(%arg8 : memref<128xi32, #tpu.memory_space<vmem>>) target_semaphore(%arg12 : memref<!tpu.dma_semaphore, #tpu.memory_space<semaphore_mem>>)
    %add3A_1231 = arith.constant 2432 : i32
    %add3A_1232 = arith.addi %mul3A_2, %add3A_1231 : i32
    %dma_start3A_1233 = arith.constant 0 : i32
    %dma_start3A_1234 = tpu.memref_slice %arg4[%add3A_1232, %dma_start3A_1233] : memref<81920x64xf32, #tpu.memory_space<hbm>> -> memref<128x64xf32, #tpu.memory_space<hbm>>
    %dma_start3A_1235 = arith.constant 0 : i32
    %dma_start3A_1236 = tpu.memref_slice %arg4[%add3A_1232, %dma_start3A_1235] : memref<81920x64xf32, #tpu.memory_space<hbm>> -> memref<128x64xf32, #tpu.memory_space<hbm>>
    tpu.enqueue_dma source(%dma_start3A_1236 : memref<128x64xf32, #tpu.memory_space<hbm>>) target(%arg10 : memref<128x64xf32, #tpu.memory_space<vmem>>) target_semaphore(%arg14 : memref<!tpu.dma_semaphore, #tpu.memory_space<semaphore_mem>>)
    %dma_wait3A_1237 = tpu.memref_slice %arg5[%add3A_1196] : memref<81920xi32, #tpu.memory_space<hbm>> -> memref<128xi32, #tpu.memory_space<hbm>>
    %dma_wait3A_1238 = tpu.memref_slice %arg5[%add3A_1196] : memref<81920xi32, #tpu.memory_space<hbm>> -> memref<128xi32, #tpu.memory_space<hbm>>
    tpu.wait_dma2 semaphore(%arg11 : memref<!tpu.dma_semaphore, #tpu.memory_space<semaphore_mem>>) src(%dma_wait3A_1238 : memref<128xi32, #tpu.memory_space<hbm>>) dst(%arg7 : memref<128xi32, #tpu.memory_space<vmem>>)
    %dma_wait3A_1239 = arith.constant 0 : i32
    %dma_wait3A_1240 = tpu.memref_slice %arg4[%add3A_1200, %dma_wait3A_1239] : memref<81920x64xf32, #tpu.memory_space<hbm>> -> memref<128x64xf32, #tpu.memory_space<hbm>>
    %dma_wait3A_1241 = arith.constant 0 : i32
    %dma_wait3A_1242 = tpu.memref_slice %arg4[%add3A_1200, %dma_wait3A_1241] : memref<81920x64xf32, #tpu.memory_space<hbm>> -> memref<128x64xf32, #tpu.memory_space<hbm>>
    tpu.wait_dma2 semaphore(%arg13 : memref<!tpu.dma_semaphore, #tpu.memory_space<semaphore_mem>>) src(%dma_wait3A_1242 : memref<128x64xf32, #tpu.memory_space<hbm>>) dst(%arg9 : memref<128x64xf32, #tpu.memory_space<vmem>>)
    %dma_start3A_1243 = arith.constant 1 : i32
    %dma_start3A_1244 = arith.constant 0 : i32
    %dma_start3A_1245 = arith.constant 0 : i32
    %dma_start3A_1246 = tpu.memref_slice %arg2[%dma_start3A_1243, %dma_start3A_1244, %dma_start3A_1245] : memref<2x100000x64xf32, #tpu.memory_space<hbm>> -> memref<1x100000x64xf32, #tpu.memory_space<hbm>>
    %dma_start3A_1247 = tpu.memref_squeeze %dma_start3A_1246 : memref<1x100000x64xf32, #tpu.memory_space<hbm>> -> memref<100000x64xf32, #tpu.memory_space<hbm>>
    %dma_start3A_1248 = arith.constant 0 : i32
    %dma_start3A_1249 = arith.constant 0 : i32
    %dma_start3A_1250 = tpu.memref_slice %dma_start3A_1247[%dma_start3A_1248, %dma_start3A_1249] : memref<100000x64xf32, #tpu.memory_space<hbm>> -> memref<100000x64xf32, #tpu.memory_space<hbm>>
    tpu.enqueue_indirect_dma source(%arg9 : memref<128x64xf32, #tpu.memory_space<vmem>>) target(%dma_start3A_1250 : memref<100000x64xf32, #tpu.memory_space<hbm>>) offsets(%arg7 : memref<128xi32, #tpu.memory_space<vmem>>) semaphore(%arg15 : memref<!tpu.dma_semaphore, #tpu.memory_space<semaphore_mem>>)
    %dma_wait3A_1251 = arith.constant 1 : i32
    %dma_wait3A_1252 = arith.constant 0 : i32
    %dma_wait3A_1253 = arith.constant 0 : i32
    %dma_wait3A_1254 = tpu.memref_slice %arg2[%dma_wait3A_1251, %dma_wait3A_1252, %dma_wait3A_1253] : memref<2x100000x64xf32, #tpu.memory_space<hbm>> -> memref<1x100000x64xf32, #tpu.memory_space<hbm>>
    %dma_wait3A_1255 = tpu.memref_squeeze %dma_wait3A_1254 : memref<1x100000x64xf32, #tpu.memory_space<hbm>> -> memref<100000x64xf32, #tpu.memory_space<hbm>>
    %dma_wait3A_1256 = arith.constant 0 : i32
    %dma_wait3A_1257 = arith.constant 0 : i32
    %dma_wait3A_1258 = tpu.memref_slice %dma_wait3A_1255[%dma_wait3A_1256, %dma_wait3A_1257] : memref<100000x64xf32, #tpu.memory_space<hbm>> -> memref<100000x64xf32, #tpu.memory_space<hbm>>
    tpu.wait_indirect_dma semaphore(%arg15 : memref<!tpu.dma_semaphore, #tpu.memory_space<semaphore_mem>>) src(%arg9 : memref<128x64xf32, #tpu.memory_space<vmem>>) dst(%dma_wait3A_1258 : memref<100000x64xf32, #tpu.memory_space<hbm>>)
    %dma_wait3A_1259 = tpu.memref_slice %arg5[%add3A_1228] : memref<81920xi32, #tpu.memory_space<hbm>> -> memref<128xi32, #tpu.memory_space<hbm>>
    %dma_wait3A_1260 = tpu.memref_slice %arg5[%add3A_1228] : memref<81920xi32, #tpu.memory_space<hbm>> -> memref<128xi32, #tpu.memory_space<hbm>>
    tpu.wait_dma2 semaphore(%arg12 : memref<!tpu.dma_semaphore, #tpu.memory_space<semaphore_mem>>) src(%dma_wait3A_1260 : memref<128xi32, #tpu.memory_space<hbm>>) dst(%arg8 : memref<128xi32, #tpu.memory_space<vmem>>)
    %dma_wait3A_1261 = arith.constant 0 : i32
    %dma_wait3A_1262 = tpu.memref_slice %arg4[%add3A_1232, %dma_wait3A_1261] : memref<81920x64xf32, #tpu.memory_space<hbm>> -> memref<128x64xf32, #tpu.memory_space<hbm>>
    %dma_wait3A_1263 = arith.constant 0 : i32
    %dma_wait3A_1264 = tpu.memref_slice %arg4[%add3A_1232, %dma_wait3A_1263] : memref<81920x64xf32, #tpu.memory_space<hbm>> -> memref<128x64xf32, #tpu.memory_space<hbm>>
    tpu.wait_dma2 semaphore(%arg14 : memref<!tpu.dma_semaphore, #tpu.memory_space<semaphore_mem>>) src(%dma_wait3A_1264 : memref<128x64xf32, #tpu.memory_space<hbm>>) dst(%arg10 : memref<128x64xf32, #tpu.memory_space<vmem>>)
    %dma_start3A_1265 = arith.constant 1 : i32
    %dma_start3A_1266 = arith.constant 0 : i32
    %dma_start3A_1267 = arith.constant 0 : i32
    %dma_start3A_1268 = tpu.memref_slice %arg2[%dma_start3A_1265, %dma_start3A_1266, %dma_start3A_1267] : memref<2x100000x64xf32, #tpu.memory_space<hbm>> -> memref<1x100000x64xf32, #tpu.memory_space<hbm>>
    %dma_start3A_1269 = tpu.memref_squeeze %dma_start3A_1268 : memref<1x100000x64xf32, #tpu.memory_space<hbm>> -> memref<100000x64xf32, #tpu.memory_space<hbm>>
    %dma_start3A_1270 = arith.constant 0 : i32
    %dma_start3A_1271 = arith.constant 0 : i32
    %dma_start3A_1272 = tpu.memref_slice %dma_start3A_1269[%dma_start3A_1270, %dma_start3A_1271] : memref<100000x64xf32, #tpu.memory_space<hbm>> -> memref<100000x64xf32, #tpu.memory_space<hbm>>
    tpu.enqueue_indirect_dma source(%arg10 : memref<128x64xf32, #tpu.memory_space<vmem>>) target(%dma_start3A_1272 : memref<100000x64xf32, #tpu.memory_space<hbm>>) offsets(%arg8 : memref<128xi32, #tpu.memory_space<vmem>>) semaphore(%arg16 : memref<!tpu.dma_semaphore, #tpu.memory_space<semaphore_mem>>)
    %dma_wait3A_1273 = arith.constant 1 : i32
    %dma_wait3A_1274 = arith.constant 0 : i32
    %dma_wait3A_1275 = arith.constant 0 : i32
    %dma_wait3A_1276 = tpu.memref_slice %arg2[%dma_wait3A_1273, %dma_wait3A_1274, %dma_wait3A_1275] : memref<2x100000x64xf32, #tpu.memory_space<hbm>> -> memref<1x100000x64xf32, #tpu.memory_space<hbm>>
    %dma_wait3A_1277 = tpu.memref_squeeze %dma_wait3A_1276 : memref<1x100000x64xf32, #tpu.memory_space<hbm>> -> memref<100000x64xf32, #tpu.memory_space<hbm>>
    %dma_wait3A_1278 = arith.constant 0 : i32
    %dma_wait3A_1279 = arith.constant 0 : i32
    %dma_wait3A_1280 = tpu.memref_slice %dma_wait3A_1277[%dma_wait3A_1278, %dma_wait3A_1279] : memref<100000x64xf32, #tpu.memory_space<hbm>> -> memref<100000x64xf32, #tpu.memory_space<hbm>>
    tpu.wait_indirect_dma semaphore(%arg16 : memref<!tpu.dma_semaphore, #tpu.memory_space<semaphore_mem>>) src(%arg10 : memref<128x64xf32, #tpu.memory_space<vmem>>) dst(%dma_wait3A_1280 : memref<100000x64xf32, #tpu.memory_space<hbm>>)
    return
  }
}

#map = affine_map<(d0, d1) -> (0, 0, 0)>
#map1 = affine_map<(d0, d1) -> (0)>
#map2 = affine_map<(d0, d1) -> (0, 0)>
module attributes {stable_mosaic.version = 14 : i64} {
  func.func @_sc_gather(%arg0: i32, %arg1: i32, %arg2: memref<2x100000x64xf32, #tpu.memory_space<hbm>>, %arg3: memref<81920xi32, #tpu.memory_space<hbm>>, %arg4: memref<8192xi32, #tpu.memory_space<hbm>>, %arg5: memref<81920x64xf32, #tpu.memory_space<hbm>>, %arg6: memref<8192x64xf32, #tpu.memory_space<hbm>>, %arg7: memref<128xi32, #tpu.memory_space<vmem>>, %arg8: memref<128xi32, #tpu.memory_space<vmem>>, %arg9: memref<128x64xf32, #tpu.memory_space<vmem>>, %arg10: memref<128x64xf32, #tpu.memory_space<vmem>>, %arg11: memref<!tpu.dma_semaphore, #tpu.memory_space<semaphore_mem>>, %arg12: memref<!tpu.dma_semaphore, #tpu.memory_space<semaphore_mem>>, %arg13: memref<!tpu.dma_semaphore, #tpu.memory_space<semaphore_mem>>, %arg14: memref<!tpu.dma_semaphore, #tpu.memory_space<semaphore_mem>>, %arg15: memref<!tpu.dma_semaphore, #tpu.memory_space<semaphore_mem>>, %arg16: memref<!tpu.dma_semaphore, #tpu.memory_space<semaphore_mem>>) attributes {dimension_semantics = [#tpu.dimension_semantics<core_parallel>, #tpu.dimension_semantics<subcore_parallel>], iteration_bounds = array<i64: 2, 16>, scalar_prefetch = 0 : i64, scratch_operands = 10 : i64, tpu.core_type = #tpu.core_type<sc_vector_subcore>, window_params = [{transform_indices = #map}, {transform_indices = #map1}, {transform_indices = #map1}, {transform_indices = #map2}, {transform_indices = #map2}]} {
    %mul3A = arith.constant 16 : i32
    %mul3A_0 = arith.muli %arg0, %mul3A : i32
    %add3A = arith.addi %mul3A_0, %arg1 : i32
    %mul3A_1 = arith.constant 2560 : i32
    %mul3A_2 = arith.muli %add3A, %mul3A_1 : i32
    %mul3A_3 = arith.constant 256 : i32
    %mul3A_4 = arith.muli %add3A, %mul3A_3 : i32
    %add3A_5 = arith.constant 0 : i32
    %add3A_6 = arith.addi %mul3A_4, %add3A_5 : i32
    "tpu.region"() ({
      %run_scoped3A = tpu.sem_alloc : memref<!tpu.dma_semaphore, #tpu.memory_space<semaphore_mem>>
      %dma_start3A_683 = tpu.memref_slice %arg4[%add3A_6] : memref<8192xi32, #tpu.memory_space<hbm>> -> memref<128xi32, #tpu.memory_space<hbm>>
      %dma_start3A_684 = tpu.memref_slice %arg4[%add3A_6] : memref<8192xi32, #tpu.memory_space<hbm>> -> memref<128xi32, #tpu.memory_space<hbm>>
      tpu.enqueue_dma source(%dma_start3A_684 : memref<128xi32, #tpu.memory_space<hbm>>) target(%arg7 : memref<128xi32, #tpu.memory_space<vmem>>) target_semaphore(%run_scoped3A : memref<!tpu.dma_semaphore, #tpu.memory_space<semaphore_mem>>)
      %dma_wait3A_685 = tpu.memref_slice %arg4[%add3A_6] : memref<8192xi32, #tpu.memory_space<hbm>> -> memref<128xi32, #tpu.memory_space<hbm>>
      %dma_wait3A_686 = tpu.memref_slice %arg4[%add3A_6] : memref<8192xi32, #tpu.memory_space<hbm>> -> memref<128xi32, #tpu.memory_space<hbm>>
      tpu.wait_dma2 semaphore(%run_scoped3A : memref<!tpu.dma_semaphore, #tpu.memory_space<semaphore_mem>>) src(%dma_wait3A_686 : memref<128xi32, #tpu.memory_space<hbm>>) dst(%arg7 : memref<128xi32, #tpu.memory_space<vmem>>)
      tpu.yield
    }) : () -> ()
    %dma_start3A = arith.constant 0 : i32
    %dma_start3A_7 = arith.constant 0 : i32
    %dma_start3A_8 = arith.constant 0 : i32
    %dma_start3A_9 = tpu.memref_slice %arg2[%dma_start3A, %dma_start3A_7, %dma_start3A_8] : memref<2x100000x64xf32, #tpu.memory_space<hbm>> -> memref<1x100000x64xf32, #tpu.memory_space<hbm>>
    %dma_start3A_10 = tpu.memref_squeeze %dma_start3A_9 : memref<1x100000x64xf32, #tpu.memory_space<hbm>> -> memref<100000x64xf32, #tpu.memory_space<hbm>>
    %dma_start3A_11 = arith.constant 0 : i32
    %dma_start3A_12 = arith.constant 0 : i32
    %dma_start3A_13 = tpu.memref_slice %dma_start3A_10[%dma_start3A_11, %dma_start3A_12] : memref<100000x64xf32, #tpu.memory_space<hbm>> -> memref<100000x64xf32, #tpu.memory_space<hbm>>
    tpu.enqueue_indirect_dma source(%dma_start3A_13 : memref<100000x64xf32, #tpu.memory_space<hbm>>) target(%arg9 : memref<128x64xf32, #tpu.memory_space<vmem>>) offsets(%arg7 : memref<128xi32, #tpu.memory_space<vmem>>) semaphore(%arg13 : memref<!tpu.dma_semaphore, #tpu.memory_space<semaphore_mem>>)
    %dma_wait3A = arith.constant 0 : i32
    %dma_wait3A_14 = arith.constant 0 : i32
    %dma_wait3A_15 = arith.constant 0 : i32
    %dma_wait3A_16 = tpu.memref_slice %arg2[%dma_wait3A, %dma_wait3A_14, %dma_wait3A_15] : memref<2x100000x64xf32, #tpu.memory_space<hbm>> -> memref<1x100000x64xf32, #tpu.memory_space<hbm>>
    %dma_wait3A_17 = tpu.memref_squeeze %dma_wait3A_16 : memref<1x100000x64xf32, #tpu.memory_space<hbm>> -> memref<100000x64xf32, #tpu.memory_space<hbm>>
    %dma_wait3A_18 = arith.constant 0 : i32
    %dma_wait3A_19 = arith.constant 0 : i32
    %dma_wait3A_20 = tpu.memref_slice %dma_wait3A_17[%dma_wait3A_18, %dma_wait3A_19] : memref<100000x64xf32, #tpu.memory_space<hbm>> -> memref<100000x64xf32, #tpu.memory_space<hbm>>
    tpu.wait_indirect_dma semaphore(%arg13 : memref<!tpu.dma_semaphore, #tpu.memory_space<semaphore_mem>>) src(%dma_wait3A_20 : memref<100000x64xf32, #tpu.memory_space<hbm>>) dst(%arg9 : memref<128x64xf32, #tpu.memory_space<vmem>>)
    %add3A_21 = arith.constant 0 : i32
    %add3A_22 = arith.addi %mul3A_4, %add3A_21 : i32
    "tpu.region"() ({
      %run_scoped3A = tpu.sem_alloc : memref<!tpu.dma_semaphore, #tpu.memory_space<semaphore_mem>>
      %dma_start3A_683 = arith.constant 0 : i32
      %dma_start3A_684 = tpu.memref_slice %arg6[%add3A_22, %dma_start3A_683] : memref<8192x64xf32, #tpu.memory_space<hbm>> -> memref<128x64xf32, #tpu.memory_space<hbm>>
      %dma_start3A_685 = arith.constant 0 : i32
      %dma_start3A_686 = tpu.memref_slice %arg6[%add3A_22, %dma_start3A_685] : memref<8192x64xf32, #tpu.memory_space<hbm>> -> memref<128x64xf32, #tpu.memory_space<hbm>>
      tpu.enqueue_dma source(%arg9 : memref<128x64xf32, #tpu.memory_space<vmem>>) target(%dma_start3A_686 : memref<128x64xf32, #tpu.memory_space<hbm>>) target_semaphore(%run_scoped3A : memref<!tpu.dma_semaphore, #tpu.memory_space<semaphore_mem>>)
      %dma_wait3A_687 = arith.constant 0 : i32
      %dma_wait3A_688 = tpu.memref_slice %arg6[%add3A_22, %dma_wait3A_687] : memref<8192x64xf32, #tpu.memory_space<hbm>> -> memref<128x64xf32, #tpu.memory_space<hbm>>
      %dma_wait3A_689 = arith.constant 0 : i32
      %dma_wait3A_690 = tpu.memref_slice %arg6[%add3A_22, %dma_wait3A_689] : memref<8192x64xf32, #tpu.memory_space<hbm>> -> memref<128x64xf32, #tpu.memory_space<hbm>>
      tpu.wait_dma2 semaphore(%run_scoped3A : memref<!tpu.dma_semaphore, #tpu.memory_space<semaphore_mem>>) src(%arg9 : memref<128x64xf32, #tpu.memory_space<vmem>>) dst(%dma_wait3A_690 : memref<128x64xf32, #tpu.memory_space<hbm>>)
      tpu.yield
    }) : () -> ()
    %add3A_23 = arith.constant 128 : i32
    %add3A_24 = arith.addi %mul3A_4, %add3A_23 : i32
    "tpu.region"() ({
      %run_scoped3A = tpu.sem_alloc : memref<!tpu.dma_semaphore, #tpu.memory_space<semaphore_mem>>
      %dma_start3A_683 = tpu.memref_slice %arg4[%add3A_24] : memref<8192xi32, #tpu.memory_space<hbm>> -> memref<128xi32, #tpu.memory_space<hbm>>
      %dma_start3A_684 = tpu.memref_slice %arg4[%add3A_24] : memref<8192xi32, #tpu.memory_space<hbm>> -> memref<128xi32, #tpu.memory_space<hbm>>
      tpu.enqueue_dma source(%dma_start3A_684 : memref<128xi32, #tpu.memory_space<hbm>>) target(%arg7 : memref<128xi32, #tpu.memory_space<vmem>>) target_semaphore(%run_scoped3A : memref<!tpu.dma_semaphore, #tpu.memory_space<semaphore_mem>>)
      %dma_wait3A_685 = tpu.memref_slice %arg4[%add3A_24] : memref<8192xi32, #tpu.memory_space<hbm>> -> memref<128xi32, #tpu.memory_space<hbm>>
      %dma_wait3A_686 = tpu.memref_slice %arg4[%add3A_24] : memref<8192xi32, #tpu.memory_space<hbm>> -> memref<128xi32, #tpu.memory_space<hbm>>
      tpu.wait_dma2 semaphore(%run_scoped3A : memref<!tpu.dma_semaphore, #tpu.memory_space<semaphore_mem>>) src(%dma_wait3A_686 : memref<128xi32, #tpu.memory_space<hbm>>) dst(%arg7 : memref<128xi32, #tpu.memory_space<vmem>>)
      tpu.yield
    }) : () -> ()
    %dma_start3A_25 = arith.constant 0 : i32
    %dma_start3A_26 = arith.constant 0 : i32
    %dma_start3A_27 = arith.constant 0 : i32
    %dma_start3A_28 = tpu.memref_slice %arg2[%dma_start3A_25, %dma_start3A_26, %dma_start3A_27] : memref<2x100000x64xf32, #tpu.memory_space<hbm>> -> memref<1x100000x64xf32, #tpu.memory_space<hbm>>
    %dma_start3A_29 = tpu.memref_squeeze %dma_start3A_28 : memref<1x100000x64xf32, #tpu.memory_space<hbm>> -> memref<100000x64xf32, #tpu.memory_space<hbm>>
    %dma_start3A_30 = arith.constant 0 : i32
    %dma_start3A_31 = arith.constant 0 : i32
    %dma_start3A_32 = tpu.memref_slice %dma_start3A_29[%dma_start3A_30, %dma_start3A_31] : memref<100000x64xf32, #tpu.memory_space<hbm>> -> memref<100000x64xf32, #tpu.memory_space<hbm>>
    tpu.enqueue_indirect_dma source(%dma_start3A_32 : memref<100000x64xf32, #tpu.memory_space<hbm>>) target(%arg9 : memref<128x64xf32, #tpu.memory_space<vmem>>) offsets(%arg7 : memref<128xi32, #tpu.memory_space<vmem>>) semaphore(%arg13 : memref<!tpu.dma_semaphore, #tpu.memory_space<semaphore_mem>>)
    %dma_wait3A_33 = arith.constant 0 : i32
    %dma_wait3A_34 = arith.constant 0 : i32
    %dma_wait3A_35 = arith.constant 0 : i32
    %dma_wait3A_36 = tpu.memref_slice %arg2[%dma_wait3A_33, %dma_wait3A_34, %dma_wait3A_35] : memref<2x100000x64xf32, #tpu.memory_space<hbm>> -> memref<1x100000x64xf32, #tpu.memory_space<hbm>>
    %dma_wait3A_37 = tpu.memref_squeeze %dma_wait3A_36 : memref<1x100000x64xf32, #tpu.memory_space<hbm>> -> memref<100000x64xf32, #tpu.memory_space<hbm>>
    %dma_wait3A_38 = arith.constant 0 : i32
    %dma_wait3A_39 = arith.constant 0 : i32
    %dma_wait3A_40 = tpu.memref_slice %dma_wait3A_37[%dma_wait3A_38, %dma_wait3A_39] : memref<100000x64xf32, #tpu.memory_space<hbm>> -> memref<100000x64xf32, #tpu.memory_space<hbm>>
    tpu.wait_indirect_dma semaphore(%arg13 : memref<!tpu.dma_semaphore, #tpu.memory_space<semaphore_mem>>) src(%dma_wait3A_40 : memref<100000x64xf32, #tpu.memory_space<hbm>>) dst(%arg9 : memref<128x64xf32, #tpu.memory_space<vmem>>)
    %add3A_41 = arith.constant 128 : i32
    %add3A_42 = arith.addi %mul3A_4, %add3A_41 : i32
    "tpu.region"() ({
      %run_scoped3A = tpu.sem_alloc : memref<!tpu.dma_semaphore, #tpu.memory_space<semaphore_mem>>
      %dma_start3A_683 = arith.constant 0 : i32
      %dma_start3A_684 = tpu.memref_slice %arg6[%add3A_42, %dma_start3A_683] : memref<8192x64xf32, #tpu.memory_space<hbm>> -> memref<128x64xf32, #tpu.memory_space<hbm>>
      %dma_start3A_685 = arith.constant 0 : i32
      %dma_start3A_686 = tpu.memref_slice %arg6[%add3A_42, %dma_start3A_685] : memref<8192x64xf32, #tpu.memory_space<hbm>> -> memref<128x64xf32, #tpu.memory_space<hbm>>
      tpu.enqueue_dma source(%arg9 : memref<128x64xf32, #tpu.memory_space<vmem>>) target(%dma_start3A_686 : memref<128x64xf32, #tpu.memory_space<hbm>>) target_semaphore(%run_scoped3A : memref<!tpu.dma_semaphore, #tpu.memory_space<semaphore_mem>>)
      %dma_wait3A_687 = arith.constant 0 : i32
      %dma_wait3A_688 = tpu.memref_slice %arg6[%add3A_42, %dma_wait3A_687] : memref<8192x64xf32, #tpu.memory_space<hbm>> -> memref<128x64xf32, #tpu.memory_space<hbm>>
      %dma_wait3A_689 = arith.constant 0 : i32
      %dma_wait3A_690 = tpu.memref_slice %arg6[%add3A_42, %dma_wait3A_689] : memref<8192x64xf32, #tpu.memory_space<hbm>> -> memref<128x64xf32, #tpu.memory_space<hbm>>
      tpu.wait_dma2 semaphore(%run_scoped3A : memref<!tpu.dma_semaphore, #tpu.memory_space<semaphore_mem>>) src(%arg9 : memref<128x64xf32, #tpu.memory_space<vmem>>) dst(%dma_wait3A_690 : memref<128x64xf32, #tpu.memory_space<hbm>>)
      tpu.yield
    }) : () -> ()
    %add3A_43 = arith.constant 0 : i32
    %add3A_44 = arith.addi %mul3A_2, %add3A_43 : i32
    %dma_start3A_45 = tpu.memref_slice %arg3[%add3A_44] : memref<81920xi32, #tpu.memory_space<hbm>> -> memref<128xi32, #tpu.memory_space<hbm>>
    %dma_start3A_46 = tpu.memref_slice %arg3[%add3A_44] : memref<81920xi32, #tpu.memory_space<hbm>> -> memref<128xi32, #tpu.memory_space<hbm>>
    tpu.enqueue_dma source(%dma_start3A_46 : memref<128xi32, #tpu.memory_space<hbm>>) target(%arg7 : memref<128xi32, #tpu.memory_space<vmem>>) target_semaphore(%arg11 : memref<!tpu.dma_semaphore, #tpu.memory_space<semaphore_mem>>)
    %add3A_47 = arith.constant 128 : i32
    %add3A_48 = arith.addi %mul3A_2, %add3A_47 : i32
    %dma_start3A_49 = tpu.memref_slice %arg3[%add3A_48] : memref<81920xi32, #tpu.memory_space<hbm>> -> memref<128xi32, #tpu.memory_space<hbm>>
    %dma_start3A_50 = tpu.memref_slice %arg3[%add3A_48] : memref<81920xi32, #tpu.memory_space<hbm>> -> memref<128xi32, #tpu.memory_space<hbm>>
    tpu.enqueue_dma source(%dma_start3A_50 : memref<128xi32, #tpu.memory_space<hbm>>) target(%arg8 : memref<128xi32, #tpu.memory_space<vmem>>) target_semaphore(%arg12 : memref<!tpu.dma_semaphore, #tpu.memory_space<semaphore_mem>>)
    %dma_wait3A_51 = tpu.memref_slice %arg3[%add3A_44] : memref<81920xi32, #tpu.memory_space<hbm>> -> memref<128xi32, #tpu.memory_space<hbm>>
    %dma_wait3A_52 = tpu.memref_slice %arg3[%add3A_44] : memref<81920xi32, #tpu.memory_space<hbm>> -> memref<128xi32, #tpu.memory_space<hbm>>
    tpu.wait_dma2 semaphore(%arg11 : memref<!tpu.dma_semaphore, #tpu.memory_space<semaphore_mem>>) src(%dma_wait3A_52 : memref<128xi32, #tpu.memory_space<hbm>>) dst(%arg7 : memref<128xi32, #tpu.memory_space<vmem>>)
    %dma_start3A_53 = arith.constant 0 : i32
    %dma_start3A_54 = arith.constant 0 : i32
    %dma_start3A_55 = arith.constant 0 : i32
    %dma_start3A_56 = tpu.memref_slice %arg2[%dma_start3A_53, %dma_start3A_54, %dma_start3A_55] : memref<2x100000x64xf32, #tpu.memory_space<hbm>> -> memref<1x100000x64xf32, #tpu.memory_space<hbm>>
    %dma_start3A_57 = tpu.memref_squeeze %dma_start3A_56 : memref<1x100000x64xf32, #tpu.memory_space<hbm>> -> memref<100000x64xf32, #tpu.memory_space<hbm>>
    %dma_start3A_58 = arith.constant 0 : i32
    %dma_start3A_59 = arith.constant 0 : i32
    %dma_start3A_60 = tpu.memref_slice %dma_start3A_57[%dma_start3A_58, %dma_start3A_59] : memref<100000x64xf32, #tpu.memory_space<hbm>> -> memref<100000x64xf32, #tpu.memory_space<hbm>>
    tpu.enqueue_indirect_dma source(%dma_start3A_60 : memref<100000x64xf32, #tpu.memory_space<hbm>>) target(%arg9 : memref<128x64xf32, #tpu.memory_space<vmem>>) offsets(%arg7 : memref<128xi32, #tpu.memory_space<vmem>>) semaphore(%arg13 : memref<!tpu.dma_semaphore, #tpu.memory_space<semaphore_mem>>)
    %dma_wait3A_61 = tpu.memref_slice %arg3[%add3A_48] : memref<81920xi32, #tpu.memory_space<hbm>> -> memref<128xi32, #tpu.memory_space<hbm>>
    %dma_wait3A_62 = tpu.memref_slice %arg3[%add3A_48] : memref<81920xi32, #tpu.memory_space<hbm>> -> memref<128xi32, #tpu.memory_space<hbm>>
    tpu.wait_dma2 semaphore(%arg12 : memref<!tpu.dma_semaphore, #tpu.memory_space<semaphore_mem>>) src(%dma_wait3A_62 : memref<128xi32, #tpu.memory_space<hbm>>) dst(%arg8 : memref<128xi32, #tpu.memory_space<vmem>>)
    %dma_start3A_63 = arith.constant 0 : i32
    %dma_start3A_64 = arith.constant 0 : i32
    %dma_start3A_65 = arith.constant 0 : i32
    %dma_start3A_66 = tpu.memref_slice %arg2[%dma_start3A_63, %dma_start3A_64, %dma_start3A_65] : memref<2x100000x64xf32, #tpu.memory_space<hbm>> -> memref<1x100000x64xf32, #tpu.memory_space<hbm>>
    %dma_start3A_67 = tpu.memref_squeeze %dma_start3A_66 : memref<1x100000x64xf32, #tpu.memory_space<hbm>> -> memref<100000x64xf32, #tpu.memory_space<hbm>>
    %dma_start3A_68 = arith.constant 0 : i32
    %dma_start3A_69 = arith.constant 0 : i32
    %dma_start3A_70 = tpu.memref_slice %dma_start3A_67[%dma_start3A_68, %dma_start3A_69] : memref<100000x64xf32, #tpu.memory_space<hbm>> -> memref<100000x64xf32, #tpu.memory_space<hbm>>
    tpu.enqueue_indirect_dma source(%dma_start3A_70 : memref<100000x64xf32, #tpu.memory_space<hbm>>) target(%arg10 : memref<128x64xf32, #tpu.memory_space<vmem>>) offsets(%arg8 : memref<128xi32, #tpu.memory_space<vmem>>) semaphore(%arg14 : memref<!tpu.dma_semaphore, #tpu.memory_space<semaphore_mem>>)
    %dma_wait3A_71 = arith.constant 0 : i32
    %dma_wait3A_72 = arith.constant 0 : i32
    %dma_wait3A_73 = arith.constant 0 : i32
    %dma_wait3A_74 = tpu.memref_slice %arg2[%dma_wait3A_71, %dma_wait3A_72, %dma_wait3A_73] : memref<2x100000x64xf32, #tpu.memory_space<hbm>> -> memref<1x100000x64xf32, #tpu.memory_space<hbm>>
    %dma_wait3A_75 = tpu.memref_squeeze %dma_wait3A_74 : memref<1x100000x64xf32, #tpu.memory_space<hbm>> -> memref<100000x64xf32, #tpu.memory_space<hbm>>
    %dma_wait3A_76 = arith.constant 0 : i32
    %dma_wait3A_77 = arith.constant 0 : i32
    %dma_wait3A_78 = tpu.memref_slice %dma_wait3A_75[%dma_wait3A_76, %dma_wait3A_77] : memref<100000x64xf32, #tpu.memory_space<hbm>> -> memref<100000x64xf32, #tpu.memory_space<hbm>>
    tpu.wait_indirect_dma semaphore(%arg13 : memref<!tpu.dma_semaphore, #tpu.memory_space<semaphore_mem>>) src(%dma_wait3A_78 : memref<100000x64xf32, #tpu.memory_space<hbm>>) dst(%arg9 : memref<128x64xf32, #tpu.memory_space<vmem>>)
    %add3A_79 = arith.constant 0 : i32
    %add3A_80 = arith.addi %mul3A_2, %add3A_79 : i32
    %dma_start3A_81 = arith.constant 0 : i32
    %dma_start3A_82 = tpu.memref_slice %arg5[%add3A_80, %dma_start3A_81] : memref<81920x64xf32, #tpu.memory_space<hbm>> -> memref<128x64xf32, #tpu.memory_space<hbm>>
    %dma_start3A_83 = arith.constant 0 : i32
    %dma_start3A_84 = tpu.memref_slice %arg5[%add3A_80, %dma_start3A_83] : memref<81920x64xf32, #tpu.memory_space<hbm>> -> memref<128x64xf32, #tpu.memory_space<hbm>>
    tpu.enqueue_dma source(%arg9 : memref<128x64xf32, #tpu.memory_space<vmem>>) target(%dma_start3A_84 : memref<128x64xf32, #tpu.memory_space<hbm>>) target_semaphore(%arg15 : memref<!tpu.dma_semaphore, #tpu.memory_space<semaphore_mem>>)
    %dma_wait3A_85 = arith.constant 0 : i32
    %dma_wait3A_86 = tpu.memref_slice %arg5[%add3A_80, %dma_wait3A_85] : memref<81920x64xf32, #tpu.memory_space<hbm>> -> memref<128x64xf32, #tpu.memory_space<hbm>>
    %dma_wait3A_87 = arith.constant 0 : i32
    %dma_wait3A_88 = tpu.memref_slice %arg5[%add3A_80, %dma_wait3A_87] : memref<81920x64xf32, #tpu.memory_space<hbm>> -> memref<128x64xf32, #tpu.memory_space<hbm>>
    tpu.wait_dma2 semaphore(%arg15 : memref<!tpu.dma_semaphore, #tpu.memory_space<semaphore_mem>>) src(%arg9 : memref<128x64xf32, #tpu.memory_space<vmem>>) dst(%dma_wait3A_88 : memref<128x64xf32, #tpu.memory_space<hbm>>)
    %add3A_89 = arith.constant 256 : i32
    %add3A_90 = arith.addi %mul3A_2, %add3A_89 : i32
    %dma_start3A_91 = tpu.memref_slice %arg3[%add3A_90] : memref<81920xi32, #tpu.memory_space<hbm>> -> memref<128xi32, #tpu.memory_space<hbm>>
    %dma_start3A_92 = tpu.memref_slice %arg3[%add3A_90] : memref<81920xi32, #tpu.memory_space<hbm>> -> memref<128xi32, #tpu.memory_space<hbm>>
    tpu.enqueue_dma source(%dma_start3A_92 : memref<128xi32, #tpu.memory_space<hbm>>) target(%arg7 : memref<128xi32, #tpu.memory_space<vmem>>) target_semaphore(%arg11 : memref<!tpu.dma_semaphore, #tpu.memory_space<semaphore_mem>>)
    %dma_wait3A_93 = tpu.memref_slice %arg3[%add3A_90] : memref<81920xi32, #tpu.memory_space<hbm>> -> memref<128xi32, #tpu.memory_space<hbm>>
    %dma_wait3A_94 = tpu.memref_slice %arg3[%add3A_90] : memref<81920xi32, #tpu.memory_space<hbm>> -> memref<128xi32, #tpu.memory_space<hbm>>
    tpu.wait_dma2 semaphore(%arg11 : memref<!tpu.dma_semaphore, #tpu.memory_space<semaphore_mem>>) src(%dma_wait3A_94 : memref<128xi32, #tpu.memory_space<hbm>>) dst(%arg7 : memref<128xi32, #tpu.memory_space<vmem>>)
    %dma_start3A_95 = arith.constant 0 : i32
    %dma_start3A_96 = arith.constant 0 : i32
    %dma_start3A_97 = arith.constant 0 : i32
    %dma_start3A_98 = tpu.memref_slice %arg2[%dma_start3A_95, %dma_start3A_96, %dma_start3A_97] : memref<2x100000x64xf32, #tpu.memory_space<hbm>> -> memref<1x100000x64xf32, #tpu.memory_space<hbm>>
    %dma_start3A_99 = tpu.memref_squeeze %dma_start3A_98 : memref<1x100000x64xf32, #tpu.memory_space<hbm>> -> memref<100000x64xf32, #tpu.memory_space<hbm>>
    %dma_start3A_100 = arith.constant 0 : i32
    %dma_start3A_101 = arith.constant 0 : i32
    %dma_start3A_102 = tpu.memref_slice %dma_start3A_99[%dma_start3A_100, %dma_start3A_101] : memref<100000x64xf32, #tpu.memory_space<hbm>> -> memref<100000x64xf32, #tpu.memory_space<hbm>>
    tpu.enqueue_indirect_dma source(%dma_start3A_102 : memref<100000x64xf32, #tpu.memory_space<hbm>>) target(%arg9 : memref<128x64xf32, #tpu.memory_space<vmem>>) offsets(%arg7 : memref<128xi32, #tpu.memory_space<vmem>>) semaphore(%arg13 : memref<!tpu.dma_semaphore, #tpu.memory_space<semaphore_mem>>)
    %dma_wait3A_103 = arith.constant 0 : i32
    %dma_wait3A_104 = arith.constant 0 : i32
    %dma_wait3A_105 = arith.constant 0 : i32
    %dma_wait3A_106 = tpu.memref_slice %arg2[%dma_wait3A_103, %dma_wait3A_104, %dma_wait3A_105] : memref<2x100000x64xf32, #tpu.memory_space<hbm>> -> memref<1x100000x64xf32, #tpu.memory_space<hbm>>
    %dma_wait3A_107 = tpu.memref_squeeze %dma_wait3A_106 : memref<1x100000x64xf32, #tpu.memory_space<hbm>> -> memref<100000x64xf32, #tpu.memory_space<hbm>>
    %dma_wait3A_108 = arith.constant 0 : i32
    %dma_wait3A_109 = arith.constant 0 : i32
    %dma_wait3A_110 = tpu.memref_slice %dma_wait3A_107[%dma_wait3A_108, %dma_wait3A_109] : memref<100000x64xf32, #tpu.memory_space<hbm>> -> memref<100000x64xf32, #tpu.memory_space<hbm>>
    tpu.wait_indirect_dma semaphore(%arg14 : memref<!tpu.dma_semaphore, #tpu.memory_space<semaphore_mem>>) src(%dma_wait3A_110 : memref<100000x64xf32, #tpu.memory_space<hbm>>) dst(%arg10 : memref<128x64xf32, #tpu.memory_space<vmem>>)
    %add3A_111 = arith.constant 128 : i32
    %add3A_112 = arith.addi %mul3A_2, %add3A_111 : i32
    %dma_start3A_113 = arith.constant 0 : i32
    %dma_start3A_114 = tpu.memref_slice %arg5[%add3A_112, %dma_start3A_113] : memref<81920x64xf32, #tpu.memory_space<hbm>> -> memref<128x64xf32, #tpu.memory_space<hbm>>
    %dma_start3A_115 = arith.constant 0 : i32
    %dma_start3A_116 = tpu.memref_slice %arg5[%add3A_112, %dma_start3A_115] : memref<81920x64xf32, #tpu.memory_space<hbm>> -> memref<128x64xf32, #tpu.memory_space<hbm>>
    tpu.enqueue_dma source(%arg10 : memref<128x64xf32, #tpu.memory_space<vmem>>) target(%dma_start3A_116 : memref<128x64xf32, #tpu.memory_space<hbm>>) target_semaphore(%arg16 : memref<!tpu.dma_semaphore, #tpu.memory_space<semaphore_mem>>)
    %dma_wait3A_117 = arith.constant 0 : i32
    %dma_wait3A_118 = tpu.memref_slice %arg5[%add3A_112, %dma_wait3A_117] : memref<81920x64xf32, #tpu.memory_space<hbm>> -> memref<128x64xf32, #tpu.memory_space<hbm>>
    %dma_wait3A_119 = arith.constant 0 : i32
    %dma_wait3A_120 = tpu.memref_slice %arg5[%add3A_112, %dma_wait3A_119] : memref<81920x64xf32, #tpu.memory_space<hbm>> -> memref<128x64xf32, #tpu.memory_space<hbm>>
    tpu.wait_dma2 semaphore(%arg16 : memref<!tpu.dma_semaphore, #tpu.memory_space<semaphore_mem>>) src(%arg10 : memref<128x64xf32, #tpu.memory_space<vmem>>) dst(%dma_wait3A_120 : memref<128x64xf32, #tpu.memory_space<hbm>>)
    %add3A_121 = arith.constant 384 : i32
    %add3A_122 = arith.addi %mul3A_2, %add3A_121 : i32
    %dma_start3A_123 = tpu.memref_slice %arg3[%add3A_122] : memref<81920xi32, #tpu.memory_space<hbm>> -> memref<128xi32, #tpu.memory_space<hbm>>
    %dma_start3A_124 = tpu.memref_slice %arg3[%add3A_122] : memref<81920xi32, #tpu.memory_space<hbm>> -> memref<128xi32, #tpu.memory_space<hbm>>
    tpu.enqueue_dma source(%dma_start3A_124 : memref<128xi32, #tpu.memory_space<hbm>>) target(%arg8 : memref<128xi32, #tpu.memory_space<vmem>>) target_semaphore(%arg12 : memref<!tpu.dma_semaphore, #tpu.memory_space<semaphore_mem>>)
    %dma_wait3A_125 = tpu.memref_slice %arg3[%add3A_122] : memref<81920xi32, #tpu.memory_space<hbm>> -> memref<128xi32, #tpu.memory_space<hbm>>
    %dma_wait3A_126 = tpu.memref_slice %arg3[%add3A_122] : memref<81920xi32, #tpu.memory_space<hbm>> -> memref<128xi32, #tpu.memory_space<hbm>>
    tpu.wait_dma2 semaphore(%arg12 : memref<!tpu.dma_semaphore, #tpu.memory_space<semaphore_mem>>) src(%dma_wait3A_126 : memref<128xi32, #tpu.memory_space<hbm>>) dst(%arg8 : memref<128xi32, #tpu.memory_space<vmem>>)
    %dma_start3A_127 = arith.constant 0 : i32
    %dma_start3A_128 = arith.constant 0 : i32
    %dma_start3A_129 = arith.constant 0 : i32
    %dma_start3A_130 = tpu.memref_slice %arg2[%dma_start3A_127, %dma_start3A_128, %dma_start3A_129] : memref<2x100000x64xf32, #tpu.memory_space<hbm>> -> memref<1x100000x64xf32, #tpu.memory_space<hbm>>
    %dma_start3A_131 = tpu.memref_squeeze %dma_start3A_130 : memref<1x100000x64xf32, #tpu.memory_space<hbm>> -> memref<100000x64xf32, #tpu.memory_space<hbm>>
    %dma_start3A_132 = arith.constant 0 : i32
    %dma_start3A_133 = arith.constant 0 : i32
    %dma_start3A_134 = tpu.memref_slice %dma_start3A_131[%dma_start3A_132, %dma_start3A_133] : memref<100000x64xf32, #tpu.memory_space<hbm>> -> memref<100000x64xf32, #tpu.memory_space<hbm>>
    tpu.enqueue_indirect_dma source(%dma_start3A_134 : memref<100000x64xf32, #tpu.memory_space<hbm>>) target(%arg10 : memref<128x64xf32, #tpu.memory_space<vmem>>) offsets(%arg8 : memref<128xi32, #tpu.memory_space<vmem>>) semaphore(%arg14 : memref<!tpu.dma_semaphore, #tpu.memory_space<semaphore_mem>>)
    %dma_wait3A_135 = arith.constant 0 : i32
    %dma_wait3A_136 = arith.constant 0 : i32
    %dma_wait3A_137 = arith.constant 0 : i32
    %dma_wait3A_138 = tpu.memref_slice %arg2[%dma_wait3A_135, %dma_wait3A_136, %dma_wait3A_137] : memref<2x100000x64xf32, #tpu.memory_space<hbm>> -> memref<1x100000x64xf32, #tpu.memory_space<hbm>>
    %dma_wait3A_139 = tpu.memref_squeeze %dma_wait3A_138 : memref<1x100000x64xf32, #tpu.memory_space<hbm>> -> memref<100000x64xf32, #tpu.memory_space<hbm>>
    %dma_wait3A_140 = arith.constant 0 : i32
    %dma_wait3A_141 = arith.constant 0 : i32
    %dma_wait3A_142 = tpu.memref_slice %dma_wait3A_139[%dma_wait3A_140, %dma_wait3A_141] : memref<100000x64xf32, #tpu.memory_space<hbm>> -> memref<100000x64xf32, #tpu.memory_space<hbm>>
    tpu.wait_indirect_dma semaphore(%arg13 : memref<!tpu.dma_semaphore, #tpu.memory_space<semaphore_mem>>) src(%dma_wait3A_142 : memref<100000x64xf32, #tpu.memory_space<hbm>>) dst(%arg9 : memref<128x64xf32, #tpu.memory_space<vmem>>)
    %add3A_143 = arith.constant 256 : i32
    %add3A_144 = arith.addi %mul3A_2, %add3A_143 : i32
    %dma_start3A_145 = arith.constant 0 : i32
    %dma_start3A_146 = tpu.memref_slice %arg5[%add3A_144, %dma_start3A_145] : memref<81920x64xf32, #tpu.memory_space<hbm>> -> memref<128x64xf32, #tpu.memory_space<hbm>>
    %dma_start3A_147 = arith.constant 0 : i32
    %dma_start3A_148 = tpu.memref_slice %arg5[%add3A_144, %dma_start3A_147] : memref<81920x64xf32, #tpu.memory_space<hbm>> -> memref<128x64xf32, #tpu.memory_space<hbm>>
    tpu.enqueue_dma source(%arg9 : memref<128x64xf32, #tpu.memory_space<vmem>>) target(%dma_start3A_148 : memref<128x64xf32, #tpu.memory_space<hbm>>) target_semaphore(%arg15 : memref<!tpu.dma_semaphore, #tpu.memory_space<semaphore_mem>>)
    %dma_wait3A_149 = arith.constant 0 : i32
    %dma_wait3A_150 = tpu.memref_slice %arg5[%add3A_144, %dma_wait3A_149] : memref<81920x64xf32, #tpu.memory_space<hbm>> -> memref<128x64xf32, #tpu.memory_space<hbm>>
    %dma_wait3A_151 = arith.constant 0 : i32
    %dma_wait3A_152 = tpu.memref_slice %arg5[%add3A_144, %dma_wait3A_151] : memref<81920x64xf32, #tpu.memory_space<hbm>> -> memref<128x64xf32, #tpu.memory_space<hbm>>
    tpu.wait_dma2 semaphore(%arg15 : memref<!tpu.dma_semaphore, #tpu.memory_space<semaphore_mem>>) src(%arg9 : memref<128x64xf32, #tpu.memory_space<vmem>>) dst(%dma_wait3A_152 : memref<128x64xf32, #tpu.memory_space<hbm>>)
    %add3A_153 = arith.constant 512 : i32
    %add3A_154 = arith.addi %mul3A_2, %add3A_153 : i32
    %dma_start3A_155 = tpu.memref_slice %arg3[%add3A_154] : memref<81920xi32, #tpu.memory_space<hbm>> -> memref<128xi32, #tpu.memory_space<hbm>>
    %dma_start3A_156 = tpu.memref_slice %arg3[%add3A_154] : memref<81920xi32, #tpu.memory_space<hbm>> -> memref<128xi32, #tpu.memory_space<hbm>>
    tpu.enqueue_dma source(%dma_start3A_156 : memref<128xi32, #tpu.memory_space<hbm>>) target(%arg7 : memref<128xi32, #tpu.memory_space<vmem>>) target_semaphore(%arg11 : memref<!tpu.dma_semaphore, #tpu.memory_space<semaphore_mem>>)
    %dma_wait3A_157 = tpu.memref_slice %arg3[%add3A_154] : memref<81920xi32, #tpu.memory_space<hbm>> -> memref<128xi32, #tpu.memory_space<hbm>>
    %dma_wait3A_158 = tpu.memref_slice %arg3[%add3A_154] : memref<81920xi32, #tpu.memory_space<hbm>> -> memref<128xi32, #tpu.memory_space<hbm>>
    tpu.wait_dma2 semaphore(%arg11 : memref<!tpu.dma_semaphore, #tpu.memory_space<semaphore_mem>>) src(%dma_wait3A_158 : memref<128xi32, #tpu.memory_space<hbm>>) dst(%arg7 : memref<128xi32, #tpu.memory_space<vmem>>)
    %dma_start3A_159 = arith.constant 0 : i32
    %dma_start3A_160 = arith.constant 0 : i32
    %dma_start3A_161 = arith.constant 0 : i32
    %dma_start3A_162 = tpu.memref_slice %arg2[%dma_start3A_159, %dma_start3A_160, %dma_start3A_161] : memref<2x100000x64xf32, #tpu.memory_space<hbm>> -> memref<1x100000x64xf32, #tpu.memory_space<hbm>>
    %dma_start3A_163 = tpu.memref_squeeze %dma_start3A_162 : memref<1x100000x64xf32, #tpu.memory_space<hbm>> -> memref<100000x64xf32, #tpu.memory_space<hbm>>
    %dma_start3A_164 = arith.constant 0 : i32
    %dma_start3A_165 = arith.constant 0 : i32
    %dma_start3A_166 = tpu.memref_slice %dma_start3A_163[%dma_start3A_164, %dma_start3A_165] : memref<100000x64xf32, #tpu.memory_space<hbm>> -> memref<100000x64xf32, #tpu.memory_space<hbm>>
    tpu.enqueue_indirect_dma source(%dma_start3A_166 : memref<100000x64xf32, #tpu.memory_space<hbm>>) target(%arg9 : memref<128x64xf32, #tpu.memory_space<vmem>>) offsets(%arg7 : memref<128xi32, #tpu.memory_space<vmem>>) semaphore(%arg13 : memref<!tpu.dma_semaphore, #tpu.memory_space<semaphore_mem>>)
    %dma_wait3A_167 = arith.constant 0 : i32
    %dma_wait3A_168 = arith.constant 0 : i32
    %dma_wait3A_169 = arith.constant 0 : i32
    %dma_wait3A_170 = tpu.memref_slice %arg2[%dma_wait3A_167, %dma_wait3A_168, %dma_wait3A_169] : memref<2x100000x64xf32, #tpu.memory_space<hbm>> -> memref<1x100000x64xf32, #tpu.memory_space<hbm>>
    %dma_wait3A_171 = tpu.memref_squeeze %dma_wait3A_170 : memref<1x100000x64xf32, #tpu.memory_space<hbm>> -> memref<100000x64xf32, #tpu.memory_space<hbm>>
    %dma_wait3A_172 = arith.constant 0 : i32
    %dma_wait3A_173 = arith.constant 0 : i32
    %dma_wait3A_174 = tpu.memref_slice %dma_wait3A_171[%dma_wait3A_172, %dma_wait3A_173] : memref<100000x64xf32, #tpu.memory_space<hbm>> -> memref<100000x64xf32, #tpu.memory_space<hbm>>
    tpu.wait_indirect_dma semaphore(%arg14 : memref<!tpu.dma_semaphore, #tpu.memory_space<semaphore_mem>>) src(%dma_wait3A_174 : memref<100000x64xf32, #tpu.memory_space<hbm>>) dst(%arg10 : memref<128x64xf32, #tpu.memory_space<vmem>>)
    %add3A_175 = arith.constant 384 : i32
    %add3A_176 = arith.addi %mul3A_2, %add3A_175 : i32
    %dma_start3A_177 = arith.constant 0 : i32
    %dma_start3A_178 = tpu.memref_slice %arg5[%add3A_176, %dma_start3A_177] : memref<81920x64xf32, #tpu.memory_space<hbm>> -> memref<128x64xf32, #tpu.memory_space<hbm>>
    %dma_start3A_179 = arith.constant 0 : i32
    %dma_start3A_180 = tpu.memref_slice %arg5[%add3A_176, %dma_start3A_179] : memref<81920x64xf32, #tpu.memory_space<hbm>> -> memref<128x64xf32, #tpu.memory_space<hbm>>
    tpu.enqueue_dma source(%arg10 : memref<128x64xf32, #tpu.memory_space<vmem>>) target(%dma_start3A_180 : memref<128x64xf32, #tpu.memory_space<hbm>>) target_semaphore(%arg16 : memref<!tpu.dma_semaphore, #tpu.memory_space<semaphore_mem>>)
    %dma_wait3A_181 = arith.constant 0 : i32
    %dma_wait3A_182 = tpu.memref_slice %arg5[%add3A_176, %dma_wait3A_181] : memref<81920x64xf32, #tpu.memory_space<hbm>> -> memref<128x64xf32, #tpu.memory_space<hbm>>
    %dma_wait3A_183 = arith.constant 0 : i32
    %dma_wait3A_184 = tpu.memref_slice %arg5[%add3A_176, %dma_wait3A_183] : memref<81920x64xf32, #tpu.memory_space<hbm>> -> memref<128x64xf32, #tpu.memory_space<hbm>>
    tpu.wait_dma2 semaphore(%arg16 : memref<!tpu.dma_semaphore, #tpu.memory_space<semaphore_mem>>) src(%arg10 : memref<128x64xf32, #tpu.memory_space<vmem>>) dst(%dma_wait3A_184 : memref<128x64xf32, #tpu.memory_space<hbm>>)
    %add3A_185 = arith.constant 640 : i32
    %add3A_186 = arith.addi %mul3A_2, %add3A_185 : i32
    %dma_start3A_187 = tpu.memref_slice %arg3[%add3A_186] : memref<81920xi32, #tpu.memory_space<hbm>> -> memref<128xi32, #tpu.memory_space<hbm>>
    %dma_start3A_188 = tpu.memref_slice %arg3[%add3A_186] : memref<81920xi32, #tpu.memory_space<hbm>> -> memref<128xi32, #tpu.memory_space<hbm>>
    tpu.enqueue_dma source(%dma_start3A_188 : memref<128xi32, #tpu.memory_space<hbm>>) target(%arg8 : memref<128xi32, #tpu.memory_space<vmem>>) target_semaphore(%arg12 : memref<!tpu.dma_semaphore, #tpu.memory_space<semaphore_mem>>)
    %dma_wait3A_189 = tpu.memref_slice %arg3[%add3A_186] : memref<81920xi32, #tpu.memory_space<hbm>> -> memref<128xi32, #tpu.memory_space<hbm>>
    %dma_wait3A_190 = tpu.memref_slice %arg3[%add3A_186] : memref<81920xi32, #tpu.memory_space<hbm>> -> memref<128xi32, #tpu.memory_space<hbm>>
    tpu.wait_dma2 semaphore(%arg12 : memref<!tpu.dma_semaphore, #tpu.memory_space<semaphore_mem>>) src(%dma_wait3A_190 : memref<128xi32, #tpu.memory_space<hbm>>) dst(%arg8 : memref<128xi32, #tpu.memory_space<vmem>>)
    %dma_start3A_191 = arith.constant 0 : i32
    %dma_start3A_192 = arith.constant 0 : i32
    %dma_start3A_193 = arith.constant 0 : i32
    %dma_start3A_194 = tpu.memref_slice %arg2[%dma_start3A_191, %dma_start3A_192, %dma_start3A_193] : memref<2x100000x64xf32, #tpu.memory_space<hbm>> -> memref<1x100000x64xf32, #tpu.memory_space<hbm>>
    %dma_start3A_195 = tpu.memref_squeeze %dma_start3A_194 : memref<1x100000x64xf32, #tpu.memory_space<hbm>> -> memref<100000x64xf32, #tpu.memory_space<hbm>>
    %dma_start3A_196 = arith.constant 0 : i32
    %dma_start3A_197 = arith.constant 0 : i32
    %dma_start3A_198 = tpu.memref_slice %dma_start3A_195[%dma_start3A_196, %dma_start3A_197] : memref<100000x64xf32, #tpu.memory_space<hbm>> -> memref<100000x64xf32, #tpu.memory_space<hbm>>
    tpu.enqueue_indirect_dma source(%dma_start3A_198 : memref<100000x64xf32, #tpu.memory_space<hbm>>) target(%arg10 : memref<128x64xf32, #tpu.memory_space<vmem>>) offsets(%arg8 : memref<128xi32, #tpu.memory_space<vmem>>) semaphore(%arg14 : memref<!tpu.dma_semaphore, #tpu.memory_space<semaphore_mem>>)
    %dma_wait3A_199 = arith.constant 0 : i32
    %dma_wait3A_200 = arith.constant 0 : i32
    %dma_wait3A_201 = arith.constant 0 : i32
    %dma_wait3A_202 = tpu.memref_slice %arg2[%dma_wait3A_199, %dma_wait3A_200, %dma_wait3A_201] : memref<2x100000x64xf32, #tpu.memory_space<hbm>> -> memref<1x100000x64xf32, #tpu.memory_space<hbm>>
    %dma_wait3A_203 = tpu.memref_squeeze %dma_wait3A_202 : memref<1x100000x64xf32, #tpu.memory_space<hbm>> -> memref<100000x64xf32, #tpu.memory_space<hbm>>
    %dma_wait3A_204 = arith.constant 0 : i32
    %dma_wait3A_205 = arith.constant 0 : i32
    %dma_wait3A_206 = tpu.memref_slice %dma_wait3A_203[%dma_wait3A_204, %dma_wait3A_205] : memref<100000x64xf32, #tpu.memory_space<hbm>> -> memref<100000x64xf32, #tpu.memory_space<hbm>>
    tpu.wait_indirect_dma semaphore(%arg13 : memref<!tpu.dma_semaphore, #tpu.memory_space<semaphore_mem>>) src(%dma_wait3A_206 : memref<100000x64xf32, #tpu.memory_space<hbm>>) dst(%arg9 : memref<128x64xf32, #tpu.memory_space<vmem>>)
    %add3A_207 = arith.constant 512 : i32
    %add3A_208 = arith.addi %mul3A_2, %add3A_207 : i32
    %dma_start3A_209 = arith.constant 0 : i32
    %dma_start3A_210 = tpu.memref_slice %arg5[%add3A_208, %dma_start3A_209] : memref<81920x64xf32, #tpu.memory_space<hbm>> -> memref<128x64xf32, #tpu.memory_space<hbm>>
    %dma_start3A_211 = arith.constant 0 : i32
    %dma_start3A_212 = tpu.memref_slice %arg5[%add3A_208, %dma_start3A_211] : memref<81920x64xf32, #tpu.memory_space<hbm>> -> memref<128x64xf32, #tpu.memory_space<hbm>>
    tpu.enqueue_dma source(%arg9 : memref<128x64xf32, #tpu.memory_space<vmem>>) target(%dma_start3A_212 : memref<128x64xf32, #tpu.memory_space<hbm>>) target_semaphore(%arg15 : memref<!tpu.dma_semaphore, #tpu.memory_space<semaphore_mem>>)
    %dma_wait3A_213 = arith.constant 0 : i32
    %dma_wait3A_214 = tpu.memref_slice %arg5[%add3A_208, %dma_wait3A_213] : memref<81920x64xf32, #tpu.memory_space<hbm>> -> memref<128x64xf32, #tpu.memory_space<hbm>>
    %dma_wait3A_215 = arith.constant 0 : i32
    %dma_wait3A_216 = tpu.memref_slice %arg5[%add3A_208, %dma_wait3A_215] : memref<81920x64xf32, #tpu.memory_space<hbm>> -> memref<128x64xf32, #tpu.memory_space<hbm>>
    tpu.wait_dma2 semaphore(%arg15 : memref<!tpu.dma_semaphore, #tpu.memory_space<semaphore_mem>>) src(%arg9 : memref<128x64xf32, #tpu.memory_space<vmem>>) dst(%dma_wait3A_216 : memref<128x64xf32, #tpu.memory_space<hbm>>)
    %add3A_217 = arith.constant 768 : i32
    %add3A_218 = arith.addi %mul3A_2, %add3A_217 : i32
    %dma_start3A_219 = tpu.memref_slice %arg3[%add3A_218] : memref<81920xi32, #tpu.memory_space<hbm>> -> memref<128xi32, #tpu.memory_space<hbm>>
    %dma_start3A_220 = tpu.memref_slice %arg3[%add3A_218] : memref<81920xi32, #tpu.memory_space<hbm>> -> memref<128xi32, #tpu.memory_space<hbm>>
    tpu.enqueue_dma source(%dma_start3A_220 : memref<128xi32, #tpu.memory_space<hbm>>) target(%arg7 : memref<128xi32, #tpu.memory_space<vmem>>) target_semaphore(%arg11 : memref<!tpu.dma_semaphore, #tpu.memory_space<semaphore_mem>>)
    %dma_wait3A_221 = tpu.memref_slice %arg3[%add3A_218] : memref<81920xi32, #tpu.memory_space<hbm>> -> memref<128xi32, #tpu.memory_space<hbm>>
    %dma_wait3A_222 = tpu.memref_slice %arg3[%add3A_218] : memref<81920xi32, #tpu.memory_space<hbm>> -> memref<128xi32, #tpu.memory_space<hbm>>
    tpu.wait_dma2 semaphore(%arg11 : memref<!tpu.dma_semaphore, #tpu.memory_space<semaphore_mem>>) src(%dma_wait3A_222 : memref<128xi32, #tpu.memory_space<hbm>>) dst(%arg7 : memref<128xi32, #tpu.memory_space<vmem>>)
    %dma_start3A_223 = arith.constant 0 : i32
    %dma_start3A_224 = arith.constant 0 : i32
    %dma_start3A_225 = arith.constant 0 : i32
    %dma_start3A_226 = tpu.memref_slice %arg2[%dma_start3A_223, %dma_start3A_224, %dma_start3A_225] : memref<2x100000x64xf32, #tpu.memory_space<hbm>> -> memref<1x100000x64xf32, #tpu.memory_space<hbm>>
    %dma_start3A_227 = tpu.memref_squeeze %dma_start3A_226 : memref<1x100000x64xf32, #tpu.memory_space<hbm>> -> memref<100000x64xf32, #tpu.memory_space<hbm>>
    %dma_start3A_228 = arith.constant 0 : i32
    %dma_start3A_229 = arith.constant 0 : i32
    %dma_start3A_230 = tpu.memref_slice %dma_start3A_227[%dma_start3A_228, %dma_start3A_229] : memref<100000x64xf32, #tpu.memory_space<hbm>> -> memref<100000x64xf32, #tpu.memory_space<hbm>>
    tpu.enqueue_indirect_dma source(%dma_start3A_230 : memref<100000x64xf32, #tpu.memory_space<hbm>>) target(%arg9 : memref<128x64xf32, #tpu.memory_space<vmem>>) offsets(%arg7 : memref<128xi32, #tpu.memory_space<vmem>>) semaphore(%arg13 : memref<!tpu.dma_semaphore, #tpu.memory_space<semaphore_mem>>)
    %dma_wait3A_231 = arith.constant 0 : i32
    %dma_wait3A_232 = arith.constant 0 : i32
    %dma_wait3A_233 = arith.constant 0 : i32
    %dma_wait3A_234 = tpu.memref_slice %arg2[%dma_wait3A_231, %dma_wait3A_232, %dma_wait3A_233] : memref<2x100000x64xf32, #tpu.memory_space<hbm>> -> memref<1x100000x64xf32, #tpu.memory_space<hbm>>
    %dma_wait3A_235 = tpu.memref_squeeze %dma_wait3A_234 : memref<1x100000x64xf32, #tpu.memory_space<hbm>> -> memref<100000x64xf32, #tpu.memory_space<hbm>>
    %dma_wait3A_236 = arith.constant 0 : i32
    %dma_wait3A_237 = arith.constant 0 : i32
    %dma_wait3A_238 = tpu.memref_slice %dma_wait3A_235[%dma_wait3A_236, %dma_wait3A_237] : memref<100000x64xf32, #tpu.memory_space<hbm>> -> memref<100000x64xf32, #tpu.memory_space<hbm>>
    tpu.wait_indirect_dma semaphore(%arg14 : memref<!tpu.dma_semaphore, #tpu.memory_space<semaphore_mem>>) src(%dma_wait3A_238 : memref<100000x64xf32, #tpu.memory_space<hbm>>) dst(%arg10 : memref<128x64xf32, #tpu.memory_space<vmem>>)
    %add3A_239 = arith.constant 640 : i32
    %add3A_240 = arith.addi %mul3A_2, %add3A_239 : i32
    %dma_start3A_241 = arith.constant 0 : i32
    %dma_start3A_242 = tpu.memref_slice %arg5[%add3A_240, %dma_start3A_241] : memref<81920x64xf32, #tpu.memory_space<hbm>> -> memref<128x64xf32, #tpu.memory_space<hbm>>
    %dma_start3A_243 = arith.constant 0 : i32
    %dma_start3A_244 = tpu.memref_slice %arg5[%add3A_240, %dma_start3A_243] : memref<81920x64xf32, #tpu.memory_space<hbm>> -> memref<128x64xf32, #tpu.memory_space<hbm>>
    tpu.enqueue_dma source(%arg10 : memref<128x64xf32, #tpu.memory_space<vmem>>) target(%dma_start3A_244 : memref<128x64xf32, #tpu.memory_space<hbm>>) target_semaphore(%arg16 : memref<!tpu.dma_semaphore, #tpu.memory_space<semaphore_mem>>)
    %dma_wait3A_245 = arith.constant 0 : i32
    %dma_wait3A_246 = tpu.memref_slice %arg5[%add3A_240, %dma_wait3A_245] : memref<81920x64xf32, #tpu.memory_space<hbm>> -> memref<128x64xf32, #tpu.memory_space<hbm>>
    %dma_wait3A_247 = arith.constant 0 : i32
    %dma_wait3A_248 = tpu.memref_slice %arg5[%add3A_240, %dma_wait3A_247] : memref<81920x64xf32, #tpu.memory_space<hbm>> -> memref<128x64xf32, #tpu.memory_space<hbm>>
    tpu.wait_dma2 semaphore(%arg16 : memref<!tpu.dma_semaphore, #tpu.memory_space<semaphore_mem>>) src(%arg10 : memref<128x64xf32, #tpu.memory_space<vmem>>) dst(%dma_wait3A_248 : memref<128x64xf32, #tpu.memory_space<hbm>>)
    %add3A_249 = arith.constant 896 : i32
    %add3A_250 = arith.addi %mul3A_2, %add3A_249 : i32
    %dma_start3A_251 = tpu.memref_slice %arg3[%add3A_250] : memref<81920xi32, #tpu.memory_space<hbm>> -> memref<128xi32, #tpu.memory_space<hbm>>
    %dma_start3A_252 = tpu.memref_slice %arg3[%add3A_250] : memref<81920xi32, #tpu.memory_space<hbm>> -> memref<128xi32, #tpu.memory_space<hbm>>
    tpu.enqueue_dma source(%dma_start3A_252 : memref<128xi32, #tpu.memory_space<hbm>>) target(%arg8 : memref<128xi32, #tpu.memory_space<vmem>>) target_semaphore(%arg12 : memref<!tpu.dma_semaphore, #tpu.memory_space<semaphore_mem>>)
    %dma_wait3A_253 = tpu.memref_slice %arg3[%add3A_250] : memref<81920xi32, #tpu.memory_space<hbm>> -> memref<128xi32, #tpu.memory_space<hbm>>
    %dma_wait3A_254 = tpu.memref_slice %arg3[%add3A_250] : memref<81920xi32, #tpu.memory_space<hbm>> -> memref<128xi32, #tpu.memory_space<hbm>>
    tpu.wait_dma2 semaphore(%arg12 : memref<!tpu.dma_semaphore, #tpu.memory_space<semaphore_mem>>) src(%dma_wait3A_254 : memref<128xi32, #tpu.memory_space<hbm>>) dst(%arg8 : memref<128xi32, #tpu.memory_space<vmem>>)
    %dma_start3A_255 = arith.constant 0 : i32
    %dma_start3A_256 = arith.constant 0 : i32
    %dma_start3A_257 = arith.constant 0 : i32
    %dma_start3A_258 = tpu.memref_slice %arg2[%dma_start3A_255, %dma_start3A_256, %dma_start3A_257] : memref<2x100000x64xf32, #tpu.memory_space<hbm>> -> memref<1x100000x64xf32, #tpu.memory_space<hbm>>
    %dma_start3A_259 = tpu.memref_squeeze %dma_start3A_258 : memref<1x100000x64xf32, #tpu.memory_space<hbm>> -> memref<100000x64xf32, #tpu.memory_space<hbm>>
    %dma_start3A_260 = arith.constant 0 : i32
    %dma_start3A_261 = arith.constant 0 : i32
    %dma_start3A_262 = tpu.memref_slice %dma_start3A_259[%dma_start3A_260, %dma_start3A_261] : memref<100000x64xf32, #tpu.memory_space<hbm>> -> memref<100000x64xf32, #tpu.memory_space<hbm>>
    tpu.enqueue_indirect_dma source(%dma_start3A_262 : memref<100000x64xf32, #tpu.memory_space<hbm>>) target(%arg10 : memref<128x64xf32, #tpu.memory_space<vmem>>) offsets(%arg8 : memref<128xi32, #tpu.memory_space<vmem>>) semaphore(%arg14 : memref<!tpu.dma_semaphore, #tpu.memory_space<semaphore_mem>>)
    %dma_wait3A_263 = arith.constant 0 : i32
    %dma_wait3A_264 = arith.constant 0 : i32
    %dma_wait3A_265 = arith.constant 0 : i32
    %dma_wait3A_266 = tpu.memref_slice %arg2[%dma_wait3A_263, %dma_wait3A_264, %dma_wait3A_265] : memref<2x100000x64xf32, #tpu.memory_space<hbm>> -> memref<1x100000x64xf32, #tpu.memory_space<hbm>>
    %dma_wait3A_267 = tpu.memref_squeeze %dma_wait3A_266 : memref<1x100000x64xf32, #tpu.memory_space<hbm>> -> memref<100000x64xf32, #tpu.memory_space<hbm>>
    %dma_wait3A_268 = arith.constant 0 : i32
    %dma_wait3A_269 = arith.constant 0 : i32
    %dma_wait3A_270 = tpu.memref_slice %dma_wait3A_267[%dma_wait3A_268, %dma_wait3A_269] : memref<100000x64xf32, #tpu.memory_space<hbm>> -> memref<100000x64xf32, #tpu.memory_space<hbm>>
    tpu.wait_indirect_dma semaphore(%arg13 : memref<!tpu.dma_semaphore, #tpu.memory_space<semaphore_mem>>) src(%dma_wait3A_270 : memref<100000x64xf32, #tpu.memory_space<hbm>>) dst(%arg9 : memref<128x64xf32, #tpu.memory_space<vmem>>)
    %add3A_271 = arith.constant 768 : i32
    %add3A_272 = arith.addi %mul3A_2, %add3A_271 : i32
    %dma_start3A_273 = arith.constant 0 : i32
    %dma_start3A_274 = tpu.memref_slice %arg5[%add3A_272, %dma_start3A_273] : memref<81920x64xf32, #tpu.memory_space<hbm>> -> memref<128x64xf32, #tpu.memory_space<hbm>>
    %dma_start3A_275 = arith.constant 0 : i32
    %dma_start3A_276 = tpu.memref_slice %arg5[%add3A_272, %dma_start3A_275] : memref<81920x64xf32, #tpu.memory_space<hbm>> -> memref<128x64xf32, #tpu.memory_space<hbm>>
    tpu.enqueue_dma source(%arg9 : memref<128x64xf32, #tpu.memory_space<vmem>>) target(%dma_start3A_276 : memref<128x64xf32, #tpu.memory_space<hbm>>) target_semaphore(%arg15 : memref<!tpu.dma_semaphore, #tpu.memory_space<semaphore_mem>>)
    %dma_wait3A_277 = arith.constant 0 : i32
    %dma_wait3A_278 = tpu.memref_slice %arg5[%add3A_272, %dma_wait3A_277] : memref<81920x64xf32, #tpu.memory_space<hbm>> -> memref<128x64xf32, #tpu.memory_space<hbm>>
    %dma_wait3A_279 = arith.constant 0 : i32
    %dma_wait3A_280 = tpu.memref_slice %arg5[%add3A_272, %dma_wait3A_279] : memref<81920x64xf32, #tpu.memory_space<hbm>> -> memref<128x64xf32, #tpu.memory_space<hbm>>
    tpu.wait_dma2 semaphore(%arg15 : memref<!tpu.dma_semaphore, #tpu.memory_space<semaphore_mem>>) src(%arg9 : memref<128x64xf32, #tpu.memory_space<vmem>>) dst(%dma_wait3A_280 : memref<128x64xf32, #tpu.memory_space<hbm>>)
    %add3A_281 = arith.constant 1024 : i32
    %add3A_282 = arith.addi %mul3A_2, %add3A_281 : i32
    %dma_start3A_283 = tpu.memref_slice %arg3[%add3A_282] : memref<81920xi32, #tpu.memory_space<hbm>> -> memref<128xi32, #tpu.memory_space<hbm>>
    %dma_start3A_284 = tpu.memref_slice %arg3[%add3A_282] : memref<81920xi32, #tpu.memory_space<hbm>> -> memref<128xi32, #tpu.memory_space<hbm>>
    tpu.enqueue_dma source(%dma_start3A_284 : memref<128xi32, #tpu.memory_space<hbm>>) target(%arg7 : memref<128xi32, #tpu.memory_space<vmem>>) target_semaphore(%arg11 : memref<!tpu.dma_semaphore, #tpu.memory_space<semaphore_mem>>)
    %dma_wait3A_285 = tpu.memref_slice %arg3[%add3A_282] : memref<81920xi32, #tpu.memory_space<hbm>> -> memref<128xi32, #tpu.memory_space<hbm>>
    %dma_wait3A_286 = tpu.memref_slice %arg3[%add3A_282] : memref<81920xi32, #tpu.memory_space<hbm>> -> memref<128xi32, #tpu.memory_space<hbm>>
    tpu.wait_dma2 semaphore(%arg11 : memref<!tpu.dma_semaphore, #tpu.memory_space<semaphore_mem>>) src(%dma_wait3A_286 : memref<128xi32, #tpu.memory_space<hbm>>) dst(%arg7 : memref<128xi32, #tpu.memory_space<vmem>>)
    %dma_start3A_287 = arith.constant 0 : i32
    %dma_start3A_288 = arith.constant 0 : i32
    %dma_start3A_289 = arith.constant 0 : i32
    %dma_start3A_290 = tpu.memref_slice %arg2[%dma_start3A_287, %dma_start3A_288, %dma_start3A_289] : memref<2x100000x64xf32, #tpu.memory_space<hbm>> -> memref<1x100000x64xf32, #tpu.memory_space<hbm>>
    %dma_start3A_291 = tpu.memref_squeeze %dma_start3A_290 : memref<1x100000x64xf32, #tpu.memory_space<hbm>> -> memref<100000x64xf32, #tpu.memory_space<hbm>>
    %dma_start3A_292 = arith.constant 0 : i32
    %dma_start3A_293 = arith.constant 0 : i32
    %dma_start3A_294 = tpu.memref_slice %dma_start3A_291[%dma_start3A_292, %dma_start3A_293] : memref<100000x64xf32, #tpu.memory_space<hbm>> -> memref<100000x64xf32, #tpu.memory_space<hbm>>
    tpu.enqueue_indirect_dma source(%dma_start3A_294 : memref<100000x64xf32, #tpu.memory_space<hbm>>) target(%arg9 : memref<128x64xf32, #tpu.memory_space<vmem>>) offsets(%arg7 : memref<128xi32, #tpu.memory_space<vmem>>) semaphore(%arg13 : memref<!tpu.dma_semaphore, #tpu.memory_space<semaphore_mem>>)
    %dma_wait3A_295 = arith.constant 0 : i32
    %dma_wait3A_296 = arith.constant 0 : i32
    %dma_wait3A_297 = arith.constant 0 : i32
    %dma_wait3A_298 = tpu.memref_slice %arg2[%dma_wait3A_295, %dma_wait3A_296, %dma_wait3A_297] : memref<2x100000x64xf32, #tpu.memory_space<hbm>> -> memref<1x100000x64xf32, #tpu.memory_space<hbm>>
    %dma_wait3A_299 = tpu.memref_squeeze %dma_wait3A_298 : memref<1x100000x64xf32, #tpu.memory_space<hbm>> -> memref<100000x64xf32, #tpu.memory_space<hbm>>
    %dma_wait3A_300 = arith.constant 0 : i32
    %dma_wait3A_301 = arith.constant 0 : i32
    %dma_wait3A_302 = tpu.memref_slice %dma_wait3A_299[%dma_wait3A_300, %dma_wait3A_301] : memref<100000x64xf32, #tpu.memory_space<hbm>> -> memref<100000x64xf32, #tpu.memory_space<hbm>>
    tpu.wait_indirect_dma semaphore(%arg14 : memref<!tpu.dma_semaphore, #tpu.memory_space<semaphore_mem>>) src(%dma_wait3A_302 : memref<100000x64xf32, #tpu.memory_space<hbm>>) dst(%arg10 : memref<128x64xf32, #tpu.memory_space<vmem>>)
    %add3A_303 = arith.constant 896 : i32
    %add3A_304 = arith.addi %mul3A_2, %add3A_303 : i32
    %dma_start3A_305 = arith.constant 0 : i32
    %dma_start3A_306 = tpu.memref_slice %arg5[%add3A_304, %dma_start3A_305] : memref<81920x64xf32, #tpu.memory_space<hbm>> -> memref<128x64xf32, #tpu.memory_space<hbm>>
    %dma_start3A_307 = arith.constant 0 : i32
    %dma_start3A_308 = tpu.memref_slice %arg5[%add3A_304, %dma_start3A_307] : memref<81920x64xf32, #tpu.memory_space<hbm>> -> memref<128x64xf32, #tpu.memory_space<hbm>>
    tpu.enqueue_dma source(%arg10 : memref<128x64xf32, #tpu.memory_space<vmem>>) target(%dma_start3A_308 : memref<128x64xf32, #tpu.memory_space<hbm>>) target_semaphore(%arg16 : memref<!tpu.dma_semaphore, #tpu.memory_space<semaphore_mem>>)
    %dma_wait3A_309 = arith.constant 0 : i32
    %dma_wait3A_310 = tpu.memref_slice %arg5[%add3A_304, %dma_wait3A_309] : memref<81920x64xf32, #tpu.memory_space<hbm>> -> memref<128x64xf32, #tpu.memory_space<hbm>>
    %dma_wait3A_311 = arith.constant 0 : i32
    %dma_wait3A_312 = tpu.memref_slice %arg5[%add3A_304, %dma_wait3A_311] : memref<81920x64xf32, #tpu.memory_space<hbm>> -> memref<128x64xf32, #tpu.memory_space<hbm>>
    tpu.wait_dma2 semaphore(%arg16 : memref<!tpu.dma_semaphore, #tpu.memory_space<semaphore_mem>>) src(%arg10 : memref<128x64xf32, #tpu.memory_space<vmem>>) dst(%dma_wait3A_312 : memref<128x64xf32, #tpu.memory_space<hbm>>)
    %add3A_313 = arith.constant 1152 : i32
    %add3A_314 = arith.addi %mul3A_2, %add3A_313 : i32
    %dma_start3A_315 = tpu.memref_slice %arg3[%add3A_314] : memref<81920xi32, #tpu.memory_space<hbm>> -> memref<128xi32, #tpu.memory_space<hbm>>
    %dma_start3A_316 = tpu.memref_slice %arg3[%add3A_314] : memref<81920xi32, #tpu.memory_space<hbm>> -> memref<128xi32, #tpu.memory_space<hbm>>
    tpu.enqueue_dma source(%dma_start3A_316 : memref<128xi32, #tpu.memory_space<hbm>>) target(%arg8 : memref<128xi32, #tpu.memory_space<vmem>>) target_semaphore(%arg12 : memref<!tpu.dma_semaphore, #tpu.memory_space<semaphore_mem>>)
    %dma_wait3A_317 = tpu.memref_slice %arg3[%add3A_314] : memref<81920xi32, #tpu.memory_space<hbm>> -> memref<128xi32, #tpu.memory_space<hbm>>
    %dma_wait3A_318 = tpu.memref_slice %arg3[%add3A_314] : memref<81920xi32, #tpu.memory_space<hbm>> -> memref<128xi32, #tpu.memory_space<hbm>>
    tpu.wait_dma2 semaphore(%arg12 : memref<!tpu.dma_semaphore, #tpu.memory_space<semaphore_mem>>) src(%dma_wait3A_318 : memref<128xi32, #tpu.memory_space<hbm>>) dst(%arg8 : memref<128xi32, #tpu.memory_space<vmem>>)
    %dma_start3A_319 = arith.constant 0 : i32
    %dma_start3A_320 = arith.constant 0 : i32
    %dma_start3A_321 = arith.constant 0 : i32
    %dma_start3A_322 = tpu.memref_slice %arg2[%dma_start3A_319, %dma_start3A_320, %dma_start3A_321] : memref<2x100000x64xf32, #tpu.memory_space<hbm>> -> memref<1x100000x64xf32, #tpu.memory_space<hbm>>
    %dma_start3A_323 = tpu.memref_squeeze %dma_start3A_322 : memref<1x100000x64xf32, #tpu.memory_space<hbm>> -> memref<100000x64xf32, #tpu.memory_space<hbm>>
    %dma_start3A_324 = arith.constant 0 : i32
    %dma_start3A_325 = arith.constant 0 : i32
    %dma_start3A_326 = tpu.memref_slice %dma_start3A_323[%dma_start3A_324, %dma_start3A_325] : memref<100000x64xf32, #tpu.memory_space<hbm>> -> memref<100000x64xf32, #tpu.memory_space<hbm>>
    tpu.enqueue_indirect_dma source(%dma_start3A_326 : memref<100000x64xf32, #tpu.memory_space<hbm>>) target(%arg10 : memref<128x64xf32, #tpu.memory_space<vmem>>) offsets(%arg8 : memref<128xi32, #tpu.memory_space<vmem>>) semaphore(%arg14 : memref<!tpu.dma_semaphore, #tpu.memory_space<semaphore_mem>>)
    %dma_wait3A_327 = arith.constant 0 : i32
    %dma_wait3A_328 = arith.constant 0 : i32
    %dma_wait3A_329 = arith.constant 0 : i32
    %dma_wait3A_330 = tpu.memref_slice %arg2[%dma_wait3A_327, %dma_wait3A_328, %dma_wait3A_329] : memref<2x100000x64xf32, #tpu.memory_space<hbm>> -> memref<1x100000x64xf32, #tpu.memory_space<hbm>>
    %dma_wait3A_331 = tpu.memref_squeeze %dma_wait3A_330 : memref<1x100000x64xf32, #tpu.memory_space<hbm>> -> memref<100000x64xf32, #tpu.memory_space<hbm>>
    %dma_wait3A_332 = arith.constant 0 : i32
    %dma_wait3A_333 = arith.constant 0 : i32
    %dma_wait3A_334 = tpu.memref_slice %dma_wait3A_331[%dma_wait3A_332, %dma_wait3A_333] : memref<100000x64xf32, #tpu.memory_space<hbm>> -> memref<100000x64xf32, #tpu.memory_space<hbm>>
    tpu.wait_indirect_dma semaphore(%arg13 : memref<!tpu.dma_semaphore, #tpu.memory_space<semaphore_mem>>) src(%dma_wait3A_334 : memref<100000x64xf32, #tpu.memory_space<hbm>>) dst(%arg9 : memref<128x64xf32, #tpu.memory_space<vmem>>)
    %add3A_335 = arith.constant 1024 : i32
    %add3A_336 = arith.addi %mul3A_2, %add3A_335 : i32
    %dma_start3A_337 = arith.constant 0 : i32
    %dma_start3A_338 = tpu.memref_slice %arg5[%add3A_336, %dma_start3A_337] : memref<81920x64xf32, #tpu.memory_space<hbm>> -> memref<128x64xf32, #tpu.memory_space<hbm>>
    %dma_start3A_339 = arith.constant 0 : i32
    %dma_start3A_340 = tpu.memref_slice %arg5[%add3A_336, %dma_start3A_339] : memref<81920x64xf32, #tpu.memory_space<hbm>> -> memref<128x64xf32, #tpu.memory_space<hbm>>
    tpu.enqueue_dma source(%arg9 : memref<128x64xf32, #tpu.memory_space<vmem>>) target(%dma_start3A_340 : memref<128x64xf32, #tpu.memory_space<hbm>>) target_semaphore(%arg15 : memref<!tpu.dma_semaphore, #tpu.memory_space<semaphore_mem>>)
    %dma_wait3A_341 = arith.constant 0 : i32
    %dma_wait3A_342 = tpu.memref_slice %arg5[%add3A_336, %dma_wait3A_341] : memref<81920x64xf32, #tpu.memory_space<hbm>> -> memref<128x64xf32, #tpu.memory_space<hbm>>
    %dma_wait3A_343 = arith.constant 0 : i32
    %dma_wait3A_344 = tpu.memref_slice %arg5[%add3A_336, %dma_wait3A_343] : memref<81920x64xf32, #tpu.memory_space<hbm>> -> memref<128x64xf32, #tpu.memory_space<hbm>>
    tpu.wait_dma2 semaphore(%arg15 : memref<!tpu.dma_semaphore, #tpu.memory_space<semaphore_mem>>) src(%arg9 : memref<128x64xf32, #tpu.memory_space<vmem>>) dst(%dma_wait3A_344 : memref<128x64xf32, #tpu.memory_space<hbm>>)
    %add3A_345 = arith.constant 1280 : i32
    %add3A_346 = arith.addi %mul3A_2, %add3A_345 : i32
    %dma_start3A_347 = tpu.memref_slice %arg3[%add3A_346] : memref<81920xi32, #tpu.memory_space<hbm>> -> memref<128xi32, #tpu.memory_space<hbm>>
    %dma_start3A_348 = tpu.memref_slice %arg3[%add3A_346] : memref<81920xi32, #tpu.memory_space<hbm>> -> memref<128xi32, #tpu.memory_space<hbm>>
    tpu.enqueue_dma source(%dma_start3A_348 : memref<128xi32, #tpu.memory_space<hbm>>) target(%arg7 : memref<128xi32, #tpu.memory_space<vmem>>) target_semaphore(%arg11 : memref<!tpu.dma_semaphore, #tpu.memory_space<semaphore_mem>>)
    %dma_wait3A_349 = tpu.memref_slice %arg3[%add3A_346] : memref<81920xi32, #tpu.memory_space<hbm>> -> memref<128xi32, #tpu.memory_space<hbm>>
    %dma_wait3A_350 = tpu.memref_slice %arg3[%add3A_346] : memref<81920xi32, #tpu.memory_space<hbm>> -> memref<128xi32, #tpu.memory_space<hbm>>
    tpu.wait_dma2 semaphore(%arg11 : memref<!tpu.dma_semaphore, #tpu.memory_space<semaphore_mem>>) src(%dma_wait3A_350 : memref<128xi32, #tpu.memory_space<hbm>>) dst(%arg7 : memref<128xi32, #tpu.memory_space<vmem>>)
    %dma_start3A_351 = arith.constant 0 : i32
    %dma_start3A_352 = arith.constant 0 : i32
    %dma_start3A_353 = arith.constant 0 : i32
    %dma_start3A_354 = tpu.memref_slice %arg2[%dma_start3A_351, %dma_start3A_352, %dma_start3A_353] : memref<2x100000x64xf32, #tpu.memory_space<hbm>> -> memref<1x100000x64xf32, #tpu.memory_space<hbm>>
    %dma_start3A_355 = tpu.memref_squeeze %dma_start3A_354 : memref<1x100000x64xf32, #tpu.memory_space<hbm>> -> memref<100000x64xf32, #tpu.memory_space<hbm>>
    %dma_start3A_356 = arith.constant 0 : i32
    %dma_start3A_357 = arith.constant 0 : i32
    %dma_start3A_358 = tpu.memref_slice %dma_start3A_355[%dma_start3A_356, %dma_start3A_357] : memref<100000x64xf32, #tpu.memory_space<hbm>> -> memref<100000x64xf32, #tpu.memory_space<hbm>>
    tpu.enqueue_indirect_dma source(%dma_start3A_358 : memref<100000x64xf32, #tpu.memory_space<hbm>>) target(%arg9 : memref<128x64xf32, #tpu.memory_space<vmem>>) offsets(%arg7 : memref<128xi32, #tpu.memory_space<vmem>>) semaphore(%arg13 : memref<!tpu.dma_semaphore, #tpu.memory_space<semaphore_mem>>)
    %dma_wait3A_359 = arith.constant 0 : i32
    %dma_wait3A_360 = arith.constant 0 : i32
    %dma_wait3A_361 = arith.constant 0 : i32
    %dma_wait3A_362 = tpu.memref_slice %arg2[%dma_wait3A_359, %dma_wait3A_360, %dma_wait3A_361] : memref<2x100000x64xf32, #tpu.memory_space<hbm>> -> memref<1x100000x64xf32, #tpu.memory_space<hbm>>
    %dma_wait3A_363 = tpu.memref_squeeze %dma_wait3A_362 : memref<1x100000x64xf32, #tpu.memory_space<hbm>> -> memref<100000x64xf32, #tpu.memory_space<hbm>>
    %dma_wait3A_364 = arith.constant 0 : i32
    %dma_wait3A_365 = arith.constant 0 : i32
    %dma_wait3A_366 = tpu.memref_slice %dma_wait3A_363[%dma_wait3A_364, %dma_wait3A_365] : memref<100000x64xf32, #tpu.memory_space<hbm>> -> memref<100000x64xf32, #tpu.memory_space<hbm>>
    tpu.wait_indirect_dma semaphore(%arg14 : memref<!tpu.dma_semaphore, #tpu.memory_space<semaphore_mem>>) src(%dma_wait3A_366 : memref<100000x64xf32, #tpu.memory_space<hbm>>) dst(%arg10 : memref<128x64xf32, #tpu.memory_space<vmem>>)
    %add3A_367 = arith.constant 1152 : i32
    %add3A_368 = arith.addi %mul3A_2, %add3A_367 : i32
    %dma_start3A_369 = arith.constant 0 : i32
    %dma_start3A_370 = tpu.memref_slice %arg5[%add3A_368, %dma_start3A_369] : memref<81920x64xf32, #tpu.memory_space<hbm>> -> memref<128x64xf32, #tpu.memory_space<hbm>>
    %dma_start3A_371 = arith.constant 0 : i32
    %dma_start3A_372 = tpu.memref_slice %arg5[%add3A_368, %dma_start3A_371] : memref<81920x64xf32, #tpu.memory_space<hbm>> -> memref<128x64xf32, #tpu.memory_space<hbm>>
    tpu.enqueue_dma source(%arg10 : memref<128x64xf32, #tpu.memory_space<vmem>>) target(%dma_start3A_372 : memref<128x64xf32, #tpu.memory_space<hbm>>) target_semaphore(%arg16 : memref<!tpu.dma_semaphore, #tpu.memory_space<semaphore_mem>>)
    %dma_wait3A_373 = arith.constant 0 : i32
    %dma_wait3A_374 = tpu.memref_slice %arg5[%add3A_368, %dma_wait3A_373] : memref<81920x64xf32, #tpu.memory_space<hbm>> -> memref<128x64xf32, #tpu.memory_space<hbm>>
    %dma_wait3A_375 = arith.constant 0 : i32
    %dma_wait3A_376 = tpu.memref_slice %arg5[%add3A_368, %dma_wait3A_375] : memref<81920x64xf32, #tpu.memory_space<hbm>> -> memref<128x64xf32, #tpu.memory_space<hbm>>
    tpu.wait_dma2 semaphore(%arg16 : memref<!tpu.dma_semaphore, #tpu.memory_space<semaphore_mem>>) src(%arg10 : memref<128x64xf32, #tpu.memory_space<vmem>>) dst(%dma_wait3A_376 : memref<128x64xf32, #tpu.memory_space<hbm>>)
    %add3A_377 = arith.constant 1408 : i32
    %add3A_378 = arith.addi %mul3A_2, %add3A_377 : i32
    %dma_start3A_379 = tpu.memref_slice %arg3[%add3A_378] : memref<81920xi32, #tpu.memory_space<hbm>> -> memref<128xi32, #tpu.memory_space<hbm>>
    %dma_start3A_380 = tpu.memref_slice %arg3[%add3A_378] : memref<81920xi32, #tpu.memory_space<hbm>> -> memref<128xi32, #tpu.memory_space<hbm>>
    tpu.enqueue_dma source(%dma_start3A_380 : memref<128xi32, #tpu.memory_space<hbm>>) target(%arg8 : memref<128xi32, #tpu.memory_space<vmem>>) target_semaphore(%arg12 : memref<!tpu.dma_semaphore, #tpu.memory_space<semaphore_mem>>)
    %dma_wait3A_381 = tpu.memref_slice %arg3[%add3A_378] : memref<81920xi32, #tpu.memory_space<hbm>> -> memref<128xi32, #tpu.memory_space<hbm>>
    %dma_wait3A_382 = tpu.memref_slice %arg3[%add3A_378] : memref<81920xi32, #tpu.memory_space<hbm>> -> memref<128xi32, #tpu.memory_space<hbm>>
    tpu.wait_dma2 semaphore(%arg12 : memref<!tpu.dma_semaphore, #tpu.memory_space<semaphore_mem>>) src(%dma_wait3A_382 : memref<128xi32, #tpu.memory_space<hbm>>) dst(%arg8 : memref<128xi32, #tpu.memory_space<vmem>>)
    %dma_start3A_383 = arith.constant 0 : i32
    %dma_start3A_384 = arith.constant 0 : i32
    %dma_start3A_385 = arith.constant 0 : i32
    %dma_start3A_386 = tpu.memref_slice %arg2[%dma_start3A_383, %dma_start3A_384, %dma_start3A_385] : memref<2x100000x64xf32, #tpu.memory_space<hbm>> -> memref<1x100000x64xf32, #tpu.memory_space<hbm>>
    %dma_start3A_387 = tpu.memref_squeeze %dma_start3A_386 : memref<1x100000x64xf32, #tpu.memory_space<hbm>> -> memref<100000x64xf32, #tpu.memory_space<hbm>>
    %dma_start3A_388 = arith.constant 0 : i32
    %dma_start3A_389 = arith.constant 0 : i32
    %dma_start3A_390 = tpu.memref_slice %dma_start3A_387[%dma_start3A_388, %dma_start3A_389] : memref<100000x64xf32, #tpu.memory_space<hbm>> -> memref<100000x64xf32, #tpu.memory_space<hbm>>
    tpu.enqueue_indirect_dma source(%dma_start3A_390 : memref<100000x64xf32, #tpu.memory_space<hbm>>) target(%arg10 : memref<128x64xf32, #tpu.memory_space<vmem>>) offsets(%arg8 : memref<128xi32, #tpu.memory_space<vmem>>) semaphore(%arg14 : memref<!tpu.dma_semaphore, #tpu.memory_space<semaphore_mem>>)
    %dma_wait3A_391 = arith.constant 0 : i32
    %dma_wait3A_392 = arith.constant 0 : i32
    %dma_wait3A_393 = arith.constant 0 : i32
    %dma_wait3A_394 = tpu.memref_slice %arg2[%dma_wait3A_391, %dma_wait3A_392, %dma_wait3A_393] : memref<2x100000x64xf32, #tpu.memory_space<hbm>> -> memref<1x100000x64xf32, #tpu.memory_space<hbm>>
    %dma_wait3A_395 = tpu.memref_squeeze %dma_wait3A_394 : memref<1x100000x64xf32, #tpu.memory_space<hbm>> -> memref<100000x64xf32, #tpu.memory_space<hbm>>
    %dma_wait3A_396 = arith.constant 0 : i32
    %dma_wait3A_397 = arith.constant 0 : i32
    %dma_wait3A_398 = tpu.memref_slice %dma_wait3A_395[%dma_wait3A_396, %dma_wait3A_397] : memref<100000x64xf32, #tpu.memory_space<hbm>> -> memref<100000x64xf32, #tpu.memory_space<hbm>>
    tpu.wait_indirect_dma semaphore(%arg13 : memref<!tpu.dma_semaphore, #tpu.memory_space<semaphore_mem>>) src(%dma_wait3A_398 : memref<100000x64xf32, #tpu.memory_space<hbm>>) dst(%arg9 : memref<128x64xf32, #tpu.memory_space<vmem>>)
    %add3A_399 = arith.constant 1280 : i32
    %add3A_400 = arith.addi %mul3A_2, %add3A_399 : i32
    %dma_start3A_401 = arith.constant 0 : i32
    %dma_start3A_402 = tpu.memref_slice %arg5[%add3A_400, %dma_start3A_401] : memref<81920x64xf32, #tpu.memory_space<hbm>> -> memref<128x64xf32, #tpu.memory_space<hbm>>
    %dma_start3A_403 = arith.constant 0 : i32
    %dma_start3A_404 = tpu.memref_slice %arg5[%add3A_400, %dma_start3A_403] : memref<81920x64xf32, #tpu.memory_space<hbm>> -> memref<128x64xf32, #tpu.memory_space<hbm>>
    tpu.enqueue_dma source(%arg9 : memref<128x64xf32, #tpu.memory_space<vmem>>) target(%dma_start3A_404 : memref<128x64xf32, #tpu.memory_space<hbm>>) target_semaphore(%arg15 : memref<!tpu.dma_semaphore, #tpu.memory_space<semaphore_mem>>)
    %dma_wait3A_405 = arith.constant 0 : i32
    %dma_wait3A_406 = tpu.memref_slice %arg5[%add3A_400, %dma_wait3A_405] : memref<81920x64xf32, #tpu.memory_space<hbm>> -> memref<128x64xf32, #tpu.memory_space<hbm>>
    %dma_wait3A_407 = arith.constant 0 : i32
    %dma_wait3A_408 = tpu.memref_slice %arg5[%add3A_400, %dma_wait3A_407] : memref<81920x64xf32, #tpu.memory_space<hbm>> -> memref<128x64xf32, #tpu.memory_space<hbm>>
    tpu.wait_dma2 semaphore(%arg15 : memref<!tpu.dma_semaphore, #tpu.memory_space<semaphore_mem>>) src(%arg9 : memref<128x64xf32, #tpu.memory_space<vmem>>) dst(%dma_wait3A_408 : memref<128x64xf32, #tpu.memory_space<hbm>>)
    %add3A_409 = arith.constant 1536 : i32
    %add3A_410 = arith.addi %mul3A_2, %add3A_409 : i32
    %dma_start3A_411 = tpu.memref_slice %arg3[%add3A_410] : memref<81920xi32, #tpu.memory_space<hbm>> -> memref<128xi32, #tpu.memory_space<hbm>>
    %dma_start3A_412 = tpu.memref_slice %arg3[%add3A_410] : memref<81920xi32, #tpu.memory_space<hbm>> -> memref<128xi32, #tpu.memory_space<hbm>>
    tpu.enqueue_dma source(%dma_start3A_412 : memref<128xi32, #tpu.memory_space<hbm>>) target(%arg7 : memref<128xi32, #tpu.memory_space<vmem>>) target_semaphore(%arg11 : memref<!tpu.dma_semaphore, #tpu.memory_space<semaphore_mem>>)
    %dma_wait3A_413 = tpu.memref_slice %arg3[%add3A_410] : memref<81920xi32, #tpu.memory_space<hbm>> -> memref<128xi32, #tpu.memory_space<hbm>>
    %dma_wait3A_414 = tpu.memref_slice %arg3[%add3A_410] : memref<81920xi32, #tpu.memory_space<hbm>> -> memref<128xi32, #tpu.memory_space<hbm>>
    tpu.wait_dma2 semaphore(%arg11 : memref<!tpu.dma_semaphore, #tpu.memory_space<semaphore_mem>>) src(%dma_wait3A_414 : memref<128xi32, #tpu.memory_space<hbm>>) dst(%arg7 : memref<128xi32, #tpu.memory_space<vmem>>)
    %dma_start3A_415 = arith.constant 0 : i32
    %dma_start3A_416 = arith.constant 0 : i32
    %dma_start3A_417 = arith.constant 0 : i32
    %dma_start3A_418 = tpu.memref_slice %arg2[%dma_start3A_415, %dma_start3A_416, %dma_start3A_417] : memref<2x100000x64xf32, #tpu.memory_space<hbm>> -> memref<1x100000x64xf32, #tpu.memory_space<hbm>>
    %dma_start3A_419 = tpu.memref_squeeze %dma_start3A_418 : memref<1x100000x64xf32, #tpu.memory_space<hbm>> -> memref<100000x64xf32, #tpu.memory_space<hbm>>
    %dma_start3A_420 = arith.constant 0 : i32
    %dma_start3A_421 = arith.constant 0 : i32
    %dma_start3A_422 = tpu.memref_slice %dma_start3A_419[%dma_start3A_420, %dma_start3A_421] : memref<100000x64xf32, #tpu.memory_space<hbm>> -> memref<100000x64xf32, #tpu.memory_space<hbm>>
    tpu.enqueue_indirect_dma source(%dma_start3A_422 : memref<100000x64xf32, #tpu.memory_space<hbm>>) target(%arg9 : memref<128x64xf32, #tpu.memory_space<vmem>>) offsets(%arg7 : memref<128xi32, #tpu.memory_space<vmem>>) semaphore(%arg13 : memref<!tpu.dma_semaphore, #tpu.memory_space<semaphore_mem>>)
    %dma_wait3A_423 = arith.constant 0 : i32
    %dma_wait3A_424 = arith.constant 0 : i32
    %dma_wait3A_425 = arith.constant 0 : i32
    %dma_wait3A_426 = tpu.memref_slice %arg2[%dma_wait3A_423, %dma_wait3A_424, %dma_wait3A_425] : memref<2x100000x64xf32, #tpu.memory_space<hbm>> -> memref<1x100000x64xf32, #tpu.memory_space<hbm>>
    %dma_wait3A_427 = tpu.memref_squeeze %dma_wait3A_426 : memref<1x100000x64xf32, #tpu.memory_space<hbm>> -> memref<100000x64xf32, #tpu.memory_space<hbm>>
    %dma_wait3A_428 = arith.constant 0 : i32
    %dma_wait3A_429 = arith.constant 0 : i32
    %dma_wait3A_430 = tpu.memref_slice %dma_wait3A_427[%dma_wait3A_428, %dma_wait3A_429] : memref<100000x64xf32, #tpu.memory_space<hbm>> -> memref<100000x64xf32, #tpu.memory_space<hbm>>
    tpu.wait_indirect_dma semaphore(%arg14 : memref<!tpu.dma_semaphore, #tpu.memory_space<semaphore_mem>>) src(%dma_wait3A_430 : memref<100000x64xf32, #tpu.memory_space<hbm>>) dst(%arg10 : memref<128x64xf32, #tpu.memory_space<vmem>>)
    %add3A_431 = arith.constant 1408 : i32
    %add3A_432 = arith.addi %mul3A_2, %add3A_431 : i32
    %dma_start3A_433 = arith.constant 0 : i32
    %dma_start3A_434 = tpu.memref_slice %arg5[%add3A_432, %dma_start3A_433] : memref<81920x64xf32, #tpu.memory_space<hbm>> -> memref<128x64xf32, #tpu.memory_space<hbm>>
    %dma_start3A_435 = arith.constant 0 : i32
    %dma_start3A_436 = tpu.memref_slice %arg5[%add3A_432, %dma_start3A_435] : memref<81920x64xf32, #tpu.memory_space<hbm>> -> memref<128x64xf32, #tpu.memory_space<hbm>>
    tpu.enqueue_dma source(%arg10 : memref<128x64xf32, #tpu.memory_space<vmem>>) target(%dma_start3A_436 : memref<128x64xf32, #tpu.memory_space<hbm>>) target_semaphore(%arg16 : memref<!tpu.dma_semaphore, #tpu.memory_space<semaphore_mem>>)
    %dma_wait3A_437 = arith.constant 0 : i32
    %dma_wait3A_438 = tpu.memref_slice %arg5[%add3A_432, %dma_wait3A_437] : memref<81920x64xf32, #tpu.memory_space<hbm>> -> memref<128x64xf32, #tpu.memory_space<hbm>>
    %dma_wait3A_439 = arith.constant 0 : i32
    %dma_wait3A_440 = tpu.memref_slice %arg5[%add3A_432, %dma_wait3A_439] : memref<81920x64xf32, #tpu.memory_space<hbm>> -> memref<128x64xf32, #tpu.memory_space<hbm>>
    tpu.wait_dma2 semaphore(%arg16 : memref<!tpu.dma_semaphore, #tpu.memory_space<semaphore_mem>>) src(%arg10 : memref<128x64xf32, #tpu.memory_space<vmem>>) dst(%dma_wait3A_440 : memref<128x64xf32, #tpu.memory_space<hbm>>)
    %add3A_441 = arith.constant 1664 : i32
    %add3A_442 = arith.addi %mul3A_2, %add3A_441 : i32
    %dma_start3A_443 = tpu.memref_slice %arg3[%add3A_442] : memref<81920xi32, #tpu.memory_space<hbm>> -> memref<128xi32, #tpu.memory_space<hbm>>
    %dma_start3A_444 = tpu.memref_slice %arg3[%add3A_442] : memref<81920xi32, #tpu.memory_space<hbm>> -> memref<128xi32, #tpu.memory_space<hbm>>
    tpu.enqueue_dma source(%dma_start3A_444 : memref<128xi32, #tpu.memory_space<hbm>>) target(%arg8 : memref<128xi32, #tpu.memory_space<vmem>>) target_semaphore(%arg12 : memref<!tpu.dma_semaphore, #tpu.memory_space<semaphore_mem>>)
    %dma_wait3A_445 = tpu.memref_slice %arg3[%add3A_442] : memref<81920xi32, #tpu.memory_space<hbm>> -> memref<128xi32, #tpu.memory_space<hbm>>
    %dma_wait3A_446 = tpu.memref_slice %arg3[%add3A_442] : memref<81920xi32, #tpu.memory_space<hbm>> -> memref<128xi32, #tpu.memory_space<hbm>>
    tpu.wait_dma2 semaphore(%arg12 : memref<!tpu.dma_semaphore, #tpu.memory_space<semaphore_mem>>) src(%dma_wait3A_446 : memref<128xi32, #tpu.memory_space<hbm>>) dst(%arg8 : memref<128xi32, #tpu.memory_space<vmem>>)
    %dma_start3A_447 = arith.constant 0 : i32
    %dma_start3A_448 = arith.constant 0 : i32
    %dma_start3A_449 = arith.constant 0 : i32
    %dma_start3A_450 = tpu.memref_slice %arg2[%dma_start3A_447, %dma_start3A_448, %dma_start3A_449] : memref<2x100000x64xf32, #tpu.memory_space<hbm>> -> memref<1x100000x64xf32, #tpu.memory_space<hbm>>
    %dma_start3A_451 = tpu.memref_squeeze %dma_start3A_450 : memref<1x100000x64xf32, #tpu.memory_space<hbm>> -> memref<100000x64xf32, #tpu.memory_space<hbm>>
    %dma_start3A_452 = arith.constant 0 : i32
    %dma_start3A_453 = arith.constant 0 : i32
    %dma_start3A_454 = tpu.memref_slice %dma_start3A_451[%dma_start3A_452, %dma_start3A_453] : memref<100000x64xf32, #tpu.memory_space<hbm>> -> memref<100000x64xf32, #tpu.memory_space<hbm>>
    tpu.enqueue_indirect_dma source(%dma_start3A_454 : memref<100000x64xf32, #tpu.memory_space<hbm>>) target(%arg10 : memref<128x64xf32, #tpu.memory_space<vmem>>) offsets(%arg8 : memref<128xi32, #tpu.memory_space<vmem>>) semaphore(%arg14 : memref<!tpu.dma_semaphore, #tpu.memory_space<semaphore_mem>>)
    %dma_wait3A_455 = arith.constant 0 : i32
    %dma_wait3A_456 = arith.constant 0 : i32
    %dma_wait3A_457 = arith.constant 0 : i32
    %dma_wait3A_458 = tpu.memref_slice %arg2[%dma_wait3A_455, %dma_wait3A_456, %dma_wait3A_457] : memref<2x100000x64xf32, #tpu.memory_space<hbm>> -> memref<1x100000x64xf32, #tpu.memory_space<hbm>>
    %dma_wait3A_459 = tpu.memref_squeeze %dma_wait3A_458 : memref<1x100000x64xf32, #tpu.memory_space<hbm>> -> memref<100000x64xf32, #tpu.memory_space<hbm>>
    %dma_wait3A_460 = arith.constant 0 : i32
    %dma_wait3A_461 = arith.constant 0 : i32
    %dma_wait3A_462 = tpu.memref_slice %dma_wait3A_459[%dma_wait3A_460, %dma_wait3A_461] : memref<100000x64xf32, #tpu.memory_space<hbm>> -> memref<100000x64xf32, #tpu.memory_space<hbm>>
    tpu.wait_indirect_dma semaphore(%arg13 : memref<!tpu.dma_semaphore, #tpu.memory_space<semaphore_mem>>) src(%dma_wait3A_462 : memref<100000x64xf32, #tpu.memory_space<hbm>>) dst(%arg9 : memref<128x64xf32, #tpu.memory_space<vmem>>)
    %add3A_463 = arith.constant 1536 : i32
    %add3A_464 = arith.addi %mul3A_2, %add3A_463 : i32
    %dma_start3A_465 = arith.constant 0 : i32
    %dma_start3A_466 = tpu.memref_slice %arg5[%add3A_464, %dma_start3A_465] : memref<81920x64xf32, #tpu.memory_space<hbm>> -> memref<128x64xf32, #tpu.memory_space<hbm>>
    %dma_start3A_467 = arith.constant 0 : i32
    %dma_start3A_468 = tpu.memref_slice %arg5[%add3A_464, %dma_start3A_467] : memref<81920x64xf32, #tpu.memory_space<hbm>> -> memref<128x64xf32, #tpu.memory_space<hbm>>
    tpu.enqueue_dma source(%arg9 : memref<128x64xf32, #tpu.memory_space<vmem>>) target(%dma_start3A_468 : memref<128x64xf32, #tpu.memory_space<hbm>>) target_semaphore(%arg15 : memref<!tpu.dma_semaphore, #tpu.memory_space<semaphore_mem>>)
    %dma_wait3A_469 = arith.constant 0 : i32
    %dma_wait3A_470 = tpu.memref_slice %arg5[%add3A_464, %dma_wait3A_469] : memref<81920x64xf32, #tpu.memory_space<hbm>> -> memref<128x64xf32, #tpu.memory_space<hbm>>
    %dma_wait3A_471 = arith.constant 0 : i32
    %dma_wait3A_472 = tpu.memref_slice %arg5[%add3A_464, %dma_wait3A_471] : memref<81920x64xf32, #tpu.memory_space<hbm>> -> memref<128x64xf32, #tpu.memory_space<hbm>>
    tpu.wait_dma2 semaphore(%arg15 : memref<!tpu.dma_semaphore, #tpu.memory_space<semaphore_mem>>) src(%arg9 : memref<128x64xf32, #tpu.memory_space<vmem>>) dst(%dma_wait3A_472 : memref<128x64xf32, #tpu.memory_space<hbm>>)
    %add3A_473 = arith.constant 1792 : i32
    %add3A_474 = arith.addi %mul3A_2, %add3A_473 : i32
    %dma_start3A_475 = tpu.memref_slice %arg3[%add3A_474] : memref<81920xi32, #tpu.memory_space<hbm>> -> memref<128xi32, #tpu.memory_space<hbm>>
    %dma_start3A_476 = tpu.memref_slice %arg3[%add3A_474] : memref<81920xi32, #tpu.memory_space<hbm>> -> memref<128xi32, #tpu.memory_space<hbm>>
    tpu.enqueue_dma source(%dma_start3A_476 : memref<128xi32, #tpu.memory_space<hbm>>) target(%arg7 : memref<128xi32, #tpu.memory_space<vmem>>) target_semaphore(%arg11 : memref<!tpu.dma_semaphore, #tpu.memory_space<semaphore_mem>>)
    %dma_wait3A_477 = tpu.memref_slice %arg3[%add3A_474] : memref<81920xi32, #tpu.memory_space<hbm>> -> memref<128xi32, #tpu.memory_space<hbm>>
    %dma_wait3A_478 = tpu.memref_slice %arg3[%add3A_474] : memref<81920xi32, #tpu.memory_space<hbm>> -> memref<128xi32, #tpu.memory_space<hbm>>
    tpu.wait_dma2 semaphore(%arg11 : memref<!tpu.dma_semaphore, #tpu.memory_space<semaphore_mem>>) src(%dma_wait3A_478 : memref<128xi32, #tpu.memory_space<hbm>>) dst(%arg7 : memref<128xi32, #tpu.memory_space<vmem>>)
    %dma_start3A_479 = arith.constant 0 : i32
    %dma_start3A_480 = arith.constant 0 : i32
    %dma_start3A_481 = arith.constant 0 : i32
    %dma_start3A_482 = tpu.memref_slice %arg2[%dma_start3A_479, %dma_start3A_480, %dma_start3A_481] : memref<2x100000x64xf32, #tpu.memory_space<hbm>> -> memref<1x100000x64xf32, #tpu.memory_space<hbm>>
    %dma_start3A_483 = tpu.memref_squeeze %dma_start3A_482 : memref<1x100000x64xf32, #tpu.memory_space<hbm>> -> memref<100000x64xf32, #tpu.memory_space<hbm>>
    %dma_start3A_484 = arith.constant 0 : i32
    %dma_start3A_485 = arith.constant 0 : i32
    %dma_start3A_486 = tpu.memref_slice %dma_start3A_483[%dma_start3A_484, %dma_start3A_485] : memref<100000x64xf32, #tpu.memory_space<hbm>> -> memref<100000x64xf32, #tpu.memory_space<hbm>>
    tpu.enqueue_indirect_dma source(%dma_start3A_486 : memref<100000x64xf32, #tpu.memory_space<hbm>>) target(%arg9 : memref<128x64xf32, #tpu.memory_space<vmem>>) offsets(%arg7 : memref<128xi32, #tpu.memory_space<vmem>>) semaphore(%arg13 : memref<!tpu.dma_semaphore, #tpu.memory_space<semaphore_mem>>)
    %dma_wait3A_487 = arith.constant 0 : i32
    %dma_wait3A_488 = arith.constant 0 : i32
    %dma_wait3A_489 = arith.constant 0 : i32
    %dma_wait3A_490 = tpu.memref_slice %arg2[%dma_wait3A_487, %dma_wait3A_488, %dma_wait3A_489] : memref<2x100000x64xf32, #tpu.memory_space<hbm>> -> memref<1x100000x64xf32, #tpu.memory_space<hbm>>
    %dma_wait3A_491 = tpu.memref_squeeze %dma_wait3A_490 : memref<1x100000x64xf32, #tpu.memory_space<hbm>> -> memref<100000x64xf32, #tpu.memory_space<hbm>>
    %dma_wait3A_492 = arith.constant 0 : i32
    %dma_wait3A_493 = arith.constant 0 : i32
    %dma_wait3A_494 = tpu.memref_slice %dma_wait3A_491[%dma_wait3A_492, %dma_wait3A_493] : memref<100000x64xf32, #tpu.memory_space<hbm>> -> memref<100000x64xf32, #tpu.memory_space<hbm>>
    tpu.wait_indirect_dma semaphore(%arg14 : memref<!tpu.dma_semaphore, #tpu.memory_space<semaphore_mem>>) src(%dma_wait3A_494 : memref<100000x64xf32, #tpu.memory_space<hbm>>) dst(%arg10 : memref<128x64xf32, #tpu.memory_space<vmem>>)
    %add3A_495 = arith.constant 1664 : i32
    %add3A_496 = arith.addi %mul3A_2, %add3A_495 : i32
    %dma_start3A_497 = arith.constant 0 : i32
    %dma_start3A_498 = tpu.memref_slice %arg5[%add3A_496, %dma_start3A_497] : memref<81920x64xf32, #tpu.memory_space<hbm>> -> memref<128x64xf32, #tpu.memory_space<hbm>>
    %dma_start3A_499 = arith.constant 0 : i32
    %dma_start3A_500 = tpu.memref_slice %arg5[%add3A_496, %dma_start3A_499] : memref<81920x64xf32, #tpu.memory_space<hbm>> -> memref<128x64xf32, #tpu.memory_space<hbm>>
    tpu.enqueue_dma source(%arg10 : memref<128x64xf32, #tpu.memory_space<vmem>>) target(%dma_start3A_500 : memref<128x64xf32, #tpu.memory_space<hbm>>) target_semaphore(%arg16 : memref<!tpu.dma_semaphore, #tpu.memory_space<semaphore_mem>>)
    %dma_wait3A_501 = arith.constant 0 : i32
    %dma_wait3A_502 = tpu.memref_slice %arg5[%add3A_496, %dma_wait3A_501] : memref<81920x64xf32, #tpu.memory_space<hbm>> -> memref<128x64xf32, #tpu.memory_space<hbm>>
    %dma_wait3A_503 = arith.constant 0 : i32
    %dma_wait3A_504 = tpu.memref_slice %arg5[%add3A_496, %dma_wait3A_503] : memref<81920x64xf32, #tpu.memory_space<hbm>> -> memref<128x64xf32, #tpu.memory_space<hbm>>
    tpu.wait_dma2 semaphore(%arg16 : memref<!tpu.dma_semaphore, #tpu.memory_space<semaphore_mem>>) src(%arg10 : memref<128x64xf32, #tpu.memory_space<vmem>>) dst(%dma_wait3A_504 : memref<128x64xf32, #tpu.memory_space<hbm>>)
    %add3A_505 = arith.constant 1920 : i32
    %add3A_506 = arith.addi %mul3A_2, %add3A_505 : i32
    %dma_start3A_507 = tpu.memref_slice %arg3[%add3A_506] : memref<81920xi32, #tpu.memory_space<hbm>> -> memref<128xi32, #tpu.memory_space<hbm>>
    %dma_start3A_508 = tpu.memref_slice %arg3[%add3A_506] : memref<81920xi32, #tpu.memory_space<hbm>> -> memref<128xi32, #tpu.memory_space<hbm>>
    tpu.enqueue_dma source(%dma_start3A_508 : memref<128xi32, #tpu.memory_space<hbm>>) target(%arg8 : memref<128xi32, #tpu.memory_space<vmem>>) target_semaphore(%arg12 : memref<!tpu.dma_semaphore, #tpu.memory_space<semaphore_mem>>)
    %dma_wait3A_509 = tpu.memref_slice %arg3[%add3A_506] : memref<81920xi32, #tpu.memory_space<hbm>> -> memref<128xi32, #tpu.memory_space<hbm>>
    %dma_wait3A_510 = tpu.memref_slice %arg3[%add3A_506] : memref<81920xi32, #tpu.memory_space<hbm>> -> memref<128xi32, #tpu.memory_space<hbm>>
    tpu.wait_dma2 semaphore(%arg12 : memref<!tpu.dma_semaphore, #tpu.memory_space<semaphore_mem>>) src(%dma_wait3A_510 : memref<128xi32, #tpu.memory_space<hbm>>) dst(%arg8 : memref<128xi32, #tpu.memory_space<vmem>>)
    %dma_start3A_511 = arith.constant 0 : i32
    %dma_start3A_512 = arith.constant 0 : i32
    %dma_start3A_513 = arith.constant 0 : i32
    %dma_start3A_514 = tpu.memref_slice %arg2[%dma_start3A_511, %dma_start3A_512, %dma_start3A_513] : memref<2x100000x64xf32, #tpu.memory_space<hbm>> -> memref<1x100000x64xf32, #tpu.memory_space<hbm>>
    %dma_start3A_515 = tpu.memref_squeeze %dma_start3A_514 : memref<1x100000x64xf32, #tpu.memory_space<hbm>> -> memref<100000x64xf32, #tpu.memory_space<hbm>>
    %dma_start3A_516 = arith.constant 0 : i32
    %dma_start3A_517 = arith.constant 0 : i32
    %dma_start3A_518 = tpu.memref_slice %dma_start3A_515[%dma_start3A_516, %dma_start3A_517] : memref<100000x64xf32, #tpu.memory_space<hbm>> -> memref<100000x64xf32, #tpu.memory_space<hbm>>
    tpu.enqueue_indirect_dma source(%dma_start3A_518 : memref<100000x64xf32, #tpu.memory_space<hbm>>) target(%arg10 : memref<128x64xf32, #tpu.memory_space<vmem>>) offsets(%arg8 : memref<128xi32, #tpu.memory_space<vmem>>) semaphore(%arg14 : memref<!tpu.dma_semaphore, #tpu.memory_space<semaphore_mem>>)
    %dma_wait3A_519 = arith.constant 0 : i32
    %dma_wait3A_520 = arith.constant 0 : i32
    %dma_wait3A_521 = arith.constant 0 : i32
    %dma_wait3A_522 = tpu.memref_slice %arg2[%dma_wait3A_519, %dma_wait3A_520, %dma_wait3A_521] : memref<2x100000x64xf32, #tpu.memory_space<hbm>> -> memref<1x100000x64xf32, #tpu.memory_space<hbm>>
    %dma_wait3A_523 = tpu.memref_squeeze %dma_wait3A_522 : memref<1x100000x64xf32, #tpu.memory_space<hbm>> -> memref<100000x64xf32, #tpu.memory_space<hbm>>
    %dma_wait3A_524 = arith.constant 0 : i32
    %dma_wait3A_525 = arith.constant 0 : i32
    %dma_wait3A_526 = tpu.memref_slice %dma_wait3A_523[%dma_wait3A_524, %dma_wait3A_525] : memref<100000x64xf32, #tpu.memory_space<hbm>> -> memref<100000x64xf32, #tpu.memory_space<hbm>>
    tpu.wait_indirect_dma semaphore(%arg13 : memref<!tpu.dma_semaphore, #tpu.memory_space<semaphore_mem>>) src(%dma_wait3A_526 : memref<100000x64xf32, #tpu.memory_space<hbm>>) dst(%arg9 : memref<128x64xf32, #tpu.memory_space<vmem>>)
    %add3A_527 = arith.constant 1792 : i32
    %add3A_528 = arith.addi %mul3A_2, %add3A_527 : i32
    %dma_start3A_529 = arith.constant 0 : i32
    %dma_start3A_530 = tpu.memref_slice %arg5[%add3A_528, %dma_start3A_529] : memref<81920x64xf32, #tpu.memory_space<hbm>> -> memref<128x64xf32, #tpu.memory_space<hbm>>
    %dma_start3A_531 = arith.constant 0 : i32
    %dma_start3A_532 = tpu.memref_slice %arg5[%add3A_528, %dma_start3A_531] : memref<81920x64xf32, #tpu.memory_space<hbm>> -> memref<128x64xf32, #tpu.memory_space<hbm>>
    tpu.enqueue_dma source(%arg9 : memref<128x64xf32, #tpu.memory_space<vmem>>) target(%dma_start3A_532 : memref<128x64xf32, #tpu.memory_space<hbm>>) target_semaphore(%arg15 : memref<!tpu.dma_semaphore, #tpu.memory_space<semaphore_mem>>)
    %dma_wait3A_533 = arith.constant 0 : i32
    %dma_wait3A_534 = tpu.memref_slice %arg5[%add3A_528, %dma_wait3A_533] : memref<81920x64xf32, #tpu.memory_space<hbm>> -> memref<128x64xf32, #tpu.memory_space<hbm>>
    %dma_wait3A_535 = arith.constant 0 : i32
    %dma_wait3A_536 = tpu.memref_slice %arg5[%add3A_528, %dma_wait3A_535] : memref<81920x64xf32, #tpu.memory_space<hbm>> -> memref<128x64xf32, #tpu.memory_space<hbm>>
    tpu.wait_dma2 semaphore(%arg15 : memref<!tpu.dma_semaphore, #tpu.memory_space<semaphore_mem>>) src(%arg9 : memref<128x64xf32, #tpu.memory_space<vmem>>) dst(%dma_wait3A_536 : memref<128x64xf32, #tpu.memory_space<hbm>>)
    %add3A_537 = arith.constant 2048 : i32
    %add3A_538 = arith.addi %mul3A_2, %add3A_537 : i32
    %dma_start3A_539 = tpu.memref_slice %arg3[%add3A_538] : memref<81920xi32, #tpu.memory_space<hbm>> -> memref<128xi32, #tpu.memory_space<hbm>>
    %dma_start3A_540 = tpu.memref_slice %arg3[%add3A_538] : memref<81920xi32, #tpu.memory_space<hbm>> -> memref<128xi32, #tpu.memory_space<hbm>>
    tpu.enqueue_dma source(%dma_start3A_540 : memref<128xi32, #tpu.memory_space<hbm>>) target(%arg7 : memref<128xi32, #tpu.memory_space<vmem>>) target_semaphore(%arg11 : memref<!tpu.dma_semaphore, #tpu.memory_space<semaphore_mem>>)
    %dma_wait3A_541 = tpu.memref_slice %arg3[%add3A_538] : memref<81920xi32, #tpu.memory_space<hbm>> -> memref<128xi32, #tpu.memory_space<hbm>>
    %dma_wait3A_542 = tpu.memref_slice %arg3[%add3A_538] : memref<81920xi32, #tpu.memory_space<hbm>> -> memref<128xi32, #tpu.memory_space<hbm>>
    tpu.wait_dma2 semaphore(%arg11 : memref<!tpu.dma_semaphore, #tpu.memory_space<semaphore_mem>>) src(%dma_wait3A_542 : memref<128xi32, #tpu.memory_space<hbm>>) dst(%arg7 : memref<128xi32, #tpu.memory_space<vmem>>)
    %dma_start3A_543 = arith.constant 0 : i32
    %dma_start3A_544 = arith.constant 0 : i32
    %dma_start3A_545 = arith.constant 0 : i32
    %dma_start3A_546 = tpu.memref_slice %arg2[%dma_start3A_543, %dma_start3A_544, %dma_start3A_545] : memref<2x100000x64xf32, #tpu.memory_space<hbm>> -> memref<1x100000x64xf32, #tpu.memory_space<hbm>>
    %dma_start3A_547 = tpu.memref_squeeze %dma_start3A_546 : memref<1x100000x64xf32, #tpu.memory_space<hbm>> -> memref<100000x64xf32, #tpu.memory_space<hbm>>
    %dma_start3A_548 = arith.constant 0 : i32
    %dma_start3A_549 = arith.constant 0 : i32
    %dma_start3A_550 = tpu.memref_slice %dma_start3A_547[%dma_start3A_548, %dma_start3A_549] : memref<100000x64xf32, #tpu.memory_space<hbm>> -> memref<100000x64xf32, #tpu.memory_space<hbm>>
    tpu.enqueue_indirect_dma source(%dma_start3A_550 : memref<100000x64xf32, #tpu.memory_space<hbm>>) target(%arg9 : memref<128x64xf32, #tpu.memory_space<vmem>>) offsets(%arg7 : memref<128xi32, #tpu.memory_space<vmem>>) semaphore(%arg13 : memref<!tpu.dma_semaphore, #tpu.memory_space<semaphore_mem>>)
    %dma_wait3A_551 = arith.constant 0 : i32
    %dma_wait3A_552 = arith.constant 0 : i32
    %dma_wait3A_553 = arith.constant 0 : i32
    %dma_wait3A_554 = tpu.memref_slice %arg2[%dma_wait3A_551, %dma_wait3A_552, %dma_wait3A_553] : memref<2x100000x64xf32, #tpu.memory_space<hbm>> -> memref<1x100000x64xf32, #tpu.memory_space<hbm>>
    %dma_wait3A_555 = tpu.memref_squeeze %dma_wait3A_554 : memref<1x100000x64xf32, #tpu.memory_space<hbm>> -> memref<100000x64xf32, #tpu.memory_space<hbm>>
    %dma_wait3A_556 = arith.constant 0 : i32
    %dma_wait3A_557 = arith.constant 0 : i32
    %dma_wait3A_558 = tpu.memref_slice %dma_wait3A_555[%dma_wait3A_556, %dma_wait3A_557] : memref<100000x64xf32, #tpu.memory_space<hbm>> -> memref<100000x64xf32, #tpu.memory_space<hbm>>
    tpu.wait_indirect_dma semaphore(%arg14 : memref<!tpu.dma_semaphore, #tpu.memory_space<semaphore_mem>>) src(%dma_wait3A_558 : memref<100000x64xf32, #tpu.memory_space<hbm>>) dst(%arg10 : memref<128x64xf32, #tpu.memory_space<vmem>>)
    %add3A_559 = arith.constant 1920 : i32
    %add3A_560 = arith.addi %mul3A_2, %add3A_559 : i32
    %dma_start3A_561 = arith.constant 0 : i32
    %dma_start3A_562 = tpu.memref_slice %arg5[%add3A_560, %dma_start3A_561] : memref<81920x64xf32, #tpu.memory_space<hbm>> -> memref<128x64xf32, #tpu.memory_space<hbm>>
    %dma_start3A_563 = arith.constant 0 : i32
    %dma_start3A_564 = tpu.memref_slice %arg5[%add3A_560, %dma_start3A_563] : memref<81920x64xf32, #tpu.memory_space<hbm>> -> memref<128x64xf32, #tpu.memory_space<hbm>>
    tpu.enqueue_dma source(%arg10 : memref<128x64xf32, #tpu.memory_space<vmem>>) target(%dma_start3A_564 : memref<128x64xf32, #tpu.memory_space<hbm>>) target_semaphore(%arg16 : memref<!tpu.dma_semaphore, #tpu.memory_space<semaphore_mem>>)
    %dma_wait3A_565 = arith.constant 0 : i32
    %dma_wait3A_566 = tpu.memref_slice %arg5[%add3A_560, %dma_wait3A_565] : memref<81920x64xf32, #tpu.memory_space<hbm>> -> memref<128x64xf32, #tpu.memory_space<hbm>>
    %dma_wait3A_567 = arith.constant 0 : i32
    %dma_wait3A_568 = tpu.memref_slice %arg5[%add3A_560, %dma_wait3A_567] : memref<81920x64xf32, #tpu.memory_space<hbm>> -> memref<128x64xf32, #tpu.memory_space<hbm>>
    tpu.wait_dma2 semaphore(%arg16 : memref<!tpu.dma_semaphore, #tpu.memory_space<semaphore_mem>>) src(%arg10 : memref<128x64xf32, #tpu.memory_space<vmem>>) dst(%dma_wait3A_568 : memref<128x64xf32, #tpu.memory_space<hbm>>)
    %add3A_569 = arith.constant 2176 : i32
    %add3A_570 = arith.addi %mul3A_2, %add3A_569 : i32
    %dma_start3A_571 = tpu.memref_slice %arg3[%add3A_570] : memref<81920xi32, #tpu.memory_space<hbm>> -> memref<128xi32, #tpu.memory_space<hbm>>
    %dma_start3A_572 = tpu.memref_slice %arg3[%add3A_570] : memref<81920xi32, #tpu.memory_space<hbm>> -> memref<128xi32, #tpu.memory_space<hbm>>
    tpu.enqueue_dma source(%dma_start3A_572 : memref<128xi32, #tpu.memory_space<hbm>>) target(%arg8 : memref<128xi32, #tpu.memory_space<vmem>>) target_semaphore(%arg12 : memref<!tpu.dma_semaphore, #tpu.memory_space<semaphore_mem>>)
    %dma_wait3A_573 = tpu.memref_slice %arg3[%add3A_570] : memref<81920xi32, #tpu.memory_space<hbm>> -> memref<128xi32, #tpu.memory_space<hbm>>
    %dma_wait3A_574 = tpu.memref_slice %arg3[%add3A_570] : memref<81920xi32, #tpu.memory_space<hbm>> -> memref<128xi32, #tpu.memory_space<hbm>>
    tpu.wait_dma2 semaphore(%arg12 : memref<!tpu.dma_semaphore, #tpu.memory_space<semaphore_mem>>) src(%dma_wait3A_574 : memref<128xi32, #tpu.memory_space<hbm>>) dst(%arg8 : memref<128xi32, #tpu.memory_space<vmem>>)
    %dma_start3A_575 = arith.constant 0 : i32
    %dma_start3A_576 = arith.constant 0 : i32
    %dma_start3A_577 = arith.constant 0 : i32
    %dma_start3A_578 = tpu.memref_slice %arg2[%dma_start3A_575, %dma_start3A_576, %dma_start3A_577] : memref<2x100000x64xf32, #tpu.memory_space<hbm>> -> memref<1x100000x64xf32, #tpu.memory_space<hbm>>
    %dma_start3A_579 = tpu.memref_squeeze %dma_start3A_578 : memref<1x100000x64xf32, #tpu.memory_space<hbm>> -> memref<100000x64xf32, #tpu.memory_space<hbm>>
    %dma_start3A_580 = arith.constant 0 : i32
    %dma_start3A_581 = arith.constant 0 : i32
    %dma_start3A_582 = tpu.memref_slice %dma_start3A_579[%dma_start3A_580, %dma_start3A_581] : memref<100000x64xf32, #tpu.memory_space<hbm>> -> memref<100000x64xf32, #tpu.memory_space<hbm>>
    tpu.enqueue_indirect_dma source(%dma_start3A_582 : memref<100000x64xf32, #tpu.memory_space<hbm>>) target(%arg10 : memref<128x64xf32, #tpu.memory_space<vmem>>) offsets(%arg8 : memref<128xi32, #tpu.memory_space<vmem>>) semaphore(%arg14 : memref<!tpu.dma_semaphore, #tpu.memory_space<semaphore_mem>>)
    %dma_wait3A_583 = arith.constant 0 : i32
    %dma_wait3A_584 = arith.constant 0 : i32
    %dma_wait3A_585 = arith.constant 0 : i32
    %dma_wait3A_586 = tpu.memref_slice %arg2[%dma_wait3A_583, %dma_wait3A_584, %dma_wait3A_585] : memref<2x100000x64xf32, #tpu.memory_space<hbm>> -> memref<1x100000x64xf32, #tpu.memory_space<hbm>>
    %dma_wait3A_587 = tpu.memref_squeeze %dma_wait3A_586 : memref<1x100000x64xf32, #tpu.memory_space<hbm>> -> memref<100000x64xf32, #tpu.memory_space<hbm>>
    %dma_wait3A_588 = arith.constant 0 : i32
    %dma_wait3A_589 = arith.constant 0 : i32
    %dma_wait3A_590 = tpu.memref_slice %dma_wait3A_587[%dma_wait3A_588, %dma_wait3A_589] : memref<100000x64xf32, #tpu.memory_space<hbm>> -> memref<100000x64xf32, #tpu.memory_space<hbm>>
    tpu.wait_indirect_dma semaphore(%arg13 : memref<!tpu.dma_semaphore, #tpu.memory_space<semaphore_mem>>) src(%dma_wait3A_590 : memref<100000x64xf32, #tpu.memory_space<hbm>>) dst(%arg9 : memref<128x64xf32, #tpu.memory_space<vmem>>)
    %add3A_591 = arith.constant 2048 : i32
    %add3A_592 = arith.addi %mul3A_2, %add3A_591 : i32
    %dma_start3A_593 = arith.constant 0 : i32
    %dma_start3A_594 = tpu.memref_slice %arg5[%add3A_592, %dma_start3A_593] : memref<81920x64xf32, #tpu.memory_space<hbm>> -> memref<128x64xf32, #tpu.memory_space<hbm>>
    %dma_start3A_595 = arith.constant 0 : i32
    %dma_start3A_596 = tpu.memref_slice %arg5[%add3A_592, %dma_start3A_595] : memref<81920x64xf32, #tpu.memory_space<hbm>> -> memref<128x64xf32, #tpu.memory_space<hbm>>
    tpu.enqueue_dma source(%arg9 : memref<128x64xf32, #tpu.memory_space<vmem>>) target(%dma_start3A_596 : memref<128x64xf32, #tpu.memory_space<hbm>>) target_semaphore(%arg15 : memref<!tpu.dma_semaphore, #tpu.memory_space<semaphore_mem>>)
    %dma_wait3A_597 = arith.constant 0 : i32
    %dma_wait3A_598 = tpu.memref_slice %arg5[%add3A_592, %dma_wait3A_597] : memref<81920x64xf32, #tpu.memory_space<hbm>> -> memref<128x64xf32, #tpu.memory_space<hbm>>
    %dma_wait3A_599 = arith.constant 0 : i32
    %dma_wait3A_600 = tpu.memref_slice %arg5[%add3A_592, %dma_wait3A_599] : memref<81920x64xf32, #tpu.memory_space<hbm>> -> memref<128x64xf32, #tpu.memory_space<hbm>>
    tpu.wait_dma2 semaphore(%arg15 : memref<!tpu.dma_semaphore, #tpu.memory_space<semaphore_mem>>) src(%arg9 : memref<128x64xf32, #tpu.memory_space<vmem>>) dst(%dma_wait3A_600 : memref<128x64xf32, #tpu.memory_space<hbm>>)
    %add3A_601 = arith.constant 2304 : i32
    %add3A_602 = arith.addi %mul3A_2, %add3A_601 : i32
    %dma_start3A_603 = tpu.memref_slice %arg3[%add3A_602] : memref<81920xi32, #tpu.memory_space<hbm>> -> memref<128xi32, #tpu.memory_space<hbm>>
    %dma_start3A_604 = tpu.memref_slice %arg3[%add3A_602] : memref<81920xi32, #tpu.memory_space<hbm>> -> memref<128xi32, #tpu.memory_space<hbm>>
    tpu.enqueue_dma source(%dma_start3A_604 : memref<128xi32, #tpu.memory_space<hbm>>) target(%arg7 : memref<128xi32, #tpu.memory_space<vmem>>) target_semaphore(%arg11 : memref<!tpu.dma_semaphore, #tpu.memory_space<semaphore_mem>>)
    %dma_wait3A_605 = tpu.memref_slice %arg3[%add3A_602] : memref<81920xi32, #tpu.memory_space<hbm>> -> memref<128xi32, #tpu.memory_space<hbm>>
    %dma_wait3A_606 = tpu.memref_slice %arg3[%add3A_602] : memref<81920xi32, #tpu.memory_space<hbm>> -> memref<128xi32, #tpu.memory_space<hbm>>
    tpu.wait_dma2 semaphore(%arg11 : memref<!tpu.dma_semaphore, #tpu.memory_space<semaphore_mem>>) src(%dma_wait3A_606 : memref<128xi32, #tpu.memory_space<hbm>>) dst(%arg7 : memref<128xi32, #tpu.memory_space<vmem>>)
    %dma_start3A_607 = arith.constant 0 : i32
    %dma_start3A_608 = arith.constant 0 : i32
    %dma_start3A_609 = arith.constant 0 : i32
    %dma_start3A_610 = tpu.memref_slice %arg2[%dma_start3A_607, %dma_start3A_608, %dma_start3A_609] : memref<2x100000x64xf32, #tpu.memory_space<hbm>> -> memref<1x100000x64xf32, #tpu.memory_space<hbm>>
    %dma_start3A_611 = tpu.memref_squeeze %dma_start3A_610 : memref<1x100000x64xf32, #tpu.memory_space<hbm>> -> memref<100000x64xf32, #tpu.memory_space<hbm>>
    %dma_start3A_612 = arith.constant 0 : i32
    %dma_start3A_613 = arith.constant 0 : i32
    %dma_start3A_614 = tpu.memref_slice %dma_start3A_611[%dma_start3A_612, %dma_start3A_613] : memref<100000x64xf32, #tpu.memory_space<hbm>> -> memref<100000x64xf32, #tpu.memory_space<hbm>>
    tpu.enqueue_indirect_dma source(%dma_start3A_614 : memref<100000x64xf32, #tpu.memory_space<hbm>>) target(%arg9 : memref<128x64xf32, #tpu.memory_space<vmem>>) offsets(%arg7 : memref<128xi32, #tpu.memory_space<vmem>>) semaphore(%arg13 : memref<!tpu.dma_semaphore, #tpu.memory_space<semaphore_mem>>)
    %dma_wait3A_615 = arith.constant 0 : i32
    %dma_wait3A_616 = arith.constant 0 : i32
    %dma_wait3A_617 = arith.constant 0 : i32
    %dma_wait3A_618 = tpu.memref_slice %arg2[%dma_wait3A_615, %dma_wait3A_616, %dma_wait3A_617] : memref<2x100000x64xf32, #tpu.memory_space<hbm>> -> memref<1x100000x64xf32, #tpu.memory_space<hbm>>
    %dma_wait3A_619 = tpu.memref_squeeze %dma_wait3A_618 : memref<1x100000x64xf32, #tpu.memory_space<hbm>> -> memref<100000x64xf32, #tpu.memory_space<hbm>>
    %dma_wait3A_620 = arith.constant 0 : i32
    %dma_wait3A_621 = arith.constant 0 : i32
    %dma_wait3A_622 = tpu.memref_slice %dma_wait3A_619[%dma_wait3A_620, %dma_wait3A_621] : memref<100000x64xf32, #tpu.memory_space<hbm>> -> memref<100000x64xf32, #tpu.memory_space<hbm>>
    tpu.wait_indirect_dma semaphore(%arg14 : memref<!tpu.dma_semaphore, #tpu.memory_space<semaphore_mem>>) src(%dma_wait3A_622 : memref<100000x64xf32, #tpu.memory_space<hbm>>) dst(%arg10 : memref<128x64xf32, #tpu.memory_space<vmem>>)
    %add3A_623 = arith.constant 2176 : i32
    %add3A_624 = arith.addi %mul3A_2, %add3A_623 : i32
    %dma_start3A_625 = arith.constant 0 : i32
    %dma_start3A_626 = tpu.memref_slice %arg5[%add3A_624, %dma_start3A_625] : memref<81920x64xf32, #tpu.memory_space<hbm>> -> memref<128x64xf32, #tpu.memory_space<hbm>>
    %dma_start3A_627 = arith.constant 0 : i32
    %dma_start3A_628 = tpu.memref_slice %arg5[%add3A_624, %dma_start3A_627] : memref<81920x64xf32, #tpu.memory_space<hbm>> -> memref<128x64xf32, #tpu.memory_space<hbm>>
    tpu.enqueue_dma source(%arg10 : memref<128x64xf32, #tpu.memory_space<vmem>>) target(%dma_start3A_628 : memref<128x64xf32, #tpu.memory_space<hbm>>) target_semaphore(%arg16 : memref<!tpu.dma_semaphore, #tpu.memory_space<semaphore_mem>>)
    %dma_wait3A_629 = arith.constant 0 : i32
    %dma_wait3A_630 = tpu.memref_slice %arg5[%add3A_624, %dma_wait3A_629] : memref<81920x64xf32, #tpu.memory_space<hbm>> -> memref<128x64xf32, #tpu.memory_space<hbm>>
    %dma_wait3A_631 = arith.constant 0 : i32
    %dma_wait3A_632 = tpu.memref_slice %arg5[%add3A_624, %dma_wait3A_631] : memref<81920x64xf32, #tpu.memory_space<hbm>> -> memref<128x64xf32, #tpu.memory_space<hbm>>
    tpu.wait_dma2 semaphore(%arg16 : memref<!tpu.dma_semaphore, #tpu.memory_space<semaphore_mem>>) src(%arg10 : memref<128x64xf32, #tpu.memory_space<vmem>>) dst(%dma_wait3A_632 : memref<128x64xf32, #tpu.memory_space<hbm>>)
    %add3A_633 = arith.constant 2432 : i32
    %add3A_634 = arith.addi %mul3A_2, %add3A_633 : i32
    %dma_start3A_635 = tpu.memref_slice %arg3[%add3A_634] : memref<81920xi32, #tpu.memory_space<hbm>> -> memref<128xi32, #tpu.memory_space<hbm>>
    %dma_start3A_636 = tpu.memref_slice %arg3[%add3A_634] : memref<81920xi32, #tpu.memory_space<hbm>> -> memref<128xi32, #tpu.memory_space<hbm>>
    tpu.enqueue_dma source(%dma_start3A_636 : memref<128xi32, #tpu.memory_space<hbm>>) target(%arg8 : memref<128xi32, #tpu.memory_space<vmem>>) target_semaphore(%arg12 : memref<!tpu.dma_semaphore, #tpu.memory_space<semaphore_mem>>)
    %dma_wait3A_637 = tpu.memref_slice %arg3[%add3A_634] : memref<81920xi32, #tpu.memory_space<hbm>> -> memref<128xi32, #tpu.memory_space<hbm>>
    %dma_wait3A_638 = tpu.memref_slice %arg3[%add3A_634] : memref<81920xi32, #tpu.memory_space<hbm>> -> memref<128xi32, #tpu.memory_space<hbm>>
    tpu.wait_dma2 semaphore(%arg12 : memref<!tpu.dma_semaphore, #tpu.memory_space<semaphore_mem>>) src(%dma_wait3A_638 : memref<128xi32, #tpu.memory_space<hbm>>) dst(%arg8 : memref<128xi32, #tpu.memory_space<vmem>>)
    %dma_start3A_639 = arith.constant 0 : i32
    %dma_start3A_640 = arith.constant 0 : i32
    %dma_start3A_641 = arith.constant 0 : i32
    %dma_start3A_642 = tpu.memref_slice %arg2[%dma_start3A_639, %dma_start3A_640, %dma_start3A_641] : memref<2x100000x64xf32, #tpu.memory_space<hbm>> -> memref<1x100000x64xf32, #tpu.memory_space<hbm>>
    %dma_start3A_643 = tpu.memref_squeeze %dma_start3A_642 : memref<1x100000x64xf32, #tpu.memory_space<hbm>> -> memref<100000x64xf32, #tpu.memory_space<hbm>>
    %dma_start3A_644 = arith.constant 0 : i32
    %dma_start3A_645 = arith.constant 0 : i32
    %dma_start3A_646 = tpu.memref_slice %dma_start3A_643[%dma_start3A_644, %dma_start3A_645] : memref<100000x64xf32, #tpu.memory_space<hbm>> -> memref<100000x64xf32, #tpu.memory_space<hbm>>
    tpu.enqueue_indirect_dma source(%dma_start3A_646 : memref<100000x64xf32, #tpu.memory_space<hbm>>) target(%arg10 : memref<128x64xf32, #tpu.memory_space<vmem>>) offsets(%arg8 : memref<128xi32, #tpu.memory_space<vmem>>) semaphore(%arg14 : memref<!tpu.dma_semaphore, #tpu.memory_space<semaphore_mem>>)
    %dma_wait3A_647 = arith.constant 0 : i32
    %dma_wait3A_648 = arith.constant 0 : i32
    %dma_wait3A_649 = arith.constant 0 : i32
    %dma_wait3A_650 = tpu.memref_slice %arg2[%dma_wait3A_647, %dma_wait3A_648, %dma_wait3A_649] : memref<2x100000x64xf32, #tpu.memory_space<hbm>> -> memref<1x100000x64xf32, #tpu.memory_space<hbm>>
    %dma_wait3A_651 = tpu.memref_squeeze %dma_wait3A_650 : memref<1x100000x64xf32, #tpu.memory_space<hbm>> -> memref<100000x64xf32, #tpu.memory_space<hbm>>
    %dma_wait3A_652 = arith.constant 0 : i32
    %dma_wait3A_653 = arith.constant 0 : i32
    %dma_wait3A_654 = tpu.memref_slice %dma_wait3A_651[%dma_wait3A_652, %dma_wait3A_653] : memref<100000x64xf32, #tpu.memory_space<hbm>> -> memref<100000x64xf32, #tpu.memory_space<hbm>>
    tpu.wait_indirect_dma semaphore(%arg13 : memref<!tpu.dma_semaphore, #tpu.memory_space<semaphore_mem>>) src(%dma_wait3A_654 : memref<100000x64xf32, #tpu.memory_space<hbm>>) dst(%arg9 : memref<128x64xf32, #tpu.memory_space<vmem>>)
    %add3A_655 = arith.constant 2304 : i32
    %add3A_656 = arith.addi %mul3A_2, %add3A_655 : i32
    %dma_start3A_657 = arith.constant 0 : i32
    %dma_start3A_658 = tpu.memref_slice %arg5[%add3A_656, %dma_start3A_657] : memref<81920x64xf32, #tpu.memory_space<hbm>> -> memref<128x64xf32, #tpu.memory_space<hbm>>
    %dma_start3A_659 = arith.constant 0 : i32
    %dma_start3A_660 = tpu.memref_slice %arg5[%add3A_656, %dma_start3A_659] : memref<81920x64xf32, #tpu.memory_space<hbm>> -> memref<128x64xf32, #tpu.memory_space<hbm>>
    tpu.enqueue_dma source(%arg9 : memref<128x64xf32, #tpu.memory_space<vmem>>) target(%dma_start3A_660 : memref<128x64xf32, #tpu.memory_space<hbm>>) target_semaphore(%arg15 : memref<!tpu.dma_semaphore, #tpu.memory_space<semaphore_mem>>)
    %dma_wait3A_661 = arith.constant 0 : i32
    %dma_wait3A_662 = tpu.memref_slice %arg5[%add3A_656, %dma_wait3A_661] : memref<81920x64xf32, #tpu.memory_space<hbm>> -> memref<128x64xf32, #tpu.memory_space<hbm>>
    %dma_wait3A_663 = arith.constant 0 : i32
    %dma_wait3A_664 = tpu.memref_slice %arg5[%add3A_656, %dma_wait3A_663] : memref<81920x64xf32, #tpu.memory_space<hbm>> -> memref<128x64xf32, #tpu.memory_space<hbm>>
    tpu.wait_dma2 semaphore(%arg15 : memref<!tpu.dma_semaphore, #tpu.memory_space<semaphore_mem>>) src(%arg9 : memref<128x64xf32, #tpu.memory_space<vmem>>) dst(%dma_wait3A_664 : memref<128x64xf32, #tpu.memory_space<hbm>>)
    %dma_wait3A_665 = arith.constant 0 : i32
    %dma_wait3A_666 = arith.constant 0 : i32
    %dma_wait3A_667 = arith.constant 0 : i32
    %dma_wait3A_668 = tpu.memref_slice %arg2[%dma_wait3A_665, %dma_wait3A_666, %dma_wait3A_667] : memref<2x100000x64xf32, #tpu.memory_space<hbm>> -> memref<1x100000x64xf32, #tpu.memory_space<hbm>>
    %dma_wait3A_669 = tpu.memref_squeeze %dma_wait3A_668 : memref<1x100000x64xf32, #tpu.memory_space<hbm>> -> memref<100000x64xf32, #tpu.memory_space<hbm>>
    %dma_wait3A_670 = arith.constant 0 : i32
    %dma_wait3A_671 = arith.constant 0 : i32
    %dma_wait3A_672 = tpu.memref_slice %dma_wait3A_669[%dma_wait3A_670, %dma_wait3A_671] : memref<100000x64xf32, #tpu.memory_space<hbm>> -> memref<100000x64xf32, #tpu.memory_space<hbm>>
    tpu.wait_indirect_dma semaphore(%arg14 : memref<!tpu.dma_semaphore, #tpu.memory_space<semaphore_mem>>) src(%dma_wait3A_672 : memref<100000x64xf32, #tpu.memory_space<hbm>>) dst(%arg10 : memref<128x64xf32, #tpu.memory_space<vmem>>)
    %add3A_673 = arith.constant 2432 : i32
    %add3A_674 = arith.addi %mul3A_2, %add3A_673 : i32
    %dma_start3A_675 = arith.constant 0 : i32
    %dma_start3A_676 = tpu.memref_slice %arg5[%add3A_674, %dma_start3A_675] : memref<81920x64xf32, #tpu.memory_space<hbm>> -> memref<128x64xf32, #tpu.memory_space<hbm>>
    %dma_start3A_677 = arith.constant 0 : i32
    %dma_start3A_678 = tpu.memref_slice %arg5[%add3A_674, %dma_start3A_677] : memref<81920x64xf32, #tpu.memory_space<hbm>> -> memref<128x64xf32, #tpu.memory_space<hbm>>
    tpu.enqueue_dma source(%arg10 : memref<128x64xf32, #tpu.memory_space<vmem>>) target(%dma_start3A_678 : memref<128x64xf32, #tpu.memory_space<hbm>>) target_semaphore(%arg16 : memref<!tpu.dma_semaphore, #tpu.memory_space<semaphore_mem>>)
    %dma_wait3A_679 = arith.constant 0 : i32
    %dma_wait3A_680 = tpu.memref_slice %arg5[%add3A_674, %dma_wait3A_679] : memref<81920x64xf32, #tpu.memory_space<hbm>> -> memref<128x64xf32, #tpu.memory_space<hbm>>
    %dma_wait3A_681 = arith.constant 0 : i32
    %dma_wait3A_682 = tpu.memref_slice %arg5[%add3A_674, %dma_wait3A_681] : memref<81920x64xf32, #tpu.memory_space<hbm>> -> memref<128x64xf32, #tpu.memory_space<hbm>>
    tpu.wait_dma2 semaphore(%arg16 : memref<!tpu.dma_semaphore, #tpu.memory_space<semaphore_mem>>) src(%arg10 : memref<128x64xf32, #tpu.memory_space<vmem>>) dst(%dma_wait3A_682 : memref<128x64xf32, #tpu.memory_space<hbm>>)
    return
  }
}

module attributes {stable_mosaic.version = 14 : i64} {
  func.func @_proj_body(%arg0: i32, %arg1: memref<2048x128xf32, #tpu.memory_space<vmem>>, %arg2: memref<128x128xf32, #tpu.memory_space<vmem>>, %arg3: memref<2048x128xf32, #tpu.memory_space<vmem>>) attributes {dimension_semantics = [#tpu.dimension_semantics<arbitrary>], iteration_bounds = array<i64: 5>, scalar_prefetch = 0 : i64, scratch_operands = 0 : i64, tpu.core_type = #tpu.core_type<tc>, window_params = [{pipeline_mode = #tpu.pipeline_mode<synchronous>, transform_indices = @transform_0, window_bounds = array<i64: 2048, 128>}, {pipeline_mode = #tpu.pipeline_mode<synchronous>, transform_indices = @transform_1, window_bounds = array<i64: 128, 128>}, {transform_indices = @transform_2, window_bounds = array<i64: 2048, 128>}]} {
    %get3A = arith.constant 0 : index
    %get3A_0 = arith.constant 0 : index
    %get3A_1 = vector.load %arg1[%get3A, %get3A_0] : memref<2048x128xf32, #tpu.memory_space<vmem>>, vector<2048x128xf32>
    %get3A_2 = arith.constant 0 : index
    %get3A_3 = arith.constant 0 : index
    %get3A_4 = vector.load %arg2[%get3A_2, %get3A_3] : memref<128x128xf32, #tpu.memory_space<vmem>>, vector<128x128xf32>
    %dot_general3A = arith.constant dense<0.000000e+00> : vector<2048x128xf32>
    %dot_general3A_5 = tpu.matmul %get3A_1, %get3A_4, %dot_general3A {dimension_numbers = #tpu.dot_dimension_numbers<[1], [0], [0], [1], [0, 0, 1, 1], [], []>, transpose_lhs_hint = false} : vector<2048x128xf32>, vector<128x128xf32>, vector<2048x128xf32> -> vector<2048x128xf32>
    %swap3A = arith.constant 0 : index
    %swap3A_6 = arith.constant 0 : index
    %swap3A_7 = vector.load %arg3[%swap3A, %swap3A_6] : memref<2048x128xf32, #tpu.memory_space<vmem>>, vector<2048x128xf32>
    tpu.vector_store %arg3[%swap3A, %swap3A_6], %dot_general3A_5 {strides = array<i32>} : memref<2048x128xf32, #tpu.memory_space<vmem>>, vector<2048x128xf32>,
    return
  }
  func.func @transform_0(%arg0: i32) -> (i32, i32) {
    %c0_i32 = arith.constant 0 : i32
    %c0_i32_0 = arith.constant 0 : i32
    %c0_i32_1 = arith.constant 0 : i32
    return %c0_i32, %c0_i32_0 : i32, i32
  }
  func.func @transform_1(%arg0: i32) -> (i32, i32) {
    %c0_i32 = arith.constant 0 : i32
    %c0_i32_0 = arith.constant 0 : i32
    %c0_i32_1 = arith.constant 0 : i32
    return %c0_i32, %c0_i32_0 : i32, i32
  }
  func.func @transform_2(%arg0: i32) -> (i32, i32) {
    %c0_i32 = arith.constant 0 : i32
    %c0_i32_0 = arith.constant 0 : i32
    return %arg0, %c0_i32 : i32, i32
  }
}

module attributes {stable_mosaic.version = 14 : i64} {
  func.func @_compute_body(%arg0: i32, %arg1: memref<2560x128xf32, #tpu.memory_space<vmem>>, %arg2: memref<256x128xf32, #tpu.memory_space<vmem>>, %arg3: memref<256x128xf32, #tpu.memory_space<vmem>>, %arg4: memref<2560x2xf32, #tpu.memory_space<vmem>>, %arg5: memref<2560x128xf32, #tpu.memory_space<vmem>>, %arg6: memref<2560x128xf32, #tpu.memory_space<vmem>>, %arg7: memref<2560x128xf32, #tpu.memory_space<vmem>>) attributes {dimension_semantics = [#tpu.dimension_semantics<arbitrary>], iteration_bounds = array<i64: 16>, scalar_prefetch = 0 : i64, scratch_operands = 0 : i64, tpu.core_type = #tpu.core_type<tc>, window_params = [{transform_indices = @transform_0, window_bounds = array<i64: 2560, 128>}, {transform_indices = @transform_1, window_bounds = array<i64: 256, 128>}, {transform_indices = @transform_2, window_bounds = array<i64: 256, 128>}, {transform_indices = @transform_3, window_bounds = array<i64: 2560, 2>}, {transform_indices = @transform_4, window_bounds = array<i64: 2560, 128>}, {transform_indices = @transform_5, window_bounds = array<i64: 2560, 128>}, {transform_indices = @transform_6, window_bounds = array<i64: 2560, 128>}]} {
    %get3A = arith.constant 0 : index
    %get3A_0 = arith.constant 0 : index
    %get3A_1 = vector.load %arg1[%get3A, %get3A_0] : memref<2560x128xf32, #tpu.memory_space<vmem>>, vector<2560x128xf32>
    %get3A_2 = arith.constant 0 : index
    %get3A_3 = arith.constant 0 : index
    %get3A_4 = vector.load %arg2[%get3A_2, %get3A_3] : memref<256x128xf32, #tpu.memory_space<vmem>>, vector<256x128xf32>
    %broadcast_in_dim3A = vector.shape_cast %get3A_4 : vector<256x128xf32> to vector<256x1x128xf32>
    %broadcast_in_dim3A_5 = vector.shape_cast %broadcast_in_dim3A : vector<256x1x128xf32> to vector<256x1x128xf32>
    %broadcast_in_dim3A_6 = vector.broadcast %broadcast_in_dim3A_5 : vector<256x1x128xf32> to vector<256x10x128xf32>
    %reshape3A = vector.shape_cast %broadcast_in_dim3A_6 : vector<256x10x128xf32> to vector<2560x128xf32>
    %iota3A = tpu.iota {dimensions = array<i32: 0>} : vector<128x128xi32>
    %iota3A_7 = tpu.iota {dimensions = array<i32: 1>} : vector<128x128xi32>
    %lt3A = arith.constant 64 : i32
    %lt3A_8 = vector.broadcast %lt3A : i32 to vector<128x128xi32>
    %lt3A_9 = arith.cmpi slt, %iota3A, %lt3A_8 : vector<128x128xi32>
    %lt3A_10 = arith.constant 64 : i32
    %lt3A_11 = vector.broadcast %lt3A_10 : i32 to vector<128x128xi32>
    %lt3A_12 = arith.cmpi slt, %iota3A_7, %lt3A_11 : vector<128x128xi32>
    %eq3A = arith.xori %lt3A_9, %lt3A_12 : vector<128x128xi1>
    %eq3A_13 = arith.constant dense<true> : vector<128x128xi1>
    %eq3A_14 = arith.xori %eq3A, %eq3A_13 : vector<128x128xi1>
    %jit3A = arith.constant 1.000000e+00 : f32
    %jit3A_15 = arith.constant 0.000000e+00 : f32
    %broadcast_in_dim3A_16 = vector.broadcast %jit3A : f32 to vector<128x128xf32>
    %broadcast_in_dim3A_17 = vector.broadcast %jit3A_15 : f32 to vector<128x128xf32>
    %select_n3A = arith.select %eq3A_14, %broadcast_in_dim3A_16, %broadcast_in_dim3A_17 : vector<128x128xi1>, vector<128x128xf32>
    %sub3A = arith.subi %iota3A, %iota3A_7 : vector<128x128xi32>
    %abs3A = math.absi %sub3A : vector<128x128xi32>
    %eq3A_18 = arith.constant 64 : i32
    %eq3A_19 = vector.broadcast %eq3A_18 : i32 to vector<128x128xi32>
    %eq3A_20 = arith.cmpi eq, %abs3A, %eq3A_19 : vector<128x128xi32>
    %jit3A_21 = arith.constant 1.000000e+00 : f32
    %jit3A_22 = arith.constant 0.000000e+00 : f32
    %broadcast_in_dim3A_23 = vector.broadcast %jit3A_21 : f32 to vector<128x128xf32>
    %broadcast_in_dim3A_24 = vector.broadcast %jit3A_22 : f32 to vector<128x128xf32>
    %select_n3A_25 = arith.select %eq3A_20, %broadcast_in_dim3A_23, %broadcast_in_dim3A_24 : vector<128x128xi1>, vector<128x128xf32>
    %iota3A_26 = tpu.iota {dimensions = array<i32: 0>} : vector<256x2560xi32>
    %iota3A_27 = tpu.iota {dimensions = array<i32: 1>} : vector<256x2560xi32>
    %jit3A_28 = arith.constant 10 : i32
    %div3A = vector.broadcast %jit3A_28 : i32 to vector<256x2560xi32>
    %div3A_29 = arith.divsi %iota3A_27, %div3A : vector<256x2560xi32>
    %sign3A = arith.constant 0 : i32
    %sign3A_30 = vector.broadcast %sign3A : i32 to vector<256x2560xi32>
    %sign3A_31 = arith.cmpi sgt, %iota3A_27, %sign3A_30 : vector<256x2560xi32>
    %sign3A_32 = arith.extui %sign3A_31 : vector<256x2560xi1> to vector<256x2560xi32>
    %sign3A_33 = arith.constant 0 : i32
    %sign3A_34 = vector.broadcast %sign3A_33 : i32 to vector<256x2560xi32>
    %sign3A_35 = arith.cmpi slt, %iota3A_27, %sign3A_34 : vector<256x2560xi32>
    %sign3A_36 = arith.extui %sign3A_35 : vector<256x2560xi1> to vector<256x2560xi32>
    %sign3A_37 = arith.subi %sign3A_32, %sign3A_36 : vector<256x2560xi32>
    %sign3A_38 = arith.constant 0 : i32
    %sign3A_39 = arith.cmpi sgt, %jit3A_28, %sign3A_38 : i32
    %sign3A_40 = arith.extui %sign3A_39 : i1 to i32
    %sign3A_41 = arith.constant 0 : i32
    %sign3A_42 = arith.cmpi slt, %jit3A_28, %sign3A_41 : i32
    %sign3A_43 = arith.extui %sign3A_42 : i1 to i32
    %sign3A_44 = arith.subi %sign3A_40, %sign3A_43 : i32
    %ne3A = vector.broadcast %sign3A_44 : i32 to vector<256x2560xi32>
    %ne3A_45 = arith.cmpi ne, %sign3A_37, %ne3A : vector<256x2560xi32>
    %rem3A = vector.broadcast %jit3A_28 : i32 to vector<256x2560xi32>
    %rem3A_46 = arith.remsi %iota3A_27, %rem3A : vector<256x2560xi32>
    %ne3A_47 = arith.constant 0 : i32
    %ne3A_48 = vector.broadcast %ne3A_47 : i32 to vector<256x2560xi32>
    %ne3A_49 = arith.cmpi ne, %rem3A_46, %ne3A_48 : vector<256x2560xi32>
    %and3A = arith.andi %ne3A_45, %ne3A_49 : vector<256x2560xi1>
    %sub3A_50 = arith.constant 1 : i32
    %sub3A_51 = vector.broadcast %sub3A_50 : i32 to vector<256x2560xi32>
    %sub3A_52 = arith.subi %div3A_29, %sub3A_51 : vector<256x2560xi32>
    %select_n3A_53 = arith.select %and3A, %sub3A_52, %div3A_29 : vector<256x2560xi1>, vector<256x2560xi32>
    %eq3A_54 = arith.cmpi eq, %select_n3A_53, %iota3A_26 : vector<256x2560xi32>
    %jit3A_55 = arith.constant 1.000000e+00 : f32
    %jit3A_56 = arith.constant 0.000000e+00 : f32
    %broadcast_in_dim3A_57 = vector.broadcast %jit3A_55 : f32 to vector<256x2560xf32>
    %broadcast_in_dim3A_58 = vector.broadcast %jit3A_56 : f32 to vector<256x2560xf32>
    %select_n3A_59 = arith.select %eq3A_54, %broadcast_in_dim3A_57, %broadcast_in_dim3A_58 : vector<256x2560xi1>, vector<256x2560xf32>
    %iota3A_60 = tpu.iota {dimensions = array<i32: 0>} : vector<2560x256xi32>
    %iota3A_61 = tpu.iota {dimensions = array<i32: 1>} : vector<2560x256xi32>
    %jit3A_62 = arith.constant 10 : i32
    %div3A_63 = vector.broadcast %jit3A_62 : i32 to vector<2560x256xi32>
    %div3A_64 = arith.divsi %iota3A_60, %div3A_63 : vector<2560x256xi32>
    %sign3A_65 = arith.constant 0 : i32
    %sign3A_66 = vector.broadcast %sign3A_65 : i32 to vector<2560x256xi32>
    %sign3A_67 = arith.cmpi sgt, %iota3A_60, %sign3A_66 : vector<2560x256xi32>
    %sign3A_68 = arith.extui %sign3A_67 : vector<2560x256xi1> to vector<2560x256xi32>
    %sign3A_69 = arith.constant 0 : i32
    %sign3A_70 = vector.broadcast %sign3A_69 : i32 to vector<2560x256xi32>
    %sign3A_71 = arith.cmpi slt, %iota3A_60, %sign3A_70 : vector<2560x256xi32>
    %sign3A_72 = arith.extui %sign3A_71 : vector<2560x256xi1> to vector<2560x256xi32>
    %sign3A_73 = arith.subi %sign3A_68, %sign3A_72 : vector<2560x256xi32>
    %sign3A_74 = arith.constant 0 : i32
    %sign3A_75 = arith.cmpi sgt, %jit3A_62, %sign3A_74 : i32
    %sign3A_76 = arith.extui %sign3A_75 : i1 to i32
    %sign3A_77 = arith.constant 0 : i32
    %sign3A_78 = arith.cmpi slt, %jit3A_62, %sign3A_77 : i32
    %sign3A_79 = arith.extui %sign3A_78 : i1 to i32
    %sign3A_80 = arith.subi %sign3A_76, %sign3A_79 : i32
    %ne3A_81 = vector.broadcast %sign3A_80 : i32 to vector<2560x256xi32>
    %ne3A_82 = arith.cmpi ne, %sign3A_73, %ne3A_81 : vector<2560x256xi32>
    %rem3A_83 = vector.broadcast %jit3A_62 : i32 to vector<2560x256xi32>
    %rem3A_84 = arith.remsi %iota3A_60, %rem3A_83 : vector<2560x256xi32>
    %ne3A_85 = arith.constant 0 : i32
    %ne3A_86 = vector.broadcast %ne3A_85 : i32 to vector<2560x256xi32>
    %ne3A_87 = arith.cmpi ne, %rem3A_84, %ne3A_86 : vector<2560x256xi32>
    %and3A_88 = arith.andi %ne3A_82, %ne3A_87 : vector<2560x256xi1>
    %sub3A_89 = arith.constant 1 : i32
    %sub3A_90 = vector.broadcast %sub3A_89 : i32 to vector<2560x256xi32>
    %sub3A_91 = arith.subi %div3A_64, %sub3A_90 : vector<2560x256xi32>
    %select_n3A_92 = arith.select %and3A_88, %sub3A_91, %div3A_64 : vector<2560x256xi1>, vector<2560x256xi32>
    %eq3A_93 = arith.cmpi eq, %select_n3A_92, %iota3A_61 : vector<2560x256xi32>
    %jit3A_94 = arith.constant 1.000000e+00 : f32
    %jit3A_95 = arith.constant 0.000000e+00 : f32
    %broadcast_in_dim3A_96 = vector.broadcast %jit3A_94 : f32 to vector<2560x256xf32>
    %broadcast_in_dim3A_97 = vector.broadcast %jit3A_95 : f32 to vector<2560x256xf32>
    %select_n3A_98 = arith.select %eq3A_93, %broadcast_in_dim3A_96, %broadcast_in_dim3A_97 : vector<2560x256xi1>, vector<2560x256xf32>
    %iota3A_99 = tpu.iota {dimensions = array<i32: 0>} : vector<2x128xi32>
    %iota3A_100 = tpu.iota {dimensions = array<i32: 1>} : vector<2x128xi32>
    %jit3A_101 = arith.constant 64 : i32
    %div3A_102 = vector.broadcast %jit3A_101 : i32 to vector<2x128xi32>
    %div3A_103 = arith.divsi %iota3A_100, %div3A_102 : vector<2x128xi32>
    %sign3A_104 = arith.constant 0 : i32
    %sign3A_105 = vector.broadcast %sign3A_104 : i32 to vector<2x128xi32>
    %sign3A_106 = arith.cmpi sgt, %iota3A_100, %sign3A_105 : vector<2x128xi32>
    %sign3A_107 = arith.extui %sign3A_106 : vector<2x128xi1> to vector<2x128xi32>
    %sign3A_108 = arith.constant 0 : i32
    %sign3A_109 = vector.broadcast %sign3A_108 : i32 to vector<2x128xi32>
    %sign3A_110 = arith.cmpi slt, %iota3A_100, %sign3A_109 : vector<2x128xi32>
    %sign3A_111 = arith.extui %sign3A_110 : vector<2x128xi1> to vector<2x128xi32>
    %sign3A_112 = arith.subi %sign3A_107, %sign3A_111 : vector<2x128xi32>
    %sign3A_113 = arith.constant 0 : i32
    %sign3A_114 = arith.cmpi sgt, %jit3A_101, %sign3A_113 : i32
    %sign3A_115 = arith.extui %sign3A_114 : i1 to i32
    %sign3A_116 = arith.constant 0 : i32
    %sign3A_117 = arith.cmpi slt, %jit3A_101, %sign3A_116 : i32
    %sign3A_118 = arith.extui %sign3A_117 : i1 to i32
    %sign3A_119 = arith.subi %sign3A_115, %sign3A_118 : i32
    %ne3A_120 = vector.broadcast %sign3A_119 : i32 to vector<2x128xi32>
    %ne3A_121 = arith.cmpi ne, %sign3A_112, %ne3A_120 : vector<2x128xi32>
    %rem3A_122 = vector.broadcast %jit3A_101 : i32 to vector<2x128xi32>
    %rem3A_123 = arith.remsi %iota3A_100, %rem3A_122 : vector<2x128xi32>
    %ne3A_124 = arith.constant 0 : i32
    %ne3A_125 = vector.broadcast %ne3A_124 : i32 to vector<2x128xi32>
    %ne3A_126 = arith.cmpi ne, %rem3A_123, %ne3A_125 : vector<2x128xi32>
    %and3A_127 = arith.andi %ne3A_121, %ne3A_126 : vector<2x128xi1>
    %sub3A_128 = arith.constant 1 : i32
    %sub3A_129 = vector.broadcast %sub3A_128 : i32 to vector<2x128xi32>
    %sub3A_130 = arith.subi %div3A_103, %sub3A_129 : vector<2x128xi32>
    %select_n3A_131 = arith.select %and3A_127, %sub3A_130, %div3A_103 : vector<2x128xi1>, vector<2x128xi32>
    %eq3A_132 = arith.cmpi eq, %select_n3A_131, %iota3A_99 : vector<2x128xi32>
    %jit3A_133 = arith.constant 1.000000e+00 : f32
    %jit3A_134 = arith.constant 0.000000e+00 : f32
    %broadcast_in_dim3A_135 = vector.broadcast %jit3A_133 : f32 to vector<2x128xf32>
    %broadcast_in_dim3A_136 = vector.broadcast %jit3A_134 : f32 to vector<2x128xf32>
    %select_n3A_137 = arith.select %eq3A_132, %broadcast_in_dim3A_135, %broadcast_in_dim3A_136 : vector<2x128xi1>, vector<2x128xf32>
    %mul3A = arith.mulf %get3A_1, %reshape3A : vector<2560x128xf32>
    %dot_general3A = arith.constant dense<0.000000e+00> : vector<2560x128xf32>
    %dot_general3A_138 = tpu.matmul %mul3A, %select_n3A, %dot_general3A {dimension_numbers = #tpu.dot_dimension_numbers<[1], [0], [0], [1], [0, 0, 1, 1], [], []>, transpose_lhs_hint = false} : vector<2560x128xf32>, vector<128x128xf32>, vector<2560x128xf32> -> vector<2560x128xf32>
    %reduce_max3A = vector.shape_cast %dot_general3A_138 : vector<2560x128xf32> to vector<1x2560x128xf32>
    %reduce_max3A_139 = arith.constant dense<0xFF800000> : vector<1xf32>
    %reduce_max3A_140 = vector.multi_reduction <maximumf>, %reduce_max3A, %reduce_max3A_139 [1, 2] : vector<1x2560x128xf32> to vector<1xf32>
    %reduce_max3A_141 = vector.shape_cast %reduce_max3A_140 : vector<1xf32> to vector<1x1x1xf32>
    %reduce_max3A_142 = vector.extract %reduce_max3A_141[0, 0, 0] : f32 from vector<1x1x1xf32>
    %sub3A_143 = vector.broadcast %reduce_max3A_142 : f32 to vector<2560x128xf32>
    %sub3A_144 = arith.subf %dot_general3A_138, %sub3A_143 : vector<2560x128xf32>
    %exp3A = math.exp %sub3A_144 : vector<2560x128xf32>
    %dot_general3A_145 = arith.constant dense<0.000000e+00> : vector<256x128xf32>
    %dot_general3A_146 = tpu.matmul %select_n3A_59, %exp3A, %dot_general3A_145 {dimension_numbers = #tpu.dot_dimension_numbers<[1], [0], [0], [1], [0, 0, 1, 1], [], []>, transpose_lhs_hint = false} : vector<256x2560xf32>, vector<2560x128xf32>, vector<256x128xf32> -> vector<256x128xf32>
    %dot_general3A_147 = arith.constant dense<0.000000e+00> : vector<256x128xf32>
    %dot_general3A_148 = tpu.matmul %dot_general3A_146, %select_n3A_25, %dot_general3A_147 {dimension_numbers = #tpu.dot_dimension_numbers<[1], [0], [0], [1], [0, 0, 1, 1], [], []>, transpose_lhs_hint = false} : vector<256x128xf32>, vector<128x128xf32>, vector<256x128xf32> -> vector<256x128xf32>
    %add3A = arith.addf %dot_general3A_146, %dot_general3A_148 : vector<256x128xf32>
    %div3A_149 = arith.constant 1.000000e+00 : f32
    %div3A_150 = vector.broadcast %div3A_149 : f32 to vector<256x128xf32>
    %div3A_151 = arith.divf %div3A_150, %add3A : vector<256x128xf32>
    %dot_general3A_152 = arith.constant dense<0.000000e+00> : vector<2560x128xf32>
    %dot_general3A_153 = tpu.matmul %select_n3A_98, %div3A_151, %dot_general3A_152 {dimension_numbers = #tpu.dot_dimension_numbers<[1], [0], [0], [1], [0, 0, 1, 1], [], []>, transpose_lhs_hint = false} : vector<2560x256xf32>, vector<256x128xf32>, vector<2560x128xf32> -> vector<2560x128xf32>
    %get3A_154 = arith.constant 0 : index
    %get3A_155 = arith.constant 0 : index
    %get3A_156 = vector.load %arg3[%get3A_154, %get3A_155] : memref<256x128xf32, #tpu.memory_space<vmem>>, vector<256x128xf32>
    %dot_general3A_157 = arith.constant dense<0.000000e+00> : vector<2560x128xf32>
    %dot_general3A_158 = tpu.matmul %select_n3A_98, %get3A_156, %dot_general3A_157 {dimension_numbers = #tpu.dot_dimension_numbers<[1], [0], [0], [1], [0, 0, 1, 1], [], []>, transpose_lhs_hint = false} : vector<2560x256xf32>, vector<256x128xf32>, vector<2560x128xf32> -> vector<2560x128xf32>
    %get3A_159 = arith.constant 0 : index
    %get3A_160 = arith.constant 0 : index
    %get3A_161 = vector.load %arg4[%get3A_159, %get3A_160] : memref<2560x2xf32, #tpu.memory_space<vmem>>, vector<2560x2xf32>
    %dot_general3A_162 = arith.constant dense<0.000000e+00> : vector<2560x128xf32>
    %dot_general3A_163 = tpu.matmul %get3A_161, %select_n3A_137, %dot_general3A_162 {dimension_numbers = #tpu.dot_dimension_numbers<[1], [0], [0], [1], [0, 0, 1, 1], [], []>, transpose_lhs_hint = false} : vector<2560x2xf32>, vector<2x128xf32>, vector<2560x128xf32> -> vector<2560x128xf32>
    %sub3A_164 = arith.subf %dot_general3A_158, %dot_general3A_163 : vector<2560x128xf32>
    %gt3A = arith.constant 0.000000e+00 : f32
    %gt3A_165 = vector.broadcast %gt3A : f32 to vector<2560x128xf32>
    %gt3A_166 = arith.cmpf ogt, %sub3A_164, %gt3A_165 : vector<2560x128xf32>
    %lt3A_167 = arith.constant 2.000000e+02 : f32
    %lt3A_168 = vector.broadcast %lt3A_167 : f32 to vector<2560x128xf32>
    %lt3A_169 = arith.cmpf olt, %sub3A_164, %lt3A_168 : vector<2560x128xf32>
    %and3A_170 = arith.andi %gt3A_166, %lt3A_169 : vector<2560x128xi1>
    %mul3A_171 = arith.constant -0.00999999977 : f32
    %mul3A_172 = vector.broadcast %mul3A_171 : f32 to vector<2560x128xf32>
    %mul3A_173 = arith.mulf %mul3A_172, %sub3A_164 : vector<2560x128xf32>
    %exp3A_174 = math.exp %mul3A_173 : vector<2560x128xf32>
    %mul3A_175 = arith.mulf %exp3A_174, %exp3A : vector<2560x128xf32>
    %mul3A_176 = arith.mulf %mul3A_175, %dot_general3A_153 : vector<2560x128xf32>
    %jit3A_177 = arith.constant 0.000000e+00 : f32
    %broadcast_in_dim3A_178 = vector.broadcast %jit3A_177 : f32 to vector<2560x128xf32>
    %select_n3A_179 = arith.select %and3A_170, %mul3A_176, %broadcast_in_dim3A_178 : vector<2560x128xi1>, vector<2560x128xf32>
    %get3A_180 = arith.constant 0 : index
    %get3A_181 = arith.constant 0 : index
    %get3A_182 = vector.load %arg5[%get3A_180, %get3A_181] : memref<2560x128xf32, #tpu.memory_space<vmem>>, vector<2560x128xf32>
    %mul3A_183 = arith.mulf %select_n3A_179, %get3A_182 : vector<2560x128xf32>
    %add3A_184 = arith.addf %get3A_1, %mul3A_183 : vector<2560x128xf32>
    %swap3A = arith.constant 0 : index
    %swap3A_185 = arith.constant 0 : index
    %swap3A_186 = vector.load %arg6[%swap3A, %swap3A_185] : memref<2560x128xf32, #tpu.memory_space<vmem>>, vector<2560x128xf32>
    tpu.vector_store %arg6[%swap3A, %swap3A_185], %add3A_184 {strides = array<i32>} : memref<2560x128xf32, #tpu.memory_space<vmem>>, vector<2560x128xf32>,
    %tanh3A = math.tanh %add3A_184 : vector<2560x128xf32>
    %swap3A_187 = arith.constant 0 : index
    %swap3A_188 = arith.constant 0 : index
    %swap3A_189 = vector.load %arg7[%swap3A_187, %swap3A_188] : memref<2560x128xf32, #tpu.memory_space<vmem>>, vector<2560x128xf32>
    tpu.vector_store %arg7[%swap3A_187, %swap3A_188], %tanh3A {strides = array<i32>} : memref<2560x128xf32, #tpu.memory_space<vmem>>, vector<2560x128xf32>,
    return
  }
  func.func @transform_0(%arg0: i32) -> (i32, i32) {
    %c0_i32 = arith.constant 0 : i32
    %c0_i32_0 = arith.constant 0 : i32
    return %arg0, %c0_i32 : i32, i32
  }
  func.func @transform_1(%arg0: i32) -> (i32, i32) {
    %c0_i32 = arith.constant 0 : i32
    %c0_i32_0 = arith.constant 0 : i32
    return %arg0, %c0_i32 : i32, i32
  }
  func.func @transform_2(%arg0: i32) -> (i32, i32) {
    %c0_i32 = arith.constant 0 : i32
    %c0_i32_0 = arith.constant 0 : i32
    return %arg0, %c0_i32 : i32, i32
  }
  func.func @transform_3(%arg0: i32) -> (i32, i32) {
    %c0_i32 = arith.constant 0 : i32
    %c0_i32_0 = arith.constant 0 : i32
    return %arg0, %c0_i32 : i32, i32
  }
  func.func @transform_4(%arg0: i32) -> (i32, i32) {
    %rem3A = arith.constant 4 : i32
    %rem3A_0 = arith.remsi %arg0, %rem3A : i32
    %c0_i32 = arith.constant 0 : i32
    %c0_i32_1 = arith.constant 0 : i32
    return %rem3A_0, %c0_i32 : i32, i32
  }
  func.func @transform_5(%arg0: i32) -> (i32, i32) {
    %c0_i32 = arith.constant 0 : i32
    %c0_i32_0 = arith.constant 0 : i32
    return %arg0, %c0_i32 : i32, i32
  }
  func.func @transform_6(%arg0: i32) -> (i32, i32) {
    %c0_i32 = arith.constant 0 : i32
    %c0_i32_0 = arith.constant 0 : i32
    return %arg0, %c0_i32 : i32, i32
  }
}

</mosaic_0001>

<sc_bundles>
// kernel: kernel.6.cloned.1.call-start
scs
__scs_entry_jumppad:
0x0: {  	(pc) =	sbr.rel $0x88, $3  }
0x1: {  	(tag) =	ssettag $0x0;
	lr =	simm.s32 $0x1  }
0x2: {  	[smem:$0x3F9A] =	sst lr;
	_ =	strace $0xD0000000  }
0x3: {  	_ = 	snop  }
0x4: {  	_ = 	snop  }
0x5: {  	_ = 	snop  }
0x6: {  	_ = 	snop  }
0x7: {  	_ = 	snop  }
__scs_overlays_trampoline_lowered:
0x8: {  	[smem:$0x3FA9] =	sst s0  }
0x9: {  	[smem:$0x3FAA] =	sst s1  }
0xa: {  	[smem:$0x3FAB] =	sst s2  }
0xb: {  	[smem:$0x3FAC] =	sst s3  }
0xc: {  	[smem:$0x3FAD] =	sst s4  }
0xd: {  	[smem:$0x3FAE] =	sst s5  }
0xe: {  	[smem:$0x3FAF] =	sst s6  }
0xf: {  	[smem:$0x3FB0] =	sst s7  }
0x10: {  	[smem:$0x3FB1] =	sst s8  }
0x11: {  	[smem:$0x3FB2] =	sst s9;
	s0 =	simm.s32 @!p0 $0x0  }
0x12: {  	s1 =	sld [smem:$0x3F98];
	s0 =	simm.s32 @p0 $0x1  }
0x13: {  	[smem:$0x3FB3] =	sst s0;
	s0 =	simm.s32 @!p1 $0x0  }
0x14: {  	s2 =	sld [smem:$0x3F97];
	s0 =	simm.s32 @p1 $0x1  }
0x15: {  	[smem:$0x3FB4] =	sst s0;
	s0 =	simm.s32 @!p2 $0x0  }
0x16: {  	s3 =	sld [smem:$0x3FDB];
	s0 =	simm.s32 @p2 $0x1  }
0x17: {  	s4 =	simm.s32 $0x1BF5;
	[smem:$0x3FB6] =	sst s0  }
0x18: {  	s0 =	sld [smem:$0x3F99];
	_ =	swait.ge [sflag:s4], $0x0  }
0x19: {  	s7 =	sld [smem:$0x3F9A]  }
0x1a: {  	s8 =	sadd.s32 $0xFFFFE003, lr  }
0x1b: {  	s9 =	sadd.s32 $0xFFFFFEF7, lr;
	s5 =	simm.s32 $0xFFFFFFFF;
	p2 =	slt.u32 s8, $0xFFFFF086  }
0x1c: {  	p1 =	slt.u32 s9, $0xF7A;
	s5 =	simm.s32 @!p2 $0x0  }
0x1d: {  	s5 =	simm.s32 @p1 $0x1;
	p0 =	seq.s32 s7, s2  }
0x1e: {  	s7 =	smul.u32 @!p0 $0xF7A, s2;
	p2 =	seq.s32 @!p0 s5, $0x0  }
0x1f: {  	s9 =	smul.u32 $0xF7A, s1;
	s8 =	simm.s32 @!p0 $0x1BF5;
	p2 =	por !p2, p0  }
0x20: {  	[sflag:s8] =	ssyncset.s32 @!p0 $0xFFFFF086;
	s6 =	sadd.s32 @!p0 s3, s7;
	s7 =	simm.s32 @!p0 $0x108  }
0x21: {  	s3 =	sadd.s32 s3, s9;
	s6 =	sadd.s32 @!p0 $0x88, s6;
	s7 =	simm.s32 @p2 $0x1082  }
0x22: {  	[simem:s7], [sflag:s8] =	dma.local @!p0 [hbm:s6], $0xF7A  }
0x23: {  	s9 =	sor.u32 $0xD0000000, s2;
	s6 =	simm.s32 $0x108;
	_ =	swait.ge @!p0 [sflag:s8], $0x0  }
0x24: {  	s3 =	sadd.s32 $0x88, s3;
	s6 =	simm.s32 @!p1 $0x1082;
	[sflag:s4] =	ssyncset.s32 $0xFFFFF086  }
0x25: {  	[simem:s6], [sflag:s4] =	dma.local [hbm:s3], $0xF7A  }
0x26: {  	[smem:$0x3F9A] =	sst s1;
	(tag) =	ssettag s2;
	_ =	strace s9  }
0x27: {  	s1 =	sld [smem:$0x3FAA]  }
0x28: {  	s2 =	sld [smem:$0x3FAB]  }
0x29: {  	s4 =	sld [smem:$0x3FAD]  }
0x2a: {  	p0 =	seq.s32 s5, $0x0;
	s5 =	sld [smem:$0x3FAE]  }
0x2b: {  	s6 =	sld [smem:$0x3FAF]  }
0x2c: {  	s7 =	sld [smem:$0x3FB0]  }
0x2d: {  	s3 =	simm.s32 $0x108;
	s8 =	sld [smem:$0x3FB1]  }
0x2e: {  	s3 =	simm.s32 @!p0 $0x1082;
	s9 =	sld [smem:$0x3FB2]  }
0x2f: {  	lr =	sadd.s32 s0, s3;
	s0 =	sld [smem:$0x3FA9]  }
0x30: {  	s3 =	sld [smem:$0x3FAC]  }
0x31: {  	[smem:$0x3FB5] =	sst s10  }
0x32: {  	s10 =	sld [smem:$0x3FB3];
	_ =	sdelay $0x3  }
0x33: {  	p0 =	seq.s32 s10, $0x1;
	s10 =	sld [smem:$0x3FB5];
	_ =	sdelay $0x3  }
0x34: {  	[smem:$0x3FB5] =	sst s10  }
0x35: {  	s10 =	sld [smem:$0x3FB4];
	_ =	sdelay $0x3  }
0x36: {  	p1 =	seq.s32 s10, $0x1;
	s10 =	sld [smem:$0x3FB5];
	_ =	sdelay $0x3  }
0x37: {  	[smem:$0x3FB5] =	sst s10  }
0x38: {  	s10 =	sld [smem:$0x3FB6]  }
0x39: {  	_ = 	snop;
	(pc) =	sbr.ind lr, $3  }
0x3a: {  	_ = 	snop  }
0x3b: {  	_ = 	snop  }
0x3c: {  	p2 =	seq.s32 s10, $0x1;
	s10 =	sld [smem:$0x3FB5]  }
0x3d: {  	_ =	shalt  }
0x3e: {  	_ =	shalt  }
0x3f: {  	_ =	shalt  }
0x40: {  	_ =	shalt  }
0x41: {  	_ =	shalt  }
0x42: {  	_ =	shalt  }
0x43: {  	_ =	shalt  }
0x44: {  	_ =	shalt  }
0x45: {  	_ =	shalt  }
0x46: {  	_ =	shalt  }
0x47: {  	_ =	shalt  }
0x48: {  	_ =	shalt  }
0x49: {  	_ =	shalt  }
0x4a: {  	_ =	shalt  }
0x4b: {  	_ =	shalt  }
0x4c: {  	_ =	shalt  }
0x4d: {  	_ =	shalt  }
0x4e: {  	_ =	shalt  }
0x4f: {  	_ =	shalt  }
0x50: {  	_ =	shalt  }
0x51: {  	_ =	shalt  }
0x52: {  	_ =	shalt  }
0x53: {  	_ =	shalt  }
0x54: {  	_ =	shalt  }
0x55: {  	_ =	shalt  }
0x56: {  	_ =	shalt  }
0x57: {  	_ =	shalt  }
0x58: {  	_ =	shalt  }
0x59: {  	_ =	shalt  }
0x5a: {  	_ =	shalt  }
0x5b: {  	_ =	shalt  }
0x5c: {  	_ =	shalt  }
0x5d: {  	_ =	shalt  }
0x5e: {  	_ =	shalt  }
0x5f: {  	_ =	shalt  }
0x60: {  	_ =	shalt  }
0x61: {  	_ =	shalt  }
0x62: {  	_ =	shalt  }
0x63: {  	_ =	shalt  }
0x64: {  	_ =	shalt  }
0x65: {  	_ =	shalt  }
0x66: {  	_ =	shalt  }
0x67: {  	_ =	shalt  }
0x68: {  	_ =	shalt  }
0x69: {  	_ =	shalt  }
0x6a: {  	_ =	shalt  }
0x6b: {  	_ =	shalt  }
0x6c: {  	_ =	shalt  }
0x6d: {  	_ =	shalt  }
0x6e: {  	_ =	shalt  }
0x6f: {  	_ =	shalt  }
0x70: {  	_ =	shalt  }
0x71: {  	_ =	shalt  }
0x72: {  	_ =	shalt  }
0x73: {  	_ =	shalt  }
0x74: {  	_ =	shalt  }
0x75: {  	_ =	shalt  }
0x76: {  	_ =	shalt  }
0x77: {  	_ =	shalt  }
0x78: {  	_ =	shalt  }
0x79: {  	_ =	shalt  }
0x7a: {  	_ =	shalt  }
0x7b: {  	_ =	shalt  }
0x7c: {  	_ =	shalt  }
0x7d: {  	_ =	shalt  }
0x7e: {  	_ =	shalt  }
0x7f: {  	_ =	shalt  }
0x80: {  	_ =	shalt  }
0x81: {  	_ =	shalt  }
0x82: {  	_ =	shalt  }
0x83: {  	_ =	shalt  }
0x84: {  	_ =	shalt  }
0x85: {  	_ =	shalt  }
0x86: {  	_ =	shalt  }
0x87: {  	_ =	shalt  }
.Lfunc_end0:
.L_simem_size_0:
called_computation.1_lowered:
.L_overlay_start_0:
0x88: {  	s2 =	sld [smem:$0x3FD9]  }
0x89: {  	s3 =	sld [smem:$0x3FFE];
	_ =	sdelay $0x1  }
0x8a: {  	s1 =	srdreg.scid  }
0x8b: {  	s0 =	sand.u32 $0x1, s1  }
0x8c: {  	s17 =	sshll.u32 s0, $0xA;
	s2 =	sadd.s32 s3, s2  }
0x8d: {  	s2 =	sadd.s32 s2, s17  }
0x8e: {  	[smem:$0x3FC1] =	sst s2  }
0x8f: {  	_ = 	snop  }
0x90: {  	s2 =	sld [smem:$0x3FD0];
	(tm) =	ssettm $0x1  }
0x91: {  	s18 =	sld [smem:$0x3FFB];
	_ =	sdelay $0x3  }
0x92: {  	_ =	strace s18  }
0x93: {  	s3 =	sld [smem:$0x3FFC];
	_ =	sdelay $0x3  }
0x94: {  	_ =	strace s3  }
0x95: {  	s3 =	sld [smem:$0x3FFD];
	_ =	sdelay $0x3  }
0x96: {  	_ =	strace s3  }
0x97: {  	_ =	strace $0x8FFFFFFF  }
0x98: {  	s19 =	sld [smem:$0x3FDB];
	_ =	sdelay $0x1  }
0x99: {  	s4 =	simm.s32 $_scs_section_size  }
0x9a: {  	s5 =	simm.s32 $_size__tile_overlayer_lowered;
	s6 =	simm.s32 $_tile_overlayer_lowered  }
0x9b: {  	s22 =	simm.s32 $0x1BFF;
	s21 =	sshll.u32 s6, $0x1;
	s3 =	sadd.s32 s4, s19  }
0x9c: {  	s7 =	simm.s32 $0x0;
	s20 =	sshll.u32 s5, $0x1;
	s5 =	sadd.s32 s21, s3  }
0x9d: {  	[timem:s7], [sflag:s22] =	dma.local [hbm:s5], s20  }
0x9e: {  	_ =	swait.ge [sflag:s22], s20  }
0x9f: {  	s4 =	ssub.s32 $0x0, s20;
	[sflag:s22] =	ssyncset.done $0x0  }
0xa0: {  	[sflag:s22] =	ssyncadd.s32 s4;
	_ =	sdelay $0x1  }
0xa1: {  	s23 =	simm.s32 $0x1B8B  }
0xa2: {  	_ =	swait.ge [sflag:s23], $0x1  }
0xa3: {  	[sflag:s23] =	ssyncset.done $0x0  }
0xa4: {  	s25 =	simm.s32 $0x1B8E;
	s24 =	sld [smem:$0x3FFE];
	[sflag:s23] =	ssyncadd.s32 $0xFFFFFFFF  }
0xa5: {  	s26 =	simm.s32 $execute0_lowered;
	[smem:$0x3FD2] =	sst s25  }
0xa6: {  	s5 =	sshll.u32 s26, $0x1;
	_ =	strace $0x80000046;
	[dreg:$0x1] =	wrdreg $0xFFFFFFFF  }
0xa7: {  	s28 =	simm.s32 $_size_execute0_lowered;
	s3 =	sadd.s32 s3, s5;
	[dreg:$0x0] =	wrdreg $0x0  }
0xa8: {  	s5 =	sshll.u32 s28, $0x1;
	[dreg:$0x2] =	wrdreg s3  }
0xa9: {  	[dreg:$0x3] =	wrdreg s5  }
0xaa: {  	[dreg:$0x4] =	wrdreg $0xC0  }
0xab: {  	_ =	task [dreg:s7], $0x5FFFF  }
0xac: {  	[dreg:$0x1] =	wrdreg $0xFFFFFFFF  }
0xad: {  	[dreg:$0x0] =	wrdreg $0x60  }
0xae: {  	[dreg:$0x2] =	wrdreg s2  }
0xaf: {  	[dreg:$0x3] =	wrdreg s24  }
0xb0: {  	[dreg:$0x4] =	wrdreg $0x9  }
0xb1: {  	_ =	task.clear_ibuf [dreg:s7], $0x5FFFF;
	_ =	strace $0x90000046  }
0xb2: {  	s29 =	simm.s32 $0x9;
	_ =	strace $0x80000048  }
0xb3: {  	_ =	swait.ge [sflag:s29], $0x1  }
0xb4: {  	[sflag:s29] =	ssyncadd.s32 $0xFFFFFFFF  }
0xb5: {  	_ =	strace $0x90000048  }
0xb6: {  	_ =	sfence  }
0xb7: {  	s30 =	sld [smem:$0x0];
	_ =	sdelay $0x2  }
0xb8: {  	s31 =	sshll.u32 s1, $0xD;
	s1 =	sshrl.u32 s1, $0x2  }
0xb9: {  	s3 =	sand.u32 $0x4000, s31;
	s1 =	sadd.s32 s1, s30  }
0xba: {  	s0 =	sor.u32 s3, s0;
	s1 =	sshll.u32 s1, $0x11  }
0xbb: {  	s0 =	sor.u32 s1, s0  }
0xbc: {  	s0 =	sadd.s32 $0x8F2B, s0  }
0xbd: {  	[sflag:s0] =	ssyncadd.remote.s32 $0x1  }
0xbe: {  	_ =	sfence.sel $0xFFFF  }
0xbf: {  	[dreg:$0x0] =	wrdreg $0xFFFFFFFF;
	(pc) =	sbr.abs _section_cstart, $3  }
0xc0: {  	[dreg:$0x1] =	wrdreg $0xFFFFFFFF  }
0xc1: {  	_ =	task.clear_ibuf [dreg:s7], $0x2FFFF;
	_ =	strace $0x9FFFFFFF  }
0xc2: {  	(tm) =	ssettm $0x7FFFFFFF  }
0xc3: {  	_ =	shalt  }
tec
execute0_lowered:
.L_overlay_start_1:
0x0: {  	(tag) =	ssettag $0x1  }
0x1: {  	s1 =	rddreg [dreg:$0x0];
	s0 =	srdreg.scid  }
0x2: {  	s4 =	rddreg [dreg:$0x1];
	s3 =	simm.s32 $0x0;
	s31 =	sand.u32 $0x1, s0  }
0x3: {  	s26 =	stileid.u32;
	[smem:$0x7FF] =	sst s3;
	s5 =	sshll.u32 s31, $0x4  }
0x4: {  	s29 =	sadd.s32 $0x2000, s4;
	s6 =	sadd.s32 $0x4800, s4;
	s5 =	sor.u32 s26, s5  }
0x5: {  	s7 =	sadd.s32 $0x4C00, s4;
	_ =	strace $0x80000047;
	s30 =	smul.u32 $0xA00, s5  }
0x6: {  	s8 =	sshll.u32 s5, $0x8;
	s9 =	sshll.u32 s5, $0x5;
	s10 =	sshll.u32 s5, $0xB  }
0x7: {  	s5 =	smul.u32 $0x5000, s5;
	s9 =	sadd.s32 s6, s9;
	s8 =	sor.u32 $0x80, s8  }
0x8: {  	s0 =	sadd.s32 s7, s10;
	[dreg:$0x3] =	wrdreg s9;
	s2 =	sshrl.u32 s8, $0x3  }
0x9: {  	[dreg:$0x4] =	wrdreg s0;
	s8 =	sshll.u32 s8, $0x3;
	s9 =	sshrl.u32 s30, $0x3  }
0xa: {  	s10 =	sor.u32 $0x80, s30;
	s13 =	sor.u32 $0x100, s30;
	s19 =	sor.u32 $0x180, s30  }
0xb: {  	s22 =	sadd.s32 $0x200, s30;
	s0 =	sadd.s32 $0x280, s30;
	s6 =	sadd.s32 s6, s2  }
0xc: {  	s2 =	sadd.s32 $0x14C00, s4;
	s8 =	sadd.s32 s7, s8;
	s4 =	sadd.s32 s29, s9  }
0xd: {  	s11 =	sshrl.u32 s10, $0x3;
	s15 =	sshrl.u32 s13, $0x3;
	[dreg:$0x5] =	wrdreg s6  }
0xe: {  	s17 =	sshll.u32 s10, $0x3;
	s20 =	sshrl.u32 s19, $0x3;
	[dreg:$0x6] =	wrdreg s8  }
0xf: {  	s21 =	sshll.u32 s13, $0x3;
	[dreg:$0x7] =	wrdreg s4;
	s12 =	sadd.s32 s29, s11  }
0x10: {  	s24 =	sshrl.u32 s22, $0x3;
	s14 =	sadd.s32 s2, s5;
	[dreg:$0x8] =	wrdreg s12  }
0x11: {  	s7 =	sshll.u32 s22, $0x3;
	s16 =	sadd.s32 s29, s15;
	[dreg:$0x9] =	wrdreg s14  }
0x12: {  	s13 =	sadd.s32 $0x380, s30;
	s18 =	sadd.s32 s2, s17;
	[dreg:$0xa] =	wrdreg s16  }
0x13: {  	s4 =	sadd.s32 s29, s20;
	s23 =	sadd.s32 s2, s21;
	[dreg:$0xb] =	wrdreg s18  }
0x14: {  	s25 =	sadd.s32 s29, s24;
	s5 =	sshll.u32 s19, $0x3;
	[dreg:$0xc] =	wrdreg s4  }
0x15: {  	s6 =	sshrl.u32 s0, $0x3;
	s8 =	sadd.s32 $0x300, s30;
	[dreg:$0xd] =	wrdreg s23  }
0x16: {  	s9 =	sadd.s32 s2, s7;
	s21 =	sadd.s32 $0x480, s30;
	[dreg:$0xe] =	wrdreg s25  }
0x17: {  	s24 =	sadd.s32 $0x500, s30;
	s26 =	sadd.s32 s2, s5;
	[dreg:$0x11] =	wrdreg s9  }
0x18: {  	s4 =	sadd.s32 s29, s6;
	s10 =	sshrl.u32 s8, $0x3;
	[dreg:$0xf] =	wrdreg s26  }
0x19: {  	s5 =	sshll.u32 s0, $0x3;
	s14 =	sshrl.u32 s13, $0x3;
	[dreg:$0x10] =	wrdreg s4  }
0x1a: {  	s15 =	sshll.u32 s8, $0x3;
	s11 =	sadd.s32 s29, s10;
	s10 =	rddreg [dreg:$0x3]  }
0x1b: {  	s16 =	sadd.s32 $0x400, s30;
	s12 =	sadd.s32 s2, s5;
	[dreg:$0x12] =	wrdreg s11  }
0x1c: {  	s22 =	sshrl.u32 s21, $0x3;
	s4 =	sadd.s32 s29, s14;
	[dreg:$0x13] =	wrdreg s12  }
0x1d: {  	s17 =	sadd.s32 s2, s15;
	s18 =	sshrl.u32 s16, $0x3;
	[dreg:$0x14] =	wrdreg s4  }
0x1e: {  	s5 =	sshll.u32 s13, $0x3;
	[dreg:$0x15] =	wrdreg s17;
	s19 =	sadd.s32 s29, s18  }
0x1f: {  	[tilespmem:s3], [sflag:$0x7] =	stream.linear.gather [hbm4b:s10+s3], $0x80, $0x38;
	[tilespmem:$0x4100] =	vst v63  }
0x20: {  	s9 =	sshll.u32 s24, $0x3;
	s20 =	sadd.s32 s2, s5;
	[dreg:$0x16] =	wrdreg s19  }
0x21: {  	s23 =	sshll.u32 s16, $0x3;
	s4 =	sadd.s32 s29, s22;
	[dreg:$0x17] =	wrdreg s20  }
0x22: {  	s26 =	sshrl.u32 s24, $0x3;
	s25 =	sadd.s32 s2, s23;
	[dreg:$0x18] =	wrdreg s4  }
0x23: {  	s15 =	sadd.s32 $0x580, s30;
	s0 =	sadd.s32 s29, s26;
	[dreg:$0x19] =	wrdreg s25  }
0x24: {  	s5 =	sshll.u32 s21, $0x3;
	s11 =	sadd.s32 s2, s9;
	[dreg:$0x1a] =	wrdreg s0  }
0x25: {  	s8 =	sshrl.u32 s15, $0x3;
	s6 =	sadd.s32 s2, s5;
	[dreg:$0x1d] =	wrdreg s11  }
0x26: {  	s4 =	sadd.s32 s29, s8;
	[dreg:$0x1b] =	wrdreg s6  }
0x27: {  	[dreg:$0x1c] =	wrdreg s4;
	s4 =	simm.s32 $0x7  }
0x28: {  	_ =	swait.ge [sflag:s4], $0x80  }
0x29: {  	s7 =	simm.s32 $0x3;
	[sflag:s4] =	ssyncset.done $0x0  }
0x2a: {  	s5 =	simm.s32 $0x80;
	s6 =	simm.s32 $0x100;
	[sflag:s4] =	ssyncadd.s32 $0xFFFFFF80  }
0x2b: {  	[tilespmem:s6], [sflag:$0x3] =	stream.indirect.gather [hbm4b:s1+s5], $0x40, s3, s5, $0xb8;
	[tilespmem:$0x4100] =	vst v63  }
0x2c: {  	_ =	swait.ge [sflag:s7], $0x2000  }
0x2d: {  	[sflag:s7] =	ssyncset.done $0x0  }
0x2e: {  	s12 =	rddreg [dreg:$0x4];
	[sflag:s7] =	ssyncadd.s32 $0xFFFFE000  }
0x2f: {  	[hbm4b:s12+s3] =	stream.linear.scatter [tilespmem:s6], [sflag:$0x7], $0x2000, $0x38;
	[tilespmem:$0x4100] =	vst v63  }
0x30: {  	_ =	swait.ge [sflag:s4], $0x2000  }
0x31: {  	[sflag:s4] =	ssyncset.done $0x0  }
0x32: {  	s13 =	rddreg [dreg:$0x5];
	[sflag:s4] =	ssyncadd.s32 $0xFFFFE000  }
0x33: {  	[tilespmem:s3], [sflag:$0x7] =	stream.linear.gather [hbm4b:s13+s3], $0x80, $0x38;
	[tilespmem:$0x4100] =	vst v63  }
0x34: {  	_ =	swait.ge [sflag:s4], $0x80  }
0x35: {  	[sflag:s4] =	ssyncset.done $0x0  }
0x36: {  	[sflag:s4] =	ssyncadd.s32 $0xFFFFFF80  }
0x37: {  	[tilespmem:s6], [sflag:$0x3] =	stream.indirect.gather [hbm4b:s1+s5], $0x40, s3, s5, $0xb8;
	[tilespmem:$0x4100] =	vst v63  }
0x38: {  	_ =	swait.ge [sflag:s7], $0x2000  }
0x39: {  	[sflag:s7] =	ssyncset.done $0x0  }
0x3a: {  	s14 =	rddreg [dreg:$0x6];
	[sflag:s7] =	ssyncadd.s32 $0xFFFFE000  }
0x3b: {  	[hbm4b:s14+s3] =	stream.linear.scatter [tilespmem:s6], [sflag:$0x7], $0x2000, $0x38;
	[tilespmem:$0x4100] =	vst v63  }
0x3c: {  	_ =	swait.ge [sflag:s4], $0x2000  }
0x3d: {  	[sflag:s4] =	ssyncset.done $0x0  }
0x3e: {  	s16 =	rddreg [dreg:$0x7];
	[sflag:s4] =	ssyncadd.s32 $0xFFFFE000  }
0x3f: {  	[tilespmem:s3], [sflag:$0x1] =	stream.linear.gather [hbm4b:s16+s3], $0x80, $0x38;
	[tilespmem:$0x4100] =	vst v63  }
0x40: {  	s8 =	simm.s32 $0x1;
	s17 =	rddreg [dreg:$0x8]  }
0x41: {  	[tilespmem:s5], [sflag:$0x2] =	stream.linear.gather [hbm4b:s17+s3], $0x80, $0x38;
	[tilespmem:$0x4100] =	vst v63  }
0x42: {  	_ =	swait.ge [sflag:s8], $0x80  }
0x43: {  	[sflag:s8] =	ssyncset.done $0x0  }
0x44: {  	s9 =	simm.s32 $0x2;
	[sflag:s8] =	ssyncadd.s32 $0xFFFFFF80  }
0x45: {  	[tilespmem:s6], [sflag:$0x3] =	stream.indirect.gather [hbm4b:s1+s5], $0x40, s3, s5, $0xb8;
	[tilespmem:$0x4100] =	vst v63  }
0x46: {  	_ =	swait.ge [sflag:s9], $0x80  }
0x47: {  	[sflag:s9] =	ssyncset.done $0x0  }
0x48: {  	s10 =	simm.s32 $0x2100;
	[sflag:s9] =	ssyncadd.s32 $0xFFFFFF80  }
0x49: {  	[tilespmem:s10], [sflag:$0x4] =	stream.indirect.gather [hbm4b:s1+s5], $0x40, s5, s5, $0xb8;
	[tilespmem:$0x4100] =	vst v63  }
0x4a: {  	_ =	swait.ge [sflag:s7], $0x2000  }
0x4b: {  	[sflag:s7] =	ssyncset.done $0x0  }
0x4c: {  	s11 =	simm.s32 $0x5;
	s12 =	rddreg [dreg:$0x9];
	[sflag:s7] =	ssyncadd.s32 $0xFFFFE000  }
0x4d: {  	[hbm4b:s12+s3] =	stream.linear.scatter [tilespmem:s6], [sflag:$0x5], $0x2000, $0x38;
	[tilespmem:$0x4100] =	vst v63  }
0x4e: {  	_ =	swait.ge [sflag:s11], $0x2000  }
0x4f: {  	[sflag:s11] =	ssyncset.done $0x0  }
0x50: {  	s18 =	rddreg [dreg:$0xa];
	[sflag:s11] =	ssyncadd.s32 $0xFFFFE000  }
0x51: {  	[tilespmem:s3], [sflag:$0x1] =	stream.linear.gather [hbm4b:s18+s3], $0x80, $0x38;
	[tilespmem:$0x4100] =	vst v63  }
0x52: {  	_ =	swait.ge [sflag:s8], $0x80  }
0x53: {  	[sflag:s8] =	ssyncset.done $0x0  }
0x54: {  	s12 =	simm.s32 $0x4;
	[sflag:s8] =	ssyncadd.s32 $0xFFFFFF80  }
0x55: {  	[tilespmem:s6], [sflag:$0x3] =	stream.indirect.gather [hbm4b:s1+s5], $0x40, s3, s5, $0xb8;
	[tilespmem:$0x4100] =	vst v63  }
0x56: {  	_ =	swait.ge [sflag:s12], $0x2000  }
0x57: {  	[sflag:s12] =	ssyncset.done $0x0  }
0x58: {  	s13 =	simm.s32 $0x6;
	s14 =	rddreg [dreg:$0xb];
	[sflag:s12] =	ssyncadd.s32 $0xFFFFE000  }
0x59: {  	[hbm4b:s14+s3] =	stream.linear.scatter [tilespmem:s10], [sflag:$0x6], $0x2000, $0x38;
	[tilespmem:$0x4100] =	vst v63  }
0x5a: {  	_ =	swait.ge [sflag:s13], $0x2000  }
0x5b: {  	[sflag:s13] =	ssyncset.done $0x0  }
0x5c: {  	s19 =	rddreg [dreg:$0xc];
	[sflag:s13] =	ssyncadd.s32 $0xFFFFE000  }
0x5d: {  	[tilespmem:s5], [sflag:$0x2] =	stream.linear.gather [hbm4b:s19+s3], $0x80, $0x38;
	[tilespmem:$0x4100] =	vst v63  }
0x5e: {  	_ =	swait.ge [sflag:s9], $0x80  }
0x5f: {  	[sflag:s9] =	ssyncset.done $0x0  }
0x60: {  	[sflag:s9] =	ssyncadd.s32 $0xFFFFFF80  }
0x61: {  	[tilespmem:s10], [sflag:$0x4] =	stream.indirect.gather [hbm4b:s1+s5], $0x40, s5, s5, $0xb8;
	[tilespmem:$0x4100] =	vst v63  }
0x62: {  	_ =	swait.ge [sflag:s7], $0x2000  }
0x63: {  	[sflag:s7] =	ssyncset.done $0x0  }
0x64: {  	s20 =	rddreg [dreg:$0xd];
	[sflag:s7] =	ssyncadd.s32 $0xFFFFE000  }
0x65: {  	[hbm4b:s20+s3] =	stream.linear.scatter [tilespmem:s6], [sflag:$0x5], $0x2000, $0x38;
	[tilespmem:$0x4100] =	vst v63  }
0x66: {  	_ =	swait.ge [sflag:s11], $0x2000  }
0x67: {  	[sflag:s11] =	ssyncset.done $0x0  }
0x68: {  	s21 =	rddreg [dreg:$0xe];
	[sflag:s11] =	ssyncadd.s32 $0xFFFFE000  }
0x69: {  	[tilespmem:s3], [sflag:$0x1] =	stream.linear.gather [hbm4b:s21+s3], $0x80, $0x38;
	[tilespmem:$0x4100] =	vst v63  }
0x6a: {  	_ =	swait.ge [sflag:s8], $0x80  }
0x6b: {  	[sflag:s8] =	ssyncset.done $0x0  }
0x6c: {  	[sflag:s8] =	ssyncadd.s32 $0xFFFFFF80  }
0x6d: {  	[tilespmem:s6], [sflag:$0x3] =	stream.indirect.gather [hbm4b:s1+s5], $0x40, s3, s5, $0xb8;
	[tilespmem:$0x4100] =	vst v63  }
0x6e: {  	_ =	swait.ge [sflag:s12], $0x2000  }
0x6f: {  	[sflag:s12] =	ssyncset.done $0x0  }
0x70: {  	s22 =	rddreg [dreg:$0xf];
	[sflag:s12] =	ssyncadd.s32 $0xFFFFE000  }
0x71: {  	[hbm4b:s22+s3] =	stream.linear.scatter [tilespmem:s10], [sflag:$0x6], $0x2000, $0x38;
	[tilespmem:$0x4100] =	vst v63  }
0x72: {  	_ =	swait.ge [sflag:s13], $0x2000  }
0x73: {  	[sflag:s13] =	ssyncset.done $0x0  }
0x74: {  	s23 =	rddreg [dreg:$0x10];
	[sflag:s13] =	ssyncadd.s32 $0xFFFFE000  }
0x75: {  	[tilespmem:s5], [sflag:$0x2] =	stream.linear.gather [hbm4b:s23+s3], $0x80, $0x38;
	[tilespmem:$0x4100] =	vst v63  }
0x76: {  	_ =	swait.ge [sflag:s9], $0x80  }
0x77: {  	[sflag:s9] =	ssyncset.done $0x0  }
0x78: {  	[sflag:s9] =	ssyncadd.s32 $0xFFFFFF80  }
0x79: {  	[tilespmem:s10], [sflag:$0x4] =	stream.indirect.gather [hbm4b:s1+s5], $0x40, s5, s5, $0xb8;
	[tilespmem:$0x4100] =	vst v63  }
0x7a: {  	_ =	swait.ge [sflag:s7], $0x2000  }
0x7b: {  	[sflag:s7] =	ssyncset.done $0x0  }
0x7c: {  	s24 =	rddreg [dreg:$0x11];
	[sflag:s7] =	ssyncadd.s32 $0xFFFFE000  }
0x7d: {  	[hbm4b:s24+s3] =	stream.linear.scatter [tilespmem:s6], [sflag:$0x5], $0x2000, $0x38;
	[tilespmem:$0x4100] =	vst v63  }
0x7e: {  	_ =	swait.ge [sflag:s11], $0x2000  }
0x7f: {  	[sflag:s11] =	ssyncset.done $0x0  }
0x80: {  	s25 =	rddreg [dreg:$0x12];
	[sflag:s11] =	ssyncadd.s32 $0xFFFFE000  }
0x81: {  	[tilespmem:s3], [sflag:$0x1] =	stream.linear.gather [hbm4b:s25+s3], $0x80, $0x38;
	[tilespmem:$0x4100] =	vst v63  }
0x82: {  	_ =	swait.ge [sflag:s8], $0x80  }
0x83: {  	[sflag:s8] =	ssyncset.done $0x0  }
0x84: {  	[sflag:s8] =	ssyncadd.s32 $0xFFFFFF80  }
0x85: {  	[tilespmem:s6], [sflag:$0x3] =	stream.indirect.gather [hbm4b:s1+s5], $0x40, s3, s5, $0xb8;
	[tilespmem:$0x4100] =	vst v63  }
0x86: {  	_ =	swait.ge [sflag:s12], $0x2000  }
0x87: {  	[sflag:s12] =	ssyncset.done $0x0  }
0x88: {  	s26 =	rddreg [dreg:$0x13];
	[sflag:s12] =	ssyncadd.s32 $0xFFFFE000  }
0x89: {  	[hbm4b:s26+s3] =	stream.linear.scatter [tilespmem:s10], [sflag:$0x6], $0x2000, $0x38;
	[tilespmem:$0x4100] =	vst v63  }
0x8a: {  	_ =	swait.ge [sflag:s13], $0x2000  }
0x8b: {  	[sflag:s13] =	ssyncset.done $0x0  }
0x8c: {  	s0 =	rddreg [dreg:$0x14];
	[sflag:s13] =	ssyncadd.s32 $0xFFFFE000  }
0x8d: {  	[tilespmem:s5], [sflag:$0x2] =	stream.linear.gather [hbm4b:s0+s3], $0x80, $0x38;
	[tilespmem:$0x4100] =	vst v63  }
0x8e: {  	_ =	swait.ge [sflag:s9], $0x80  }
0x8f: {  	[sflag:s9] =	ssyncset.done $0x0  }
0x90: {  	[sflag:s9] =	ssyncadd.s32 $0xFFFFFF80  }
0x91: {  	[tilespmem:s10], [sflag:$0x4] =	stream.indirect.gather [hbm4b:s1+s5], $0x40, s5, s5, $0xb8;
	[tilespmem:$0x4100] =	vst v63  }
0x92: {  	_ =	swait.ge [sflag:s7], $0x2000  }
0x93: {  	[sflag:s7] =	ssyncset.done $0x0  }
0x94: {  	s16 =	rddreg [dreg:$0x15];
	[sflag:s7] =	ssyncadd.s32 $0xFFFFE000  }
0x95: {  	[hbm4b:s16+s3] =	stream.linear.scatter [tilespmem:s6], [sflag:$0x5], $0x2000, $0x38;
	[tilespmem:$0x4100] =	vst v63  }
0x96: {  	_ =	swait.ge [sflag:s11], $0x2000  }
0x97: {  	[sflag:s11] =	ssyncset.done $0x0  }
0x98: {  	s17 =	rddreg [dreg:$0x16];
	[sflag:s11] =	ssyncadd.s32 $0xFFFFE000  }
0x99: {  	[tilespmem:s3], [sflag:$0x1] =	stream.linear.gather [hbm4b:s17+s3], $0x80, $0x38;
	[tilespmem:$0x4100] =	vst v63  }
0x9a: {  	_ =	swait.ge [sflag:s8], $0x80  }
0x9b: {  	[sflag:s8] =	ssyncset.done $0x0  }
0x9c: {  	[sflag:s8] =	ssyncadd.s32 $0xFFFFFF80  }
0x9d: {  	[tilespmem:s6], [sflag:$0x3] =	stream.indirect.gather [hbm4b:s1+s5], $0x40, s3, s5, $0xb8;
	[tilespmem:$0x4100] =	vst v63  }
0x9e: {  	_ =	swait.ge [sflag:s12], $0x2000  }
0x9f: {  	[sflag:s12] =	ssyncset.done $0x0  }
0xa0: {  	s18 =	rddreg [dreg:$0x17];
	[sflag:s12] =	ssyncadd.s32 $0xFFFFE000  }
0xa1: {  	[hbm4b:s18+s3] =	stream.linear.scatter [tilespmem:s10], [sflag:$0x6], $0x2000, $0x38;
	[tilespmem:$0x4100] =	vst v63  }
0xa2: {  	_ =	swait.ge [sflag:s13], $0x2000  }
0xa3: {  	[sflag:s13] =	ssyncset.done $0x0  }
0xa4: {  	s19 =	rddreg [dreg:$0x18];
	[sflag:s13] =	ssyncadd.s32 $0xFFFFE000  }
0xa5: {  	[tilespmem:s5], [sflag:$0x2] =	stream.linear.gather [hbm4b:s19+s3], $0x80, $0x38;
	[tilespmem:$0x4100] =	vst v63  }
0xa6: {  	_ =	swait.ge [sflag:s9], $0x80  }
0xa7: {  	[sflag:s9] =	ssyncset.done $0x0  }
0xa8: {  	[sflag:s9] =	ssyncadd.s32 $0xFFFFFF80  }
0xa9: {  	[tilespmem:s10], [sflag:$0x4] =	stream.indirect.gather [hbm4b:s1+s5], $0x40, s5, s5, $0xb8;
	[tilespmem:$0x4100] =	vst v63  }
0xaa: {  	_ =	swait.ge [sflag:s7], $0x2000  }
0xab: {  	[sflag:s7] =	ssyncset.done $0x0  }
0xac: {  	s20 =	rddreg [dreg:$0x19];
	[sflag:s7] =	ssyncadd.s32 $0xFFFFE000  }
0xad: {  	[hbm4b:s20+s3] =	stream.linear.scatter [tilespmem:s6], [sflag:$0x5], $0x2000, $0x38;
	[tilespmem:$0x4100] =	vst v63  }
0xae: {  	_ =	swait.ge [sflag:s11], $0x2000  }
0xaf: {  	[sflag:s11] =	ssyncset.done $0x0  }
0xb0: {  	s21 =	rddreg [dreg:$0x1a];
	[sflag:s11] =	ssyncadd.s32 $0xFFFFE000  }
0xb1: {  	[tilespmem:s3], [sflag:$0x1] =	stream.linear.gather [hbm4b:s21+s3], $0x80, $0x38;
	[tilespmem:$0x4100] =	vst v63  }
0xb2: {  	_ =	swait.ge [sflag:s8], $0x80  }
0xb3: {  	[sflag:s8] =	ssyncset.done $0x0  }
0xb4: {  	[sflag:s8] =	ssyncadd.s32 $0xFFFFFF80  }
0xb5: {  	[tilespmem:s6], [sflag:$0x3] =	stream.indirect.gather [hbm4b:s1+s5], $0x40, s3, s5, $0xb8;
	[tilespmem:$0x4100] =	vst v63  }
0xb6: {  	_ =	swait.ge [sflag:s12], $0x2000  }
0xb7: {  	[sflag:s12] =	ssyncset.done $0x0  }
0xb8: {  	s22 =	rddreg [dreg:$0x1b];
	[sflag:s12] =	ssyncadd.s32 $0xFFFFE000  }
0xb9: {  	[hbm4b:s22+s3] =	stream.linear.scatter [tilespmem:s10], [sflag:$0x6], $0x2000, $0x38;
	[tilespmem:$0x4100] =	vst v63  }
0xba: {  	_ =	swait.ge [sflag:s13], $0x2000  }
0xbb: {  	[sflag:s13] =	ssyncset.done $0x0  }
0xbc: {  	s23 =	rddreg [dreg:$0x1c];
	[sflag:s13] =	ssyncadd.s32 $0xFFFFE000  }
0xbd: {  	[tilespmem:s5], [sflag:$0x2] =	stream.linear.gather [hbm4b:s23+s3], $0x80, $0x38;
	[tilespmem:$0x4100] =	vst v63  }
0xbe: {  	_ =	swait.ge [sflag:s9], $0x80  }
0xbf: {  	[sflag:s9] =	ssyncset.done $0x0  }
0xc0: {  	[sflag:s9] =	ssyncadd.s32 $0xFFFFFF80  }
0xc1: {  	[tilespmem:s10], [sflag:$0x4] =	stream.indirect.gather [hbm4b:s1+s5], $0x40, s5, s5, $0xb8;
	[tilespmem:$0x4100] =	vst v63  }
0xc2: {  	_ =	swait.ge [sflag:s7], $0x2000  }
0xc3: {  	[sflag:s7] =	ssyncset.done $0x0  }
0xc4: {  	s17 =	sadd.s32 $0x600, s30;
	s24 =	rddreg [dreg:$0x1d];
	[sflag:s7] =	ssyncadd.s32 $0xFFFFE000  }
0xc5: {  	[hbm4b:s24+s3] =	stream.linear.scatter [tilespmem:s6], [sflag:$0x5], $0x2000, $0x38;
	[tilespmem:$0x4100] =	vst v63  }
0xc6: {  	s25 =	sshrl.u32 s17, $0x3;
	_ =	swait.ge [sflag:s11], $0x2000  }
0xc7: {  	s26 =	sadd.s32 s29, s25;
	[sflag:s11] =	ssyncset.done $0x0  }
0xc8: {  	[dreg:$0x1e] =	wrdreg s26;
	[sflag:s11] =	ssyncadd.s32 $0xFFFFE000  }
0xc9: {  	[tilespmem:s3], [sflag:$0x1] =	stream.linear.gather [hbm4b:s26+s3], $0x80, $0x38;
	[tilespmem:$0x4100] =	vst v63  }
0xca: {  	_ =	swait.ge [sflag:s8], $0x80  }
0xcb: {  	[sflag:s8] =	ssyncset.done $0x0  }
0xcc: {  	[sflag:s8] =	ssyncadd.s32 $0xFFFFFF80  }
0xcd: {  	[tilespmem:s6], [sflag:$0x3] =	stream.indirect.gather [hbm4b:s1+s5], $0x40, s3, s5, $0xb8;
	[tilespmem:$0x4100] =	vst v63  }
0xce: {  	_ =	swait.ge [sflag:s12], $0x2000  }
0xcf: {  	s15 =	sshll.u32 s15, $0x3;
	[sflag:s12] =	ssyncset.done $0x0  }
0xd0: {  	s15 =	sadd.s32 s2, s15;
	[sflag:s12] =	ssyncadd.s32 $0xFFFFE000  }
0xd1: {  	[hbm4b:s15+s3] =	stream.linear.scatter [tilespmem:s10], [sflag:$0x6], $0x2000, $0x38;
	[tilespmem:$0x4100] =	vst v63  }
0xd2: {  	s19 =	sadd.s32 $0x680, s30;
	_ =	swait.ge [sflag:s13], $0x2000  }
0xd3: {  	s16 =	sshrl.u32 s19, $0x3;
	[sflag:s13] =	ssyncset.done $0x0  }
0xd4: {  	s16 =	sadd.s32 s29, s16;
	[sflag:s13] =	ssyncadd.s32 $0xFFFFE000  }
0xd5: {  	[tilespmem:s5], [sflag:$0x2] =	stream.linear.gather [hbm4b:s16+s3], $0x80, $0x38;
	[tilespmem:$0x4100] =	vst v63  }
0xd6: {  	_ =	swait.ge [sflag:s9], $0x80  }
0xd7: {  	[sflag:s9] =	ssyncset.done $0x0  }
0xd8: {  	[sflag:s9] =	ssyncadd.s32 $0xFFFFFF80  }
0xd9: {  	[tilespmem:s10], [sflag:$0x4] =	stream.indirect.gather [hbm4b:s1+s5], $0x40, s5, s5, $0xb8;
	[tilespmem:$0x4100] =	vst v63  }
0xda: {  	_ =	swait.ge [sflag:s7], $0x2000  }
0xdb: {  	s17 =	sshll.u32 s17, $0x3;
	[sflag:s7] =	ssyncset.done $0x0  }
0xdc: {  	s17 =	sadd.s32 s2, s17;
	[sflag:s7] =	ssyncadd.s32 $0xFFFFE000  }
0xdd: {  	[hbm4b:s17+s3] =	stream.linear.scatter [tilespmem:s6], [sflag:$0x5], $0x2000, $0x38;
	[tilespmem:$0x4100] =	vst v63  }
0xde: {  	s21 =	sadd.s32 $0x700, s30;
	_ =	swait.ge [sflag:s11], $0x2000  }
0xdf: {  	s18 =	sshrl.u32 s21, $0x3;
	[sflag:s11] =	ssyncset.done $0x0  }
0xe0: {  	s18 =	sadd.s32 s29, s18;
	[sflag:s11] =	ssyncadd.s32 $0xFFFFE000  }
0xe1: {  	[tilespmem:s3], [sflag:$0x1] =	stream.linear.gather [hbm4b:s18+s3], $0x80, $0x38;
	[tilespmem:$0x4100] =	vst v63  }
0xe2: {  	_ =	swait.ge [sflag:s8], $0x80  }
0xe3: {  	[sflag:s8] =	ssyncset.done $0x0  }
0xe4: {  	[sflag:s8] =	ssyncadd.s32 $0xFFFFFF80  }
0xe5: {  	[tilespmem:s6], [sflag:$0x3] =	stream.indirect.gather [hbm4b:s1+s5], $0x40, s3, s5, $0xb8;
	[tilespmem:$0x4100] =	vst v63  }
0xe6: {  	_ =	swait.ge [sflag:s12], $0x2000  }
0xe7: {  	s19 =	sshll.u32 s19, $0x3;
	[sflag:s12] =	ssyncset.done $0x0  }
0xe8: {  	s19 =	sadd.s32 s2, s19;
	[sflag:s12] =	ssyncadd.s32 $0xFFFFE000  }
0xe9: {  	[hbm4b:s19+s3] =	stream.linear.scatter [tilespmem:s10], [sflag:$0x6], $0x2000, $0x38;
	[tilespmem:$0x4100] =	vst v63  }
0xea: {  	s23 =	sadd.s32 $0x780, s30;
	_ =	swait.ge [sflag:s13], $0x2000  }
0xeb: {  	s20 =	sshrl.u32 s23, $0x3;
	[sflag:s13] =	ssyncset.done $0x0  }
0xec: {  	s20 =	sadd.s32 s29, s20;
	[sflag:s13] =	ssyncadd.s32 $0xFFFFE000  }
0xed: {  	[tilespmem:s5], [sflag:$0x2] =	stream.linear.gather [hbm4b:s20+s3], $0x80, $0x38;
	[tilespmem:$0x4100] =	vst v63  }
0xee: {  	_ =	swait.ge [sflag:s9], $0x80  }
0xef: {  	[sflag:s9] =	ssyncset.done $0x0  }
0xf0: {  	[sflag:s9] =	ssyncadd.s32 $0xFFFFFF80  }
0xf1: {  	[tilespmem:s10], [sflag:$0x4] =	stream.indirect.gather [hbm4b:s1+s5], $0x40, s5, s5, $0xb8;
	[tilespmem:$0x4100] =	vst v63  }
0xf2: {  	_ =	swait.ge [sflag:s7], $0x2000  }
0xf3: {  	s21 =	sshll.u32 s21, $0x3;
	[sflag:s7] =	ssyncset.done $0x0  }
0xf4: {  	s21 =	sadd.s32 s2, s21;
	[sflag:s7] =	ssyncadd.s32 $0xFFFFE000  }
0xf5: {  	[hbm4b:s21+s3] =	stream.linear.scatter [tilespmem:s6], [sflag:$0x5], $0x2000, $0x38;
	[tilespmem:$0x4100] =	vst v63  }
0xf6: {  	s25 =	sadd.s32 $0x800, s30;
	_ =	swait.ge [sflag:s11], $0x2000  }
0xf7: {  	s22 =	sshrl.u32 s25, $0x3;
	[sflag:s11] =	ssyncset.done $0x0  }
0xf8: {  	s22 =	sadd.s32 s29, s22;
	[sflag:s11] =	ssyncadd.s32 $0xFFFFE000  }
0xf9: {  	[tilespmem:s3], [sflag:$0x1] =	stream.linear.gather [hbm4b:s22+s3], $0x80, $0x38;
	[tilespmem:$0x4100] =	vst v63  }
0xfa: {  	_ =	swait.ge [sflag:s8], $0x80  }
0xfb: {  	[sflag:s8] =	ssyncset.done $0x0  }
0xfc: {  	[sflag:s8] =	ssyncadd.s32 $0xFFFFFF80  }
0xfd: {  	[tilespmem:s6], [sflag:$0x3] =	stream.indirect.gather [hbm4b:s1+s5], $0x40, s3, s5, $0xb8;
	[tilespmem:$0x4100] =	vst v63  }
0xfe: {  	_ =	swait.ge [sflag:s12], $0x2000  }
0xff: {  	s23 =	sshll.u32 s23, $0x3;
	[sflag:s12] =	ssyncset.done $0x0  }
0x100: {  	s23 =	sadd.s32 s2, s23;
	[sflag:s12] =	ssyncadd.s32 $0xFFFFE000  }
0x101: {  	[hbm4b:s23+s3] =	stream.linear.scatter [tilespmem:s10], [sflag:$0x6], $0x2000, $0x38;
	[tilespmem:$0x4100] =	vst v63  }
0x102: {  	s28 =	sadd.s32 $0x880, s30;
	_ =	swait.ge [sflag:s13], $0x2000  }
0x103: {  	s24 =	sshrl.u32 s28, $0x3;
	[sflag:s13] =	ssyncset.done $0x0  }
0x104: {  	s24 =	sadd.s32 s29, s24;
	[sflag:s13] =	ssyncadd.s32 $0xFFFFE000  }
0x105: {  	[tilespmem:s5], [sflag:$0x2] =	stream.linear.gather [hbm4b:s24+s3], $0x80, $0x38;
	[tilespmem:$0x4100] =	vst v63  }
0x106: {  	_ =	swait.ge [sflag:s9], $0x80  }
0x107: {  	[sflag:s9] =	ssyncset.done $0x0  }
0x108: {  	[sflag:s9] =	ssyncadd.s32 $0xFFFFFF80  }
0x109: {  	[tilespmem:s10], [sflag:$0x4] =	stream.indirect.gather [hbm4b:s1+s5], $0x40, s5, s5, $0xb8;
	[tilespmem:$0x4100] =	vst v63  }
0x10a: {  	_ =	swait.ge [sflag:s7], $0x2000  }
0x10b: {  	s25 =	sshll.u32 s25, $0x3;
	[sflag:s7] =	ssyncset.done $0x0  }
0x10c: {  	s25 =	sadd.s32 s2, s25;
	[sflag:s7] =	ssyncadd.s32 $0xFFFFE000  }
0x10d: {  	[hbm4b:s25+s3] =	stream.linear.scatter [tilespmem:s6], [sflag:$0x5], $0x2000, $0x38;
	[tilespmem:$0x4100] =	vst v63  }
0x10e: {  	s14 =	smov.u32 s2;
	s2 =	sadd.s32 $0x900, s30;
	_ =	swait.ge [sflag:s11], $0x2000  }
0x10f: {  	s26 =	sshrl.u32 s2, $0x3;
	[sflag:s11] =	ssyncset.done $0x0  }
0x110: {  	s26 =	sadd.s32 s29, s26;
	[sflag:s11] =	ssyncadd.s32 $0xFFFFE000  }
0x111: {  	[tilespmem:s3], [sflag:$0x1] =	stream.linear.gather [hbm4b:s26+s3], $0x80, $0x38;
	[tilespmem:$0x4100] =	vst v63  }
0x112: {  	_ =	swait.ge [sflag:s8], $0x80  }
0x113: {  	[sflag:s8] =	ssyncset.done $0x0  }
0x114: {  	[sflag:s8] =	ssyncadd.s32 $0xFFFFFF80  }
0x115: {  	[tilespmem:s6], [sflag:$0x3] =	stream.indirect.gather [hbm4b:s1+s5], $0x40, s3, s5, $0xb8;
	[tilespmem:$0x4100] =	vst v63  }
0x116: {  	_ =	swait.ge [sflag:s12], $0x2000  }
0x117: {  	s28 =	sshll.u32 s28, $0x3;
	[sflag:s12] =	ssyncset.done $0x0  }
0x118: {  	s28 =	sadd.s32 s14, s28;
	[sflag:s12] =	ssyncadd.s32 $0xFFFFE000  }
0x119: {  	[hbm4b:s28+s3] =	stream.linear.scatter [tilespmem:s10], [sflag:$0x6], $0x2000, $0x38;
	[tilespmem:$0x4100] =	vst v63  }
0x11a: {  	s0 =	sadd.s32 $0x980, s30;
	_ =	swait.ge [sflag:s13], $0x2000  }
0x11b: {  	s30 =	sshrl.u32 s0, $0x3;
	[sflag:s13] =	ssyncset.done $0x0  }
0x11c: {  	s29 =	sadd.s32 s29, s30;
	[sflag:s13] =	ssyncadd.s32 $0xFFFFE000  }
0x11d: {  	[tilespmem:s5], [sflag:$0x2] =	stream.linear.gather [hbm4b:s29+s3], $0x80, $0x38;
	[tilespmem:$0x4100] =	vst v63  }
0x11e: {  	_ =	swait.ge [sflag:s9], $0x80  }
0x11f: {  	[sflag:s9] =	ssyncset.done $0x0  }
0x120: {  	[sflag:s9] =	ssyncadd.s32 $0xFFFFFF80  }
0x121: {  	[tilespmem:s10], [sflag:$0x4] =	stream.indirect.gather [hbm4b:s1+s5], $0x40, s5, s5, $0xb8;
	[tilespmem:$0x4100] =	vst v63  }
0x122: {  	s2 =	sshll.u32 s2, $0x3;
	_ =	swait.ge [sflag:s7], $0x2000  }
0x123: {  	s30 =	sadd.s32 s14, s2;
	s2 =	ssub.s32 $0x2, s31;
	[sflag:s7] =	ssyncset.done $0x0  }
0x124: {  	s31 =	sshrl.u32 s2, $0x1;
	[sflag:s7] =	ssyncadd.s32 $0xFFFFE000  }
0x125: {  	[hbm4b:s30+s3] =	stream.linear.scatter [tilespmem:s6], [sflag:$0x5], $0x2000, $0x38;
	[tilespmem:$0x4100] =	vst v63  }
0x126: {  	s0 =	sshll.u32 s0, $0x3;
	s2 =	ssub.s32 s2, s31;
	_ =	swait.ge [sflag:s11], $0x2000  }
0x127: {  	s31 =	sadd.s32 s14, s0;
	s14 =	smax.u32 s2, $0x1;
	[sflag:s11] =	ssyncset.done $0x0  }
0x128: {  	p0 =	sne.s32 s14, $0x1;
	[sflag:s11] =	ssyncadd.s32 $0xFFFFE000  }
.Ltmp0:
0x129: {  	_ =	swait.ge [sflag:s12], $0x2000;
	(pc) =	sbr.rel @!p0 .LBB2_2-.Ltmp0, $4  }
0x12a: {  	[sflag:s12] =	ssyncset.done $0x0  }
0x12b: {  	[sflag:s12] =	ssyncadd.s32 $0xFFFFE000  }
0x12c: {  	[hbm4b:s31+s3] =	stream.linear.scatter [tilespmem:s10], [sflag:$0x6], $0x2000, $0x38;
	[tilespmem:$0x4100] =	vst v63  }
0x12d: {  	s0 =	sadd.s32 $0xFFFFFFFF, s14;
	_ =	swait.ge [sflag:s13], $0x2000  }
.LBB2_1:
0x12e: {  	[sflag:s13] =	ssyncset.done $0x0  }
0x12f: {  	s2 =	rddreg [dreg:$0x3];
	[sflag:s13] =	ssyncadd.s32 $0xFFFFE000  }
0x130: {  	[tilespmem:s3], [sflag:$0x7] =	stream.linear.gather [hbm4b:s2+s3], $0x80, $0x38;
	[tilespmem:$0x4100] =	vst v63  }
0x131: {  	_ =	swait.ge [sflag:s4], $0x80  }
0x132: {  	[sflag:s4] =	ssyncset.done $0x0  }
0x133: {  	[sflag:s4] =	ssyncadd.s32 $0xFFFFFF80  }
0x134: {  	[tilespmem:s6], [sflag:$0x3] =	stream.indirect.gather [hbm4b:s1+s5], $0x40, s3, s5, $0xb8;
	[tilespmem:$0x4100] =	vst v63  }
0x135: {  	_ =	swait.ge [sflag:s7], $0x2000  }
0x136: {  	[sflag:s7] =	ssyncset.done $0x0  }
0x137: {  	s14 =	rddreg [dreg:$0x4];
	[sflag:s7] =	ssyncadd.s32 $0xFFFFE000  }
0x138: {  	[hbm4b:s14+s3] =	stream.linear.scatter [tilespmem:s6], [sflag:$0x7], $0x2000, $0x38;
	[tilespmem:$0x4100] =	vst v63  }
0x139: {  	_ =	swait.ge [sflag:s4], $0x2000  }
0x13a: {  	[sflag:s4] =	ssyncset.done $0x0  }
0x13b: {  	s14 =	rddreg [dreg:$0x5];
	[sflag:s4] =	ssyncadd.s32 $0xFFFFE000  }
0x13c: {  	[tilespmem:s3], [sflag:$0x7] =	stream.linear.gather [hbm4b:s14+s3], $0x80, $0x38;
	[tilespmem:$0x4100] =	vst v63  }
0x13d: {  	_ =	swait.ge [sflag:s4], $0x80  }
0x13e: {  	[sflag:s4] =	ssyncset.done $0x0  }
0x13f: {  	[sflag:s4] =	ssyncadd.s32 $0xFFFFFF80  }
0x140: {  	[tilespmem:s6], [sflag:$0x3] =	stream.indirect.gather [hbm4b:s1+s5], $0x40, s3, s5, $0xb8;
	[tilespmem:$0x4100] =	vst v63  }
0x141: {  	_ =	swait.ge [sflag:s7], $0x2000  }
0x142: {  	[sflag:s7] =	ssyncset.done $0x0  }
0x143: {  	s14 =	rddreg [dreg:$0x6];
	[sflag:s7] =	ssyncadd.s32 $0xFFFFE000  }
0x144: {  	[hbm4b:s14+s3] =	stream.linear.scatter [tilespmem:s6], [sflag:$0x7], $0x2000, $0x38;
	[tilespmem:$0x4100] =	vst v63  }
0x145: {  	_ =	swait.ge [sflag:s4], $0x2000  }
0x146: {  	[sflag:s4] =	ssyncset.done $0x0  }
0x147: {  	s2 =	rddreg [dreg:$0x7];
	[sflag:s4] =	ssyncadd.s32 $0xFFFFE000  }
0x148: {  	[tilespmem:s3], [sflag:$0x1] =	stream.linear.gather [hbm4b:s2+s3], $0x80, $0x38;
	[tilespmem:$0x4100] =	vst v63  }
0x149: {  	s14 =	rddreg [dreg:$0x8]  }
0x14a: {  	[tilespmem:s5], [sflag:$0x2] =	stream.linear.gather [hbm4b:s14+s3], $0x80, $0x38;
	[tilespmem:$0x4100] =	vst v63  }
0x14b: {  	_ =	swait.ge [sflag:s8], $0x80  }
0x14c: {  	[sflag:s8] =	ssyncset.done $0x0  }
0x14d: {  	[sflag:s8] =	ssyncadd.s32 $0xFFFFFF80  }
0x14e: {  	[tilespmem:s6], [sflag:$0x3] =	stream.indirect.gather [hbm4b:s1+s5], $0x40, s3, s5, $0xb8;
	[tilespmem:$0x4100] =	vst v63  }
0x14f: {  	_ =	swait.ge [sflag:s9], $0x80  }
0x150: {  	[sflag:s9] =	ssyncset.done $0x0  }
0x151: {  	[sflag:s9] =	ssyncadd.s32 $0xFFFFFF80  }
0x152: {  	[tilespmem:s10], [sflag:$0x4] =	stream.indirect.gather [hbm4b:s1+s5], $0x40, s5, s5, $0xb8;
	[tilespmem:$0x4100] =	vst v63  }
0x153: {  	_ =	swait.ge [sflag:s7], $0x2000  }
0x154: {  	[sflag:s7] =	ssyncset.done $0x0  }
0x155: {  	s14 =	rddreg [dreg:$0x9];
	[sflag:s7] =	ssyncadd.s32 $0xFFFFE000  }
0x156: {  	[hbm4b:s14+s3] =	stream.linear.scatter [tilespmem:s6], [sflag:$0x5], $0x2000, $0x38;
	[tilespmem:$0x4100] =	vst v63  }
0x157: {  	_ =	swait.ge [sflag:s11], $0x2000  }
0x158: {  	[sflag:s11] =	ssyncset.done $0x0  }
0x159: {  	s14 =	rddreg [dreg:$0xa];
	[sflag:s11] =	ssyncadd.s32 $0xFFFFE000  }
0x15a: {  	[tilespmem:s3], [sflag:$0x1] =	stream.linear.gather [hbm4b:s14+s3], $0x80, $0x38;
	[tilespmem:$0x4100] =	vst v63  }
0x15b: {  	_ =	swait.ge [sflag:s8], $0x80  }
0x15c: {  	[sflag:s8] =	ssyncset.done $0x0  }
0x15d: {  	[sflag:s8] =	ssyncadd.s32 $0xFFFFFF80  }
0x15e: {  	[tilespmem:s6], [sflag:$0x3] =	stream.indirect.gather [hbm4b:s1+s5], $0x40, s3, s5, $0xb8;
	[tilespmem:$0x4100] =	vst v63  }
0x15f: {  	_ =	swait.ge [sflag:s12], $0x2000  }
0x160: {  	[sflag:s12] =	ssyncset.done $0x0  }
0x161: {  	s14 =	rddreg [dreg:$0xb];
	[sflag:s12] =	ssyncadd.s32 $0xFFFFE000  }
0x162: {  	[hbm4b:s14+s3] =	stream.linear.scatter [tilespmem:s10], [sflag:$0x6], $0x2000, $0x38;
	[tilespmem:$0x4100] =	vst v63  }
0x163: {  	_ =	swait.ge [sflag:s13], $0x2000  }
0x164: {  	[sflag:s13] =	ssyncset.done $0x0  }
0x165: {  	s14 =	rddreg [dreg:$0xc];
	[sflag:s13] =	ssyncadd.s32 $0xFFFFE000  }
0x166: {  	[tilespmem:s5], [sflag:$0x2] =	stream.linear.gather [hbm4b:s14+s3], $0x80, $0x38;
	[tilespmem:$0x4100] =	vst v63  }
0x167: {  	_ =	swait.ge [sflag:s9], $0x80  }
0x168: {  	[sflag:s9] =	ssyncset.done $0x0  }
0x169: {  	[sflag:s9] =	ssyncadd.s32 $0xFFFFFF80  }
0x16a: {  	[tilespmem:s10], [sflag:$0x4] =	stream.indirect.gather [hbm4b:s1+s5], $0x40, s5, s5, $0xb8;
	[tilespmem:$0x4100] =	vst v63  }
0x16b: {  	_ =	swait.ge [sflag:s7], $0x2000  }
0x16c: {  	[sflag:s7] =	ssyncset.done $0x0  }
0x16d: {  	s14 =	rddreg [dreg:$0xd];
	[sflag:s7] =	ssyncadd.s32 $0xFFFFE000  }
0x16e: {  	[hbm4b:s14+s3] =	stream.linear.scatter [tilespmem:s6], [sflag:$0x5], $0x2000, $0x38;
	[tilespmem:$0x4100] =	vst v63  }
0x16f: {  	_ =	swait.ge [sflag:s11], $0x2000  }
0x170: {  	[sflag:s11] =	ssyncset.done $0x0  }
0x171: {  	s14 =	rddreg [dreg:$0xe];
	[sflag:s11] =	ssyncadd.s32 $0xFFFFE000  }
0x172: {  	[tilespmem:s3], [sflag:$0x1] =	stream.linear.gather [hbm4b:s14+s3], $0x80, $0x38;
	[tilespmem:$0x4100] =	vst v63  }
0x173: {  	_ =	swait.ge [sflag:s8], $0x80  }
0x174: {  	[sflag:s8] =	ssyncset.done $0x0  }
0x175: {  	[sflag:s8] =	ssyncadd.s32 $0xFFFFFF80  }
0x176: {  	[tilespmem:s6], [sflag:$0x3] =	stream.indirect.gather [hbm4b:s1+s5], $0x40, s3, s5, $0xb8;
	[tilespmem:$0x4100] =	vst v63  }
0x177: {  	_ =	swait.ge [sflag:s12], $0x2000  }
0x178: {  	[sflag:s12] =	ssyncset.done $0x0  }
0x179: {  	s14 =	rddreg [dreg:$0xf];
	[sflag:s12] =	ssyncadd.s32 $0xFFFFE000  }
0x17a: {  	[hbm4b:s14+s3] =	stream.linear.scatter [tilespmem:s10], [sflag:$0x6], $0x2000, $0x38;
	[tilespmem:$0x4100] =	vst v63  }
0x17b: {  	_ =	swait.ge [sflag:s13], $0x2000  }
0x17c: {  	[sflag:s13] =	ssyncset.done $0x0  }
0x17d: {  	s14 =	rddreg [dreg:$0x10];
	[sflag:s13] =	ssyncadd.s32 $0xFFFFE000  }
0x17e: {  	[tilespmem:s5], [sflag:$0x2] =	stream.linear.gather [hbm4b:s14+s3], $0x80, $0x38;
	[tilespmem:$0x4100] =	vst v63  }
0x17f: {  	_ =	swait.ge [sflag:s9], $0x80  }
0x180: {  	[sflag:s9] =	ssyncset.done $0x0  }
0x181: {  	[sflag:s9] =	ssyncadd.s32 $0xFFFFFF80  }
0x182: {  	[tilespmem:s10], [sflag:$0x4] =	stream.indirect.gather [hbm4b:s1+s5], $0x40, s5, s5, $0xb8;
	[tilespmem:$0x4100] =	vst v63  }
0x183: {  	_ =	swait.ge [sflag:s7], $0x2000  }
0x184: {  	[sflag:s7] =	ssyncset.done $0x0  }
0x185: {  	s14 =	rddreg [dreg:$0x11];
	[sflag:s7] =	ssyncadd.s32 $0xFFFFE000  }
0x186: {  	[hbm4b:s14+s3] =	stream.linear.scatter [tilespmem:s6], [sflag:$0x5], $0x2000, $0x38;
	[tilespmem:$0x4100] =	vst v63  }
0x187: {  	_ =	swait.ge [sflag:s11], $0x2000  }
0x188: {  	[sflag:s11] =	ssyncset.done $0x0  }
0x189: {  	s14 =	rddreg [dreg:$0x12];
	[sflag:s11] =	ssyncadd.s32 $0xFFFFE000  }
0x18a: {  	[tilespmem:s3], [sflag:$0x1] =	stream.linear.gather [hbm4b:s14+s3], $0x80, $0x38;
	[tilespmem:$0x4100] =	vst v63  }
0x18b: {  	_ =	swait.ge [sflag:s8], $0x80  }
0x18c: {  	[sflag:s8] =	ssyncset.done $0x0  }
0x18d: {  	[sflag:s8] =	ssyncadd.s32 $0xFFFFFF80  }
0x18e: {  	[tilespmem:s6], [sflag:$0x3] =	stream.indirect.gather [hbm4b:s1+s5], $0x40, s3, s5, $0xb8;
	[tilespmem:$0x4100] =	vst v63  }
0x18f: {  	_ =	swait.ge [sflag:s12], $0x2000  }
0x190: {  	[sflag:s12] =	ssyncset.done $0x0  }
0x191: {  	s14 =	rddreg [dreg:$0x13];
	[sflag:s12] =	ssyncadd.s32 $0xFFFFE000  }
0x192: {  	[hbm4b:s14+s3] =	stream.linear.scatter [tilespmem:s10], [sflag:$0x6], $0x2000, $0x38;
	[tilespmem:$0x4100] =	vst v63  }
0x193: {  	_ =	swait.ge [sflag:s13], $0x2000  }
0x194: {  	[sflag:s13] =	ssyncset.done $0x0  }
0x195: {  	s14 =	rddreg [dreg:$0x14];
	[sflag:s13] =	ssyncadd.s32 $0xFFFFE000  }
0x196: {  	[tilespmem:s5], [sflag:$0x2] =	stream.linear.gather [hbm4b:s14+s3], $0x80, $0x38;
	[tilespmem:$0x4100] =	vst v63  }
0x197: {  	_ =	swait.ge [sflag:s9], $0x80  }
0x198: {  	[sflag:s9] =	ssyncset.done $0x0  }
0x199: {  	[sflag:s9] =	ssyncadd.s32 $0xFFFFFF80  }
0x19a: {  	[tilespmem:s10], [sflag:$0x4] =	stream.indirect.gather [hbm4b:s1+s5], $0x40, s5, s5, $0xb8;
	[tilespmem:$0x4100] =	vst v63  }
0x19b: {  	_ =	swait.ge [sflag:s7], $0x2000  }
0x19c: {  	[sflag:s7] =	ssyncset.done $0x0  }
0x19d: {  	s14 =	rddreg [dreg:$0x15];
	[sflag:s7] =	ssyncadd.s32 $0xFFFFE000  }
0x19e: {  	[hbm4b:s14+s3] =	stream.linear.scatter [tilespmem:s6], [sflag:$0x5], $0x2000, $0x38;
	[tilespmem:$0x4100] =	vst v63  }
0x19f: {  	_ =	swait.ge [sflag:s11], $0x2000  }
0x1a0: {  	[sflag:s11] =	ssyncset.done $0x0  }
0x1a1: {  	s14 =	rddreg [dreg:$0x16];
	[sflag:s11] =	ssyncadd.s32 $0xFFFFE000  }
0x1a2: {  	[tilespmem:s3], [sflag:$0x1] =	stream.linear.gather [hbm4b:s14+s3], $0x80, $0x38;
	[tilespmem:$0x4100] =	vst v63  }
0x1a3: {  	_ =	swait.ge [sflag:s8], $0x80  }
0x1a4: {  	[sflag:s8] =	ssyncset.done $0x0  }
0x1a5: {  	[sflag:s8] =	ssyncadd.s32 $0xFFFFFF80  }
0x1a6: {  	[tilespmem:s6], [sflag:$0x3] =	stream.indirect.gather [hbm4b:s1+s5], $0x40, s3, s5, $0xb8;
	[tilespmem:$0x4100] =	vst v63  }
0x1a7: {  	_ =	swait.ge [sflag:s12], $0x2000  }
0x1a8: {  	[sflag:s12] =	ssyncset.done $0x0  }
0x1a9: {  	s14 =	rddreg [dreg:$0x17];
	[sflag:s12] =	ssyncadd.s32 $0xFFFFE000  }
0x1aa: {  	[hbm4b:s14+s3] =	stream.linear.scatter [tilespmem:s10], [sflag:$0x6], $0x2000, $0x38;
	[tilespmem:$0x4100] =	vst v63  }
0x1ab: {  	_ =	swait.ge [sflag:s13], $0x2000  }
0x1ac: {  	[sflag:s13] =	ssyncset.done $0x0  }
0x1ad: {  	s14 =	rddreg [dreg:$0x18];
	[sflag:s13] =	ssyncadd.s32 $0xFFFFE000  }
0x1ae: {  	[tilespmem:s5], [sflag:$0x2] =	stream.linear.gather [hbm4b:s14+s3], $0x80, $0x38;
	[tilespmem:$0x4100] =	vst v63  }
0x1af: {  	_ =	swait.ge [sflag:s9], $0x80  }
0x1b0: {  	[sflag:s9] =	ssyncset.done $0x0  }
0x1b1: {  	[sflag:s9] =	ssyncadd.s32 $0xFFFFFF80  }
0x1b2: {  	[tilespmem:s10], [sflag:$0x4] =	stream.indirect.gather [hbm4b:s1+s5], $0x40, s5, s5, $0xb8;
	[tilespmem:$0x4100] =	vst v63  }
0x1b3: {  	_ =	swait.ge [sflag:s7], $0x2000  }
0x1b4: {  	[sflag:s7] =	ssyncset.done $0x0  }
0x1b5: {  	s14 =	rddreg [dreg:$0x19];
	[sflag:s7] =	ssyncadd.s32 $0xFFFFE000  }
0x1b6: {  	[hbm4b:s14+s3] =	stream.linear.scatter [tilespmem:s6], [sflag:$0x5], $0x2000, $0x38;
	[tilespmem:$0x4100] =	vst v63  }
0x1b7: {  	_ =	swait.ge [sflag:s11], $0x2000  }
0x1b8: {  	[sflag:s11] =	ssyncset.done $0x0  }
0x1b9: {  	s14 =	rddreg [dreg:$0x1a];
	[sflag:s11] =	ssyncadd.s32 $0xFFFFE000  }
0x1ba: {  	[tilespmem:s3], [sflag:$0x1] =	stream.linear.gather [hbm4b:s14+s3], $0x80, $0x38;
	[tilespmem:$0x4100] =	vst v63  }
0x1bb: {  	_ =	swait.ge [sflag:s8], $0x80  }
0x1bc: {  	[sflag:s8] =	ssyncset.done $0x0  }
0x1bd: {  	[sflag:s8] =	ssyncadd.s32 $0xFFFFFF80  }
0x1be: {  	[tilespmem:s6], [sflag:$0x3] =	stream.indirect.gather [hbm4b:s1+s5], $0x40, s3, s5, $0xb8;
	[tilespmem:$0x4100] =	vst v63  }
0x1bf: {  	_ =	swait.ge [sflag:s12], $0x2000  }
0x1c0: {  	[sflag:s12] =	ssyncset.done $0x0  }
0x1c1: {  	s14 =	rddreg [dreg:$0x1b];
	[sflag:s12] =	ssyncadd.s32 $0xFFFFE000  }
0x1c2: {  	[hbm4b:s14+s3] =	stream.linear.scatter [tilespmem:s10], [sflag:$0x6], $0x2000, $0x38;
	[tilespmem:$0x4100] =	vst v63  }
0x1c3: {  	_ =	swait.ge [sflag:s13], $0x2000  }
0x1c4: {  	[sflag:s13] =	ssyncset.done $0x0  }
0x1c5: {  	s14 =	rddreg [dreg:$0x1c];
	[sflag:s13] =	ssyncadd.s32 $0xFFFFE000  }
0x1c6: {  	[tilespmem:s5], [sflag:$0x2] =	stream.linear.gather [hbm4b:s14+s3], $0x80, $0x38;
	[tilespmem:$0x4100] =	vst v63  }
0x1c7: {  	_ =	swait.ge [sflag:s9], $0x80  }
0x1c8: {  	[sflag:s9] =	ssyncset.done $0x0  }
0x1c9: {  	[sflag:s9] =	ssyncadd.s32 $0xFFFFFF80  }
0x1ca: {  	[tilespmem:s10], [sflag:$0x4] =	stream.indirect.gather [hbm4b:s1+s5], $0x40, s5, s5, $0xb8;
	[tilespmem:$0x4100] =	vst v63  }
0x1cb: {  	_ =	swait.ge [sflag:s7], $0x2000  }
0x1cc: {  	[sflag:s7] =	ssyncset.done $0x0  }
0x1cd: {  	s14 =	rddreg [dreg:$0x1d];
	[sflag:s7] =	ssyncadd.s32 $0xFFFFE000  }
0x1ce: {  	[hbm4b:s14+s3] =	stream.linear.scatter [tilespmem:s6], [sflag:$0x5], $0x2000, $0x38;
	[tilespmem:$0x4100] =	vst v63  }
0x1cf: {  	_ =	swait.ge [sflag:s11], $0x2000  }
0x1d0: {  	[sflag:s11] =	ssyncset.done $0x0  }
0x1d1: {  	s14 =	rddreg [dreg:$0x1e];
	[sflag:s11] =	ssyncadd.s32 $0xFFFFE000  }
0x1d2: {  	[tilespmem:s3], [sflag:$0x1] =	stream.linear.gather [hbm4b:s14+s3], $0x80, $0x38;
	[tilespmem:$0x4100] =	vst v63  }
0x1d3: {  	_ =	swait.ge [sflag:s8], $0x80  }
0x1d4: {  	[sflag:s8] =	ssyncset.done $0x0  }
0x1d5: {  	[sflag:s8] =	ssyncadd.s32 $0xFFFFFF80  }
0x1d6: {  	[tilespmem:s6], [sflag:$0x3] =	stream.indirect.gather [hbm4b:s1+s5], $0x40, s3, s5, $0xb8;
	[tilespmem:$0x4100] =	vst v63  }
0x1d7: {  	_ =	swait.ge [sflag:s12], $0x2000  }
0x1d8: {  	[sflag:s12] =	ssyncset.done $0x0  }
0x1d9: {  	[sflag:s12] =	ssyncadd.s32 $0xFFFFE000  }
0x1da: {  	[hbm4b:s15+s3] =	stream.linear.scatter [tilespmem:s10], [sflag:$0x6], $0x2000, $0x38;
	[tilespmem:$0x4100] =	vst v63  }
0x1db: {  	_ =	swait.ge [sflag:s13], $0x2000  }
0x1dc: {  	[sflag:s13] =	ssyncset.done $0x0  }
0x1dd: {  	[sflag:s13] =	ssyncadd.s32 $0xFFFFE000  }
0x1de: {  	[tilespmem:s5], [sflag:$0x2] =	stream.linear.gather [hbm4b:s16+s3], $0x80, $0x38;
	[tilespmem:$0x4100] =	vst v63  }
0x1df: {  	_ =	swait.ge [sflag:s9], $0x80  }
0x1e0: {  	[sflag:s9] =	ssyncset.done $0x0  }
0x1e1: {  	[sflag:s9] =	ssyncadd.s32 $0xFFFFFF80  }
0x1e2: {  	[tilespmem:s10], [sflag:$0x4] =	stream.indirect.gather [hbm4b:s1+s5], $0x40, s5, s5, $0xb8;
	[tilespmem:$0x4100] =	vst v63  }
0x1e3: {  	_ =	swait.ge [sflag:s7], $0x2000  }
0x1e4: {  	[sflag:s7] =	ssyncset.done $0x0  }
0x1e5: {  	[sflag:s7] =	ssyncadd.s32 $0xFFFFE000  }
0x1e6: {  	[hbm4b:s17+s3] =	stream.linear.scatter [tilespmem:s6], [sflag:$0x5], $0x2000, $0x38;
	[tilespmem:$0x4100] =	vst v63  }
0x1e7: {  	_ =	swait.ge [sflag:s11], $0x2000  }
0x1e8: {  	[sflag:s11] =	ssyncset.done $0x0  }
0x1e9: {  	[sflag:s11] =	ssyncadd.s32 $0xFFFFE000  }
0x1ea: {  	[tilespmem:s3], [sflag:$0x1] =	stream.linear.gather [hbm4b:s18+s3], $0x80, $0x38;
	[tilespmem:$0x4100] =	vst v63  }
0x1eb: {  	_ =	swait.ge [sflag:s8], $0x80  }
0x1ec: {  	[sflag:s8] =	ssyncset.done $0x0  }
0x1ed: {  	[sflag:s8] =	ssyncadd.s32 $0xFFFFFF80  }
0x1ee: {  	[tilespmem:s6], [sflag:$0x3] =	stream.indirect.gather [hbm4b:s1+s5], $0x40, s3, s5, $0xb8;
	[tilespmem:$0x4100] =	vst v63  }
0x1ef: {  	_ =	swait.ge [sflag:s12], $0x2000  }
0x1f0: {  	[sflag:s12] =	ssyncset.done $0x0  }
0x1f1: {  	[sflag:s12] =	ssyncadd.s32 $0xFFFFE000  }
0x1f2: {  	[hbm4b:s19+s3] =	stream.linear.scatter [tilespmem:s10], [sflag:$0x6], $0x2000, $0x38;
	[tilespmem:$0x4100] =	vst v63  }
0x1f3: {  	_ =	swait.ge [sflag:s13], $0x2000  }
0x1f4: {  	[sflag:s13] =	ssyncset.done $0x0  }
0x1f5: {  	[sflag:s13] =	ssyncadd.s32 $0xFFFFE000  }
0x1f6: {  	[tilespmem:s5], [sflag:$0x2] =	stream.linear.gather [hbm4b:s20+s3], $0x80, $0x38;
	[tilespmem:$0x4100] =	vst v63  }
0x1f7: {  	_ =	swait.ge [sflag:s9], $0x80  }
0x1f8: {  	[sflag:s9] =	ssyncset.done $0x0  }
0x1f9: {  	[sflag:s9] =	ssyncadd.s32 $0xFFFFFF80  }
0x1fa: {  	[tilespmem:s10], [sflag:$0x4] =	stream.indirect.gather [hbm4b:s1+s5], $0x40, s5, s5, $0xb8;
	[tilespmem:$0x4100] =	vst v63  }
0x1fb: {  	_ =	swait.ge [sflag:s7], $0x2000  }
0x1fc: {  	[sflag:s7] =	ssyncset.done $0x0  }
0x1fd: {  	[sflag:s7] =	ssyncadd.s32 $0xFFFFE000  }
0x1fe: {  	[hbm4b:s21+s3] =	stream.linear.scatter [tilespmem:s6], [sflag:$0x5], $0x2000, $0x38;
	[tilespmem:$0x4100] =	vst v63  }
0x1ff: {  	_ =	swait.ge [sflag:s11], $0x2000  }
0x200: {  	[sflag:s11] =	ssyncset.done $0x0  }
0x201: {  	[sflag:s11] =	ssyncadd.s32 $0xFFFFE000  }
0x202: {  	[tilespmem:s3], [sflag:$0x1] =	stream.linear.gather [hbm4b:s22+s3], $0x80, $0x38;
	[tilespmem:$0x4100] =	vst v63  }
0x203: {  	_ =	swait.ge [sflag:s8], $0x80  }
0x204: {  	[sflag:s8] =	ssyncset.done $0x0  }
0x205: {  	[sflag:s8] =	ssyncadd.s32 $0xFFFFFF80  }
0x206: {  	[tilespmem:s6], [sflag:$0x3] =	stream.indirect.gather [hbm4b:s1+s5], $0x40, s3, s5, $0xb8;
	[tilespmem:$0x4100] =	vst v63  }
0x207: {  	_ =	swait.ge [sflag:s12], $0x2000  }
0x208: {  	[sflag:s12] =	ssyncset.done $0x0  }
0x209: {  	[sflag:s12] =	ssyncadd.s32 $0xFFFFE000  }
0x20a: {  	[hbm4b:s23+s3] =	stream.linear.scatter [tilespmem:s10], [sflag:$0x6], $0x2000, $0x38;
	[tilespmem:$0x4100] =	vst v63  }
0x20b: {  	_ =	swait.ge [sflag:s13], $0x2000  }
0x20c: {  	[sflag:s13] =	ssyncset.done $0x0  }
0x20d: {  	[sflag:s13] =	ssyncadd.s32 $0xFFFFE000  }
0x20e: {  	[tilespmem:s5], [sflag:$0x2] =	stream.linear.gather [hbm4b:s24+s3], $0x80, $0x38;
	[tilespmem:$0x4100] =	vst v63  }
0x20f: {  	_ =	swait.ge [sflag:s9], $0x80  }
0x210: {  	[sflag:s9] =	ssyncset.done $0x0  }
0x211: {  	[sflag:s9] =	ssyncadd.s32 $0xFFFFFF80  }
0x212: {  	[tilespmem:s10], [sflag:$0x4] =	stream.indirect.gather [hbm4b:s1+s5], $0x40, s5, s5, $0xb8;
	[tilespmem:$0x4100] =	vst v63  }
0x213: {  	_ =	swait.ge [sflag:s7], $0x2000  }
0x214: {  	[sflag:s7] =	ssyncset.done $0x0  }
0x215: {  	[sflag:s7] =	ssyncadd.s32 $0xFFFFE000  }
0x216: {  	[hbm4b:s25+s3] =	stream.linear.scatter [tilespmem:s6], [sflag:$0x5], $0x2000, $0x38;
	[tilespmem:$0x4100] =	vst v63  }
0x217: {  	_ =	swait.ge [sflag:s11], $0x2000  }
0x218: {  	[sflag:s11] =	ssyncset.done $0x0  }
0x219: {  	[sflag:s11] =	ssyncadd.s32 $0xFFFFE000  }
0x21a: {  	[tilespmem:s3], [sflag:$0x1] =	stream.linear.gather [hbm4b:s26+s3], $0x80, $0x38;
	[tilespmem:$0x4100] =	vst v63  }
0x21b: {  	_ =	swait.ge [sflag:s8], $0x80  }
0x21c: {  	[sflag:s8] =	ssyncset.done $0x0  }
0x21d: {  	[sflag:s8] =	ssyncadd.s32 $0xFFFFFF80  }
0x21e: {  	[tilespmem:s6], [sflag:$0x3] =	stream.indirect.gather [hbm4b:s1+s5], $0x40, s3, s5, $0xb8;
	[tilespmem:$0x4100] =	vst v63  }
0x21f: {  	_ =	swait.ge [sflag:s12], $0x2000  }
0x220: {  	[sflag:s12] =	ssyncset.done $0x0  }
0x221: {  	[sflag:s12] =	ssyncadd.s32 $0xFFFFE000  }
0x222: {  	[hbm4b:s28+s3] =	stream.linear.scatter [tilespmem:s10], [sflag:$0x6], $0x2000, $0x38;
	[tilespmem:$0x4100] =	vst v63  }
0x223: {  	_ =	swait.ge [sflag:s13], $0x2000  }
0x224: {  	[sflag:s13] =	ssyncset.done $0x0  }
0x225: {  	[sflag:s13] =	ssyncadd.s32 $0xFFFFE000  }
0x226: {  	[tilespmem:s5], [sflag:$0x2] =	stream.linear.gather [hbm4b:s29+s3], $0x80, $0x38;
	[tilespmem:$0x4100] =	vst v63  }
0x227: {  	_ =	swait.ge [sflag:s9], $0x80  }
0x228: {  	[sflag:s9] =	ssyncset.done $0x0  }
0x229: {  	[sflag:s9] =	ssyncadd.s32 $0xFFFFFF80  }
0x22a: {  	[tilespmem:s10], [sflag:$0x4] =	stream.indirect.gather [hbm4b:s1+s5], $0x40, s5, s5, $0xb8;
	[tilespmem:$0x4100] =	vst v63  }
0x22b: {  	_ =	swait.ge [sflag:s7], $0x2000  }
0x22c: {  	[sflag:s7] =	ssyncset.done $0x0  }
0x22d: {  	[sflag:s7] =	ssyncadd.s32 $0xFFFFE000  }
0x22e: {  	[hbm4b:s30+s3] =	stream.linear.scatter [tilespmem:s6], [sflag:$0x5], $0x2000, $0x38;
	[tilespmem:$0x4100] =	vst v63  }
0x22f: {  	_ =	swait.ge [sflag:s11], $0x2000  }
0x230: {  	[sflag:s11] =	ssyncset.done $0x0  }
0x231: {  	p0 =	sne.s32 s0, $0x1;
	[sflag:s11] =	ssyncadd.s32 $0xFFFFE000  }
.Ltmp1:
0x232: {  	_ =	swait.ge [sflag:s12], $0x2000;
	(pc) =	sbr.rel @p0 .LBB2_1-.Ltmp1, $4  }
0x233: {  	[sflag:s12] =	ssyncset.done $0x0  }
0x234: {  	[sflag:s12] =	ssyncadd.s32 $0xFFFFE000  }
0x235: {  	[hbm4b:s31+s3] =	stream.linear.scatter [tilespmem:s10], [sflag:$0x6], $0x2000, $0x38;
	[tilespmem:$0x4100] =	vst v63  }
0x236: {  	s0 =	sadd.s32 $0xFFFFFFFF, s0;
	_ =	swait.ge [sflag:s13], $0x2000  }
.LBB2_2:
0x237: {  	[sflag:s13] =	ssyncset.done $0x0  }
0x238: {  	[sflag:s13] =	ssyncadd.s32 $0xFFFFE000  }
0x239: {  	_ =	sfence.sel $0x180000  }
0x23a: {  	[bflag:$0x0] =	sbarrier.arrive $0xFFFF  }
0x23b: {  	_ =	strace $0x90000047  }
0x23c: {  	s0 =	stileid.u32;
	[bflag:$0x2] =	sbarrier.arrive $0xFFFF  }
0x23d: {  	p0 =	sne.s32 s0, $0x0;
	s0 =	rddreg [dreg:$0x2]  }
0x23e: {  	s0 =	sadd.s32 @!p0 $0x100000, s0  }
0x23f: {  	[sflag:s0] =	ssyncadd.tile.s32 @!p0 $0x1;
	_ =	shalt  }
.Lfunc_end2:
_tile_overlayer_lowered:
.L_overlay_start_2:
0x240: {  	(tag) =	ssettag $0x2  }
0x241: {  	s0 =	rddreg [dreg:$0x0];
	s2 =	stileid.u32  }
0x242: {  	s1 =	rddreg [dreg:$0x1];
	p0 =	sne.s32 s2, $0x0  }
0x243: {  	s3 =	rddreg [dreg:$0x2];
	[bflag:$0x3] =	sbarrier.arrive $0xFFFF;
	s2 =	simm.s32 @!p0 $0x1C07  }
0x244: {  	[timem:s3], [sflag:s2] =	dma.local @!p0 [hbm:s0], s1  }
0x245: {  	s0 =	simm.s32 @!p0 $0x7  }
0x246: {  	_ =	swait.ge @!p0 [sflag:s0], s1  }
0x247: {  	s1 =	ssub.s32 @!p0 $0x0, s1;
	[sflag:s0] =	ssyncset.done @!p0 $0x0  }
0x248: {  	[sflag:s0] =	ssyncadd.s32 @!p0 s1  }
0x249: {  	[bflag:$0x3] =	sbarrier.arrive $0xFFFF  }
0x24a: {  	_ =	shalt  }

// kernel: kernel.9.cloned.1.call-start
scs
__scs_entry_jumppad:
0x0: {  	(pc) =	sbr.rel $0x88, $3  }
0x1: {  	(tag) =	ssettag $0x0;
	lr =	simm.s32 $0x1  }
0x2: {  	[smem:$0x3F9A] =	sst lr;
	_ =	strace $0xD0000000  }
0x3: {  	_ = 	snop  }
0x4: {  	_ = 	snop  }
0x5: {  	_ = 	snop  }
0x6: {  	_ = 	snop  }
0x7: {  	_ = 	snop  }
__scs_overlays_trampoline_lowered:
0x8: {  	[smem:$0x3FA9] =	sst s0  }
0x9: {  	[smem:$0x3FAA] =	sst s1  }
0xa: {  	[smem:$0x3FAB] =	sst s2  }
0xb: {  	[smem:$0x3FAC] =	sst s3  }
0xc: {  	[smem:$0x3FAD] =	sst s4  }
0xd: {  	[smem:$0x3FAE] =	sst s5  }
0xe: {  	[smem:$0x3FAF] =	sst s6  }
0xf: {  	[smem:$0x3FB0] =	sst s7  }
0x10: {  	[smem:$0x3FB1] =	sst s8  }
0x11: {  	[smem:$0x3FB2] =	sst s9;
	s0 =	simm.s32 @!p0 $0x0  }
0x12: {  	s1 =	sld [smem:$0x3F98];
	s0 =	simm.s32 @p0 $0x1  }
0x13: {  	[smem:$0x3FB3] =	sst s0;
	s0 =	simm.s32 @!p1 $0x0  }
0x14: {  	s2 =	sld [smem:$0x3F97];
	s0 =	simm.s32 @p1 $0x1  }
0x15: {  	[smem:$0x3FB4] =	sst s0;
	s0 =	simm.s32 @!p2 $0x0  }
0x16: {  	s3 =	sld [smem:$0x3FDB];
	s0 =	simm.s32 @p2 $0x1  }
0x17: {  	s4 =	simm.s32 $0x1BF5;
	[smem:$0x3FB6] =	sst s0  }
0x18: {  	s0 =	sld [smem:$0x3F99];
	_ =	swait.ge [sflag:s4], $0x0  }
0x19: {  	s7 =	sld [smem:$0x3F9A]  }
0x1a: {  	s8 =	sadd.s32 $0xFFFFE003, lr  }
0x1b: {  	s9 =	sadd.s32 $0xFFFFFEF7, lr;
	s5 =	simm.s32 $0xFFFFFFFF;
	p2 =	slt.u32 s8, $0xFFFFF086  }
0x1c: {  	p1 =	slt.u32 s9, $0xF7A;
	s5 =	simm.s32 @!p2 $0x0  }
0x1d: {  	s5 =	simm.s32 @p1 $0x1;
	p0 =	seq.s32 s7, s2  }
0x1e: {  	s7 =	smul.u32 @!p0 $0xF7A, s2;
	p2 =	seq.s32 @!p0 s5, $0x0  }
0x1f: {  	s9 =	smul.u32 $0xF7A, s1;
	s8 =	simm.s32 @!p0 $0x1BF5;
	p2 =	por !p2, p0  }
0x20: {  	[sflag:s8] =	ssyncset.s32 @!p0 $0xFFFFF086;
	s6 =	sadd.s32 @!p0 s3, s7;
	s7 =	simm.s32 @!p0 $0x108  }
0x21: {  	s3 =	sadd.s32 s3, s9;
	s6 =	sadd.s32 @!p0 $0x88, s6;
	s7 =	simm.s32 @p2 $0x1082  }
0x22: {  	[simem:s7], [sflag:s8] =	dma.local @!p0 [hbm:s6], $0xF7A  }
0x23: {  	s9 =	sor.u32 $0xD0000000, s2;
	s6 =	simm.s32 $0x108;
	_ =	swait.ge @!p0 [sflag:s8], $0x0  }
0x24: {  	s3 =	sadd.s32 $0x88, s3;
	s6 =	simm.s32 @!p1 $0x1082;
	[sflag:s4] =	ssyncset.s32 $0xFFFFF086  }
0x25: {  	[simem:s6], [sflag:s4] =	dma.local [hbm:s3], $0xF7A  }
0x26: {  	[smem:$0x3F9A] =	sst s1;
	(tag) =	ssettag s2;
	_ =	strace s9  }
0x27: {  	s1 =	sld [smem:$0x3FAA]  }
0x28: {  	s2 =	sld [smem:$0x3FAB]  }
0x29: {  	s4 =	sld [smem:$0x3FAD]  }
0x2a: {  	p0 =	seq.s32 s5, $0x0;
	s5 =	sld [smem:$0x3FAE]  }
0x2b: {  	s6 =	sld [smem:$0x3FAF]  }
0x2c: {  	s7 =	sld [smem:$0x3FB0]  }
0x2d: {  	s3 =	simm.s32 $0x108;
	s8 =	sld [smem:$0x3FB1]  }
0x2e: {  	s3 =	simm.s32 @!p0 $0x1082;
	s9 =	sld [smem:$0x3FB2]  }
0x2f: {  	lr =	sadd.s32 s0, s3;
	s0 =	sld [smem:$0x3FA9]  }
0x30: {  	s3 =	sld [smem:$0x3FAC]  }
0x31: {  	[smem:$0x3FB5] =	sst s10  }
0x32: {  	s10 =	sld [smem:$0x3FB3];
	_ =	sdelay $0x3  }
0x33: {  	p0 =	seq.s32 s10, $0x1;
	s10 =	sld [smem:$0x3FB5];
	_ =	sdelay $0x3  }
0x34: {  	[smem:$0x3FB5] =	sst s10  }
0x35: {  	s10 =	sld [smem:$0x3FB4];
	_ =	sdelay $0x3  }
0x36: {  	p1 =	seq.s32 s10, $0x1;
	s10 =	sld [smem:$0x3FB5];
	_ =	sdelay $0x3  }
0x37: {  	[smem:$0x3FB5] =	sst s10  }
0x38: {  	s10 =	sld [smem:$0x3FB6]  }
0x39: {  	_ = 	snop;
	(pc) =	sbr.ind lr, $3  }
0x3a: {  	_ = 	snop  }
0x3b: {  	_ = 	snop  }
0x3c: {  	p2 =	seq.s32 s10, $0x1;
	s10 =	sld [smem:$0x3FB5]  }
0x3d: {  	_ =	shalt  }
0x3e: {  	_ =	shalt  }
0x3f: {  	_ =	shalt  }
0x40: {  	_ =	shalt  }
0x41: {  	_ =	shalt  }
0x42: {  	_ =	shalt  }
0x43: {  	_ =	shalt  }
0x44: {  	_ =	shalt  }
0x45: {  	_ =	shalt  }
0x46: {  	_ =	shalt  }
0x47: {  	_ =	shalt  }
0x48: {  	_ =	shalt  }
0x49: {  	_ =	shalt  }
0x4a: {  	_ =	shalt  }
0x4b: {  	_ =	shalt  }
0x4c: {  	_ =	shalt  }
0x4d: {  	_ =	shalt  }
0x4e: {  	_ =	shalt  }
0x4f: {  	_ =	shalt  }
0x50: {  	_ =	shalt  }
0x51: {  	_ =	shalt  }
0x52: {  	_ =	shalt  }
0x53: {  	_ =	shalt  }
0x54: {  	_ =	shalt  }
0x55: {  	_ =	shalt  }
0x56: {  	_ =	shalt  }
0x57: {  	_ =	shalt  }
0x58: {  	_ =	shalt  }
0x59: {  	_ =	shalt  }
0x5a: {  	_ =	shalt  }
0x5b: {  	_ =	shalt  }
0x5c: {  	_ =	shalt  }
0x5d: {  	_ =	shalt  }
0x5e: {  	_ =	shalt  }
0x5f: {  	_ =	shalt  }
0x60: {  	_ =	shalt  }
0x61: {  	_ =	shalt  }
0x62: {  	_ =	shalt  }
0x63: {  	_ =	shalt  }
0x64: {  	_ =	shalt  }
0x65: {  	_ =	shalt  }
0x66: {  	_ =	shalt  }
0x67: {  	_ =	shalt  }
0x68: {  	_ =	shalt  }
0x69: {  	_ =	shalt  }
0x6a: {  	_ =	shalt  }
0x6b: {  	_ =	shalt  }
0x6c: {  	_ =	shalt  }
0x6d: {  	_ =	shalt  }
0x6e: {  	_ =	shalt  }
0x6f: {  	_ =	shalt  }
0x70: {  	_ =	shalt  }
0x71: {  	_ =	shalt  }
0x72: {  	_ =	shalt  }
0x73: {  	_ =	shalt  }
0x74: {  	_ =	shalt  }
0x75: {  	_ =	shalt  }
0x76: {  	_ =	shalt  }
0x77: {  	_ =	shalt  }
0x78: {  	_ =	shalt  }
0x79: {  	_ =	shalt  }
0x7a: {  	_ =	shalt  }
0x7b: {  	_ =	shalt  }
0x7c: {  	_ =	shalt  }
0x7d: {  	_ =	shalt  }
0x7e: {  	_ =	shalt  }
0x7f: {  	_ =	shalt  }
0x80: {  	_ =	shalt  }
0x81: {  	_ =	shalt  }
0x82: {  	_ =	shalt  }
0x83: {  	_ =	shalt  }
0x84: {  	_ =	shalt  }
0x85: {  	_ =	shalt  }
0x86: {  	_ =	shalt  }
0x87: {  	_ =	shalt  }
.Lfunc_end0:
.L_simem_size_0:
called_computation.2_lowered:
.L_overlay_start_0:
0x88: {  	s2 =	sld [smem:$0x3FD9]  }
0x89: {  	s3 =	sld [smem:$0x3FFE];
	_ =	sdelay $0x1  }
0x8a: {  	s1 =	srdreg.scid  }
0x8b: {  	s0 =	sand.u32 $0x1, s1  }
0x8c: {  	s17 =	sshll.u32 s0, $0xA;
	s2 =	sadd.s32 s3, s2  }
0x8d: {  	s2 =	sadd.s32 s2, s17  }
0x8e: {  	[smem:$0x3FC1] =	sst s2  }
0x8f: {  	_ = 	snop  }
0x90: {  	s2 =	sld [smem:$0x3FD0];
	(tm) =	ssettm $0x1  }
0x91: {  	s18 =	sld [smem:$0x3FFB];
	_ =	sdelay $0x3  }
0x92: {  	_ =	strace s18  }
0x93: {  	s3 =	sld [smem:$0x3FFC];
	_ =	sdelay $0x3  }
0x94: {  	_ =	strace s3  }
0x95: {  	s3 =	sld [smem:$0x3FFD];
	_ =	sdelay $0x3  }
0x96: {  	_ =	strace s3  }
0x97: {  	_ =	strace $0x8FFFFFFF  }
0x98: {  	s19 =	sld [smem:$0x3FDB];
	_ =	sdelay $0x1  }
0x99: {  	s4 =	simm.s32 $_scs_section_size  }
0x9a: {  	s5 =	simm.s32 $_size__tile_overlayer_lowered;
	s6 =	simm.s32 $_tile_overlayer_lowered  }
0x9b: {  	s22 =	simm.s32 $0x1BFF;
	s21 =	sshll.u32 s6, $0x1;
	s3 =	sadd.s32 s4, s19  }
0x9c: {  	s7 =	simm.s32 $0x0;
	s20 =	sshll.u32 s5, $0x1;
	s5 =	sadd.s32 s21, s3  }
0x9d: {  	[timem:s7], [sflag:s22] =	dma.local [hbm:s5], s20  }
0x9e: {  	_ =	swait.ge [sflag:s22], s20  }
0x9f: {  	s4 =	ssub.s32 $0x0, s20;
	[sflag:s22] =	ssyncset.done $0x0  }
0xa0: {  	[sflag:s22] =	ssyncadd.s32 s4;
	_ =	sdelay $0x1  }
0xa1: {  	s23 =	simm.s32 $0x1B8B  }
0xa2: {  	_ =	swait.ge [sflag:s23], $0x1  }
0xa3: {  	[sflag:s23] =	ssyncset.done $0x0  }
0xa4: {  	s25 =	simm.s32 $0x1B8E;
	s24 =	sld [smem:$0x3FFE];
	[sflag:s23] =	ssyncadd.s32 $0xFFFFFFFF  }
0xa5: {  	s26 =	simm.s32 $execute0_lowered;
	[smem:$0x3FD2] =	sst s25  }
0xa6: {  	s5 =	sshll.u32 s26, $0x1;
	_ =	strace $0x80000049;
	[dreg:$0x1] =	wrdreg $0xFFFFFFFF  }
0xa7: {  	s28 =	simm.s32 $_size_execute0_lowered;
	s3 =	sadd.s32 s3, s5;
	[dreg:$0x0] =	wrdreg $0x0  }
0xa8: {  	s5 =	sshll.u32 s28, $0x1;
	[dreg:$0x2] =	wrdreg s3  }
0xa9: {  	[dreg:$0x3] =	wrdreg s5  }
0xaa: {  	[dreg:$0x4] =	wrdreg $0xC0  }
0xab: {  	_ =	task [dreg:s7], $0x5FFFF  }
0xac: {  	[dreg:$0x1] =	wrdreg $0xFFFFFFFF  }
0xad: {  	[dreg:$0x0] =	wrdreg $0x60  }
0xae: {  	[dreg:$0x2] =	wrdreg s2  }
0xaf: {  	[dreg:$0x3] =	wrdreg s24  }
0xb0: {  	[dreg:$0x4] =	wrdreg $0x9  }
0xb1: {  	_ =	task.clear_ibuf [dreg:s7], $0x5FFFF;
	_ =	strace $0x90000049  }
0xb2: {  	s29 =	simm.s32 $0x9;
	_ =	strace $0x8000004B  }
0xb3: {  	_ =	swait.ge [sflag:s29], $0x1  }
0xb4: {  	[sflag:s29] =	ssyncadd.s32 $0xFFFFFFFF  }
0xb5: {  	_ =	strace $0x9000004B  }
0xb6: {  	_ =	sfence  }
0xb7: {  	s30 =	sld [smem:$0x0];
	_ =	sdelay $0x2  }
0xb8: {  	s31 =	sshll.u32 s1, $0xD;
	s1 =	sshrl.u32 s1, $0x2  }
0xb9: {  	s3 =	sand.u32 $0x4000, s31;
	s1 =	sadd.s32 s1, s30  }
0xba: {  	s0 =	sor.u32 s3, s0;
	s1 =	sshll.u32 s1, $0x11  }
0xbb: {  	s0 =	sor.u32 s1, s0  }
0xbc: {  	s0 =	sadd.s32 $0x8F2B, s0  }
0xbd: {  	[sflag:s0] =	ssyncadd.remote.s32 $0x1  }
0xbe: {  	_ =	sfence.sel $0xFFFF  }
0xbf: {  	[dreg:$0x0] =	wrdreg $0xFFFFFFFF;
	(pc) =	sbr.abs _section_cstart, $3  }
0xc0: {  	[dreg:$0x1] =	wrdreg $0xFFFFFFFF  }
0xc1: {  	_ =	task.clear_ibuf [dreg:s7], $0x2FFFF;
	_ =	strace $0x9FFFFFFF  }
0xc2: {  	(tm) =	ssettm $0x7FFFFFFF  }
0xc3: {  	_ =	shalt  }
tec
execute0_lowered:
.L_overlay_start_1:
0x0: {  	(tag) =	ssettag $0x1  }
0x1: {  	s0 =	srdreg.scid  }
0x2: {  	s0 =	sand.u32 $0x1, s0  }
0x3: {  	s1 =	stileid.u32;
	[smem:$0x7FD] =	sst s0;
	s0 =	sshll.u32 s0, $0x4  }
0x4: {  	s2 =	rddreg [dreg:$0x0];
	s0 =	sor.u32 s1, s0  }
0x5: {  	s5 =	rddreg [dreg:$0x1];
	s26 =	smul.u32 $0x5000, s0  }
0x6: {  	s3 =	simm.s32 $0x0;
	s10 =	sadd.s32 $0x154C00, s5;
	s4 =	smul.u32 $0xA00, s0  }
0x7: {  	[smem:$0x7FF] =	sst s3;
	s0 =	sadd.s32 s10, s26  }
0x8: {  	_ =	strace $0x8000004A;
	s21 =	sor.u32 $0x180, s4;
	[dreg:$0x3] =	wrdreg s0  }
0x9: {  	s28 =	sadd.s32 $0x200, s4;
	[smem:$0x7CF] =	sst s21  }
0xa: {  	s8 =	sadd.s32 $0x280, s4;
	[smem:$0x7D0] =	sst s28  }
0xb: {  	s11 =	sadd.s32 $0x300, s4;
	[smem:$0x7D1] =	sst s8  }
0xc: {  	s13 =	sadd.s32 $0x380, s4;
	[smem:$0x7D2] =	sst s11  }
0xd: {  	s29 =	sor.u32 $0x80, s4;
	s16 =	sadd.s32 $0x400, s4;
	[smem:$0x7D3] =	sst s13  }
0xe: {  	s31 =	sor.u32 $0x100, s4;
	s17 =	sadd.s32 $0x480, s4;
	[smem:$0x7D4] =	sst s16  }
0xf: {  	s25 =	sshll.u32 s29, $0x3;
	s23 =	sshll.u32 s21, $0x3;
	[smem:$0x7D5] =	sst s17  }
0x10: {  	s21 =	sshll.u32 s8, $0x3;
	s8 =	sadd.s32 $0x680, s4;
	s9 =	rddreg [dreg:$0x3]  }
0x11: {  	s24 =	sshll.u32 s31, $0x3;
	s20 =	sadd.s32 s10, s25;
	[smem:$0x7D7] =	sst s8  }
0x12: {  	s6 =	sadd.s32 $0x2000, s5;
	s22 =	sadd.s32 s10, s24;
	[dreg:$0x4] =	wrdreg s20  }
0x13: {  	s0 =	sshrl.u32 s4, $0x3;
	s30 =	sadd.s32 s10, s23;
	[dreg:$0x5] =	wrdreg s22  }
0x14: {  	s7 =	sadd.s32 s6, s0;
	[dreg:$0x6] =	wrdreg s30  }
0x15: {  	s19 =	sshll.u32 s13, $0x3;
	s12 =	sadd.s32 s10, s21;
	[smem:$0x7DE] =	sst s7  }
0x16: {  	[tilespmem:s3], [sflag:$0x1] =	stream.linear.gather [hbm4b:s7+s3], $0x80, $0x38;
	[tilespmem:$0x4100] =	vst v63  }
0x17: {  	s15 =	sadd.s32 s10, s19;
	[dreg:$0x8] =	wrdreg s12  }
0x18: {  	s5 =	simm.s32 $0x100;
	s0 =	sadd.s32 $0x780, s4;
	[dreg:$0xa] =	wrdreg s15  }
0x19: {  	s13 =	sshll.u32 s8, $0x3;
	s8 =	sadd.s32 $0x800, s4;
	[smem:$0x7D9] =	sst s0  }
0x1a: {  	s18 =	sshll.u32 s16, $0x3;
	s30 =	sadd.s32 $0x500, s4;
	[smem:$0x7DA] =	sst s8  }
0x1b: {  	s22 =	sshll.u32 s28, $0x3;
	s28 =	sadd.s32 s10, s18;
	[smem:$0x7D6] =	sst s30  }
0x1c: {  	s17 =	sshll.u32 s17, $0x3;
	s12 =	sadd.s32 $0x700, s4;
	[dreg:$0xb] =	wrdreg s28  }
0x1d: {  	s20 =	sshll.u32 s11, $0x3;
	s11 =	sadd.s32 s10, s13;
	[smem:$0x7D8] =	sst s12  }
0x1e: {  	s8 =	sshll.u32 s8, $0x3;
	s1 =	sadd.s32 s10, s22;
	[dreg:$0x10] =	wrdreg s11  }
0x1f: {  	s14 =	sadd.s32 s10, s20;
	s16 =	sshll.u32 s30, $0x3;
	[dreg:$0x7] =	wrdreg s1  }
0x20: {  	[tilespmem:s5], [sflag:$0x3] =	stream.linear.gather [hbm4b:s9+s3], $0x2000, $0x38;
	[tilespmem:$0x4100] =	vst v63  }
0x21: {  	s28 =	sadd.s32 $0x580, s4;
	[dreg:$0x9] =	wrdreg s14;
	s1 =	sadd.s32 s10, s17  }
0x22: {  	s30 =	sadd.s32 s10, s16;
	s15 =	sshll.u32 s28, $0x3;
	[dreg:$0xc] =	wrdreg s1  }
0x23: {  	s12 =	sshll.u32 s12, $0x3;
	[dreg:$0xd] =	wrdreg s30;
	s7 =	sadd.s32 s10, s15  }
0x24: {  	s30 =	sadd.s32 $0x600, s4;
	s1 =	sadd.s32 s10, s8;
	[dreg:$0xe] =	wrdreg s7  }
0x25: {  	s14 =	sshll.u32 s30, $0x3;
	s7 =	sadd.s32 s10, s12;
	[dreg:$0x13] =	wrdreg s1  }
0x26: {  	s9 =	sadd.s32 s10, s14;
	[dreg:$0x11] =	wrdreg s7  }
0x27: {  	s7 =	sadd.s32 $0x880, s4;
	[dreg:$0xf] =	wrdreg s9;
	s9 =	sshll.u32 s0, $0x3  }
0x28: {  	[smem:$0x7DB] =	sst s7;
	s7 =	sshll.u32 s7, $0x3;
	s11 =	sadd.s32 s10, s9  }
0x29: {  	s0 =	sadd.s32 $0x980, s4;
	[dreg:$0x12] =	wrdreg s11;
	s11 =	sadd.s32 $0x900, s4  }
0x2a: {  	s4 =	sadd.s32 s10, s7;
	[smem:$0x7DC] =	sst s11;
	s11 =	sshll.u32 s11, $0x3  }
0x2b: {  	[dreg:$0x14] =	wrdreg s4;
	s1 =	sadd.s32 s10, s11  }
0x2c: {  	[dreg:$0x15] =	wrdreg s1  }
0x2d: {  	s4 =	sshll.u32 s0, $0x3;
	s1 =	rddreg [dreg:$0x1]  }
0x2e: {  	[smem:$0x7DD] =	sst s0;
	s10 =	sadd.s32 s10, s4;
	s0 =	sadd.s32 $0x1F4C00, s1  }
0x2f: {  	[dreg:$0x16] =	wrdreg s10;
	s26 =	sadd.s32 s0, s26  }
0x30: {  	s1 =	sadd.s32 s0, s25;
	[dreg:$0x17] =	wrdreg s26  }
0x31: {  	s25 =	sadd.s32 s0, s24;
	[dreg:$0x18] =	wrdreg s1  }
0x32: {  	s21 =	sadd.s32 s0, s21;
	[dreg:$0x19] =	wrdreg s25  }
0x33: {  	s24 =	sadd.s32 s0, s18;
	[dreg:$0x1c] =	wrdreg s21  }
0x34: {  	s14 =	sadd.s32 s0, s14;
	[dreg:$0x1f] =	wrdreg s24  }
0x35: {  	s9 =	sadd.s32 s0, s9;
	[smem:$0x7ED] =	sst s14  }
0x36: {  	s8 =	sadd.s32 s0, s8;
	[smem:$0x7F3] =	sst s9  }
0x37: {  	s7 =	sadd.s32 s0, s7;
	[smem:$0x7F5] =	sst s8  }
0x38: {  	s18 =	sadd.s32 s0, s11;
	[smem:$0x7F7] =	sst s7  }
0x39: {  	s26 =	sadd.s32 s0, s23;
	s23 =	sadd.s32 s0, s19;
	s19 =	rddreg [dreg:$0x4]  }
0x3a: {  	[smem:$0x7F9] =	sst s18  }
0x3b: {  	s1 =	sadd.s32 s0, s22;
	[dreg:$0x1a] =	wrdreg s26  }
0x3c: {  	s22 =	sadd.s32 s0, s20;
	[dreg:$0x1b] =	wrdreg s1  }
0x3d: {  	[dreg:$0x1d] =	wrdreg s22  }
0x3e: {  	s25 =	sadd.s32 s0, s17;
	[dreg:$0x1e] =	wrdreg s23  }
0x3f: {  	[smem:$0x7E7] =	sst s25;
	s26 =	sadd.s32 s0, s16  }
0x40: {  	s1 =	sadd.s32 s0, s15;
	[smem:$0x7E9] =	sst s26  }
0x41: {  	s15 =	sadd.s32 s0, s13;
	[smem:$0x7EB] =	sst s1  }
0x42: {  	s17 =	sshrl.u32 s29, $0x3;
	s16 =	sadd.s32 s0, s12;
	[smem:$0x7EF] =	sst s15  }
0x43: {  	s8 =	sadd.s32 s6, s17;
	[smem:$0x7F1] =	sst s16  }
0x44: {  	s7 =	simm.s32 $0x80;
	s0 =	sadd.s32 s0, s4;
	[smem:$0x7DF] =	sst s8  }
0x45: {  	[tilespmem:s7], [sflag:$0x2] =	stream.linear.gather [hbm4b:s8+s3], $0x80, $0x38;
	[tilespmem:$0x4100] =	vst v63  }
0x46: {  	s9 =	simm.s32 $0x1;
	s8 =	simm.s32 $0x2100;
	[smem:$0x7FB] =	sst s0  }
0x47: {  	[tilespmem:s8], [sflag:$0x4] =	stream.linear.gather [hbm4b:s19+s3], $0x2000, $0x38;
	[tilespmem:$0x4100] =	vst v63  }
0x48: {  	_ =	swait.ge [sflag:s9], $0x80  }
0x49: {  	[sflag:s9] =	ssyncset.done $0x0  }
0x4a: {  	s10 =	simm.s32 $0x3;
	[sflag:s9] =	ssyncadd.s32 $0xFFFFFF80  }
0x4b: {  	_ =	swait.ge [sflag:s10], $0x2000  }
0x4c: {  	[sflag:s10] =	ssyncset.done $0x0  }
0x4d: {  	s11 =	simm.s32 $0x5;
	[sflag:s10] =	ssyncadd.s32 $0xFFFFE000  }
0x4e: {  	[hbm4b:s2+s7] =	stream.indirect.scatter [tilespmem:s5], [sflag:$0x5], $0x40, s3, s7, $0xb8;
	[tilespmem:$0x4100] =	vst v63  }
0x4f: {  	_ =	swait.ge [sflag:s11], $0x2000  }
0x50: {  	s20 =	sshrl.u32 s31, $0x3;
	[sflag:s11] =	ssyncset.done $0x0  }
0x51: {  	s16 =	sadd.s32 s6, s20;
	[sflag:s11] =	ssyncadd.s32 $0xFFFFE000  }
0x52: {  	[tilespmem:s3], [sflag:$0x1] =	stream.linear.gather [hbm4b:s16+s3], $0x80, $0x38;
	[tilespmem:$0x4100] =	vst v63  }
0x53: {  	s13 =	simm.s32 $0x2;
	s21 =	rddreg [dreg:$0x5]  }
0x54: {  	[tilespmem:s5], [sflag:$0x3] =	stream.linear.gather [hbm4b:s21+s3], $0x2000, $0x38;
	[tilespmem:$0x4100] =	vst v63  }
0x55: {  	_ =	swait.ge [sflag:s13], $0x80  }
0x56: {  	[sflag:s13] =	ssyncset.done $0x0  }
0x57: {  	s14 =	simm.s32 $0x4;
	[sflag:s13] =	ssyncadd.s32 $0xFFFFFF80  }
0x58: {  	_ =	swait.ge [sflag:s14], $0x2000  }
0x59: {  	[sflag:s14] =	ssyncset.done $0x0  }
0x5a: {  	s15 =	simm.s32 $0x6;
	[sflag:s14] =	ssyncadd.s32 $0xFFFFE000  }
0x5b: {  	[hbm4b:s2+s7] =	stream.indirect.scatter [tilespmem:s8], [sflag:$0x6], $0x40, s7, s7, $0xb8;
	[tilespmem:$0x4100] =	vst v63  }
0x5c: {  	_ =	swait.ge [sflag:s15], $0x2000  }
0x5d: {  	s22 =	sld [smem:$0x7CF];
	_ =	sdelay $0x2  }
0x5e: {  	[sflag:s15] =	ssyncset.done $0x0;
	s0 =	sshrl.u32 s22, $0x3  }
0x5f: {  	[sflag:s15] =	ssyncadd.s32 $0xFFFFE000;
	s17 =	sadd.s32 s6, s0  }
0x60: {  	[tilespmem:s7], [sflag:$0x2] =	stream.linear.gather [hbm4b:s17+s3], $0x80, $0x38;
	[tilespmem:$0x4100] =	vst v63  }
0x61: {  	s23 =	rddreg [dreg:$0x6]  }
0x62: {  	[tilespmem:s8], [sflag:$0x4] =	stream.linear.gather [hbm4b:s23+s3], $0x2000, $0x38;
	[tilespmem:$0x4100] =	vst v63  }
0x63: {  	_ =	swait.ge [sflag:s9], $0x80  }
0x64: {  	[sflag:s9] =	ssyncset.done $0x0  }
0x65: {  	[sflag:s9] =	ssyncadd.s32 $0xFFFFFF80  }
0x66: {  	_ =	swait.ge [sflag:s10], $0x2000  }
0x67: {  	[sflag:s10] =	ssyncset.done $0x0  }
0x68: {  	[sflag:s10] =	ssyncadd.s32 $0xFFFFE000  }
0x69: {  	[hbm4b:s2+s7] =	stream.indirect.scatter [tilespmem:s5], [sflag:$0x5], $0x40, s3, s7, $0xb8;
	[tilespmem:$0x4100] =	vst v63  }
0x6a: {  	_ =	swait.ge [sflag:s11], $0x2000  }
0x6b: {  	s24 =	sld [smem:$0x7D0];
	_ =	sdelay $0x2  }
0x6c: {  	[sflag:s11] =	ssyncset.done $0x0;
	s0 =	sshrl.u32 s24, $0x3  }
0x6d: {  	[sflag:s11] =	ssyncadd.s32 $0xFFFFE000;
	s18 =	sadd.s32 s6, s0  }
0x6e: {  	[tilespmem:s3], [sflag:$0x1] =	stream.linear.gather [hbm4b:s18+s3], $0x80, $0x38;
	[tilespmem:$0x4100] =	vst v63  }
0x6f: {  	s25 =	rddreg [dreg:$0x7]  }
0x70: {  	[tilespmem:s5], [sflag:$0x3] =	stream.linear.gather [hbm4b:s25+s3], $0x2000, $0x38;
	[tilespmem:$0x4100] =	vst v63  }
0x71: {  	_ =	swait.ge [sflag:s13], $0x80  }
0x72: {  	[sflag:s13] =	ssyncset.done $0x0  }
0x73: {  	[sflag:s13] =	ssyncadd.s32 $0xFFFFFF80  }
0x74: {  	_ =	swait.ge [sflag:s14], $0x2000  }
0x75: {  	[sflag:s14] =	ssyncset.done $0x0  }
0x76: {  	[sflag:s14] =	ssyncadd.s32 $0xFFFFE000  }
0x77: {  	[hbm4b:s2+s7] =	stream.indirect.scatter [tilespmem:s8], [sflag:$0x6], $0x40, s7, s7, $0xb8;
	[tilespmem:$0x4100] =	vst v63  }
0x78: {  	_ =	swait.ge [sflag:s15], $0x2000  }
0x79: {  	s26 =	sld [smem:$0x7D1];
	_ =	sdelay $0x2  }
0x7a: {  	[sflag:s15] =	ssyncset.done $0x0;
	s0 =	sshrl.u32 s26, $0x3  }
0x7b: {  	[sflag:s15] =	ssyncadd.s32 $0xFFFFE000;
	s19 =	sadd.s32 s6, s0  }
0x7c: {  	[tilespmem:s7], [sflag:$0x2] =	stream.linear.gather [hbm4b:s19+s3], $0x80, $0x38;
	[tilespmem:$0x4100] =	vst v63  }
0x7d: {  	s29 =	rddreg [dreg:$0x8]  }
0x7e: {  	[tilespmem:s8], [sflag:$0x4] =	stream.linear.gather [hbm4b:s29+s3], $0x2000, $0x38;
	[tilespmem:$0x4100] =	vst v63  }
0x7f: {  	_ =	swait.ge [sflag:s9], $0x80  }
0x80: {  	[sflag:s9] =	ssyncset.done $0x0  }
0x81: {  	[sflag:s9] =	ssyncadd.s32 $0xFFFFFF80  }
0x82: {  	_ =	swait.ge [sflag:s10], $0x2000  }
0x83: {  	[sflag:s10] =	ssyncset.done $0x0  }
0x84: {  	[sflag:s10] =	ssyncadd.s32 $0xFFFFE000  }
0x85: {  	[hbm4b:s2+s7] =	stream.indirect.scatter [tilespmem:s5], [sflag:$0x5], $0x40, s3, s7, $0xb8;
	[tilespmem:$0x4100] =	vst v63  }
0x86: {  	_ =	swait.ge [sflag:s11], $0x2000  }
0x87: {  	s31 =	sld [smem:$0x7D2];
	_ =	sdelay $0x2  }
0x88: {  	[sflag:s11] =	ssyncset.done $0x0;
	s0 =	sshrl.u32 s31, $0x3  }
0x89: {  	[sflag:s11] =	ssyncadd.s32 $0xFFFFE000;
	s20 =	sadd.s32 s6, s0  }
0x8a: {  	[tilespmem:s3], [sflag:$0x1] =	stream.linear.gather [hbm4b:s20+s3], $0x80, $0x38;
	[tilespmem:$0x4100] =	vst v63  }
0x8b: {  	s1 =	rddreg [dreg:$0x9]  }
0x8c: {  	[tilespmem:s5], [sflag:$0x3] =	stream.linear.gather [hbm4b:s1+s3], $0x2000, $0x38;
	[tilespmem:$0x4100] =	vst v63  }
0x8d: {  	_ =	swait.ge [sflag:s13], $0x80  }
0x8e: {  	[sflag:s13] =	ssyncset.done $0x0  }
0x8f: {  	[sflag:s13] =	ssyncadd.s32 $0xFFFFFF80  }
0x90: {  	_ =	swait.ge [sflag:s14], $0x2000  }
0x91: {  	[sflag:s14] =	ssyncset.done $0x0  }
0x92: {  	[sflag:s14] =	ssyncadd.s32 $0xFFFFE000  }
0x93: {  	[hbm4b:s2+s7] =	stream.indirect.scatter [tilespmem:s8], [sflag:$0x6], $0x40, s7, s7, $0xb8;
	[tilespmem:$0x4100] =	vst v63  }
0x94: {  	_ =	swait.ge [sflag:s15], $0x2000  }
0x95: {  	s4 =	sld [smem:$0x7D3];
	_ =	sdelay $0x2  }
0x96: {  	[sflag:s15] =	ssyncset.done $0x0;
	s0 =	sshrl.u32 s4, $0x3  }
0x97: {  	[sflag:s15] =	ssyncadd.s32 $0xFFFFE000;
	s21 =	sadd.s32 s6, s0  }
0x98: {  	[tilespmem:s7], [sflag:$0x2] =	stream.linear.gather [hbm4b:s21+s3], $0x80, $0x38;
	[tilespmem:$0x4100] =	vst v63  }
0x99: {  	s12 =	rddreg [dreg:$0xa]  }
0x9a: {  	[tilespmem:s8], [sflag:$0x4] =	stream.linear.gather [hbm4b:s12+s3], $0x2000, $0x38;
	[tilespmem:$0x4100] =	vst v63  }
0x9b: {  	_ =	swait.ge [sflag:s9], $0x80  }
0x9c: {  	[sflag:s9] =	ssyncset.done $0x0  }
0x9d: {  	[sflag:s9] =	ssyncadd.s32 $0xFFFFFF80  }
0x9e: {  	_ =	swait.ge [sflag:s10], $0x2000  }
0x9f: {  	[sflag:s10] =	ssyncset.done $0x0  }
0xa0: {  	[sflag:s10] =	ssyncadd.s32 $0xFFFFE000  }
0xa1: {  	[hbm4b:s2+s7] =	stream.indirect.scatter [tilespmem:s5], [sflag:$0x5], $0x40, s3, s7, $0xb8;
	[tilespmem:$0x4100] =	vst v63  }
0xa2: {  	_ =	swait.ge [sflag:s11], $0x2000  }
0xa3: {  	s22 =	sld [smem:$0x7D4];
	_ =	sdelay $0x2  }
0xa4: {  	[sflag:s11] =	ssyncset.done $0x0;
	s0 =	sshrl.u32 s22, $0x3  }
0xa5: {  	[sflag:s11] =	ssyncadd.s32 $0xFFFFE000;
	s22 =	sadd.s32 s6, s0  }
0xa6: {  	[tilespmem:s3], [sflag:$0x1] =	stream.linear.gather [hbm4b:s22+s3], $0x80, $0x38;
	[tilespmem:$0x4100] =	vst v63  }
0xa7: {  	s23 =	rddreg [dreg:$0xb]  }
0xa8: {  	[tilespmem:s5], [sflag:$0x3] =	stream.linear.gather [hbm4b:s23+s3], $0x2000, $0x38;
	[tilespmem:$0x4100] =	vst v63  }
0xa9: {  	_ =	swait.ge [sflag:s13], $0x80  }
0xaa: {  	[sflag:s13] =	ssyncset.done $0x0  }
0xab: {  	[sflag:s13] =	ssyncadd.s32 $0xFFFFFF80  }
0xac: {  	_ =	swait.ge [sflag:s14], $0x2000  }
0xad: {  	[sflag:s14] =	ssyncset.done $0x0  }
0xae: {  	[sflag:s14] =	ssyncadd.s32 $0xFFFFE000  }
0xaf: {  	[hbm4b:s2+s7] =	stream.indirect.scatter [tilespmem:s8], [sflag:$0x6], $0x40, s7, s7, $0xb8;
	[tilespmem:$0x4100] =	vst v63  }
0xb0: {  	_ =	swait.ge [sflag:s15], $0x2000  }
0xb1: {  	s24 =	sld [smem:$0x7D5];
	_ =	sdelay $0x2  }
0xb2: {  	[sflag:s15] =	ssyncset.done $0x0;
	s0 =	sshrl.u32 s24, $0x3  }
0xb3: {  	[sflag:s15] =	ssyncadd.s32 $0xFFFFE000;
	s23 =	sadd.s32 s6, s0  }
0xb4: {  	[tilespmem:s7], [sflag:$0x2] =	stream.linear.gather [hbm4b:s23+s3], $0x80, $0x38;
	[tilespmem:$0x4100] =	vst v63  }
0xb5: {  	s25 =	rddreg [dreg:$0xc]  }
0xb6: {  	[tilespmem:s8], [sflag:$0x4] =	stream.linear.gather [hbm4b:s25+s3], $0x2000, $0x38;
	[tilespmem:$0x4100] =	vst v63  }
0xb7: {  	_ =	swait.ge [sflag:s9], $0x80  }
0xb8: {  	[sflag:s9] =	ssyncset.done $0x0  }
0xb9: {  	[sflag:s9] =	ssyncadd.s32 $0xFFFFFF80  }
0xba: {  	_ =	swait.ge [sflag:s10], $0x2000  }
0xbb: {  	[sflag:s10] =	ssyncset.done $0x0  }
0xbc: {  	[sflag:s10] =	ssyncadd.s32 $0xFFFFE000  }
0xbd: {  	[hbm4b:s2+s7] =	stream.indirect.scatter [tilespmem:s5], [sflag:$0x5], $0x40, s3, s7, $0xb8;
	[tilespmem:$0x4100] =	vst v63  }
0xbe: {  	_ =	swait.ge [sflag:s11], $0x2000  }
0xbf: {  	s26 =	sld [smem:$0x7D6];
	_ =	sdelay $0x2  }
0xc0: {  	[sflag:s11] =	ssyncset.done $0x0;
	s0 =	sshrl.u32 s26, $0x3  }
0xc1: {  	[sflag:s11] =	ssyncadd.s32 $0xFFFFE000;
	s24 =	sadd.s32 s6, s0  }
0xc2: {  	[tilespmem:s3], [sflag:$0x1] =	stream.linear.gather [hbm4b:s24+s3], $0x80, $0x38;
	[tilespmem:$0x4100] =	vst v63  }
0xc3: {  	s29 =	rddreg [dreg:$0xd]  }
0xc4: {  	[tilespmem:s5], [sflag:$0x3] =	stream.linear.gather [hbm4b:s29+s3], $0x2000, $0x38;
	[tilespmem:$0x4100] =	vst v63  }
0xc5: {  	_ =	swait.ge [sflag:s13], $0x80  }
0xc6: {  	[sflag:s13] =	ssyncset.done $0x0  }
0xc7: {  	[sflag:s13] =	ssyncadd.s32 $0xFFFFFF80  }
0xc8: {  	_ =	swait.ge [sflag:s14], $0x2000  }
0xc9: {  	[sflag:s14] =	ssyncset.done $0x0  }
0xca: {  	[sflag:s14] =	ssyncadd.s32 $0xFFFFE000  }
0xcb: {  	[hbm4b:s2+s7] =	stream.indirect.scatter [tilespmem:s8], [sflag:$0x6], $0x40, s7, s7, $0xb8;
	[tilespmem:$0x4100] =	vst v63  }
0xcc: {  	_ =	swait.ge [sflag:s15], $0x2000  }
0xcd: {  	s31 =	sshrl.u32 s28, $0x3;
	[sflag:s15] =	ssyncset.done $0x0  }
0xce: {  	s25 =	sadd.s32 s6, s31;
	[sflag:s15] =	ssyncadd.s32 $0xFFFFE000  }
0xcf: {  	[tilespmem:s7], [sflag:$0x2] =	stream.linear.gather [hbm4b:s25+s3], $0x80, $0x38;
	[tilespmem:$0x4100] =	vst v63  }
0xd0: {  	s1 =	rddreg [dreg:$0xe]  }
0xd1: {  	[tilespmem:s8], [sflag:$0x4] =	stream.linear.gather [hbm4b:s1+s3], $0x2000, $0x38;
	[tilespmem:$0x4100] =	vst v63  }
0xd2: {  	_ =	swait.ge [sflag:s9], $0x80  }
0xd3: {  	[sflag:s9] =	ssyncset.done $0x0  }
0xd4: {  	[sflag:s9] =	ssyncadd.s32 $0xFFFFFF80  }
0xd5: {  	_ =	swait.ge [sflag:s10], $0x2000  }
0xd6: {  	[sflag:s10] =	ssyncset.done $0x0  }
0xd7: {  	[sflag:s10] =	ssyncadd.s32 $0xFFFFE000  }
0xd8: {  	[hbm4b:s2+s7] =	stream.indirect.scatter [tilespmem:s5], [sflag:$0x5], $0x40, s3, s7, $0xb8;
	[tilespmem:$0x4100] =	vst v63  }
0xd9: {  	_ =	swait.ge [sflag:s11], $0x2000  }
0xda: {  	s4 =	sshrl.u32 s30, $0x3;
	[sflag:s11] =	ssyncset.done $0x0  }
0xdb: {  	s26 =	sadd.s32 s6, s4;
	[sflag:s11] =	ssyncadd.s32 $0xFFFFE000  }
0xdc: {  	[tilespmem:s3], [sflag:$0x1] =	stream.linear.gather [hbm4b:s26+s3], $0x80, $0x38;
	[tilespmem:$0x4100] =	vst v63  }
0xdd: {  	s12 =	rddreg [dreg:$0xf]  }
0xde: {  	[tilespmem:s5], [sflag:$0x3] =	stream.linear.gather [hbm4b:s12+s3], $0x2000, $0x38;
	[tilespmem:$0x4100] =	vst v63  }
0xdf: {  	_ =	swait.ge [sflag:s13], $0x80  }
0xe0: {  	[sflag:s13] =	ssyncset.done $0x0  }
0xe1: {  	[sflag:s13] =	ssyncadd.s32 $0xFFFFFF80  }
0xe2: {  	_ =	swait.ge [sflag:s14], $0x2000  }
0xe3: {  	[sflag:s14] =	ssyncset.done $0x0  }
0xe4: {  	[sflag:s14] =	ssyncadd.s32 $0xFFFFE000  }
0xe5: {  	[hbm4b:s2+s7] =	stream.indirect.scatter [tilespmem:s8], [sflag:$0x6], $0x40, s7, s7, $0xb8;
	[tilespmem:$0x4100] =	vst v63  }
0xe6: {  	_ =	swait.ge [sflag:s15], $0x2000  }
0xe7: {  	s28 =	sld [smem:$0x7D7];
	_ =	sdelay $0x2  }
0xe8: {  	[sflag:s15] =	ssyncset.done $0x0;
	s0 =	sshrl.u32 s28, $0x3  }
0xe9: {  	[sflag:s15] =	ssyncadd.s32 $0xFFFFE000;
	s28 =	sadd.s32 s6, s0  }
0xea: {  	[tilespmem:s7], [sflag:$0x2] =	stream.linear.gather [hbm4b:s28+s3], $0x80, $0x38;
	[tilespmem:$0x4100] =	vst v63  }
0xeb: {  	s29 =	rddreg [dreg:$0x10]  }
0xec: {  	[tilespmem:s8], [sflag:$0x4] =	stream.linear.gather [hbm4b:s29+s3], $0x2000, $0x38;
	[tilespmem:$0x4100] =	vst v63  }
0xed: {  	_ =	swait.ge [sflag:s9], $0x80  }
0xee: {  	[sflag:s9] =	ssyncset.done $0x0  }
0xef: {  	[sflag:s9] =	ssyncadd.s32 $0xFFFFFF80  }
0xf0: {  	_ =	swait.ge [sflag:s10], $0x2000  }
0xf1: {  	[sflag:s10] =	ssyncset.done $0x0  }
0xf2: {  	[sflag:s10] =	ssyncadd.s32 $0xFFFFE000  }
0xf3: {  	[hbm4b:s2+s7] =	stream.indirect.scatter [tilespmem:s5], [sflag:$0x5], $0x40, s3, s7, $0xb8;
	[tilespmem:$0x4100] =	vst v63  }
0xf4: {  	_ =	swait.ge [sflag:s11], $0x2000  }
0xf5: {  	s30 =	sld [smem:$0x7D8];
	_ =	sdelay $0x2  }
0xf6: {  	[sflag:s11] =	ssyncset.done $0x0;
	s0 =	sshrl.u32 s30, $0x3  }
0xf7: {  	[sflag:s11] =	ssyncadd.s32 $0xFFFFE000;
	s29 =	sadd.s32 s6, s0  }
0xf8: {  	[tilespmem:s3], [sflag:$0x1] =	stream.linear.gather [hbm4b:s29+s3], $0x80, $0x38;
	[tilespmem:$0x4100] =	vst v63  }
0xf9: {  	s31 =	rddreg [dreg:$0x11]  }
0xfa: {  	[tilespmem:s5], [sflag:$0x3] =	stream.linear.gather [hbm4b:s31+s3], $0x2000, $0x38;
	[tilespmem:$0x4100] =	vst v63  }
0xfb: {  	_ =	swait.ge [sflag:s13], $0x80  }
0xfc: {  	[sflag:s13] =	ssyncset.done $0x0  }
0xfd: {  	[sflag:s13] =	ssyncadd.s32 $0xFFFFFF80  }
0xfe: {  	_ =	swait.ge [sflag:s14], $0x2000  }
0xff: {  	[sflag:s14] =	ssyncset.done $0x0  }
0x100: {  	[sflag:s14] =	ssyncadd.s32 $0xFFFFE000  }
0x101: {  	[hbm4b:s2+s7] =	stream.indirect.scatter [tilespmem:s8], [sflag:$0x6], $0x40, s7, s7, $0xb8;
	[tilespmem:$0x4100] =	vst v63  }
0x102: {  	_ =	swait.ge [sflag:s15], $0x2000  }
0x103: {  	s1 =	sld [smem:$0x7D9];
	_ =	sdelay $0x2  }
0x104: {  	[sflag:s15] =	ssyncset.done $0x0;
	s0 =	sshrl.u32 s1, $0x3  }
0x105: {  	[sflag:s15] =	ssyncadd.s32 $0xFFFFE000;
	s12 =	sadd.s32 s6, s0  }
0x106: {  	[tilespmem:s7], [sflag:$0x2] =	stream.linear.gather [hbm4b:s12+s3], $0x80, $0x38;
	[tilespmem:$0x4100] =	vst v63  }
0x107: {  	s4 =	rddreg [dreg:$0x12]  }
0x108: {  	[tilespmem:s8], [sflag:$0x4] =	stream.linear.gather [hbm4b:s4+s3], $0x2000, $0x38;
	[tilespmem:$0x4100] =	vst v63  }
0x109: {  	_ =	swait.ge [sflag:s9], $0x80  }
0x10a: {  	[sflag:s9] =	ssyncset.done $0x0  }
0x10b: {  	[sflag:s9] =	ssyncadd.s32 $0xFFFFFF80  }
0x10c: {  	_ =	swait.ge [sflag:s10], $0x2000  }
0x10d: {  	[sflag:s10] =	ssyncset.done $0x0  }
0x10e: {  	[sflag:s10] =	ssyncadd.s32 $0xFFFFE000  }
0x10f: {  	[hbm4b:s2+s7] =	stream.indirect.scatter [tilespmem:s5], [sflag:$0x5], $0x40, s3, s7, $0xb8;
	[tilespmem:$0x4100] =	vst v63  }
0x110: {  	_ =	swait.ge [sflag:s11], $0x2000  }
0x111: {  	s30 =	sld [smem:$0x7DA];
	_ =	sdelay $0x2  }
0x112: {  	[sflag:s11] =	ssyncset.done $0x0;
	s0 =	sshrl.u32 s30, $0x3  }
0x113: {  	[sflag:s11] =	ssyncadd.s32 $0xFFFFE000;
	s30 =	sadd.s32 s6, s0  }
0x114: {  	[tilespmem:s3], [sflag:$0x1] =	stream.linear.gather [hbm4b:s30+s3], $0x80, $0x38;
	[tilespmem:$0x4100] =	vst v63  }
0x115: {  	s31 =	rddreg [dreg:$0x13]  }
0x116: {  	[tilespmem:s5], [sflag:$0x3] =	stream.linear.gather [hbm4b:s31+s3], $0x2000, $0x38;
	[tilespmem:$0x4100] =	vst v63  }
0x117: {  	_ =	swait.ge [sflag:s13], $0x80  }
0x118: {  	[sflag:s13] =	ssyncset.done $0x0  }
0x119: {  	[sflag:s13] =	ssyncadd.s32 $0xFFFFFF80  }
0x11a: {  	_ =	swait.ge [sflag:s14], $0x2000  }
0x11b: {  	[sflag:s14] =	ssyncset.done $0x0  }
0x11c: {  	[sflag:s14] =	ssyncadd.s32 $0xFFFFE000  }
0x11d: {  	[hbm4b:s2+s7] =	stream.indirect.scatter [tilespmem:s8], [sflag:$0x6], $0x40, s7, s7, $0xb8;
	[tilespmem:$0x4100] =	vst v63  }
0x11e: {  	_ =	swait.ge [sflag:s15], $0x2000  }
0x11f: {  	s1 =	sld [smem:$0x7DB];
	_ =	sdelay $0x2  }
0x120: {  	[sflag:s15] =	ssyncset.done $0x0;
	s0 =	sshrl.u32 s1, $0x3  }
0x121: {  	[sflag:s15] =	ssyncadd.s32 $0xFFFFE000;
	s31 =	sadd.s32 s6, s0  }
0x122: {  	[tilespmem:s7], [sflag:$0x2] =	stream.linear.gather [hbm4b:s31+s3], $0x80, $0x38;
	[tilespmem:$0x4100] =	vst v63  }
0x123: {  	s4 =	rddreg [dreg:$0x14]  }
0x124: {  	[tilespmem:s8], [sflag:$0x4] =	stream.linear.gather [hbm4b:s4+s3], $0x2000, $0x38;
	[tilespmem:$0x4100] =	vst v63  }
0x125: {  	_ =	swait.ge [sflag:s9], $0x80  }
0x126: {  	[sflag:s9] =	ssyncset.done $0x0  }
0x127: {  	[sflag:s9] =	ssyncadd.s32 $0xFFFFFF80  }
0x128: {  	_ =	swait.ge [sflag:s10], $0x2000  }
0x129: {  	[sflag:s10] =	ssyncset.done $0x0  }
0x12a: {  	[sflag:s10] =	ssyncadd.s32 $0xFFFFE000  }
0x12b: {  	[hbm4b:s2+s7] =	stream.indirect.scatter [tilespmem:s5], [sflag:$0x5], $0x40, s3, s7, $0xb8;
	[tilespmem:$0x4100] =	vst v63  }
0x12c: {  	_ =	swait.ge [sflag:s11], $0x2000  }
0x12d: {  	s1 =	sld [smem:$0x7DC];
	_ =	sdelay $0x2  }
0x12e: {  	[sflag:s11] =	ssyncset.done $0x0;
	s0 =	sshrl.u32 s1, $0x3  }
0x12f: {  	[sflag:s11] =	ssyncadd.s32 $0xFFFFE000;
	s1 =	sadd.s32 s6, s0  }
0x130: {  	[tilespmem:s3], [sflag:$0x1] =	stream.linear.gather [hbm4b:s1+s3], $0x80, $0x38;
	[tilespmem:$0x4100] =	vst v63  }
0x131: {  	s4 =	rddreg [dreg:$0x15]  }
0x132: {  	[tilespmem:s5], [sflag:$0x3] =	stream.linear.gather [hbm4b:s4+s3], $0x2000, $0x38;
	[tilespmem:$0x4100] =	vst v63  }
0x133: {  	_ =	swait.ge [sflag:s13], $0x80  }
0x134: {  	[sflag:s13] =	ssyncset.done $0x0  }
0x135: {  	[sflag:s13] =	ssyncadd.s32 $0xFFFFFF80  }
0x136: {  	_ =	swait.ge [sflag:s14], $0x2000  }
0x137: {  	[sflag:s14] =	ssyncset.done $0x0  }
0x138: {  	[sflag:s14] =	ssyncadd.s32 $0xFFFFE000  }
0x139: {  	[hbm4b:s2+s7] =	stream.indirect.scatter [tilespmem:s8], [sflag:$0x6], $0x40, s7, s7, $0xb8;
	[tilespmem:$0x4100] =	vst v63  }
0x13a: {  	_ =	swait.ge [sflag:s15], $0x2000  }
0x13b: {  	s4 =	sld [smem:$0x7DD];
	_ =	sdelay $0x2  }
0x13c: {  	[sflag:s15] =	ssyncset.done $0x0;
	s0 =	sshrl.u32 s4, $0x3  }
0x13d: {  	[sflag:s15] =	ssyncadd.s32 $0xFFFFE000;
	s0 =	sadd.s32 s6, s0  }
0x13e: {  	[tilespmem:s7], [sflag:$0x2] =	stream.linear.gather [hbm4b:s0+s3], $0x80, $0x38;
	[tilespmem:$0x4100] =	vst v63  }
0x13f: {  	s6 =	rddreg [dreg:$0x16]  }
0x140: {  	[tilespmem:s8], [sflag:$0x4] =	stream.linear.gather [hbm4b:s6+s3], $0x2000, $0x38;
	[tilespmem:$0x4100] =	vst v63  }
0x141: {  	_ =	swait.ge [sflag:s9], $0x80  }
0x142: {  	[sflag:s9] =	ssyncset.done $0x0  }
0x143: {  	[sflag:s9] =	ssyncadd.s32 $0xFFFFFF80  }
0x144: {  	_ =	swait.ge [sflag:s10], $0x2000  }
0x145: {  	[sflag:s10] =	ssyncset.done $0x0  }
0x146: {  	[sflag:s10] =	ssyncadd.s32 $0xFFFFE000  }
0x147: {  	[hbm4b:s2+s7] =	stream.indirect.scatter [tilespmem:s5], [sflag:$0x5], $0x40, s3, s7, $0xb8;
	[tilespmem:$0x4100] =	vst v63  }
0x148: {  	_ =	swait.ge [sflag:s11], $0x2000  }
0x149: {  	[sflag:s11] =	ssyncset.done $0x0  }
0x14a: {  	[sflag:s11] =	ssyncadd.s32 $0xFFFFE000  }
0x14b: {  	_ =	swait.ge [sflag:s13], $0x80  }
0x14c: {  	[sflag:s13] =	ssyncset.done $0x0  }
0x14d: {  	[sflag:s13] =	ssyncadd.s32 $0xFFFFFF80  }
0x14e: {  	_ =	swait.ge [sflag:s14], $0x2000  }
0x14f: {  	[sflag:s14] =	ssyncset.done $0x0  }
0x150: {  	[sflag:s14] =	ssyncadd.s32 $0xFFFFE000  }
0x151: {  	[hbm4b:s2+s7] =	stream.indirect.scatter [tilespmem:s8], [sflag:$0x6], $0x40, s7, s7, $0xb8;
	[tilespmem:$0x4100] =	vst v63  }
0x152: {  	_ =	swait.ge [sflag:s15], $0x2000  }
0x153: {  	s6 =	sld [smem:$0x7DE]  }
0x154: {  	[sflag:s15] =	ssyncset.done $0x0  }
0x155: {  	s4 =	rddreg [dreg:$0x17];
	[sflag:s15] =	ssyncadd.s32 $0xFFFFE000  }
0x156: {  	[tilespmem:s3], [sflag:$0x1] =	stream.linear.gather [hbm4b:s6+s3], $0x80, $0x38;
	[tilespmem:$0x4100] =	vst v63  }
0x157: {  	s6 =	sld [smem:$0x7DF]  }
0x158: {  	[tilespmem:s5], [sflag:$0x3] =	stream.linear.gather [hbm4b:s4+s3], $0x2000, $0x38;
	[tilespmem:$0x4100] =	vst v63  }
0x159: {  	_ = 	snop  }
0x15a: {  	[tilespmem:s7], [sflag:$0x2] =	stream.linear.gather [hbm4b:s6+s3], $0x80, $0x38;
	[tilespmem:$0x4100] =	vst v63  }
0x15b: {  	s4 =	rddreg [dreg:$0x18]  }
0x15c: {  	[tilespmem:s8], [sflag:$0x4] =	stream.linear.gather [hbm4b:s4+s3], $0x2000, $0x38;
	[tilespmem:$0x4100] =	vst v63  }
0x15d: {  	_ =	swait.ge [sflag:s9], $0x80  }
0x15e: {  	[sflag:s9] =	ssyncset.done $0x0  }
0x15f: {  	[sflag:s9] =	ssyncadd.s32 $0xFFFFFF80  }
0x160: {  	_ =	swait.ge [sflag:s10], $0x2000  }
0x161: {  	[sflag:s10] =	ssyncset.done $0x0  }
0x162: {  	s4 =	sadd.s32 $0xC3500, s2;
	[sflag:s10] =	ssyncadd.s32 $0xFFFFE000  }
0x163: {  	[hbm4b:s4+s7] =	stream.indirect.scatter [tilespmem:s5], [sflag:$0x5], $0x40, s3, s7, $0xb8;
	[tilespmem:$0x4100] =	vst v63  }
0x164: {  	_ =	swait.ge [sflag:s11], $0x2000  }
0x165: {  	[sflag:s11] =	ssyncset.done $0x0  }
0x166: {  	s6 =	rddreg [dreg:$0x19];
	[sflag:s11] =	ssyncadd.s32 $0xFFFFE000  }
0x167: {  	[tilespmem:s3], [sflag:$0x1] =	stream.linear.gather [hbm4b:s16+s3], $0x80, $0x38;
	[tilespmem:$0x4100] =	vst v63  }
0x168: {  	[smem:$0x7E0] =	sst s16  }
0x169: {  	[tilespmem:s5], [sflag:$0x3] =	stream.linear.gather [hbm4b:s6+s3], $0x2000, $0x38;
	[tilespmem:$0x4100] =	vst v63  }
0x16a: {  	_ =	swait.ge [sflag:s13], $0x80  }
0x16b: {  	[sflag:s13] =	ssyncset.done $0x0  }
0x16c: {  	[sflag:s13] =	ssyncadd.s32 $0xFFFFFF80  }
0x16d: {  	_ =	swait.ge [sflag:s14], $0x2000  }
0x16e: {  	[sflag:s14] =	ssyncset.done $0x0  }
0x16f: {  	[sflag:s14] =	ssyncadd.s32 $0xFFFFE000  }
0x170: {  	[hbm4b:s4+s7] =	stream.indirect.scatter [tilespmem:s8], [sflag:$0x6], $0x40, s7, s7, $0xb8;
	[tilespmem:$0x4100] =	vst v63  }
0x171: {  	_ =	swait.ge [sflag:s15], $0x2000  }
0x172: {  	[sflag:s15] =	ssyncset.done $0x0  }
0x173: {  	s16 =	rddreg [dreg:$0x1a];
	[sflag:s15] =	ssyncadd.s32 $0xFFFFE000  }
0x174: {  	[tilespmem:s7], [sflag:$0x2] =	stream.linear.gather [hbm4b:s17+s3], $0x80, $0x38;
	[tilespmem:$0x4100] =	vst v63  }
0x175: {  	[smem:$0x7E1] =	sst s17  }
0x176: {  	[tilespmem:s8], [sflag:$0x4] =	stream.linear.gather [hbm4b:s16+s3], $0x2000, $0x38;
	[tilespmem:$0x4100] =	vst v63  }
0x177: {  	_ =	swait.ge [sflag:s9], $0x80  }
0x178: {  	[sflag:s9] =	ssyncset.done $0x0  }
0x179: {  	[sflag:s9] =	ssyncadd.s32 $0xFFFFFF80  }
0x17a: {  	_ =	swait.ge [sflag:s10], $0x2000  }
0x17b: {  	[sflag:s10] =	ssyncset.done $0x0  }
0x17c: {  	[sflag:s10] =	ssyncadd.s32 $0xFFFFE000  }
0x17d: {  	[hbm4b:s4+s7] =	stream.indirect.scatter [tilespmem:s5], [sflag:$0x5], $0x40, s3, s7, $0xb8;
	[tilespmem:$0x4100] =	vst v63  }
0x17e: {  	_ =	swait.ge [sflag:s11], $0x2000  }
0x17f: {  	[sflag:s11] =	ssyncset.done $0x0  }
0x180: {  	s17 =	rddreg [dreg:$0x1b];
	[sflag:s11] =	ssyncadd.s32 $0xFFFFE000  }
0x181: {  	[tilespmem:s3], [sflag:$0x1] =	stream.linear.gather [hbm4b:s18+s3], $0x80, $0x38;
	[tilespmem:$0x4100] =	vst v63  }
0x182: {  	[smem:$0x7E2] =	sst s18  }
0x183: {  	[tilespmem:s5], [sflag:$0x3] =	stream.linear.gather [hbm4b:s17+s3], $0x2000, $0x38;
	[tilespmem:$0x4100] =	vst v63  }
0x184: {  	_ =	swait.ge [sflag:s13], $0x80  }
0x185: {  	[sflag:s13] =	ssyncset.done $0x0  }
0x186: {  	[sflag:s13] =	ssyncadd.s32 $0xFFFFFF80  }
0x187: {  	_ =	swait.ge [sflag:s14], $0x2000  }
0x188: {  	[sflag:s14] =	ssyncset.done $0x0  }
0x189: {  	[sflag:s14] =	ssyncadd.s32 $0xFFFFE000  }
0x18a: {  	[hbm4b:s4+s7] =	stream.indirect.scatter [tilespmem:s8], [sflag:$0x6], $0x40, s7, s7, $0xb8;
	[tilespmem:$0x4100] =	vst v63  }
0x18b: {  	_ =	swait.ge [sflag:s15], $0x2000  }
0x18c: {  	[sflag:s15] =	ssyncset.done $0x0  }
0x18d: {  	s18 =	rddreg [dreg:$0x1c];
	[sflag:s15] =	ssyncadd.s32 $0xFFFFE000  }
0x18e: {  	[tilespmem:s7], [sflag:$0x2] =	stream.linear.gather [hbm4b:s19+s3], $0x80, $0x38;
	[tilespmem:$0x4100] =	vst v63  }
0x18f: {  	[smem:$0x7E3] =	sst s19  }
0x190: {  	[tilespmem:s8], [sflag:$0x4] =	stream.linear.gather [hbm4b:s18+s3], $0x2000, $0x38;
	[tilespmem:$0x4100] =	vst v63  }
0x191: {  	_ =	swait.ge [sflag:s9], $0x80  }
0x192: {  	[sflag:s9] =	ssyncset.done $0x0  }
0x193: {  	[sflag:s9] =	ssyncadd.s32 $0xFFFFFF80  }
0x194: {  	_ =	swait.ge [sflag:s10], $0x2000  }
0x195: {  	[sflag:s10] =	ssyncset.done $0x0  }
0x196: {  	[sflag:s10] =	ssyncadd.s32 $0xFFFFE000  }
0x197: {  	[hbm4b:s4+s7] =	stream.indirect.scatter [tilespmem:s5], [sflag:$0x5], $0x40, s3, s7, $0xb8;
	[tilespmem:$0x4100] =	vst v63  }
0x198: {  	_ =	swait.ge [sflag:s11], $0x2000  }
0x199: {  	[sflag:s11] =	ssyncset.done $0x0  }
0x19a: {  	s19 =	rddreg [dreg:$0x1d];
	[sflag:s11] =	ssyncadd.s32 $0xFFFFE000  }
0x19b: {  	[tilespmem:s3], [sflag:$0x1] =	stream.linear.gather [hbm4b:s20+s3], $0x80, $0x38;
	[tilespmem:$0x4100] =	vst v63  }
0x19c: {  	[smem:$0x7E4] =	sst s20  }
0x19d: {  	[tilespmem:s5], [sflag:$0x3] =	stream.linear.gather [hbm4b:s19+s3], $0x2000, $0x38;
	[tilespmem:$0x4100] =	vst v63  }
0x19e: {  	_ =	swait.ge [sflag:s13], $0x80  }
0x19f: {  	[sflag:s13] =	ssyncset.done $0x0  }
0x1a0: {  	[sflag:s13] =	ssyncadd.s32 $0xFFFFFF80  }
0x1a1: {  	_ =	swait.ge [sflag:s14], $0x2000  }
0x1a2: {  	[sflag:s14] =	ssyncset.done $0x0  }
0x1a3: {  	[sflag:s14] =	ssyncadd.s32 $0xFFFFE000  }
0x1a4: {  	[hbm4b:s4+s7] =	stream.indirect.scatter [tilespmem:s8], [sflag:$0x6], $0x40, s7, s7, $0xb8;
	[tilespmem:$0x4100] =	vst v63  }
0x1a5: {  	_ =	swait.ge [sflag:s15], $0x2000  }
0x1a6: {  	[sflag:s15] =	ssyncset.done $0x0  }
0x1a7: {  	s16 =	rddreg [dreg:$0x1e];
	[sflag:s15] =	ssyncadd.s32 $0xFFFFE000  }
0x1a8: {  	[tilespmem:s7], [sflag:$0x2] =	stream.linear.gather [hbm4b:s21+s3], $0x80, $0x38;
	[tilespmem:$0x4100] =	vst v63  }
0x1a9: {  	[smem:$0x7E5] =	sst s21  }
0x1aa: {  	[tilespmem:s8], [sflag:$0x4] =	stream.linear.gather [hbm4b:s16+s3], $0x2000, $0x38;
	[tilespmem:$0x4100] =	vst v63  }
0x1ab: {  	_ =	swait.ge [sflag:s9], $0x80  }
0x1ac: {  	[sflag:s9] =	ssyncset.done $0x0  }
0x1ad: {  	[sflag:s9] =	ssyncadd.s32 $0xFFFFFF80  }
0x1ae: {  	_ =	swait.ge [sflag:s10], $0x2000  }
0x1af: {  	[sflag:s10] =	ssyncset.done $0x0  }
0x1b0: {  	[sflag:s10] =	ssyncadd.s32 $0xFFFFE000  }
0x1b1: {  	[hbm4b:s4+s7] =	stream.indirect.scatter [tilespmem:s5], [sflag:$0x5], $0x40, s3, s7, $0xb8;
	[tilespmem:$0x4100] =	vst v63  }
0x1b2: {  	_ =	swait.ge [sflag:s11], $0x2000  }
0x1b3: {  	[sflag:s11] =	ssyncset.done $0x0  }
0x1b4: {  	s17 =	rddreg [dreg:$0x1f];
	[sflag:s11] =	ssyncadd.s32 $0xFFFFE000  }
0x1b5: {  	[tilespmem:s3], [sflag:$0x1] =	stream.linear.gather [hbm4b:s22+s3], $0x80, $0x38;
	[tilespmem:$0x4100] =	vst v63  }
0x1b6: {  	[smem:$0x7E6] =	sst s22  }
0x1b7: {  	[tilespmem:s5], [sflag:$0x3] =	stream.linear.gather [hbm4b:s17+s3], $0x2000, $0x38;
	[tilespmem:$0x4100] =	vst v63  }
0x1b8: {  	_ =	swait.ge [sflag:s13], $0x80  }
0x1b9: {  	[sflag:s13] =	ssyncset.done $0x0  }
0x1ba: {  	[sflag:s13] =	ssyncadd.s32 $0xFFFFFF80  }
0x1bb: {  	_ =	swait.ge [sflag:s14], $0x2000  }
0x1bc: {  	[sflag:s14] =	ssyncset.done $0x0  }
0x1bd: {  	[sflag:s14] =	ssyncadd.s32 $0xFFFFE000  }
0x1be: {  	[hbm4b:s4+s7] =	stream.indirect.scatter [tilespmem:s8], [sflag:$0x6], $0x40, s7, s7, $0xb8;
	[tilespmem:$0x4100] =	vst v63  }
0x1bf: {  	_ =	swait.ge [sflag:s15], $0x2000  }
0x1c0: {  	[sflag:s15] =	ssyncset.done $0x0  }
0x1c1: {  	s18 =	sld [smem:$0x7E7];
	[sflag:s15] =	ssyncadd.s32 $0xFFFFE000  }
0x1c2: {  	[tilespmem:s7], [sflag:$0x2] =	stream.linear.gather [hbm4b:s23+s3], $0x80, $0x38;
	[tilespmem:$0x4100] =	vst v63  }
0x1c3: {  	[smem:$0x7E8] =	sst s23  }
0x1c4: {  	[tilespmem:s8], [sflag:$0x4] =	stream.linear.gather [hbm4b:s18+s3], $0x2000, $0x38;
	[tilespmem:$0x4100] =	vst v63  }
0x1c5: {  	_ =	swait.ge [sflag:s9], $0x80  }
0x1c6: {  	[sflag:s9] =	ssyncset.done $0x0  }
0x1c7: {  	[sflag:s9] =	ssyncadd.s32 $0xFFFFFF80  }
0x1c8: {  	_ =	swait.ge [sflag:s10], $0x2000  }
0x1c9: {  	[sflag:s10] =	ssyncset.done $0x0  }
0x1ca: {  	[sflag:s10] =	ssyncadd.s32 $0xFFFFE000  }
0x1cb: {  	[hbm4b:s4+s7] =	stream.indirect.scatter [tilespmem:s5], [sflag:$0x5], $0x40, s3, s7, $0xb8;
	[tilespmem:$0x4100] =	vst v63  }
0x1cc: {  	_ =	swait.ge [sflag:s11], $0x2000  }
0x1cd: {  	[sflag:s11] =	ssyncset.done $0x0  }
0x1ce: {  	s19 =	sld [smem:$0x7E9];
	[sflag:s11] =	ssyncadd.s32 $0xFFFFE000  }
0x1cf: {  	[tilespmem:s3], [sflag:$0x1] =	stream.linear.gather [hbm4b:s24+s3], $0x80, $0x38;
	[tilespmem:$0x4100] =	vst v63  }
0x1d0: {  	[smem:$0x7EA] =	sst s24  }
0x1d1: {  	[tilespmem:s5], [sflag:$0x3] =	stream.linear.gather [hbm4b:s19+s3], $0x2000, $0x38;
	[tilespmem:$0x4100] =	vst v63  }
0x1d2: {  	_ =	swait.ge [sflag:s13], $0x80  }
0x1d3: {  	[sflag:s13] =	ssyncset.done $0x0  }
0x1d4: {  	[sflag:s13] =	ssyncadd.s32 $0xFFFFFF80  }
0x1d5: {  	_ =	swait.ge [sflag:s14], $0x2000  }
0x1d6: {  	[sflag:s14] =	ssyncset.done $0x0  }
0x1d7: {  	[sflag:s14] =	ssyncadd.s32 $0xFFFFE000  }
0x1d8: {  	[hbm4b:s4+s7] =	stream.indirect.scatter [tilespmem:s8], [sflag:$0x6], $0x40, s7, s7, $0xb8;
	[tilespmem:$0x4100] =	vst v63  }
0x1d9: {  	_ =	swait.ge [sflag:s15], $0x2000  }
0x1da: {  	[sflag:s15] =	ssyncset.done $0x0  }
0x1db: {  	s20 =	sld [smem:$0x7EB];
	[sflag:s15] =	ssyncadd.s32 $0xFFFFE000  }
0x1dc: {  	[tilespmem:s7], [sflag:$0x2] =	stream.linear.gather [hbm4b:s25+s3], $0x80, $0x38;
	[tilespmem:$0x4100] =	vst v63  }
0x1dd: {  	[smem:$0x7EC] =	sst s25  }
0x1de: {  	[tilespmem:s8], [sflag:$0x4] =	stream.linear.gather [hbm4b:s20+s3], $0x2000, $0x38;
	[tilespmem:$0x4100] =	vst v63  }
0x1df: {  	_ =	swait.ge [sflag:s9], $0x80  }
0x1e0: {  	[sflag:s9] =	ssyncset.done $0x0  }
0x1e1: {  	[sflag:s9] =	ssyncadd.s32 $0xFFFFFF80  }
0x1e2: {  	_ =	swait.ge [sflag:s10], $0x2000  }
0x1e3: {  	[sflag:s10] =	ssyncset.done $0x0  }
0x1e4: {  	[sflag:s10] =	ssyncadd.s32 $0xFFFFE000  }
0x1e5: {  	[hbm4b:s4+s7] =	stream.indirect.scatter [tilespmem:s5], [sflag:$0x5], $0x40, s3, s7, $0xb8;
	[tilespmem:$0x4100] =	vst v63  }
0x1e6: {  	_ =	swait.ge [sflag:s11], $0x2000  }
0x1e7: {  	[sflag:s11] =	ssyncset.done $0x0  }
0x1e8: {  	s21 =	sld [smem:$0x7ED];
	[sflag:s11] =	ssyncadd.s32 $0xFFFFE000  }
0x1e9: {  	[tilespmem:s3], [sflag:$0x1] =	stream.linear.gather [hbm4b:s26+s3], $0x80, $0x38;
	[tilespmem:$0x4100] =	vst v63  }
0x1ea: {  	[smem:$0x7EE] =	sst s26  }
0x1eb: {  	[tilespmem:s5], [sflag:$0x3] =	stream.linear.gather [hbm4b:s21+s3], $0x2000, $0x38;
	[tilespmem:$0x4100] =	vst v63  }
0x1ec: {  	_ =	swait.ge [sflag:s13], $0x80  }
0x1ed: {  	[sflag:s13] =	ssyncset.done $0x0  }
0x1ee: {  	[sflag:s13] =	ssyncadd.s32 $0xFFFFFF80  }
0x1ef: {  	_ =	swait.ge [sflag:s14], $0x2000  }
0x1f0: {  	[sflag:s14] =	ssyncset.done $0x0  }
0x1f1: {  	[sflag:s14] =	ssyncadd.s32 $0xFFFFE000  }
0x1f2: {  	[hbm4b:s4+s7] =	stream.indirect.scatter [tilespmem:s8], [sflag:$0x6], $0x40, s7, s7, $0xb8;
	[tilespmem:$0x4100] =	vst v63  }
0x1f3: {  	_ =	swait.ge [sflag:s15], $0x2000  }
0x1f4: {  	[sflag:s15] =	ssyncset.done $0x0  }
0x1f5: {  	s22 =	sld [smem:$0x7EF];
	[sflag:s15] =	ssyncadd.s32 $0xFFFFE000  }
0x1f6: {  	[tilespmem:s7], [sflag:$0x2] =	stream.linear.gather [hbm4b:s28+s3], $0x80, $0x38;
	[tilespmem:$0x4100] =	vst v63  }
0x1f7: {  	[smem:$0x7F0] =	sst s28  }
0x1f8: {  	[tilespmem:s8], [sflag:$0x4] =	stream.linear.gather [hbm4b:s22+s3], $0x2000, $0x38;
	[tilespmem:$0x4100] =	vst v63  }
0x1f9: {  	_ =	swait.ge [sflag:s9], $0x80  }
0x1fa: {  	[sflag:s9] =	ssyncset.done $0x0  }
0x1fb: {  	[sflag:s9] =	ssyncadd.s32 $0xFFFFFF80  }
0x1fc: {  	_ =	swait.ge [sflag:s10], $0x2000  }
0x1fd: {  	[sflag:s10] =	ssyncset.done $0x0  }
0x1fe: {  	[sflag:s10] =	ssyncadd.s32 $0xFFFFE000  }
0x1ff: {  	[hbm4b:s4+s7] =	stream.indirect.scatter [tilespmem:s5], [sflag:$0x5], $0x40, s3, s7, $0xb8;
	[tilespmem:$0x4100] =	vst v63  }
0x200: {  	_ =	swait.ge [sflag:s11], $0x2000  }
0x201: {  	[sflag:s11] =	ssyncset.done $0x0  }
0x202: {  	s23 =	sld [smem:$0x7F1];
	[sflag:s11] =	ssyncadd.s32 $0xFFFFE000  }
0x203: {  	[tilespmem:s3], [sflag:$0x1] =	stream.linear.gather [hbm4b:s29+s3], $0x80, $0x38;
	[tilespmem:$0x4100] =	vst v63  }
0x204: {  	[smem:$0x7F2] =	sst s29  }
0x205: {  	[tilespmem:s5], [sflag:$0x3] =	stream.linear.gather [hbm4b:s23+s3], $0x2000, $0x38;
	[tilespmem:$0x4100] =	vst v63  }
0x206: {  	_ =	swait.ge [sflag:s13], $0x80  }
0x207: {  	[sflag:s13] =	ssyncset.done $0x0  }
0x208: {  	[sflag:s13] =	ssyncadd.s32 $0xFFFFFF80  }
0x209: {  	_ =	swait.ge [sflag:s14], $0x2000  }
0x20a: {  	[sflag:s14] =	ssyncset.done $0x0  }
0x20b: {  	[sflag:s14] =	ssyncadd.s32 $0xFFFFE000  }
0x20c: {  	[hbm4b:s4+s7] =	stream.indirect.scatter [tilespmem:s8], [sflag:$0x6], $0x40, s7, s7, $0xb8;
	[tilespmem:$0x4100] =	vst v63  }
0x20d: {  	_ =	swait.ge [sflag:s15], $0x2000  }
0x20e: {  	[sflag:s15] =	ssyncset.done $0x0  }
0x20f: {  	s24 =	sld [smem:$0x7F3];
	[sflag:s15] =	ssyncadd.s32 $0xFFFFE000  }
0x210: {  	[tilespmem:s7], [sflag:$0x2] =	stream.linear.gather [hbm4b:s12+s3], $0x80, $0x38;
	[tilespmem:$0x4100] =	vst v63  }
0x211: {  	[smem:$0x7F4] =	sst s12  }
0x212: {  	[tilespmem:s8], [sflag:$0x4] =	stream.linear.gather [hbm4b:s24+s3], $0x2000, $0x38;
	[tilespmem:$0x4100] =	vst v63  }
0x213: {  	_ =	swait.ge [sflag:s9], $0x80  }
0x214: {  	[sflag:s9] =	ssyncset.done $0x0  }
0x215: {  	[sflag:s9] =	ssyncadd.s32 $0xFFFFFF80  }
0x216: {  	_ =	swait.ge [sflag:s10], $0x2000  }
0x217: {  	[sflag:s10] =	ssyncset.done $0x0  }
0x218: {  	[sflag:s10] =	ssyncadd.s32 $0xFFFFE000  }
0x219: {  	[hbm4b:s4+s7] =	stream.indirect.scatter [tilespmem:s5], [sflag:$0x5], $0x40, s3, s7, $0xb8;
	[tilespmem:$0x4100] =	vst v63  }
0x21a: {  	_ =	swait.ge [sflag:s11], $0x2000  }
0x21b: {  	[sflag:s11] =	ssyncset.done $0x0  }
0x21c: {  	s25 =	sld [smem:$0x7F5];
	[sflag:s11] =	ssyncadd.s32 $0xFFFFE000  }
0x21d: {  	[tilespmem:s3], [sflag:$0x1] =	stream.linear.gather [hbm4b:s30+s3], $0x80, $0x38;
	[tilespmem:$0x4100] =	vst v63  }
0x21e: {  	[smem:$0x7F6] =	sst s30  }
0x21f: {  	[tilespmem:s5], [sflag:$0x3] =	stream.linear.gather [hbm4b:s25+s3], $0x2000, $0x38;
	[tilespmem:$0x4100] =	vst v63  }
0x220: {  	_ =	swait.ge [sflag:s13], $0x80  }
0x221: {  	[sflag:s13] =	ssyncset.done $0x0  }
0x222: {  	[sflag:s13] =	ssyncadd.s32 $0xFFFFFF80  }
0x223: {  	_ =	swait.ge [sflag:s14], $0x2000  }
0x224: {  	[sflag:s14] =	ssyncset.done $0x0  }
0x225: {  	[sflag:s14] =	ssyncadd.s32 $0xFFFFE000  }
0x226: {  	[hbm4b:s4+s7] =	stream.indirect.scatter [tilespmem:s8], [sflag:$0x6], $0x40, s7, s7, $0xb8;
	[tilespmem:$0x4100] =	vst v63  }
0x227: {  	_ =	swait.ge [sflag:s15], $0x2000  }
0x228: {  	[sflag:s15] =	ssyncset.done $0x0  }
0x229: {  	s26 =	sld [smem:$0x7F7];
	[sflag:s15] =	ssyncadd.s32 $0xFFFFE000  }
0x22a: {  	[tilespmem:s7], [sflag:$0x2] =	stream.linear.gather [hbm4b:s31+s3], $0x80, $0x38;
	[tilespmem:$0x4100] =	vst v63  }
0x22b: {  	[smem:$0x7F8] =	sst s31  }
0x22c: {  	[tilespmem:s8], [sflag:$0x4] =	stream.linear.gather [hbm4b:s26+s3], $0x2000, $0x38;
	[tilespmem:$0x4100] =	vst v63  }
0x22d: {  	_ =	swait.ge [sflag:s9], $0x80  }
0x22e: {  	[sflag:s9] =	ssyncset.done $0x0  }
0x22f: {  	[sflag:s9] =	ssyncadd.s32 $0xFFFFFF80  }
0x230: {  	_ =	swait.ge [sflag:s10], $0x2000  }
0x231: {  	[sflag:s10] =	ssyncset.done $0x0  }
0x232: {  	[sflag:s10] =	ssyncadd.s32 $0xFFFFE000  }
0x233: {  	[hbm4b:s4+s7] =	stream.indirect.scatter [tilespmem:s5], [sflag:$0x5], $0x40, s3, s7, $0xb8;
	[tilespmem:$0x4100] =	vst v63  }
0x234: {  	_ =	swait.ge [sflag:s11], $0x2000  }
0x235: {  	[sflag:s11] =	ssyncset.done $0x0  }
0x236: {  	s28 =	sld [smem:$0x7F9];
	[sflag:s11] =	ssyncadd.s32 $0xFFFFE000  }
0x237: {  	[tilespmem:s3], [sflag:$0x1] =	stream.linear.gather [hbm4b:s1+s3], $0x80, $0x38;
	[tilespmem:$0x4100] =	vst v63  }
0x238: {  	[smem:$0x7FA] =	sst s1  }
0x239: {  	[tilespmem:s5], [sflag:$0x3] =	stream.linear.gather [hbm4b:s28+s3], $0x2000, $0x38;
	[tilespmem:$0x4100] =	vst v63  }
0x23a: {  	_ =	swait.ge [sflag:s13], $0x80  }
0x23b: {  	[sflag:s13] =	ssyncset.done $0x0  }
0x23c: {  	[sflag:s13] =	ssyncadd.s32 $0xFFFFFF80  }
0x23d: {  	_ =	swait.ge [sflag:s14], $0x2000  }
0x23e: {  	[sflag:s14] =	ssyncset.done $0x0  }
0x23f: {  	[sflag:s14] =	ssyncadd.s32 $0xFFFFE000  }
0x240: {  	[hbm4b:s4+s7] =	stream.indirect.scatter [tilespmem:s8], [sflag:$0x6], $0x40, s7, s7, $0xb8;
	[tilespmem:$0x4100] =	vst v63  }
0x241: {  	_ =	swait.ge [sflag:s15], $0x2000  }
0x242: {  	[sflag:s15] =	ssyncset.done $0x0  }
0x243: {  	s29 =	sld [smem:$0x7FB];
	[sflag:s15] =	ssyncadd.s32 $0xFFFFE000  }
0x244: {  	[tilespmem:s7], [sflag:$0x2] =	stream.linear.gather [hbm4b:s0+s3], $0x80, $0x38;
	[tilespmem:$0x4100] =	vst v63  }
0x245: {  	[smem:$0x7FC] =	sst s0  }
0x246: {  	[tilespmem:s8], [sflag:$0x4] =	stream.linear.gather [hbm4b:s29+s3], $0x2000, $0x38;
	[tilespmem:$0x4100] =	vst v63  }
0x247: {  	_ =	swait.ge [sflag:s9], $0x80  }
0x248: {  	[sflag:s9] =	ssyncset.done $0x0  }
0x249: {  	[sflag:s9] =	ssyncadd.s32 $0xFFFFFF80  }
0x24a: {  	_ =	swait.ge [sflag:s10], $0x2000  }
0x24b: {  	[sflag:s10] =	ssyncset.done $0x0  }
0x24c: {  	[sflag:s10] =	ssyncadd.s32 $0xFFFFE000  }
0x24d: {  	[hbm4b:s4+s7] =	stream.indirect.scatter [tilespmem:s5], [sflag:$0x5], $0x40, s3, s7, $0xb8;
	[tilespmem:$0x4100] =	vst v63  }
0x24e: {  	_ =	swait.ge [sflag:s11], $0x2000  }
0x24f: {  	[sflag:s11] =	ssyncset.done $0x0  }
0x250: {  	[sflag:s11] =	ssyncadd.s32 $0xFFFFE000  }
0x251: {  	_ =	swait.ge [sflag:s13], $0x80  }
0x252: {  	s30 =	sld [smem:$0x7FD];
	_ =	sdelay $0x2  }
0x253: {  	s0 =	ssub.s32 $0x2, s30  }
0x254: {  	s31 =	sshrl.u32 s0, $0x1  }
0x255: {  	[sflag:s13] =	ssyncset.done $0x0;
	s6 =	ssub.s32 s0, s31  }
0x256: {  	[sflag:s13] =	ssyncadd.s32 $0xFFFFFF80;
	s6 =	smax.u32 s6, $0x1  }
0x257: {  	_ =	swait.ge [sflag:s14], $0x2000;
	p0 =	sne.s32 s6, $0x1  }
.Ltmp0:
0x258: {  	[sflag:s14] =	ssyncset.done $0x0;
	(pc) =	sbr.rel @!p0 .LBB2_2-.Ltmp0, $4  }
0x259: {  	[sflag:s14] =	ssyncadd.s32 $0xFFFFE000  }
0x25a: {  	[hbm4b:s4+s7] =	stream.indirect.scatter [tilespmem:s8], [sflag:$0x6], $0x40, s7, s7, $0xb8;
	[tilespmem:$0x4100] =	vst v63  }
0x25b: {  	_ =	swait.ge [sflag:s15], $0x2000  }
0x25c: {  	s6 =	sadd.s32 $0xFFFFFFFF, s6;
	[sflag:s15] =	ssyncset.done $0x0  }
.LBB2_1:
0x25d: {  	s0 =	sld [smem:$0x7DE];
	_ =	sdelay $0x1  }
0x25e: {  	s12 =	rddreg [dreg:$0x3];
	[sflag:s15] =	ssyncadd.s32 $0xFFFFE000  }
0x25f: {  	[tilespmem:s3], [sflag:$0x1] =	stream.linear.gather [hbm4b:s0+s3], $0x80, $0x38;
	[tilespmem:$0x4100] =	vst v63  }
0x260: {  	s17 =	sld [smem:$0x7DF]  }
0x261: {  	[tilespmem:s5], [sflag:$0x3] =	stream.linear.gather [hbm4b:s12+s3], $0x2000, $0x38;
	[tilespmem:$0x4100] =	vst v63  }
0x262: {  	_ = 	snop  }
0x263: {  	[tilespmem:s7], [sflag:$0x2] =	stream.linear.gather [hbm4b:s17+s3], $0x80, $0x38;
	[tilespmem:$0x4100] =	vst v63  }
0x264: {  	s20 =	rddreg [dreg:$0x4]  }
0x265: {  	[tilespmem:s8], [sflag:$0x4] =	stream.linear.gather [hbm4b:s20+s3], $0x2000, $0x38;
	[tilespmem:$0x4100] =	vst v63  }
0x266: {  	_ =	swait.ge [sflag:s9], $0x80  }
0x267: {  	[sflag:s9] =	ssyncset.done $0x0  }
0x268: {  	[sflag:s9] =	ssyncadd.s32 $0xFFFFFF80  }
0x269: {  	_ =	swait.ge [sflag:s10], $0x2000  }
0x26a: {  	[sflag:s10] =	ssyncset.done $0x0  }
0x26b: {  	[sflag:s10] =	ssyncadd.s32 $0xFFFFE000  }
0x26c: {  	[hbm4b:s2+s7] =	stream.indirect.scatter [tilespmem:s5], [sflag:$0x5], $0x40, s3, s7, $0xb8;
	[tilespmem:$0x4100] =	vst v63  }
0x26d: {  	_ =	swait.ge [sflag:s11], $0x2000  }
0x26e: {  	s18 =	sld [smem:$0x7E0]  }
0x26f: {  	[sflag:s11] =	ssyncset.done $0x0  }
0x270: {  	[sflag:s11] =	ssyncadd.s32 $0xFFFFE000  }
0x271: {  	[tilespmem:s3], [sflag:$0x1] =	stream.linear.gather [hbm4b:s18+s3], $0x80, $0x38;
	[tilespmem:$0x4100] =	vst v63  }
0x272: {  	s21 =	rddreg [dreg:$0x5]  }
0x273: {  	[tilespmem:s5], [sflag:$0x3] =	stream.linear.gather [hbm4b:s21+s3], $0x2000, $0x38;
	[tilespmem:$0x4100] =	vst v63  }
0x274: {  	_ =	swait.ge [sflag:s13], $0x80  }
0x275: {  	[sflag:s13] =	ssyncset.done $0x0  }
0x276: {  	[sflag:s13] =	ssyncadd.s32 $0xFFFFFF80  }
0x277: {  	_ =	swait.ge [sflag:s14], $0x2000  }
0x278: {  	[sflag:s14] =	ssyncset.done $0x0  }
0x279: {  	[sflag:s14] =	ssyncadd.s32 $0xFFFFE000  }
0x27a: {  	[hbm4b:s2+s7] =	stream.indirect.scatter [tilespmem:s8], [sflag:$0x6], $0x40, s7, s7, $0xb8;
	[tilespmem:$0x4100] =	vst v63  }
0x27b: {  	_ =	swait.ge [sflag:s15], $0x2000  }
0x27c: {  	s19 =	sld [smem:$0x7E1]  }
0x27d: {  	[sflag:s15] =	ssyncset.done $0x0  }
0x27e: {  	[sflag:s15] =	ssyncadd.s32 $0xFFFFE000  }
0x27f: {  	[tilespmem:s7], [sflag:$0x2] =	stream.linear.gather [hbm4b:s19+s3], $0x80, $0x38;
	[tilespmem:$0x4100] =	vst v63  }
0x280: {  	s22 =	rddreg [dreg:$0x6]  }
0x281: {  	[tilespmem:s8], [sflag:$0x4] =	stream.linear.gather [hbm4b:s22+s3], $0x2000, $0x38;
	[tilespmem:$0x4100] =	vst v63  }
0x282: {  	_ =	swait.ge [sflag:s9], $0x80  }
0x283: {  	[sflag:s9] =	ssyncset.done $0x0  }
0x284: {  	[sflag:s9] =	ssyncadd.s32 $0xFFFFFF80  }
0x285: {  	_ =	swait.ge [sflag:s10], $0x2000  }
0x286: {  	[sflag:s10] =	ssyncset.done $0x0  }
0x287: {  	[sflag:s10] =	ssyncadd.s32 $0xFFFFE000  }
0x288: {  	[hbm4b:s2+s7] =	stream.indirect.scatter [tilespmem:s5], [sflag:$0x5], $0x40, s3, s7, $0xb8;
	[tilespmem:$0x4100] =	vst v63  }
0x289: {  	_ =	swait.ge [sflag:s11], $0x2000  }
0x28a: {  	s20 =	sld [smem:$0x7E2]  }
0x28b: {  	[sflag:s11] =	ssyncset.done $0x0  }
0x28c: {  	[sflag:s11] =	ssyncadd.s32 $0xFFFFE000  }
0x28d: {  	[tilespmem:s3], [sflag:$0x1] =	stream.linear.gather [hbm4b:s20+s3], $0x80, $0x38;
	[tilespmem:$0x4100] =	vst v63  }
0x28e: {  	s23 =	rddreg [dreg:$0x7]  }
0x28f: {  	[tilespmem:s5], [sflag:$0x3] =	stream.linear.gather [hbm4b:s23+s3], $0x2000, $0x38;
	[tilespmem:$0x4100] =	vst v63  }
0x290: {  	_ =	swait.ge [sflag:s13], $0x80  }
0x291: {  	[sflag:s13] =	ssyncset.done $0x0  }
0x292: {  	[sflag:s13] =	ssyncadd.s32 $0xFFFFFF80  }
0x293: {  	_ =	swait.ge [sflag:s14], $0x2000  }
0x294: {  	[sflag:s14] =	ssyncset.done $0x0  }
0x295: {  	[sflag:s14] =	ssyncadd.s32 $0xFFFFE000  }
0x296: {  	[hbm4b:s2+s7] =	stream.indirect.scatter [tilespmem:s8], [sflag:$0x6], $0x40, s7, s7, $0xb8;
	[tilespmem:$0x4100] =	vst v63  }
0x297: {  	_ =	swait.ge [sflag:s15], $0x2000  }
0x298: {  	s21 =	sld [smem:$0x7E3]  }
0x299: {  	[sflag:s15] =	ssyncset.done $0x0  }
0x29a: {  	[sflag:s15] =	ssyncadd.s32 $0xFFFFE000  }
0x29b: {  	[tilespmem:s7], [sflag:$0x2] =	stream.linear.gather [hbm4b:s21+s3], $0x80, $0x38;
	[tilespmem:$0x4100] =	vst v63  }
0x29c: {  	s24 =	rddreg [dreg:$0x8]  }
0x29d: {  	[tilespmem:s8], [sflag:$0x4] =	stream.linear.gather [hbm4b:s24+s3], $0x2000, $0x38;
	[tilespmem:$0x4100] =	vst v63  }
0x29e: {  	_ =	swait.ge [sflag:s9], $0x80  }
0x29f: {  	[sflag:s9] =	ssyncset.done $0x0  }
0x2a0: {  	[sflag:s9] =	ssyncadd.s32 $0xFFFFFF80  }
0x2a1: {  	_ =	swait.ge [sflag:s10], $0x2000  }
0x2a2: {  	[sflag:s10] =	ssyncset.done $0x0  }
0x2a3: {  	[sflag:s10] =	ssyncadd.s32 $0xFFFFE000  }
0x2a4: {  	[hbm4b:s2+s7] =	stream.indirect.scatter [tilespmem:s5], [sflag:$0x5], $0x40, s3, s7, $0xb8;
	[tilespmem:$0x4100] =	vst v63  }
0x2a5: {  	_ =	swait.ge [sflag:s11], $0x2000  }
0x2a6: {  	s22 =	sld [smem:$0x7E4]  }
0x2a7: {  	[sflag:s11] =	ssyncset.done $0x0  }
0x2a8: {  	[sflag:s11] =	ssyncadd.s32 $0xFFFFE000  }
0x2a9: {  	[tilespmem:s3], [sflag:$0x1] =	stream.linear.gather [hbm4b:s22+s3], $0x80, $0x38;
	[tilespmem:$0x4100] =	vst v63  }
0x2aa: {  	s25 =	rddreg [dreg:$0x9]  }
0x2ab: {  	[tilespmem:s5], [sflag:$0x3] =	stream.linear.gather [hbm4b:s25+s3], $0x2000, $0x38;
	[tilespmem:$0x4100] =	vst v63  }
0x2ac: {  	_ =	swait.ge [sflag:s13], $0x80  }
0x2ad: {  	[sflag:s13] =	ssyncset.done $0x0  }
0x2ae: {  	[sflag:s13] =	ssyncadd.s32 $0xFFFFFF80  }
0x2af: {  	_ =	swait.ge [sflag:s14], $0x2000  }
0x2b0: {  	[sflag:s14] =	ssyncset.done $0x0  }
0x2b1: {  	[sflag:s14] =	ssyncadd.s32 $0xFFFFE000  }
0x2b2: {  	[hbm4b:s2+s7] =	stream.indirect.scatter [tilespmem:s8], [sflag:$0x6], $0x40, s7, s7, $0xb8;
	[tilespmem:$0x4100] =	vst v63  }
0x2b3: {  	_ =	swait.ge [sflag:s15], $0x2000  }
0x2b4: {  	s23 =	sld [smem:$0x7E5]  }
0x2b5: {  	[sflag:s15] =	ssyncset.done $0x0  }
0x2b6: {  	[sflag:s15] =	ssyncadd.s32 $0xFFFFE000  }
0x2b7: {  	[tilespmem:s7], [sflag:$0x2] =	stream.linear.gather [hbm4b:s23+s3], $0x80, $0x38;
	[tilespmem:$0x4100] =	vst v63  }
0x2b8: {  	s26 =	rddreg [dreg:$0xa]  }
0x2b9: {  	[tilespmem:s8], [sflag:$0x4] =	stream.linear.gather [hbm4b:s26+s3], $0x2000, $0x38;
	[tilespmem:$0x4100] =	vst v63  }
0x2ba: {  	_ =	swait.ge [sflag:s9], $0x80  }
0x2bb: {  	[sflag:s9] =	ssyncset.done $0x0  }
0x2bc: {  	[sflag:s9] =	ssyncadd.s32 $0xFFFFFF80  }
0x2bd: {  	_ =	swait.ge [sflag:s10], $0x2000  }
0x2be: {  	[sflag:s10] =	ssyncset.done $0x0  }
0x2bf: {  	[sflag:s10] =	ssyncadd.s32 $0xFFFFE000  }
0x2c0: {  	[hbm4b:s2+s7] =	stream.indirect.scatter [tilespmem:s5], [sflag:$0x5], $0x40, s3, s7, $0xb8;
	[tilespmem:$0x4100] =	vst v63  }
0x2c1: {  	_ =	swait.ge [sflag:s11], $0x2000  }
0x2c2: {  	s24 =	sld [smem:$0x7E6]  }
0x2c3: {  	[sflag:s11] =	ssyncset.done $0x0  }
0x2c4: {  	[sflag:s11] =	ssyncadd.s32 $0xFFFFE000  }
0x2c5: {  	[tilespmem:s3], [sflag:$0x1] =	stream.linear.gather [hbm4b:s24+s3], $0x80, $0x38;
	[tilespmem:$0x4100] =	vst v63  }
0x2c6: {  	s28 =	rddreg [dreg:$0xb]  }
0x2c7: {  	[tilespmem:s5], [sflag:$0x3] =	stream.linear.gather [hbm4b:s28+s3], $0x2000, $0x38;
	[tilespmem:$0x4100] =	vst v63  }
0x2c8: {  	_ =	swait.ge [sflag:s13], $0x80  }
0x2c9: {  	[sflag:s13] =	ssyncset.done $0x0  }
0x2ca: {  	[sflag:s13] =	ssyncadd.s32 $0xFFFFFF80  }
0x2cb: {  	_ =	swait.ge [sflag:s14], $0x2000  }
0x2cc: {  	[sflag:s14] =	ssyncset.done $0x0  }
0x2cd: {  	[sflag:s14] =	ssyncadd.s32 $0xFFFFE000  }
0x2ce: {  	[hbm4b:s2+s7] =	stream.indirect.scatter [tilespmem:s8], [sflag:$0x6], $0x40, s7, s7, $0xb8;
	[tilespmem:$0x4100] =	vst v63  }
0x2cf: {  	_ =	swait.ge [sflag:s15], $0x2000  }
0x2d0: {  	s25 =	sld [smem:$0x7E8]  }
0x2d1: {  	[sflag:s15] =	ssyncset.done $0x0  }
0x2d2: {  	[sflag:s15] =	ssyncadd.s32 $0xFFFFE000  }
0x2d3: {  	[tilespmem:s7], [sflag:$0x2] =	stream.linear.gather [hbm4b:s25+s3], $0x80, $0x38;
	[tilespmem:$0x4100] =	vst v63  }
0x2d4: {  	s29 =	rddreg [dreg:$0xc]  }
0x2d5: {  	[tilespmem:s8], [sflag:$0x4] =	stream.linear.gather [hbm4b:s29+s3], $0x2000, $0x38;
	[tilespmem:$0x4100] =	vst v63  }
0x2d6: {  	_ =	swait.ge [sflag:s9], $0x80  }
0x2d7: {  	[sflag:s9] =	ssyncset.done $0x0  }
0x2d8: {  	[sflag:s9] =	ssyncadd.s32 $0xFFFFFF80  }
0x2d9: {  	_ =	swait.ge [sflag:s10], $0x2000  }
0x2da: {  	[sflag:s10] =	ssyncset.done $0x0  }
0x2db: {  	[sflag:s10] =	ssyncadd.s32 $0xFFFFE000  }
0x2dc: {  	[hbm4b:s2+s7] =	stream.indirect.scatter [tilespmem:s5], [sflag:$0x5], $0x40, s3, s7, $0xb8;
	[tilespmem:$0x4100] =	vst v63  }
0x2dd: {  	_ =	swait.ge [sflag:s11], $0x2000  }
0x2de: {  	s26 =	sld [smem:$0x7EA]  }
0x2df: {  	[sflag:s11] =	ssyncset.done $0x0  }
0x2e0: {  	[sflag:s11] =	ssyncadd.s32 $0xFFFFE000  }
0x2e1: {  	[tilespmem:s3], [sflag:$0x1] =	stream.linear.gather [hbm4b:s26+s3], $0x80, $0x38;
	[tilespmem:$0x4100] =	vst v63  }
0x2e2: {  	s30 =	rddreg [dreg:$0xd]  }
0x2e3: {  	[tilespmem:s5], [sflag:$0x3] =	stream.linear.gather [hbm4b:s30+s3], $0x2000, $0x38;
	[tilespmem:$0x4100] =	vst v63  }
0x2e4: {  	_ =	swait.ge [sflag:s13], $0x80  }
0x2e5: {  	[sflag:s13] =	ssyncset.done $0x0  }
0x2e6: {  	[sflag:s13] =	ssyncadd.s32 $0xFFFFFF80  }
0x2e7: {  	_ =	swait.ge [sflag:s14], $0x2000  }
0x2e8: {  	[sflag:s14] =	ssyncset.done $0x0  }
0x2e9: {  	[sflag:s14] =	ssyncadd.s32 $0xFFFFE000  }
0x2ea: {  	[hbm4b:s2+s7] =	stream.indirect.scatter [tilespmem:s8], [sflag:$0x6], $0x40, s7, s7, $0xb8;
	[tilespmem:$0x4100] =	vst v63  }
0x2eb: {  	_ =	swait.ge [sflag:s15], $0x2000  }
0x2ec: {  	s28 =	sld [smem:$0x7EC]  }
0x2ed: {  	[sflag:s15] =	ssyncset.done $0x0  }
0x2ee: {  	[sflag:s15] =	ssyncadd.s32 $0xFFFFE000  }
0x2ef: {  	[tilespmem:s7], [sflag:$0x2] =	stream.linear.gather [hbm4b:s28+s3], $0x80, $0x38;
	[tilespmem:$0x4100] =	vst v63  }
0x2f0: {  	s31 =	rddreg [dreg:$0xe]  }
0x2f1: {  	[tilespmem:s8], [sflag:$0x4] =	stream.linear.gather [hbm4b:s31+s3], $0x2000, $0x38;
	[tilespmem:$0x4100] =	vst v63  }
0x2f2: {  	_ =	swait.ge [sflag:s9], $0x80  }
0x2f3: {  	[sflag:s9] =	ssyncset.done $0x0  }
0x2f4: {  	[sflag:s9] =	ssyncadd.s32 $0xFFFFFF80  }
0x2f5: {  	_ =	swait.ge [sflag:s10], $0x2000  }
0x2f6: {  	[sflag:s10] =	ssyncset.done $0x0  }
0x2f7: {  	[sflag:s10] =	ssyncadd.s32 $0xFFFFE000  }
0x2f8: {  	[hbm4b:s2+s7] =	stream.indirect.scatter [tilespmem:s5], [sflag:$0x5], $0x40, s3, s7, $0xb8;
	[tilespmem:$0x4100] =	vst v63  }
0x2f9: {  	_ =	swait.ge [sflag:s11], $0x2000  }
0x2fa: {  	s29 =	sld [smem:$0x7EE]  }
0x2fb: {  	[sflag:s11] =	ssyncset.done $0x0  }
0x2fc: {  	[sflag:s11] =	ssyncadd.s32 $0xFFFFE000  }
0x2fd: {  	[tilespmem:s3], [sflag:$0x1] =	stream.linear.gather [hbm4b:s29+s3], $0x80, $0x38;
	[tilespmem:$0x4100] =	vst v63  }
0x2fe: {  	s0 =	rddreg [dreg:$0xf]  }
0x2ff: {  	[tilespmem:s5], [sflag:$0x3] =	stream.linear.gather [hbm4b:s0+s3], $0x2000, $0x38;
	[tilespmem:$0x4100] =	vst v63  }
0x300: {  	_ =	swait.ge [sflag:s13], $0x80  }
0x301: {  	[sflag:s13] =	ssyncset.done $0x0  }
0x302: {  	[sflag:s13] =	ssyncadd.s32 $0xFFFFFF80  }
0x303: {  	_ =	swait.ge [sflag:s14], $0x2000  }
0x304: {  	[sflag:s14] =	ssyncset.done $0x0  }
0x305: {  	[sflag:s14] =	ssyncadd.s32 $0xFFFFE000  }
0x306: {  	[hbm4b:s2+s7] =	stream.indirect.scatter [tilespmem:s8], [sflag:$0x6], $0x40, s7, s7, $0xb8;
	[tilespmem:$0x4100] =	vst v63  }
0x307: {  	_ =	swait.ge [sflag:s15], $0x2000  }
0x308: {  	s30 =	sld [smem:$0x7F0]  }
0x309: {  	[sflag:s15] =	ssyncset.done $0x0  }
0x30a: {  	[sflag:s15] =	ssyncadd.s32 $0xFFFFE000  }
0x30b: {  	[tilespmem:s7], [sflag:$0x2] =	stream.linear.gather [hbm4b:s30+s3], $0x80, $0x38;
	[tilespmem:$0x4100] =	vst v63  }
0x30c: {  	s1 =	rddreg [dreg:$0x10]  }
0x30d: {  	[tilespmem:s8], [sflag:$0x4] =	stream.linear.gather [hbm4b:s1+s3], $0x2000, $0x38;
	[tilespmem:$0x4100] =	vst v63  }
0x30e: {  	_ =	swait.ge [sflag:s9], $0x80  }
0x30f: {  	[sflag:s9] =	ssyncset.done $0x0  }
0x310: {  	[sflag:s9] =	ssyncadd.s32 $0xFFFFFF80  }
0x311: {  	_ =	swait.ge [sflag:s10], $0x2000  }
0x312: {  	[sflag:s10] =	ssyncset.done $0x0  }
0x313: {  	[sflag:s10] =	ssyncadd.s32 $0xFFFFE000  }
0x314: {  	[hbm4b:s2+s7] =	stream.indirect.scatter [tilespmem:s5], [sflag:$0x5], $0x40, s3, s7, $0xb8;
	[tilespmem:$0x4100] =	vst v63  }
0x315: {  	_ =	swait.ge [sflag:s11], $0x2000  }
0x316: {  	s31 =	sld [smem:$0x7F2]  }
0x317: {  	[sflag:s11] =	ssyncset.done $0x0  }
0x318: {  	[sflag:s11] =	ssyncadd.s32 $0xFFFFE000  }
0x319: {  	[tilespmem:s3], [sflag:$0x1] =	stream.linear.gather [hbm4b:s31+s3], $0x80, $0x38;
	[tilespmem:$0x4100] =	vst v63  }
0x31a: {  	s16 =	rddreg [dreg:$0x11]  }
0x31b: {  	[tilespmem:s5], [sflag:$0x3] =	stream.linear.gather [hbm4b:s16+s3], $0x2000, $0x38;
	[tilespmem:$0x4100] =	vst v63  }
0x31c: {  	_ =	swait.ge [sflag:s13], $0x80  }
0x31d: {  	[sflag:s13] =	ssyncset.done $0x0  }
0x31e: {  	[sflag:s13] =	ssyncadd.s32 $0xFFFFFF80  }
0x31f: {  	_ =	swait.ge [sflag:s14], $0x2000  }
0x320: {  	[sflag:s14] =	ssyncset.done $0x0  }
0x321: {  	[sflag:s14] =	ssyncadd.s32 $0xFFFFE000  }
0x322: {  	[hbm4b:s2+s7] =	stream.indirect.scatter [tilespmem:s8], [sflag:$0x6], $0x40, s7, s7, $0xb8;
	[tilespmem:$0x4100] =	vst v63  }
0x323: {  	_ =	swait.ge [sflag:s15], $0x2000  }
0x324: {  	s1 =	sld [smem:$0x7F4]  }
0x325: {  	[sflag:s15] =	ssyncset.done $0x0  }
0x326: {  	[sflag:s15] =	ssyncadd.s32 $0xFFFFE000  }
0x327: {  	[tilespmem:s7], [sflag:$0x2] =	stream.linear.gather [hbm4b:s1+s3], $0x80, $0x38;
	[tilespmem:$0x4100] =	vst v63  }
0x328: {  	s0 =	rddreg [dreg:$0x12]  }
0x329: {  	[tilespmem:s8], [sflag:$0x4] =	stream.linear.gather [hbm4b:s0+s3], $0x2000, $0x38;
	[tilespmem:$0x4100] =	vst v63  }
0x32a: {  	_ =	swait.ge [sflag:s9], $0x80  }
0x32b: {  	[sflag:s9] =	ssyncset.done $0x0  }
0x32c: {  	[sflag:s9] =	ssyncadd.s32 $0xFFFFFF80  }
0x32d: {  	_ =	swait.ge [sflag:s10], $0x2000  }
0x32e: {  	[sflag:s10] =	ssyncset.done $0x0  }
0x32f: {  	[sflag:s10] =	ssyncadd.s32 $0xFFFFE000  }
0x330: {  	[hbm4b:s2+s7] =	stream.indirect.scatter [tilespmem:s5], [sflag:$0x5], $0x40, s3, s7, $0xb8;
	[tilespmem:$0x4100] =	vst v63  }
0x331: {  	_ =	swait.ge [sflag:s11], $0x2000  }
0x332: {  	s16 =	sld [smem:$0x7F6]  }
0x333: {  	[sflag:s11] =	ssyncset.done $0x0  }
0x334: {  	[sflag:s11] =	ssyncadd.s32 $0xFFFFE000  }
0x335: {  	[tilespmem:s3], [sflag:$0x1] =	stream.linear.gather [hbm4b:s16+s3], $0x80, $0x38;
	[tilespmem:$0x4100] =	vst v63  }
0x336: {  	s12 =	rddreg [dreg:$0x13]  }
0x337: {  	[tilespmem:s5], [sflag:$0x3] =	stream.linear.gather [hbm4b:s12+s3], $0x2000, $0x38;
	[tilespmem:$0x4100] =	vst v63  }
0x338: {  	_ =	swait.ge [sflag:s13], $0x80  }
0x339: {  	[sflag:s13] =	ssyncset.done $0x0  }
0x33a: {  	[sflag:s13] =	ssyncadd.s32 $0xFFFFFF80  }
0x33b: {  	_ =	swait.ge [sflag:s14], $0x2000  }
0x33c: {  	[sflag:s14] =	ssyncset.done $0x0  }
0x33d: {  	[sflag:s14] =	ssyncadd.s32 $0xFFFFE000  }
0x33e: {  	[hbm4b:s2+s7] =	stream.indirect.scatter [tilespmem:s8], [sflag:$0x6], $0x40, s7, s7, $0xb8;
	[tilespmem:$0x4100] =	vst v63  }
0x33f: {  	_ =	swait.ge [sflag:s15], $0x2000  }
0x340: {  	s16 =	sld [smem:$0x7F8]  }
0x341: {  	[sflag:s15] =	ssyncset.done $0x0  }
0x342: {  	[sflag:s15] =	ssyncadd.s32 $0xFFFFE000  }
0x343: {  	[tilespmem:s7], [sflag:$0x2] =	stream.linear.gather [hbm4b:s16+s3], $0x80, $0x38;
	[tilespmem:$0x4100] =	vst v63  }
0x344: {  	s0 =	rddreg [dreg:$0x14]  }
0x345: {  	[tilespmem:s8], [sflag:$0x4] =	stream.linear.gather [hbm4b:s0+s3], $0x2000, $0x38;
	[tilespmem:$0x4100] =	vst v63  }
0x346: {  	_ =	swait.ge [sflag:s9], $0x80  }
0x347: {  	[sflag:s9] =	ssyncset.done $0x0  }
0x348: {  	[sflag:s9] =	ssyncadd.s32 $0xFFFFFF80  }
0x349: {  	_ =	swait.ge [sflag:s10], $0x2000  }
0x34a: {  	[sflag:s10] =	ssyncset.done $0x0  }
0x34b: {  	[sflag:s10] =	ssyncadd.s32 $0xFFFFE000  }
0x34c: {  	[hbm4b:s2+s7] =	stream.indirect.scatter [tilespmem:s5], [sflag:$0x5], $0x40, s3, s7, $0xb8;
	[tilespmem:$0x4100] =	vst v63  }
0x34d: {  	_ =	swait.ge [sflag:s11], $0x2000  }
0x34e: {  	s0 =	sld [smem:$0x7FA]  }
0x34f: {  	[sflag:s11] =	ssyncset.done $0x0  }
0x350: {  	[sflag:s11] =	ssyncadd.s32 $0xFFFFE000  }
0x351: {  	[tilespmem:s3], [sflag:$0x1] =	stream.linear.gather [hbm4b:s0+s3], $0x80, $0x38;
	[tilespmem:$0x4100] =	vst v63  }
0x352: {  	s12 =	rddreg [dreg:$0x15]  }
0x353: {  	[tilespmem:s5], [sflag:$0x3] =	stream.linear.gather [hbm4b:s12+s3], $0x2000, $0x38;
	[tilespmem:$0x4100] =	vst v63  }
0x354: {  	_ =	swait.ge [sflag:s13], $0x80  }
0x355: {  	[sflag:s13] =	ssyncset.done $0x0  }
0x356: {  	[sflag:s13] =	ssyncadd.s32 $0xFFFFFF80  }
0x357: {  	_ =	swait.ge [sflag:s14], $0x2000  }
0x358: {  	[sflag:s14] =	ssyncset.done $0x0  }
0x359: {  	[sflag:s14] =	ssyncadd.s32 $0xFFFFE000  }
0x35a: {  	[hbm4b:s2+s7] =	stream.indirect.scatter [tilespmem:s8], [sflag:$0x6], $0x40, s7, s7, $0xb8;
	[tilespmem:$0x4100] =	vst v63  }
0x35b: {  	_ =	swait.ge [sflag:s15], $0x2000  }
0x35c: {  	s0 =	sld [smem:$0x7FC]  }
0x35d: {  	[sflag:s15] =	ssyncset.done $0x0  }
0x35e: {  	[sflag:s15] =	ssyncadd.s32 $0xFFFFE000  }
0x35f: {  	[tilespmem:s7], [sflag:$0x2] =	stream.linear.gather [hbm4b:s0+s3], $0x80, $0x38;
	[tilespmem:$0x4100] =	vst v63  }
0x360: {  	s12 =	rddreg [dreg:$0x16]  }
0x361: {  	[tilespmem:s8], [sflag:$0x4] =	stream.linear.gather [hbm4b:s12+s3], $0x2000, $0x38;
	[tilespmem:$0x4100] =	vst v63  }
0x362: {  	_ =	swait.ge [sflag:s9], $0x80  }
0x363: {  	[sflag:s9] =	ssyncset.done $0x0  }
0x364: {  	[sflag:s9] =	ssyncadd.s32 $0xFFFFFF80  }
0x365: {  	_ =	swait.ge [sflag:s10], $0x2000  }
0x366: {  	[sflag:s10] =	ssyncset.done $0x0  }
0x367: {  	[sflag:s10] =	ssyncadd.s32 $0xFFFFE000  }
0x368: {  	[hbm4b:s2+s7] =	stream.indirect.scatter [tilespmem:s5], [sflag:$0x5], $0x40, s3, s7, $0xb8;
	[tilespmem:$0x4100] =	vst v63  }
0x369: {  	_ =	swait.ge [sflag:s11], $0x2000  }
0x36a: {  	[sflag:s11] =	ssyncset.done $0x0  }
0x36b: {  	[sflag:s11] =	ssyncadd.s32 $0xFFFFE000  }
0x36c: {  	_ =	swait.ge [sflag:s13], $0x80  }
0x36d: {  	[sflag:s13] =	ssyncset.done $0x0  }
0x36e: {  	[sflag:s13] =	ssyncadd.s32 $0xFFFFFF80  }
0x36f: {  	_ =	swait.ge [sflag:s14], $0x2000  }
0x370: {  	[sflag:s14] =	ssyncset.done $0x0  }
0x371: {  	[sflag:s14] =	ssyncadd.s32 $0xFFFFE000  }
0x372: {  	[hbm4b:s2+s7] =	stream.indirect.scatter [tilespmem:s8], [sflag:$0x6], $0x40, s7, s7, $0xb8;
	[tilespmem:$0x4100] =	vst v63  }
0x373: {  	_ =	swait.ge [sflag:s15], $0x2000  }
0x374: {  	s0 =	sld [smem:$0x7DE]  }
0x375: {  	[sflag:s15] =	ssyncset.done $0x0  }
0x376: {  	[sflag:s15] =	ssyncadd.s32 $0xFFFFE000  }
0x377: {  	[tilespmem:s3], [sflag:$0x1] =	stream.linear.gather [hbm4b:s0+s3], $0x80, $0x38;
	[tilespmem:$0x4100] =	vst v63  }
0x378: {  	s12 =	rddreg [dreg:$0x17]  }
0x379: {  	[tilespmem:s5], [sflag:$0x3] =	stream.linear.gather [hbm4b:s12+s3], $0x2000, $0x38;
	[tilespmem:$0x4100] =	vst v63  }
0x37a: {  	_ = 	snop  }
0x37b: {  	[tilespmem:s7], [sflag:$0x2] =	stream.linear.gather [hbm4b:s17+s3], $0x80, $0x38;
	[tilespmem:$0x4100] =	vst v63  }
0x37c: {  	s0 =	rddreg [dreg:$0x18]  }
0x37d: {  	[tilespmem:s8], [sflag:$0x4] =	stream.linear.gather [hbm4b:s0+s3], $0x2000, $0x38;
	[tilespmem:$0x4100] =	vst v63  }
0x37e: {  	_ =	swait.ge [sflag:s9], $0x80  }
0x37f: {  	[sflag:s9] =	ssyncset.done $0x0  }
0x380: {  	[sflag:s9] =	ssyncadd.s32 $0xFFFFFF80  }
0x381: {  	_ =	swait.ge [sflag:s10], $0x2000  }
0x382: {  	[sflag:s10] =	ssyncset.done $0x0  }
0x383: {  	[sflag:s10] =	ssyncadd.s32 $0xFFFFE000  }
0x384: {  	[hbm4b:s4+s7] =	stream.indirect.scatter [tilespmem:s5], [sflag:$0x5], $0x40, s3, s7, $0xb8;
	[tilespmem:$0x4100] =	vst v63  }
0x385: {  	_ =	swait.ge [sflag:s11], $0x2000  }
0x386: {  	[sflag:s11] =	ssyncset.done $0x0  }
0x387: {  	[sflag:s11] =	ssyncadd.s32 $0xFFFFE000  }
0x388: {  	[tilespmem:s3], [sflag:$0x1] =	stream.linear.gather [hbm4b:s18+s3], $0x80, $0x38;
	[tilespmem:$0x4100] =	vst v63  }
0x389: {  	s17 =	rddreg [dreg:$0x19]  }
0x38a: {  	[tilespmem:s5], [sflag:$0x3] =	stream.linear.gather [hbm4b:s17+s3], $0x2000, $0x38;
	[tilespmem:$0x4100] =	vst v63  }
0x38b: {  	_ =	swait.ge [sflag:s13], $0x80  }
0x38c: {  	[sflag:s13] =	ssyncset.done $0x0  }
0x38d: {  	[sflag:s13] =	ssyncadd.s32 $0xFFFFFF80  }
0x38e: {  	_ =	swait.ge [sflag:s14], $0x2000  }
0x38f: {  	[sflag:s14] =	ssyncset.done $0x0  }
0x390: {  	[sflag:s14] =	ssyncadd.s32 $0xFFFFE000  }
0x391: {  	[hbm4b:s4+s7] =	stream.indirect.scatter [tilespmem:s8], [sflag:$0x6], $0x40, s7, s7, $0xb8;
	[tilespmem:$0x4100] =	vst v63  }
0x392: {  	_ =	swait.ge [sflag:s15], $0x2000  }
0x393: {  	[sflag:s15] =	ssyncset.done $0x0  }
0x394: {  	[sflag:s15] =	ssyncadd.s32 $0xFFFFE000  }
0x395: {  	[tilespmem:s7], [sflag:$0x2] =	stream.linear.gather [hbm4b:s19+s3], $0x80, $0x38;
	[tilespmem:$0x4100] =	vst v63  }
0x396: {  	s18 =	rddreg [dreg:$0x1a]  }
0x397: {  	[tilespmem:s8], [sflag:$0x4] =	stream.linear.gather [hbm4b:s18+s3], $0x2000, $0x38;
	[tilespmem:$0x4100] =	vst v63  }
0x398: {  	_ =	swait.ge [sflag:s9], $0x80  }
0x399: {  	[sflag:s9] =	ssyncset.done $0x0  }
0x39a: {  	[sflag:s9] =	ssyncadd.s32 $0xFFFFFF80  }
0x39b: {  	_ =	swait.ge [sflag:s10], $0x2000  }
0x39c: {  	[sflag:s10] =	ssyncset.done $0x0  }
0x39d: {  	[sflag:s10] =	ssyncadd.s32 $0xFFFFE000  }
0x39e: {  	[hbm4b:s4+s7] =	stream.indirect.scatter [tilespmem:s5], [sflag:$0x5], $0x40, s3, s7, $0xb8;
	[tilespmem:$0x4100] =	vst v63  }
0x39f: {  	_ =	swait.ge [sflag:s11], $0x2000  }
0x3a0: {  	[sflag:s11] =	ssyncset.done $0x0  }
0x3a1: {  	[sflag:s11] =	ssyncadd.s32 $0xFFFFE000  }
0x3a2: {  	[tilespmem:s3], [sflag:$0x1] =	stream.linear.gather [hbm4b:s20+s3], $0x80, $0x38;
	[tilespmem:$0x4100] =	vst v63  }
0x3a3: {  	s19 =	rddreg [dreg:$0x1b]  }
0x3a4: {  	[tilespmem:s5], [sflag:$0x3] =	stream.linear.gather [hbm4b:s19+s3], $0x2000, $0x38;
	[tilespmem:$0x4100] =	vst v63  }
0x3a5: {  	_ =	swait.ge [sflag:s13], $0x80  }
0x3a6: {  	[sflag:s13] =	ssyncset.done $0x0  }
0x3a7: {  	[sflag:s13] =	ssyncadd.s32 $0xFFFFFF80  }
0x3a8: {  	_ =	swait.ge [sflag:s14], $0x2000  }
0x3a9: {  	[sflag:s14] =	ssyncset.done $0x0  }
0x3aa: {  	[sflag:s14] =	ssyncadd.s32 $0xFFFFE000  }
0x3ab: {  	[hbm4b:s4+s7] =	stream.indirect.scatter [tilespmem:s8], [sflag:$0x6], $0x40, s7, s7, $0xb8;
	[tilespmem:$0x4100] =	vst v63  }
0x3ac: {  	_ =	swait.ge [sflag:s15], $0x2000  }
0x3ad: {  	[sflag:s15] =	ssyncset.done $0x0  }
0x3ae: {  	[sflag:s15] =	ssyncadd.s32 $0xFFFFE000  }
0x3af: {  	[tilespmem:s7], [sflag:$0x2] =	stream.linear.gather [hbm4b:s21+s3], $0x80, $0x38;
	[tilespmem:$0x4100] =	vst v63  }
0x3b0: {  	s20 =	rddreg [dreg:$0x1c]  }
0x3b1: {  	[tilespmem:s8], [sflag:$0x4] =	stream.linear.gather [hbm4b:s20+s3], $0x2000, $0x38;
	[tilespmem:$0x4100] =	vst v63  }
0x3b2: {  	_ =	swait.ge [sflag:s9], $0x80  }
0x3b3: {  	[sflag:s9] =	ssyncset.done $0x0  }
0x3b4: {  	[sflag:s9] =	ssyncadd.s32 $0xFFFFFF80  }
0x3b5: {  	_ =	swait.ge [sflag:s10], $0x2000  }
0x3b6: {  	[sflag:s10] =	ssyncset.done $0x0  }
0x3b7: {  	[sflag:s10] =	ssyncadd.s32 $0xFFFFE000  }
0x3b8: {  	[hbm4b:s4+s7] =	stream.indirect.scatter [tilespmem:s5], [sflag:$0x5], $0x40, s3, s7, $0xb8;
	[tilespmem:$0x4100] =	vst v63  }
0x3b9: {  	_ =	swait.ge [sflag:s11], $0x2000  }
0x3ba: {  	[sflag:s11] =	ssyncset.done $0x0  }
0x3bb: {  	[sflag:s11] =	ssyncadd.s32 $0xFFFFE000  }
0x3bc: {  	[tilespmem:s3], [sflag:$0x1] =	stream.linear.gather [hbm4b:s22+s3], $0x80, $0x38;
	[tilespmem:$0x4100] =	vst v63  }
0x3bd: {  	s21 =	rddreg [dreg:$0x1d]  }
0x3be: {  	[tilespmem:s5], [sflag:$0x3] =	stream.linear.gather [hbm4b:s21+s3], $0x2000, $0x38;
	[tilespmem:$0x4100] =	vst v63  }
0x3bf: {  	_ =	swait.ge [sflag:s13], $0x80  }
0x3c0: {  	[sflag:s13] =	ssyncset.done $0x0  }
0x3c1: {  	[sflag:s13] =	ssyncadd.s32 $0xFFFFFF80  }
0x3c2: {  	_ =	swait.ge [sflag:s14], $0x2000  }
0x3c3: {  	[sflag:s14] =	ssyncset.done $0x0  }
0x3c4: {  	[sflag:s14] =	ssyncadd.s32 $0xFFFFE000  }
0x3c5: {  	[hbm4b:s4+s7] =	stream.indirect.scatter [tilespmem:s8], [sflag:$0x6], $0x40, s7, s7, $0xb8;
	[tilespmem:$0x4100] =	vst v63  }
0x3c6: {  	_ =	swait.ge [sflag:s15], $0x2000  }
0x3c7: {  	[sflag:s15] =	ssyncset.done $0x0  }
0x3c8: {  	[sflag:s15] =	ssyncadd.s32 $0xFFFFE000  }
0x3c9: {  	[tilespmem:s7], [sflag:$0x2] =	stream.linear.gather [hbm4b:s23+s3], $0x80, $0x38;
	[tilespmem:$0x4100] =	vst v63  }
0x3ca: {  	s22 =	rddreg [dreg:$0x1e]  }
0x3cb: {  	[tilespmem:s8], [sflag:$0x4] =	stream.linear.gather [hbm4b:s22+s3], $0x2000, $0x38;
	[tilespmem:$0x4100] =	vst v63  }
0x3cc: {  	_ =	swait.ge [sflag:s9], $0x80  }
0x3cd: {  	[sflag:s9] =	ssyncset.done $0x0  }
0x3ce: {  	[sflag:s9] =	ssyncadd.s32 $0xFFFFFF80  }
0x3cf: {  	_ =	swait.ge [sflag:s10], $0x2000  }
0x3d0: {  	[sflag:s10] =	ssyncset.done $0x0  }
0x3d1: {  	[sflag:s10] =	ssyncadd.s32 $0xFFFFE000  }
0x3d2: {  	[hbm4b:s4+s7] =	stream.indirect.scatter [tilespmem:s5], [sflag:$0x5], $0x40, s3, s7, $0xb8;
	[tilespmem:$0x4100] =	vst v63  }
0x3d3: {  	_ =	swait.ge [sflag:s11], $0x2000  }
0x3d4: {  	[sflag:s11] =	ssyncset.done $0x0  }
0x3d5: {  	[sflag:s11] =	ssyncadd.s32 $0xFFFFE000  }
0x3d6: {  	[tilespmem:s3], [sflag:$0x1] =	stream.linear.gather [hbm4b:s24+s3], $0x80, $0x38;
	[tilespmem:$0x4100] =	vst v63  }
0x3d7: {  	s0 =	rddreg [dreg:$0x1f]  }
0x3d8: {  	[tilespmem:s5], [sflag:$0x3] =	stream.linear.gather [hbm4b:s0+s3], $0x2000, $0x38;
	[tilespmem:$0x4100] =	vst v63  }
0x3d9: {  	_ =	swait.ge [sflag:s13], $0x80  }
0x3da: {  	[sflag:s13] =	ssyncset.done $0x0  }
0x3db: {  	[sflag:s13] =	ssyncadd.s32 $0xFFFFFF80  }
0x3dc: {  	_ =	swait.ge [sflag:s14], $0x2000  }
0x3dd: {  	[sflag:s14] =	ssyncset.done $0x0  }
0x3de: {  	[sflag:s14] =	ssyncadd.s32 $0xFFFFE000  }
0x3df: {  	[hbm4b:s4+s7] =	stream.indirect.scatter [tilespmem:s8], [sflag:$0x6], $0x40, s7, s7, $0xb8;
	[tilespmem:$0x4100] =	vst v63  }
0x3e0: {  	_ =	swait.ge [sflag:s15], $0x2000  }
0x3e1: {  	[sflag:s15] =	ssyncset.done $0x0  }
0x3e2: {  	s17 =	sld [smem:$0x7E7];
	[sflag:s15] =	ssyncadd.s32 $0xFFFFE000  }
0x3e3: {  	[tilespmem:s7], [sflag:$0x2] =	stream.linear.gather [hbm4b:s25+s3], $0x80, $0x38;
	[tilespmem:$0x4100] =	vst v63  }
0x3e4: {  	_ = 	snop  }
0x3e5: {  	[tilespmem:s8], [sflag:$0x4] =	stream.linear.gather [hbm4b:s17+s3], $0x2000, $0x38;
	[tilespmem:$0x4100] =	vst v63  }
0x3e6: {  	_ =	swait.ge [sflag:s9], $0x80  }
0x3e7: {  	[sflag:s9] =	ssyncset.done $0x0  }
0x3e8: {  	[sflag:s9] =	ssyncadd.s32 $0xFFFFFF80  }
0x3e9: {  	_ =	swait.ge [sflag:s10], $0x2000  }
0x3ea: {  	[sflag:s10] =	ssyncset.done $0x0  }
0x3eb: {  	[sflag:s10] =	ssyncadd.s32 $0xFFFFE000  }
0x3ec: {  	[hbm4b:s4+s7] =	stream.indirect.scatter [tilespmem:s5], [sflag:$0x5], $0x40, s3, s7, $0xb8;
	[tilespmem:$0x4100] =	vst v63  }
0x3ed: {  	_ =	swait.ge [sflag:s11], $0x2000  }
0x3ee: {  	[sflag:s11] =	ssyncset.done $0x0  }
0x3ef: {  	s18 =	sld [smem:$0x7E9];
	[sflag:s11] =	ssyncadd.s32 $0xFFFFE000  }
0x3f0: {  	[tilespmem:s3], [sflag:$0x1] =	stream.linear.gather [hbm4b:s26+s3], $0x80, $0x38;
	[tilespmem:$0x4100] =	vst v63  }
0x3f1: {  	_ = 	snop  }
0x3f2: {  	[tilespmem:s5], [sflag:$0x3] =	stream.linear.gather [hbm4b:s18+s3], $0x2000, $0x38;
	[tilespmem:$0x4100] =	vst v63  }
0x3f3: {  	_ =	swait.ge [sflag:s13], $0x80  }
0x3f4: {  	[sflag:s13] =	ssyncset.done $0x0  }
0x3f5: {  	[sflag:s13] =	ssyncadd.s32 $0xFFFFFF80  }
0x3f6: {  	_ =	swait.ge [sflag:s14], $0x2000  }
0x3f7: {  	[sflag:s14] =	ssyncset.done $0x0  }
0x3f8: {  	[sflag:s14] =	ssyncadd.s32 $0xFFFFE000  }
0x3f9: {  	[hbm4b:s4+s7] =	stream.indirect.scatter [tilespmem:s8], [sflag:$0x6], $0x40, s7, s7, $0xb8;
	[tilespmem:$0x4100] =	vst v63  }
0x3fa: {  	_ =	swait.ge [sflag:s15], $0x2000  }
0x3fb: {  	[sflag:s15] =	ssyncset.done $0x0  }
0x3fc: {  	s19 =	sld [smem:$0x7EB];
	[sflag:s15] =	ssyncadd.s32 $0xFFFFE000  }
0x3fd: {  	[tilespmem:s7], [sflag:$0x2] =	stream.linear.gather [hbm4b:s28+s3], $0x80, $0x38;
	[tilespmem:$0x4100] =	vst v63  }
0x3fe: {  	_ = 	snop  }
0x3ff: {  	[tilespmem:s8], [sflag:$0x4] =	stream.linear.gather [hbm4b:s19+s3], $0x2000, $0x38;
	[tilespmem:$0x4100] =	vst v63  }
0x400: {  	_ =	swait.ge [sflag:s9], $0x80  }
0x401: {  	[sflag:s9] =	ssyncset.done $0x0  }
0x402: {  	[sflag:s9] =	ssyncadd.s32 $0xFFFFFF80  }
0x403: {  	_ =	swait.ge [sflag:s10], $0x2000  }
0x404: {  	[sflag:s10] =	ssyncset.done $0x0  }
0x405: {  	[sflag:s10] =	ssyncadd.s32 $0xFFFFE000  }
0x406: {  	[hbm4b:s4+s7] =	stream.indirect.scatter [tilespmem:s5], [sflag:$0x5], $0x40, s3, s7, $0xb8;
	[tilespmem:$0x4100] =	vst v63  }
0x407: {  	_ =	swait.ge [sflag:s11], $0x2000  }
0x408: {  	[sflag:s11] =	ssyncset.done $0x0  }
0x409: {  	s20 =	sld [smem:$0x7ED];
	[sflag:s11] =	ssyncadd.s32 $0xFFFFE000  }
0x40a: {  	[tilespmem:s3], [sflag:$0x1] =	stream.linear.gather [hbm4b:s29+s3], $0x80, $0x38;
	[tilespmem:$0x4100] =	vst v63  }
0x40b: {  	_ = 	snop  }
0x40c: {  	[tilespmem:s5], [sflag:$0x3] =	stream.linear.gather [hbm4b:s20+s3], $0x2000, $0x38;
	[tilespmem:$0x4100] =	vst v63  }
0x40d: {  	_ =	swait.ge [sflag:s13], $0x80  }
0x40e: {  	[sflag:s13] =	ssyncset.done $0x0  }
0x40f: {  	[sflag:s13] =	ssyncadd.s32 $0xFFFFFF80  }
0x410: {  	_ =	swait.ge [sflag:s14], $0x2000  }
0x411: {  	[sflag:s14] =	ssyncset.done $0x0  }
0x412: {  	[sflag:s14] =	ssyncadd.s32 $0xFFFFE000  }
0x413: {  	[hbm4b:s4+s7] =	stream.indirect.scatter [tilespmem:s8], [sflag:$0x6], $0x40, s7, s7, $0xb8;
	[tilespmem:$0x4100] =	vst v63  }
0x414: {  	_ =	swait.ge [sflag:s15], $0x2000  }
0x415: {  	[sflag:s15] =	ssyncset.done $0x0  }
0x416: {  	s21 =	sld [smem:$0x7EF];
	[sflag:s15] =	ssyncadd.s32 $0xFFFFE000  }
0x417: {  	[tilespmem:s7], [sflag:$0x2] =	stream.linear.gather [hbm4b:s30+s3], $0x80, $0x38;
	[tilespmem:$0x4100] =	vst v63  }
0x418: {  	_ = 	snop  }
0x419: {  	[tilespmem:s8], [sflag:$0x4] =	stream.linear.gather [hbm4b:s21+s3], $0x2000, $0x38;
	[tilespmem:$0x4100] =	vst v63  }
0x41a: {  	_ =	swait.ge [sflag:s9], $0x80  }
0x41b: {  	[sflag:s9] =	ssyncset.done $0x0  }
0x41c: {  	[sflag:s9] =	ssyncadd.s32 $0xFFFFFF80  }
0x41d: {  	_ =	swait.ge [sflag:s10], $0x2000  }
0x41e: {  	[sflag:s10] =	ssyncset.done $0x0  }
0x41f: {  	[sflag:s10] =	ssyncadd.s32 $0xFFFFE000  }
0x420: {  	[hbm4b:s4+s7] =	stream.indirect.scatter [tilespmem:s5], [sflag:$0x5], $0x40, s3, s7, $0xb8;
	[tilespmem:$0x4100] =	vst v63  }
0x421: {  	_ =	swait.ge [sflag:s11], $0x2000  }
0x422: {  	[sflag:s11] =	ssyncset.done $0x0  }
0x423: {  	s22 =	sld [smem:$0x7F1];
	[sflag:s11] =	ssyncadd.s32 $0xFFFFE000  }
0x424: {  	[tilespmem:s3], [sflag:$0x1] =	stream.linear.gather [hbm4b:s31+s3], $0x80, $0x38;
	[tilespmem:$0x4100] =	vst v63  }
0x425: {  	_ = 	snop  }
0x426: {  	[tilespmem:s5], [sflag:$0x3] =	stream.linear.gather [hbm4b:s22+s3], $0x2000, $0x38;
	[tilespmem:$0x4100] =	vst v63  }
0x427: {  	_ =	swait.ge [sflag:s13], $0x80  }
0x428: {  	[sflag:s13] =	ssyncset.done $0x0  }
0x429: {  	[sflag:s13] =	ssyncadd.s32 $0xFFFFFF80  }
0x42a: {  	_ =	swait.ge [sflag:s14], $0x2000  }
0x42b: {  	[sflag:s14] =	ssyncset.done $0x0  }
0x42c: {  	[sflag:s14] =	ssyncadd.s32 $0xFFFFE000  }
0x42d: {  	[hbm4b:s4+s7] =	stream.indirect.scatter [tilespmem:s8], [sflag:$0x6], $0x40, s7, s7, $0xb8;
	[tilespmem:$0x4100] =	vst v63  }
0x42e: {  	_ =	swait.ge [sflag:s15], $0x2000  }
0x42f: {  	[sflag:s15] =	ssyncset.done $0x0  }
0x430: {  	s23 =	sld [smem:$0x7F3];
	[sflag:s15] =	ssyncadd.s32 $0xFFFFE000  }
0x431: {  	[tilespmem:s7], [sflag:$0x2] =	stream.linear.gather [hbm4b:s1+s3], $0x80, $0x38;
	[tilespmem:$0x4100] =	vst v63  }
0x432: {  	_ = 	snop  }
0x433: {  	[tilespmem:s8], [sflag:$0x4] =	stream.linear.gather [hbm4b:s23+s3], $0x2000, $0x38;
	[tilespmem:$0x4100] =	vst v63  }
0x434: {  	_ =	swait.ge [sflag:s9], $0x80  }
0x435: {  	[sflag:s9] =	ssyncset.done $0x0  }
0x436: {  	[sflag:s9] =	ssyncadd.s32 $0xFFFFFF80  }
0x437: {  	_ =	swait.ge [sflag:s10], $0x2000  }
0x438: {  	[sflag:s10] =	ssyncset.done $0x0  }
0x439: {  	[sflag:s10] =	ssyncadd.s32 $0xFFFFE000  }
0x43a: {  	[hbm4b:s4+s7] =	stream.indirect.scatter [tilespmem:s5], [sflag:$0x5], $0x40, s3, s7, $0xb8;
	[tilespmem:$0x4100] =	vst v63  }
0x43b: {  	_ =	swait.ge [sflag:s11], $0x2000  }
0x43c: {  	s25 =	sld [smem:$0x7F6]  }
0x43d: {  	[sflag:s11] =	ssyncset.done $0x0  }
0x43e: {  	s24 =	sld [smem:$0x7F5];
	[sflag:s11] =	ssyncadd.s32 $0xFFFFE000  }
0x43f: {  	[tilespmem:s3], [sflag:$0x1] =	stream.linear.gather [hbm4b:s25+s3], $0x80, $0x38;
	[tilespmem:$0x4100] =	vst v63  }
0x440: {  	_ = 	snop  }
0x441: {  	[tilespmem:s5], [sflag:$0x3] =	stream.linear.gather [hbm4b:s24+s3], $0x2000, $0x38;
	[tilespmem:$0x4100] =	vst v63  }
0x442: {  	_ =	swait.ge [sflag:s13], $0x80  }
0x443: {  	[sflag:s13] =	ssyncset.done $0x0  }
0x444: {  	[sflag:s13] =	ssyncadd.s32 $0xFFFFFF80  }
0x445: {  	_ =	swait.ge [sflag:s14], $0x2000  }
0x446: {  	[sflag:s14] =	ssyncset.done $0x0  }
0x447: {  	[sflag:s14] =	ssyncadd.s32 $0xFFFFE000  }
0x448: {  	[hbm4b:s4+s7] =	stream.indirect.scatter [tilespmem:s8], [sflag:$0x6], $0x40, s7, s7, $0xb8;
	[tilespmem:$0x4100] =	vst v63  }
0x449: {  	_ =	swait.ge [sflag:s15], $0x2000  }
0x44a: {  	[sflag:s15] =	ssyncset.done $0x0  }
0x44b: {  	s26 =	sld [smem:$0x7F7];
	[sflag:s15] =	ssyncadd.s32 $0xFFFFE000  }
0x44c: {  	[tilespmem:s7], [sflag:$0x2] =	stream.linear.gather [hbm4b:s16+s3], $0x80, $0x38;
	[tilespmem:$0x4100] =	vst v63  }
0x44d: {  	_ = 	snop  }
0x44e: {  	[tilespmem:s8], [sflag:$0x4] =	stream.linear.gather [hbm4b:s26+s3], $0x2000, $0x38;
	[tilespmem:$0x4100] =	vst v63  }
0x44f: {  	_ =	swait.ge [sflag:s9], $0x80  }
0x450: {  	[sflag:s9] =	ssyncset.done $0x0  }
0x451: {  	[sflag:s9] =	ssyncadd.s32 $0xFFFFFF80  }
0x452: {  	_ =	swait.ge [sflag:s10], $0x2000  }
0x453: {  	[sflag:s10] =	ssyncset.done $0x0  }
0x454: {  	[sflag:s10] =	ssyncadd.s32 $0xFFFFE000  }
0x455: {  	[hbm4b:s4+s7] =	stream.indirect.scatter [tilespmem:s5], [sflag:$0x5], $0x40, s3, s7, $0xb8;
	[tilespmem:$0x4100] =	vst v63  }
0x456: {  	_ =	swait.ge [sflag:s11], $0x2000  }
0x457: {  	s29 =	sld [smem:$0x7FA]  }
0x458: {  	[sflag:s11] =	ssyncset.done $0x0  }
0x459: {  	s28 =	sld [smem:$0x7F9];
	[sflag:s11] =	ssyncadd.s32 $0xFFFFE000  }
0x45a: {  	[tilespmem:s3], [sflag:$0x1] =	stream.linear.gather [hbm4b:s29+s3], $0x80, $0x38;
	[tilespmem:$0x4100] =	vst v63  }
0x45b: {  	_ = 	snop  }
0x45c: {  	[tilespmem:s5], [sflag:$0x3] =	stream.linear.gather [hbm4b:s28+s3], $0x2000, $0x38;
	[tilespmem:$0x4100] =	vst v63  }
0x45d: {  	_ =	swait.ge [sflag:s13], $0x80  }
0x45e: {  	[sflag:s13] =	ssyncset.done $0x0  }
0x45f: {  	[sflag:s13] =	ssyncadd.s32 $0xFFFFFF80  }
0x460: {  	_ =	swait.ge [sflag:s14], $0x2000  }
0x461: {  	[sflag:s14] =	ssyncset.done $0x0  }
0x462: {  	[sflag:s14] =	ssyncadd.s32 $0xFFFFE000  }
0x463: {  	[hbm4b:s4+s7] =	stream.indirect.scatter [tilespmem:s8], [sflag:$0x6], $0x40, s7, s7, $0xb8;
	[tilespmem:$0x4100] =	vst v63  }
0x464: {  	_ =	swait.ge [sflag:s15], $0x2000  }
0x465: {  	s31 =	sld [smem:$0x7FC]  }
0x466: {  	[sflag:s15] =	ssyncset.done $0x0  }
0x467: {  	s30 =	sld [smem:$0x7FB];
	[sflag:s15] =	ssyncadd.s32 $0xFFFFE000  }
0x468: {  	[tilespmem:s7], [sflag:$0x2] =	stream.linear.gather [hbm4b:s31+s3], $0x80, $0x38;
	[tilespmem:$0x4100] =	vst v63  }
0x469: {  	_ = 	snop  }
0x46a: {  	[tilespmem:s8], [sflag:$0x4] =	stream.linear.gather [hbm4b:s30+s3], $0x2000, $0x38;
	[tilespmem:$0x4100] =	vst v63  }
0x46b: {  	_ =	swait.ge [sflag:s9], $0x80  }
0x46c: {  	[sflag:s9] =	ssyncset.done $0x0  }
0x46d: {  	[sflag:s9] =	ssyncadd.s32 $0xFFFFFF80  }
0x46e: {  	_ =	swait.ge [sflag:s10], $0x2000  }
0x46f: {  	[sflag:s10] =	ssyncset.done $0x0  }
0x470: {  	[sflag:s10] =	ssyncadd.s32 $0xFFFFE000  }
0x471: {  	[hbm4b:s4+s7] =	stream.indirect.scatter [tilespmem:s5], [sflag:$0x5], $0x40, s3, s7, $0xb8;
	[tilespmem:$0x4100] =	vst v63  }
0x472: {  	_ =	swait.ge [sflag:s11], $0x2000  }
0x473: {  	[sflag:s11] =	ssyncset.done $0x0  }
0x474: {  	[sflag:s11] =	ssyncadd.s32 $0xFFFFE000  }
0x475: {  	_ =	swait.ge [sflag:s13], $0x80  }
0x476: {  	[sflag:s13] =	ssyncset.done $0x0  }
0x477: {  	[sflag:s13] =	ssyncadd.s32 $0xFFFFFF80  }
0x478: {  	p0 =	sne.s32 s6, $0x1;
	_ =	swait.ge [sflag:s14], $0x2000  }
.Ltmp1:
0x479: {  	[sflag:s14] =	ssyncset.done $0x0;
	(pc) =	sbr.rel @p0 .LBB2_1-.Ltmp1, $4  }
0x47a: {  	[sflag:s14] =	ssyncadd.s32 $0xFFFFE000  }
0x47b: {  	[hbm4b:s4+s7] =	stream.indirect.scatter [tilespmem:s8], [sflag:$0x6], $0x40, s7, s7, $0xb8;
	[tilespmem:$0x4100] =	vst v63  }
0x47c: {  	_ =	swait.ge [sflag:s15], $0x2000  }
0x47d: {  	s6 =	sadd.s32 $0xFFFFFFFF, s6;
	[sflag:s15] =	ssyncset.done $0x0  }
.LBB2_2:
0x47e: {  	[sflag:s15] =	ssyncadd.s32 $0xFFFFE000  }
0x47f: {  	_ =	sfence.sel $0x180000  }
0x480: {  	[bflag:$0x0] =	sbarrier.arrive $0xFFFF  }
0x481: {  	_ =	strace $0x9000004A  }
0x482: {  	s0 =	stileid.u32;
	[bflag:$0x2] =	sbarrier.arrive $0xFFFF  }
0x483: {  	p0 =	sne.s32 s0, $0x0;
	s0 =	rddreg [dreg:$0x2]  }
0x484: {  	s0 =	sadd.s32 @!p0 $0x100000, s0  }
0x485: {  	[sflag:s0] =	ssyncadd.tile.s32 @!p0 $0x1;
	_ =	shalt  }
.Lfunc_end2:
_tile_overlayer_lowered:
.L_overlay_start_2:
0x486: {  	(tag) =	ssettag $0x2  }
0x487: {  	s0 =	rddreg [dreg:$0x0];
	s2 =	stileid.u32  }
0x488: {  	s1 =	rddreg [dreg:$0x1];
	p0 =	sne.s32 s2, $0x0  }
0x489: {  	s3 =	rddreg [dreg:$0x2];
	[bflag:$0x3] =	sbarrier.arrive $0xFFFF;
	s2 =	simm.s32 @!p0 $0x1C07  }
0x48a: {  	[timem:s3], [sflag:s2] =	dma.local @!p0 [hbm:s0], s1  }
0x48b: {  	s0 =	simm.s32 @!p0 $0x7  }
0x48c: {  	_ =	swait.ge @!p0 [sflag:s0], s1  }
0x48d: {  	s1 =	ssub.s32 @!p0 $0x0, s1;
	[sflag:s0] =	ssyncset.done @!p0 $0x0  }
0x48e: {  	[sflag:s0] =	ssyncadd.s32 @!p0 s1  }
0x48f: {  	[bflag:$0x3] =	sbarrier.arrive $0xFFFF  }
0x490: {  	_ =	shalt  }

// kernel: sparse-core-data-format-call.cloned.1.call-start
scs
called_computation_lowered:
.L_overlay_start_0:
0x0: {  	s2 =	sld [smem:$0x3FD9]  }
0x1: {  	s3 =	sld [smem:$0x3FFE];
	_ =	sdelay $0x1  }
0x2: {  	s1 =	srdreg.scid  }
0x3: {  	s0 =	sand.u32 $0x1, s1  }
0x4: {  	s18 =	sshll.u32 s0, $0xA;
	s2 =	sadd.s32 s3, s2  }
0x5: {  	s2 =	sadd.s32 s2, s18  }
0x6: {  	[smem:$0x3FC1] =	sst s2  }
0x7: {  	_ = 	snop  }
0x8: {  	s2 =	sld [smem:$0x3FD0];
	(tm) =	ssettm $0x1  }
0x9: {  	s19 =	sld [smem:$0x3FFB];
	_ =	sdelay $0x3  }
0xa: {  	_ =	strace s19  }
0xb: {  	s3 =	sld [smem:$0x3FFC];
	_ =	sdelay $0x3  }
0xc: {  	_ =	strace s3  }
0xd: {  	s3 =	sld [smem:$0x3FFD];
	_ =	sdelay $0x3  }
0xe: {  	_ =	strace s3  }
0xf: {  	_ =	strace $0x8FFFFFFF  }
0x10: {  	s20 =	sld [smem:$0x3FDB];
	_ =	sdelay $0x1  }
0x11: {  	s4 =	simm.s32 $_scs_section_size  }
0x12: {  	s5 =	simm.s32 $_size__tile_overlayer_lowered;
	s6 =	simm.s32 $_tile_overlayer_lowered  }
0x13: {  	s23 =	simm.s32 $0x1BFF;
	s22 =	sshll.u32 s6, $0x1;
	s3 =	sadd.s32 s4, s20  }
0x14: {  	s7 =	simm.s32 $0x0;
	s21 =	sshll.u32 s5, $0x1;
	s5 =	sadd.s32 s22, s3  }
0x15: {  	[timem:s7], [sflag:s23] =	dma.local [hbm:s5], s21  }
0x16: {  	_ =	swait.ge [sflag:s23], s21  }
0x17: {  	s4 =	ssub.s32 $0x0, s21;
	[sflag:s23] =	ssyncset.done $0x0  }
0x18: {  	[sflag:s23] =	ssyncadd.s32 s4;
	_ =	sdelay $0x1  }
0x19: {  	s24 =	simm.s32 $0x1B8B  }
0x1a: {  	_ =	swait.ge [sflag:s24], $0x1  }
0x1b: {  	[sflag:s24] =	ssyncset.done $0x0  }
0x1c: {  	s26 =	simm.s32 $0x1B8E;
	s25 =	sld [smem:$0x3FFE];
	[sflag:s24] =	ssyncadd.s32 $0xFFFFFFFF  }
0x1d: {  	s27 =	simm.s32 $execute0_lowered;
	[smem:$0x3FD2] =	sst s26  }
0x1e: {  	s5 =	sshll.u32 s27, $0x1;
	_ =	strace $0x8000004C;
	[dreg:$0x1] =	wrdreg $0xFFFFFFFF  }
0x1f: {  	s28 =	simm.s32 $_size_execute0_lowered;
	s3 =	sadd.s32 s3, s5;
	[dreg:$0x0] =	wrdreg $0x0  }
0x20: {  	s5 =	sshll.u32 s28, $0x1;
	[dreg:$0x2] =	wrdreg s3  }
0x21: {  	[dreg:$0x3] =	wrdreg s5  }
0x22: {  	[dreg:$0x4] =	wrdreg $0xC0  }
0x23: {  	_ =	task [dreg:s7], $0x5FFFF  }
0x24: {  	[dreg:$0x1] =	wrdreg $0xFFFFFFFF  }
0x25: {  	[dreg:$0x0] =	wrdreg $0x60  }
0x26: {  	[dreg:$0x2] =	wrdreg s25  }
0x27: {  	[dreg:$0x3] =	wrdreg s2  }
0x28: {  	[dreg:$0x4] =	wrdreg $0x9  }
0x29: {  	_ =	task.clear_ibuf [dreg:s7], $0x5FFFF;
	_ =	strace $0x9000004C  }
0x2a: {  	s29 =	simm.s32 $0x9;
	_ =	strace $0x8000004E  }
0x2b: {  	_ =	swait.ge [sflag:s29], $0x1  }
0x2c: {  	[sflag:s29] =	ssyncadd.s32 $0xFFFFFFFF  }
0x2d: {  	_ =	strace $0x9000004E  }
0x2e: {  	_ =	sfence  }
0x2f: {  	s30 =	sld [smem:$0x0];
	_ =	sdelay $0x2  }
0x30: {  	s31 =	sshll.u32 s1, $0xD;
	s1 =	sshrl.u32 s1, $0x2  }
0x31: {  	s3 =	sand.u32 $0x4000, s31;
	s1 =	sadd.s32 s1, s30  }
0x32: {  	s0 =	sor.u32 s3, s0;
	s1 =	sshll.u32 s1, $0x11  }
0x33: {  	s0 =	sor.u32 s1, s0  }
0x34: {  	s0 =	sadd.s32 $0x8F2B, s0  }
0x35: {  	[sflag:s0] =	ssyncadd.remote.s32 $0x1  }
0x36: {  	_ =	sfence.sel $0xFFFF  }
0x37: {  	[dreg:$0x0] =	wrdreg $0xFFFFFFFF;
	(pc) =	sbr.abs _section_cstart, $3  }
0x38: {  	[dreg:$0x1] =	wrdreg $0xFFFFFFFF  }
0x39: {  	_ =	task.clear_ibuf [dreg:s7], $0x2FFFF;
	_ =	strace $0x9FFFFFFF  }
0x3a: {  	(tm) =	ssettm $0x7FFFFFFF  }
0x3b: {  	_ =	shalt  }
tec
execute0_lowered:
.L_overlay_start_1:
0x0: {  	(tag) =	ssettag $0x1  }
0x1: {  	s0 =	stileid.u32  }
0x2: {  	s1 =	srdreg.scid;
	s7 =	rddreg [dreg:$0x0]  }
0x3: {  	s2 =	rddreg [dreg:$0x1];
	s31 =	simm.s32 $0x2;
	s14 =	simm.s32 $0x0  }
0x4: {  	p0 =	por $0x0, $0x0;
	s3 =	sshll.u32 s0, $0x6;
	s1 =	sshll.u32 s1, $0xA  }
0x5: {  	s13 =	simm.s32 $0x0;
	s4 =	sor.u32 s3, s1;
	s3 =	sand.u32 $0x1, s0  }
0x6: {  	s12 =	simm.s32 $0x0;
	s4 =	sand.u32 $0x780, s4;
	s5 =	ssub.s32 $0x2, s3  }
0x7: {  	s7 =	sadd.s32 $0x2000, s7;
	s6 =	ssub.s32 $0x18680, s4;
	s8 =	sshrl.u32 s5, $0x1  }
.Ltmp0:
0x8: {  	s9 =	sand.u32 $0x1, s5;
	s6 =	sshrl.u32 s6, $0xB;
	(pc) =	sbr.rel .LBB1_1-.Ltmp0, $4  }
0x9: {  	s1 =	rddreg [dreg:$0x2];
	s8 =	sadd.s32 s9, s8;
	s6 =	sadd.s32 $0x1, s6  }
0xa: {  	_ =	strace $0x8000004D;
	s5 =	simm.s32 $0x1;
	s6 =	smul.u32 s8, s6  }
0xb: {  	s11 =	smov.u32 s3;
	s10 =	smov.u32 s4;
	[sflag:s5] =	ssyncpa.u1 $0x0  }
0xc: {  	s9 =	simm.s32 $0xC3800;
	[sflag:s31] =	ssyncpa.u1 $0x0;
	s8 =	sadd.s32 $0x1, s6  }
.LBB1_4:
0xd: {  	s17 =	sshll.u32 s14, $0x3  }
0xe: {  	s29 =	sand.u32 $0x7F, s14;
	s17 =	sand.u32 $0xFFFFFC00, s17  }
0xf: {  	s14 =	sor.u32 s29, s17  }
0x10: {  	s18 =	smulhi.u32 $0xA79C7B17, s14  }
0x11: {  	s17 =	smulhi.u32 $0xA79C7B17, s17  }
0x12: {  	s18 =	sshrl.u32 s18, $0x10  }
0x13: {  	s17 =	sshrl.u32 s17, $0x10;
	s18 =	smul.u32 $0x18700, s18  }
0x14: {  	s13 =	smul.u32 $0xC3800, s13;
	s17 =	sand.u32 $0x3F, s17  }
0x15: {  	s17 =	smul.u32 $0x30E0, s17;
	s14 =	ssub.s32 s14, s18  }
0x16: {  	[tilespmem:s16+$0x810 ss:$0x81] =	vst.msk $0xffff, v2;
	s13 =	sadd.s32 s2, s13;
	s18 =	sand.u32 $0x7, s14  }
0x17: {  	[tilespmem:s16+$0x1020 ss:$0x81] =	vst.msk $0xffff, v0;
	s13 =	sadd.s32 s17, s13;
	s14 =	sshrl.u32 s14, $0x3;
	s30 =	sshll.u32 s18, $0x12  }
0x18: {  	[tilespmem:s16+$0x0 ss:$0x81] =	vst.msk $0xffff, v1;
	s13 =	sadd.s32 s14, s13;
	s31 =	sor.u32 $0x400, s30  }
0x19: {  	[hbm4b:s13+s31] =	stream.strided.scatter [tilespmem:s15], [sflag:$0x2], $0x2000, s9, s31, $0x20;
	[tilespmem:$0x8080] =	vst v63  }
.LBB1_5:
0x1a: {  	s15 =	sadd.s32 $0x800, s10  }
0x1b: {  	s13 =	sadd.s32 $0x2, s11;
	s17 =	smov.u32 s11;
	p2 =	sgt.s32 s15, $0x1869F  }
0x1c: {  	s17 =	smov.u32 @p2 s13  }
0x1d: {  	s15 =	smov.u32 @p2 s4;
	p2 =	sgt.s32 s17, $0x1  }
0x1e: {  	s17 =	smov.u32 @p2 s3;
	p2 =	sne.s32 s12, s8  }
.Ltmp1:
0x1f: {  	p1 =	slt.u32 s12, $0x2;
	(pc) =	sbr.rel @!p2 .LBB1_6-.Ltmp1, $4  }
0x20: {  	s16 =	simm.s32 @!p1 $0x2  }
0x21: {  	s14 =	smov.u32 s10;
	p0 =	por !p0, !p0;
	_ =	swait.ge @!p1 [sflag:s16], $0x2000  }
0x22: {  	s13 =	smov.u32 s11;
	[sflag:s16] =	ssyncset.done @!p1 $0x0;
	s10 =	smov.u32 s15  }
0x23: {  	s12 =	sadd.s32 $0x1, s12;
	[sflag:s16] =	ssyncadd.s32 @!p1 $0xFFFFE000;
	s11 =	smov.u32 s17  }
.LBB1_1:
0x24: {  	p1 =	sge.u32 s12, s6  }
0x25: {  	s17 =	smov.u32 s11;
	p2 =	sgt.s32 @!p1 s11, $0x1  }
0x26: {  	s19 =	smov.u32 s10;
	s15 =	sand.u32 @!p1 $0x1FFFFFF, s10;
	p2 =	por !p2, p1  }
0x27: {  	s18 =	sshra.s32 @!p1 s11, $0x1F;
	s17 =	simm.s32 @p2 $0x1;
	p2 =	sgt.s32 @!p1 s10, $0x18620  }
0x28: {  	s20 =	sshra.s32 @!p1 s10, $0x1F;
	s18 =	sand.u32 @!p1 s18, s11;
	p2 =	por !p2, p1  }
0x29: {  	s20 =	sand.u32 @!p1 s20, s10;
	s18 =	sxor.u32 @!p1 $0xFFFFFFFF, s18;
	s19 =	simm.s32 @p2 $0x18620  }
0x2a: {  	s16 =	smulhi.u32 @!p1 $0x14F8B59, s15;
	s17 =	sadd.s32 @!p1 s18, s17;
	s18 =	ssub.s32 @!p1 s19, s20  }
0x2b: {  	p2 =	sgt.s32 @!p1 s17, $0x0;
	s17 =	sshll.u32 @!p1 s17, $0x6;
	s19 =	sadd.s32 @!p1 $0xFFFE79E0, s18  }
0x2c: {  	s16 =	sshrl.u32 @!p1 s16, $0x9;
	s17 =	ssub.s32 @!p1 $0x40, s17;
	p3 =	sgt.s32 @!p1 s19, $0x7F  }
0x2d: {  	p2 =	por !p2, p1;
	s18 =	ssub.s32 @!p1 $0x186A0, s18;
	p3 =	por !p3, p1  }
0x2e: {  	s16 =	smul.u32 @!p1 $0x186A0, s16;
	s17 =	simm.s32 @!p2 $0x0;
	s18 =	simm.s32 @!p3 $0x0  }
0x2f: {  	s19 =	sxor.u32 @!p1 $0xFFFFFFFF, s12;
	s17 =	smul.u32 @!p1 s18, s17  }
0x30: {  	s15 =	ssub.s32 @!p1 s15, s16;
	s18 =	sshll.u32 @!p1 s19, $0xD;
	s19 =	smul.u32 @!p1 $0x186A00, s11  }
0x31: {  	s31 =	sadd.s32 $0xFFFFFFFF, s12;
	s15 =	sshll.u32 @!p1 s15, $0x4  }
0x32: {  	s18 =	sand.u32 @!p1 $0x2000, s18;
	s16 =	sand.u32 @!p1 $0x3FFFFFC0, s17;
	s17 =	sadd.s32 @!p1 s7, s19  }
0x33: {  	s19 =	simm.s32 @!p1 $0x80;
	s15 =	sadd.s32 @!p1 s15, s17;
	s17 =	simm.s32 @!p1 $0x40  }
0x34: {  	[tilespmem:s18], [sflag:$0x1] =	stream.strided.gather @!p1 [hbm4b:s15+s17], s16, s19, s17, $0x38;
	[tilespmem:$0x8080] =	vst v63  }
0x35: {  	p1 =	sge.u32 s31, s6  }
.Ltmp2:
0x36: {  	_ = 	snop;
	(pc) =	sbr.rel @p1 .LBB1_5-.Ltmp2, $1  }
0x37: {  	_ =	sdelay $0x3  }
0x38: {  	p1 =	sgt.s32 s13, $0x1;
	s15 =	smov.u32 s13  }
0x39: {  	s16 =	sshra.s32 s13, $0x1F;
	s17 =	smov.u32 s14;
	s18 =	sshra.s32 s14, $0x1F  }
0x3a: {  	s15 =	simm.s32 @!p1 $0x1;
	s16 =	sand.u32 s16, s13;
	p1 =	sgt.s32 s14, $0x18620  }
0x3b: {  	s18 =	sand.u32 s18, s14;
	s16 =	sxor.u32 $0xFFFFFFFF, s16;
	s17 =	simm.s32 @!p1 $0x18620  }
0x3c: {  	s15 =	sadd.s32 s16, s15;
	s27 =	ssub.s32 s17, s18  }
0x3d: {  	p1 =	sgt.s32 s15, $0x0;
	s17 =	sadd.s32 $0xFFFE79E0, s27;
	s15 =	sshll.u32 s15, $0x6  }
0x3e: {  	s16 =	ssub.s32 $0x186A0, s27;
	p2 =	sgt.s32 s17, $0x7F;
	s15 =	ssub.s32 $0x40, s15  }
0x3f: {  	s16 =	simm.s32 @p2 $0x0;
	s15 =	simm.s32 @p1 $0x0  }
0x40: {  	s15 =	smul.u32 s16, s15;
	_ =	sdelay $0x1  }
0x41: {  	s16 =	simm.s32 $0x1;
	s15 =	sand.u32 $0x3FFFFFC0, s15  }
0x42: {  	s16 =	simm.s32 @!p0 $0x0;
	_ =	swait.ge [sflag:s5], s15  }
0x43: {  	s28 =	sshll.u32 s16, $0xD;
	s15 =	ssub.s32 $0x0, s15;
	[sflag:s5] =	ssyncset.done $0x0  }
0x44: {  	s19 =	sor.u32 $0x20, s28;
	[sflag:s5] =	ssyncadd.s32 s15  }
0x45: {  	s29 =	smul.u32 $0x8100, s16;
	v3 =	vld [tilespmem:s19+$0x10]  }
0x46: {  	s30 =	sand.u32 $0x1, s12;
	v2 =	vld [tilespmem:s19+$0xFFFFFFF0]  }
0x47: {  	s16 =	smul.u32 $0x8100, s30;
	s15 =	sshrl.u32 s29, $0x2;
	v0 =	vld [tilespmem:s19+$0x0]  }
0x48: {  	s17 =	sor.u32 $0x4000, s15;
	v1 =	vld [tilespmem:s19+$0xFFFFFFE0]  }
0x49: {  	s31 =	sshrl.u32 s16, $0x2;
	s16 =	sadd.s32 $0x0, s17  }
0x4a: {  	s18 =	simm.s32 $0x4;
	s15 =	sor.u32 $0x4000, s31;
	s19 =	sadd.s32 $0x40, s19;
	[tilespmem:s16+$0x1830 ss:$0x81] =	vst.msk $0xffff, v3  }
.LBB1_3:
0x4b: {  	v3 =	vld [tilespmem:s19+$0x10];
	p1 =	sne.s32 s18, $0x1FC;
	[tilespmem:s16+$0x810 ss:$0x81] =	vst.msk $0xffff, v2;
	s20 =	smov.u32 s18;
	s18 =	sadd.s32 $0x4, s18  }
.Ltmp3:
0x4c: {  	v2 =	vld [tilespmem:s19+$0xFFFFFFF0];
	[tilespmem:s16+$0x1020 ss:$0x81] =	vst.msk $0xffff, v0;
	(pc) =	sbr.rel @p1 .LBB1_3-.Ltmp3, $4  }
0x4d: {  	v0 =	vld [tilespmem:s19+$0x0];
	[tilespmem:s16+$0x0 ss:$0x81] =	vst.msk $0xffff, v1  }
0x4e: {  	s16 =	sshra.s32 s20, $0x2;
	v1 =	vld [tilespmem:s19+$0xFFFFFFE0]  }
0x4f: {  	s16 =	sadd.s32 s16, s17  }
0x50: {  	s19 =	sadd.s32 $0x40, s19;
	[tilespmem:s16+$0x1830 ss:$0x81] =	vst.msk $0xffff, v3  }
.Ltmp4:
0x51: {  	_ = 	snop;
	(pc) =	sbr.rel .LBB1_4-.Ltmp4, $1  }
0x52: {  	_ =	sdelay $0x3  }
.LBB1_6:
0x53: {  	_ =	sfence.sel $0x180000  }
0x54: {  	s2 =	simm.s32 $0x1;
	[bflag:$0x0] =	sbarrier.arrive $0xFFFF  }
0x55: {  	s31 =	simm.s32 $0x2;
	[sflag:s2] =	ssyncpa.u1 $0x1  }
0x56: {  	[sflag:s31] =	ssyncpa.u1 $0x1  }
0x57: {  	p0 =	sne.s32 s0, $0x0;
	_ =	strace $0x9000004D  }
0x58: {  	s0 =	sadd.s32 @!p0 $0x100000, s1;
	[bflag:$0x2] =	sbarrier.arrive $0xFFFF  }
0x59: {  	[sflag:s0] =	ssyncadd.tile.s32 @!p0 $0x1;
	_ =	shalt  }
.Lfunc_end1:
_tile_overlayer_lowered:
.L_overlay_start_2:
0x5a: {  	(tag) =	ssettag $0x2  }
0x5b: {  	s0 =	rddreg [dreg:$0x0];
	s2 =	stileid.u32  }
0x5c: {  	s1 =	rddreg [dreg:$0x1];
	p0 =	sne.s32 s2, $0x0  }
0x5d: {  	s3 =	rddreg [dreg:$0x2];
	[bflag:$0x3] =	sbarrier.arrive $0xFFFF;
	s2 =	simm.s32 @!p0 $0x1C01  }
0x5e: {  	[timem:s3], [sflag:s2] =	dma.local @!p0 [hbm:s0], s1  }
0x5f: {  	s0 =	simm.s32 @!p0 $0x1  }
0x60: {  	_ =	swait.ge @!p0 [sflag:s0], s1  }
0x61: {  	s1 =	ssub.s32 @!p0 $0x0, s1;
	[sflag:s0] =	ssyncset.done @!p0 $0x0  }
0x62: {  	[sflag:s0] =	ssyncadd.s32 @!p0 s1  }
0x63: {  	[bflag:$0x3] =	sbarrier.arrive $0xFFFF  }
0x64: {  	_ =	shalt  }

</sc_bundles>
